<compile_context>
chip_gen: v7x
topology: tpu7x:2x2x1
jax: 0.10.2.dev20260603
libtpu: 0.0.44.dev20260713+nightly
codegen_flags: <defaults>
</compile_context>

<pallas_src>
import functools

import jax
import jax.numpy as jnp
from jax import lax
from jax.experimental import pallas as pl
from jax.experimental.pallas import tpu as pltpu
from jax.experimental.pallas import tpu_sc as plsc

NC = 2
NS = 16
LANES = 16
CHUNK = 80


def _make(B, H, D, V):
    NW = NC * NS
    G = 8
    GH = G * H
    assert B % (NW * G * 2) == 0
    NG = B // (NW * G)
    NH = NG // 2
    assert GH % CHUNK == 0
    NCH = GH // CHUNK
    assert D == 2 * LANES

    mesh = plsc.VectorSubcoreMesh(core_axis_name="c", subcore_axis_name="s")

    @functools.partial(
        pl.kernel,
        out_type=jax.ShapeDtypeStruct((B, D), jnp.float32),
        mesh=mesh,
        scratch_types=[
            pltpu.VMEM((GH,), jnp.int32),
            pltpu.VMEM((GH,), jnp.int32),
            pltpu.VMEM((GH, D), jnp.float32),
            pltpu.VMEM((GH, D), jnp.float32),
            pltpu.VMEM((G, D), jnp.float32),
            pltpu.VMEM((D,), jnp.float32),
            pltpu.SemaphoreType.DMA,
            pltpu.SemaphoreType.DMA,
            pltpu.SemaphoreType.DMA,
            pltpu.SemaphoreType.DMA,
        ],
        compiler_params=pltpu.CompilerParams(use_tc_tiling_on_sc=False),
    )
    def run(idx_hbm, table_hbm, bias_hbm, out_hbm, idx_v0, idx_v1, rows_v0,
            rows_v1, out_v, bias_v, sem0, sem1, semi0, semi1):
        wid = lax.axis_index("s") * NC + lax.axis_index("c")

        pltpu.sync_copy(bias_hbm, bias_v)
        bias_lo = bias_v[pl.ds(0, LANES)]
        bias_hi = bias_v[pl.ds(LANES, LANES)]

        def stage_idx(g, idx_v, semi):
            gg = wid * NG + g
            pltpu.async_copy(idx_hbm.at[pl.ds(gg * GH, GH)], idx_v, semi)

        def wait_idx(idx_v, semi):
            pltpu.make_async_copy(
                idx_hbm.at[pl.ds(0, GH)], idx_v, semi).wait()

        def fire(idx_v, rows_v, sem):
            for j in range(NCH):
                pltpu.async_copy(
                    table_hbm.at[idx_v.at[pl.ds(j * CHUNK, CHUNK)]],
                    rows_v.at[pl.ds(j * CHUNK, CHUNK)],
                    sem,
                )

        def drain(rows_v, sem):
            pltpu.make_async_copy(
                table_hbm.at[pl.ds(0, GH)], rows_v, sem).wait()

        def accum_store(g, rows_v):
            gg = wid * NG + g
            for b in range(G):
                base = b * H

                def rstep(i, accs):
                    res = []
                    for u in range(8):
                        r = base + i * 8 + u
                        res.append(accs[2 * u] + rows_v[r, pl.ds(0, LANES)])
                        res.append(
                            accs[2 * u + 1] + rows_v[r, pl.ds(LANES, LANES)])
                    return tuple(res)

                zero = jnp.zeros((LANES,), jnp.float32)
                accs = lax.fori_loop(0, H // 8, rstep, (zero,) * 16)
                lo = ((accs[0] + accs[2]) + (accs[4] + accs[6])) + \
                     ((accs[8] + accs[10]) + (accs[12] + accs[14]))
                hi = ((accs[1] + accs[3]) + (accs[5] + accs[7])) + \
                     ((accs[9] + accs[11]) + (accs[13] + accs[15]))
                out_v[b, pl.ds(0, LANES)] = lo + bias_lo
                out_v[b, pl.ds(LANES, LANES)] = hi + bias_hi

            pltpu.sync_copy(out_v, out_hbm.at[pl.ds(gg * G, G)])

        stage_idx(0, idx_v0, semi0)
        wait_idx(idx_v0, semi0)
        fire(idx_v0, rows_v0, sem0)
        stage_idx(1, idx_v1, semi1)

        def pairstep(h, carry):
            g0 = 2 * h
            wait_idx(idx_v1, semi1)
            fire(idx_v1, rows_v1, sem1)
            drain(rows_v0, sem0)

            @pl.when(h < NH - 1)
            def _():
                stage_idx(g0 + 2, idx_v0, semi0)

            accum_store(g0, rows_v0)

            @pl.when(h < NH - 1)
            def _():
                wait_idx(idx_v0, semi0)
                fire(idx_v0, rows_v0, sem0)

            drain(rows_v1, sem1)

            @pl.when(h < NH - 1)
            def _():
                stage_idx(g0 + 3, idx_v1, semi1)

            accum_store(g0 + 1, rows_v1)
            return carry

        lax.fori_loop(0, NH, pairstep, 0)

    return run


def _repack_table(table_t):
    D, V = table_t.shape
    CB = 16384
    NB = (V + CB - 1) // CB

    def body(in_ref, out_ref):
        x = in_ref[...]
        rows = []
        for p in range(CB // 512):
            xr = jnp.concatenate(
                [x[:, 512 * p + 128 * a:512 * p + 128 * (a + 1)]
                 for a in range(4)], axis=0)
            rows.append(jnp.swapaxes(xr, 0, 1))
        out_ref[...] = jnp.concatenate(rows, axis=0)

    return pl.pallas_call(
        body,
        grid=(NB,),
        in_specs=[pl.BlockSpec((D, CB), lambda i: (0, i))],
        out_specs=pl.BlockSpec((CB * D // 128, 128), lambda i: (i, 0)),
        out_shape=jax.ShapeDtypeStruct((NB * CB * D // 128, 128), jnp.float32),
    )(table_t)


def kernel(inputs, table, bias):
    B, H = inputs.shape
    V, D = table.shape
    r = inputs.astype(jnp.int32)
    idx = ((r & ~511) | ((r & 127) << 2) | ((r >> 7) & 3)).reshape(-1)
    packed = _repack_table(table.T)
    tbl = packed.reshape(packed.shape[0] * 128 // D, D)
    return _make(B, H, D, V)(idx, tbl, bias)

# --- scband reference (transcript-rebuilt; emitter-appended) ---
"""Pipeline reference for scband-bow-8203387535632 (READ-ONLY COPY).

The authoritative reference and input builder live on the scoring server;
editing this copy changes nothing except your own understanding.
"""

import jax, jax.numpy as jnp
import numpy as np

VOCAB = 1000000
EMBED_DIM = 32
BATCH = 16384
HIST = 200

def setup_inputs(seed: int = 0) -> dict:
    key = jax.random.key(seed)
    k1, k2 = jax.random.split(key)
    inputs = jax.random.randint(k1, (BATCH, HIST), 0, VOCAB, dtype=jnp.int64 if jax.config.jax_enable_x64 else jnp.int32)
    table = jax.random.normal(k2, (VOCAB, EMBED_DIM), dtype=jnp.float32) * 0.02
    bias = jnp.zeros((EMBED_DIM,), dtype=jnp.float32)
    return {"inputs": inputs, "table": table, "bias": bias}

def reference(inputs, table, bias):
    embeds = jnp.take(table, inputs, axis=0)  # [B, L, D]
    logits = embeds.sum(axis=1) + bias  # [B, D]
    return logits

if __name__ == "__main__":
    import jax
    _d = setup_inputs()
    print(jax.jit(kernel)(*tuple(_d.values())))

</pallas_src>

<mosaic_0001>
#map = affine_map<(d0, d1) -> (0)>
#map1 = affine_map<(d0, d1) -> (0, 0)>
module attributes {stable_mosaic.version = 14 : i64} {
  func.func @run(%arg0: i32, %arg1: i32, %arg2: memref<3276800xi32, #tpu.memory_space<hbm>>, %arg3: memref<1015808x32xf32, #tpu.memory_space<hbm>>, %arg4: memref<32xf32, #tpu.memory_space<hbm>>, %arg5: memref<16384x32xf32, #tpu.memory_space<hbm>>, %arg6: memref<1600xi32, #tpu.memory_space<vmem>>, %arg7: memref<1600xi32, #tpu.memory_space<vmem>>, %arg8: memref<1600x32xf32, #tpu.memory_space<vmem>>, %arg9: memref<1600x32xf32, #tpu.memory_space<vmem>>, %arg10: memref<8x32xf32, #tpu.memory_space<vmem>>, %arg11: memref<32xf32, #tpu.memory_space<vmem>>, %arg12: memref<!tpu.dma_semaphore, #tpu.memory_space<semaphore_mem>>, %arg13: memref<!tpu.dma_semaphore, #tpu.memory_space<semaphore_mem>>, %arg14: memref<!tpu.dma_semaphore, #tpu.memory_space<semaphore_mem>>, %arg15: memref<!tpu.dma_semaphore, #tpu.memory_space<semaphore_mem>>) attributes {dimension_semantics = [#tpu.dimension_semantics<core_parallel>, #tpu.dimension_semantics<subcore_parallel>], iteration_bounds = array<i64: 2, 16>, scalar_prefetch = 0 : i64, scratch_operands = 10 : i64, tpu.core_type = #tpu.core_type<sc_vector_subcore>, window_params = [{transform_indices = #map}, {transform_indices = #map1}, {transform_indices = #map}, {transform_indices = #map1}]} {
    %mul3A = arith.constant 2 : i32
    %mul3A_0 = arith.muli %arg1, %mul3A : i32
    %add3A = arith.addi %mul3A_0, %arg0 : i32
    "tpu.region"() ({
      %run_scoped3A = tpu.sem_alloc : memref<!tpu.dma_semaphore, #tpu.memory_space<semaphore_mem>>
      tpu.enqueue_dma source(%arg4 : memref<32xf32, #tpu.memory_space<hbm>>) target(%arg11 : memref<32xf32, #tpu.memory_space<vmem>>) target_semaphore(%run_scoped3A : memref<!tpu.dma_semaphore, #tpu.memory_space<semaphore_mem>>)
      tpu.wait_dma2 semaphore(%run_scoped3A : memref<!tpu.dma_semaphore, #tpu.memory_space<semaphore_mem>>) src(%arg4 : memref<32xf32, #tpu.memory_space<hbm>>) dst(%arg11 : memref<32xf32, #tpu.memory_space<vmem>>)
      tpu.yield
    }) : () -> ()
    %get3A = arith.constant 0 : index
    %get3A_1 = tpu.vector_load %arg11[%get3A] {strides = array<i32>} : memref<32xf32, #tpu.memory_space<vmem>>, vector<16xf32>,
    %get3A_2 = vector.shape_cast %get3A_1 : vector<16xf32> to vector<16xf32>
    %get3A_3 = arith.constant 16 : index
    %get3A_4 = tpu.vector_load %arg11[%get3A_3] {strides = array<i32>} : memref<32xf32, #tpu.memory_space<vmem>>, vector<16xf32>,
    %get3A_5 = vector.shape_cast %get3A_4 : vector<16xf32> to vector<16xf32>
    %mul3A_6 = arith.constant 64 : i32
    %mul3A_7 = arith.muli %add3A, %mul3A_6 : i32
    %add3A_8 = arith.constant 0 : i32
    %add3A_9 = arith.addi %mul3A_7, %add3A_8 : i32
    %mul3A_10 = arith.constant 1600 : i32
    %mul3A_11 = arith.muli %add3A_9, %mul3A_10 : i32
    %dma_start3A = tpu.memref_slice %arg2[%mul3A_11] : memref<3276800xi32, #tpu.memory_space<hbm>> -> memref<1600xi32, #tpu.memory_space<hbm>>
    %dma_start3A_12 = tpu.memref_slice %arg2[%mul3A_11] : memref<3276800xi32, #tpu.memory_space<hbm>> -> memref<1600xi32, #tpu.memory_space<hbm>>
    tpu.enqueue_dma source(%dma_start3A_12 : memref<1600xi32, #tpu.memory_space<hbm>>) target(%arg6 : memref<1600xi32, #tpu.memory_space<vmem>>) target_semaphore(%arg14 : memref<!tpu.dma_semaphore, #tpu.memory_space<semaphore_mem>>)
    %dma_wait3A = arith.constant 0 : i32
    %dma_wait3A_13 = tpu.memref_slice %arg2[%dma_wait3A] : memref<3276800xi32, #tpu.memory_space<hbm>> -> memref<1600xi32, #tpu.memory_space<hbm>>
    %dma_wait3A_14 = arith.constant 0 : i32
    %dma_wait3A_15 = tpu.memref_slice %arg2[%dma_wait3A_14] : memref<3276800xi32, #tpu.memory_space<hbm>> -> memref<1600xi32, #tpu.memory_space<hbm>>
    tpu.wait_dma2 semaphore(%arg14 : memref<!tpu.dma_semaphore, #tpu.memory_space<semaphore_mem>>) src(%dma_wait3A_15 : memref<1600xi32, #tpu.memory_space<hbm>>) dst(%arg6 : memref<1600xi32, #tpu.memory_space<vmem>>)
    %dma_start3A_16 = arith.constant 0 : i32
    %dma_start3A_17 = arith.constant 0 : i32
    %dma_start3A_18 = tpu.memref_slice %arg8[%dma_start3A_16, %dma_start3A_17] : memref<1600x32xf32, #tpu.memory_space<vmem>> -> memref<80x32xf32, #tpu.memory_space<vmem>>
    %dma_start3A_19 = arith.constant 0 : i32
    %dma_start3A_20 = tpu.memref_slice %arg6[%dma_start3A_19] : memref<1600xi32, #tpu.memory_space<vmem>> -> memref<80xi32, #tpu.memory_space<vmem>>
    %dma_start3A_21 = arith.constant 0 : i32
    %dma_start3A_22 = arith.constant 0 : i32
    %dma_start3A_23 = tpu.memref_slice %arg3[%dma_start3A_21, %dma_start3A_22] : memref<1015808x32xf32, #tpu.memory_space<hbm>> -> memref<1015808x32xf32, #tpu.memory_space<hbm>>
    tpu.enqueue_indirect_dma source(%dma_start3A_23 : memref<1015808x32xf32, #tpu.memory_space<hbm>>) target(%dma_start3A_18 : memref<80x32xf32, #tpu.memory_space<vmem>>) offsets(%dma_start3A_20 : memref<80xi32, #tpu.memory_space<vmem>>) semaphore(%arg12 : memref<!tpu.dma_semaphore, #tpu.memory_space<semaphore_mem>>)
    %dma_start3A_24 = arith.constant 80 : i32
    %dma_start3A_25 = arith.constant 0 : i32
    %dma_start3A_26 = tpu.memref_slice %arg8[%dma_start3A_24, %dma_start3A_25] : memref<1600x32xf32, #tpu.memory_space<vmem>> -> memref<80x32xf32, #tpu.memory_space<vmem>>
    %dma_start3A_27 = arith.constant 80 : i32
    %dma_start3A_28 = tpu.memref_slice %arg6[%dma_start3A_27] : memref<1600xi32, #tpu.memory_space<vmem>> -> memref<80xi32, #tpu.memory_space<vmem>>
    %dma_start3A_29 = arith.constant 0 : i32
    %dma_start3A_30 = arith.constant 0 : i32
    %dma_start3A_31 = tpu.memref_slice %arg3[%dma_start3A_29, %dma_start3A_30] : memref<1015808x32xf32, #tpu.memory_space<hbm>> -> memref<1015808x32xf32, #tpu.memory_space<hbm>>
    tpu.enqueue_indirect_dma source(%dma_start3A_31 : memref<1015808x32xf32, #tpu.memory_space<hbm>>) target(%dma_start3A_26 : memref<80x32xf32, #tpu.memory_space<vmem>>) offsets(%dma_start3A_28 : memref<80xi32, #tpu.memory_space<vmem>>) semaphore(%arg12 : memref<!tpu.dma_semaphore, #tpu.memory_space<semaphore_mem>>)
    %dma_start3A_32 = arith.constant 160 : i32
    %dma_start3A_33 = arith.constant 0 : i32
    %dma_start3A_34 = tpu.memref_slice %arg8[%dma_start3A_32, %dma_start3A_33] : memref<1600x32xf32, #tpu.memory_space<vmem>> -> memref<80x32xf32, #tpu.memory_space<vmem>>
    %dma_start3A_35 = arith.constant 160 : i32
    %dma_start3A_36 = tpu.memref_slice %arg6[%dma_start3A_35] : memref<1600xi32, #tpu.memory_space<vmem>> -> memref<80xi32, #tpu.memory_space<vmem>>
    %dma_start3A_37 = arith.constant 0 : i32
    %dma_start3A_38 = arith.constant 0 : i32
    %dma_start3A_39 = tpu.memref_slice %arg3[%dma_start3A_37, %dma_start3A_38] : memref<1015808x32xf32, #tpu.memory_space<hbm>> -> memref<1015808x32xf32, #tpu.memory_space<hbm>>
    tpu.enqueue_indirect_dma source(%dma_start3A_39 : memref<1015808x32xf32, #tpu.memory_space<hbm>>) target(%dma_start3A_34 : memref<80x32xf32, #tpu.memory_space<vmem>>) offsets(%dma_start3A_36 : memref<80xi32, #tpu.memory_space<vmem>>) semaphore(%arg12 : memref<!tpu.dma_semaphore, #tpu.memory_space<semaphore_mem>>)
    %dma_start3A_40 = arith.constant 240 : i32
    %dma_start3A_41 = arith.constant 0 : i32
    %dma_start3A_42 = tpu.memref_slice %arg8[%dma_start3A_40, %dma_start3A_41] : memref<1600x32xf32, #tpu.memory_space<vmem>> -> memref<80x32xf32, #tpu.memory_space<vmem>>
    %dma_start3A_43 = arith.constant 240 : i32
    %dma_start3A_44 = tpu.memref_slice %arg6[%dma_start3A_43] : memref<1600xi32, #tpu.memory_space<vmem>> -> memref<80xi32, #tpu.memory_space<vmem>>
    %dma_start3A_45 = arith.constant 0 : i32
    %dma_start3A_46 = arith.constant 0 : i32
    %dma_start3A_47 = tpu.memref_slice %arg3[%dma_start3A_45, %dma_start3A_46] : memref<1015808x32xf32, #tpu.memory_space<hbm>> -> memref<1015808x32xf32, #tpu.memory_space<hbm>>
    tpu.enqueue_indirect_dma source(%dma_start3A_47 : memref<1015808x32xf32, #tpu.memory_space<hbm>>) target(%dma_start3A_42 : memref<80x32xf32, #tpu.memory_space<vmem>>) offsets(%dma_start3A_44 : memref<80xi32, #tpu.memory_space<vmem>>) semaphore(%arg12 : memref<!tpu.dma_semaphore, #tpu.memory_space<semaphore_mem>>)
    %dma_start3A_48 = arith.constant 320 : i32
    %dma_start3A_49 = arith.constant 0 : i32
    %dma_start3A_50 = tpu.memref_slice %arg8[%dma_start3A_48, %dma_start3A_49] : memref<1600x32xf32, #tpu.memory_space<vmem>> -> memref<80x32xf32, #tpu.memory_space<vmem>>
    %dma_start3A_51 = arith.constant 320 : i32
    %dma_start3A_52 = tpu.memref_slice %arg6[%dma_start3A_51] : memref<1600xi32, #tpu.memory_space<vmem>> -> memref<80xi32, #tpu.memory_space<vmem>>
    %dma_start3A_53 = arith.constant 0 : i32
    %dma_start3A_54 = arith.constant 0 : i32
    %dma_start3A_55 = tpu.memref_slice %arg3[%dma_start3A_53, %dma_start3A_54] : memref<1015808x32xf32, #tpu.memory_space<hbm>> -> memref<1015808x32xf32, #tpu.memory_space<hbm>>
    tpu.enqueue_indirect_dma source(%dma_start3A_55 : memref<1015808x32xf32, #tpu.memory_space<hbm>>) target(%dma_start3A_50 : memref<80x32xf32, #tpu.memory_space<vmem>>) offsets(%dma_start3A_52 : memref<80xi32, #tpu.memory_space<vmem>>) semaphore(%arg12 : memref<!tpu.dma_semaphore, #tpu.memory_space<semaphore_mem>>)
    %dma_start3A_56 = arith.constant 400 : i32
    %dma_start3A_57 = arith.constant 0 : i32
    %dma_start3A_58 = tpu.memref_slice %arg8[%dma_start3A_56, %dma_start3A_57] : memref<1600x32xf32, #tpu.memory_space<vmem>> -> memref<80x32xf32, #tpu.memory_space<vmem>>
    %dma_start3A_59 = arith.constant 400 : i32
    %dma_start3A_60 = tpu.memref_slice %arg6[%dma_start3A_59] : memref<1600xi32, #tpu.memory_space<vmem>> -> memref<80xi32, #tpu.memory_space<vmem>>
    %dma_start3A_61 = arith.constant 0 : i32
    %dma_start3A_62 = arith.constant 0 : i32
    %dma_start3A_63 = tpu.memref_slice %arg3[%dma_start3A_61, %dma_start3A_62] : memref<1015808x32xf32, #tpu.memory_space<hbm>> -> memref<1015808x32xf32, #tpu.memory_space<hbm>>
    tpu.enqueue_indirect_dma source(%dma_start3A_63 : memref<1015808x32xf32, #tpu.memory_space<hbm>>) target(%dma_start3A_58 : memref<80x32xf32, #tpu.memory_space<vmem>>) offsets(%dma_start3A_60 : memref<80xi32, #tpu.memory_space<vmem>>) semaphore(%arg12 : memref<!tpu.dma_semaphore, #tpu.memory_space<semaphore_mem>>)
    %dma_start3A_64 = arith.constant 480 : i32
    %dma_start3A_65 = arith.constant 0 : i32
    %dma_start3A_66 = tpu.memref_slice %arg8[%dma_start3A_64, %dma_start3A_65] : memref<1600x32xf32, #tpu.memory_space<vmem>> -> memref<80x32xf32, #tpu.memory_space<vmem>>
    %dma_start3A_67 = arith.constant 480 : i32
    %dma_start3A_68 = tpu.memref_slice %arg6[%dma_start3A_67] : memref<1600xi32, #tpu.memory_space<vmem>> -> memref<80xi32, #tpu.memory_space<vmem>>
    %dma_start3A_69 = arith.constant 0 : i32
    %dma_start3A_70 = arith.constant 0 : i32
    %dma_start3A_71 = tpu.memref_slice %arg3[%dma_start3A_69, %dma_start3A_70] : memref<1015808x32xf32, #tpu.memory_space<hbm>> -> memref<1015808x32xf32, #tpu.memory_space<hbm>>
    tpu.enqueue_indirect_dma source(%dma_start3A_71 : memref<1015808x32xf32, #tpu.memory_space<hbm>>) target(%dma_start3A_66 : memref<80x32xf32, #tpu.memory_space<vmem>>) offsets(%dma_start3A_68 : memref<80xi32, #tpu.memory_space<vmem>>) semaphore(%arg12 : memref<!tpu.dma_semaphore, #tpu.memory_space<semaphore_mem>>)
    %dma_start3A_72 = arith.constant 560 : i32
    %dma_start3A_73 = arith.constant 0 : i32
    %dma_start3A_74 = tpu.memref_slice %arg8[%dma_start3A_72, %dma_start3A_73] : memref<1600x32xf32, #tpu.memory_space<vmem>> -> memref<80x32xf32, #tpu.memory_space<vmem>>
    %dma_start3A_75 = arith.constant 560 : i32
    %dma_start3A_76 = tpu.memref_slice %arg6[%dma_start3A_75] : memref<1600xi32, #tpu.memory_space<vmem>> -> memref<80xi32, #tpu.memory_space<vmem>>
    %dma_start3A_77 = arith.constant 0 : i32
    %dma_start3A_78 = arith.constant 0 : i32
    %dma_start3A_79 = tpu.memref_slice %arg3[%dma_start3A_77, %dma_start3A_78] : memref<1015808x32xf32, #tpu.memory_space<hbm>> -> memref<1015808x32xf32, #tpu.memory_space<hbm>>
    tpu.enqueue_indirect_dma source(%dma_start3A_79 : memref<1015808x32xf32, #tpu.memory_space<hbm>>) target(%dma_start3A_74 : memref<80x32xf32, #tpu.memory_space<vmem>>) offsets(%dma_start3A_76 : memref<80xi32, #tpu.memory_space<vmem>>) semaphore(%arg12 : memref<!tpu.dma_semaphore, #tpu.memory_space<semaphore_mem>>)
    %dma_start3A_80 = arith.constant 640 : i32
    %dma_start3A_81 = arith.constant 0 : i32
    %dma_start3A_82 = tpu.memref_slice %arg8[%dma_start3A_80, %dma_start3A_81] : memref<1600x32xf32, #tpu.memory_space<vmem>> -> memref<80x32xf32, #tpu.memory_space<vmem>>
    %dma_start3A_83 = arith.constant 640 : i32
    %dma_start3A_84 = tpu.memref_slice %arg6[%dma_start3A_83] : memref<1600xi32, #tpu.memory_space<vmem>> -> memref<80xi32, #tpu.memory_space<vmem>>
    %dma_start3A_85 = arith.constant 0 : i32
    %dma_start3A_86 = arith.constant 0 : i32
    %dma_start3A_87 = tpu.memref_slice %arg3[%dma_start3A_85, %dma_start3A_86] : memref<1015808x32xf32, #tpu.memory_space<hbm>> -> memref<1015808x32xf32, #tpu.memory_space<hbm>>
    tpu.enqueue_indirect_dma source(%dma_start3A_87 : memref<1015808x32xf32, #tpu.memory_space<hbm>>) target(%dma_start3A_82 : memref<80x32xf32, #tpu.memory_space<vmem>>) offsets(%dma_start3A_84 : memref<80xi32, #tpu.memory_space<vmem>>) semaphore(%arg12 : memref<!tpu.dma_semaphore, #tpu.memory_space<semaphore_mem>>)
    %dma_start3A_88 = arith.constant 720 : i32
    %dma_start3A_89 = arith.constant 0 : i32
    %dma_start3A_90 = tpu.memref_slice %arg8[%dma_start3A_88, %dma_start3A_89] : memref<1600x32xf32, #tpu.memory_space<vmem>> -> memref<80x32xf32, #tpu.memory_space<vmem>>
    %dma_start3A_91 = arith.constant 720 : i32
    %dma_start3A_92 = tpu.memref_slice %arg6[%dma_start3A_91] : memref<1600xi32, #tpu.memory_space<vmem>> -> memref<80xi32, #tpu.memory_space<vmem>>
    %dma_start3A_93 = arith.constant 0 : i32
    %dma_start3A_94 = arith.constant 0 : i32
    %dma_start3A_95 = tpu.memref_slice %arg3[%dma_start3A_93, %dma_start3A_94] : memref<1015808x32xf32, #tpu.memory_space<hbm>> -> memref<1015808x32xf32, #tpu.memory_space<hbm>>
    tpu.enqueue_indirect_dma source(%dma_start3A_95 : memref<1015808x32xf32, #tpu.memory_space<hbm>>) target(%dma_start3A_90 : memref<80x32xf32, #tpu.memory_space<vmem>>) offsets(%dma_start3A_92 : memref<80xi32, #tpu.memory_space<vmem>>) semaphore(%arg12 : memref<!tpu.dma_semaphore, #tpu.memory_space<semaphore_mem>>)
    %dma_start3A_96 = arith.constant 800 : i32
    %dma_start3A_97 = arith.constant 0 : i32
    %dma_start3A_98 = tpu.memref_slice %arg8[%dma_start3A_96, %dma_start3A_97] : memref<1600x32xf32, #tpu.memory_space<vmem>> -> memref<80x32xf32, #tpu.memory_space<vmem>>
    %dma_start3A_99 = arith.constant 800 : i32
    %dma_start3A_100 = tpu.memref_slice %arg6[%dma_start3A_99] : memref<1600xi32, #tpu.memory_space<vmem>> -> memref<80xi32, #tpu.memory_space<vmem>>
    %dma_start3A_101 = arith.constant 0 : i32
    %dma_start3A_102 = arith.constant 0 : i32
    %dma_start3A_103 = tpu.memref_slice %arg3[%dma_start3A_101, %dma_start3A_102] : memref<1015808x32xf32, #tpu.memory_space<hbm>> -> memref<1015808x32xf32, #tpu.memory_space<hbm>>
    tpu.enqueue_indirect_dma source(%dma_start3A_103 : memref<1015808x32xf32, #tpu.memory_space<hbm>>) target(%dma_start3A_98 : memref<80x32xf32, #tpu.memory_space<vmem>>) offsets(%dma_start3A_100 : memref<80xi32, #tpu.memory_space<vmem>>) semaphore(%arg12 : memref<!tpu.dma_semaphore, #tpu.memory_space<semaphore_mem>>)
    %dma_start3A_104 = arith.constant 880 : i32
    %dma_start3A_105 = arith.constant 0 : i32
    %dma_start3A_106 = tpu.memref_slice %arg8[%dma_start3A_104, %dma_start3A_105] : memref<1600x32xf32, #tpu.memory_space<vmem>> -> memref<80x32xf32, #tpu.memory_space<vmem>>
    %dma_start3A_107 = arith.constant 880 : i32
    %dma_start3A_108 = tpu.memref_slice %arg6[%dma_start3A_107] : memref<1600xi32, #tpu.memory_space<vmem>> -> memref<80xi32, #tpu.memory_space<vmem>>
    %dma_start3A_109 = arith.constant 0 : i32
    %dma_start3A_110 = arith.constant 0 : i32
    %dma_start3A_111 = tpu.memref_slice %arg3[%dma_start3A_109, %dma_start3A_110] : memref<1015808x32xf32, #tpu.memory_space<hbm>> -> memref<1015808x32xf32, #tpu.memory_space<hbm>>
    tpu.enqueue_indirect_dma source(%dma_start3A_111 : memref<1015808x32xf32, #tpu.memory_space<hbm>>) target(%dma_start3A_106 : memref<80x32xf32, #tpu.memory_space<vmem>>) offsets(%dma_start3A_108 : memref<80xi32, #tpu.memory_space<vmem>>) semaphore(%arg12 : memref<!tpu.dma_semaphore, #tpu.memory_space<semaphore_mem>>)
    %dma_start3A_112 = arith.constant 960 : i32
    %dma_start3A_113 = arith.constant 0 : i32
    %dma_start3A_114 = tpu.memref_slice %arg8[%dma_start3A_112, %dma_start3A_113] : memref<1600x32xf32, #tpu.memory_space<vmem>> -> memref<80x32xf32, #tpu.memory_space<vmem>>
    %dma_start3A_115 = arith.constant 960 : i32
    %dma_start3A_116 = tpu.memref_slice %arg6[%dma_start3A_115] : memref<1600xi32, #tpu.memory_space<vmem>> -> memref<80xi32, #tpu.memory_space<vmem>>
    %dma_start3A_117 = arith.constant 0 : i32
    %dma_start3A_118 = arith.constant 0 : i32
    %dma_start3A_119 = tpu.memref_slice %arg3[%dma_start3A_117, %dma_start3A_118] : memref<1015808x32xf32, #tpu.memory_space<hbm>> -> memref<1015808x32xf32, #tpu.memory_space<hbm>>
    tpu.enqueue_indirect_dma source(%dma_start3A_119 : memref<1015808x32xf32, #tpu.memory_space<hbm>>) target(%dma_start3A_114 : memref<80x32xf32, #tpu.memory_space<vmem>>) offsets(%dma_start3A_116 : memref<80xi32, #tpu.memory_space<vmem>>) semaphore(%arg12 : memref<!tpu.dma_semaphore, #tpu.memory_space<semaphore_mem>>)
    %dma_start3A_120 = arith.constant 1040 : i32
    %dma_start3A_121 = arith.constant 0 : i32
    %dma_start3A_122 = tpu.memref_slice %arg8[%dma_start3A_120, %dma_start3A_121] : memref<1600x32xf32, #tpu.memory_space<vmem>> -> memref<80x32xf32, #tpu.memory_space<vmem>>
    %dma_start3A_123 = arith.constant 1040 : i32
    %dma_start3A_124 = tpu.memref_slice %arg6[%dma_start3A_123] : memref<1600xi32, #tpu.memory_space<vmem>> -> memref<80xi32, #tpu.memory_space<vmem>>
    %dma_start3A_125 = arith.constant 0 : i32
    %dma_start3A_126 = arith.constant 0 : i32
    %dma_start3A_127 = tpu.memref_slice %arg3[%dma_start3A_125, %dma_start3A_126] : memref<1015808x32xf32, #tpu.memory_space<hbm>> -> memref<1015808x32xf32, #tpu.memory_space<hbm>>
    tpu.enqueue_indirect_dma source(%dma_start3A_127 : memref<1015808x32xf32, #tpu.memory_space<hbm>>) target(%dma_start3A_122 : memref<80x32xf32, #tpu.memory_space<vmem>>) offsets(%dma_start3A_124 : memref<80xi32, #tpu.memory_space<vmem>>) semaphore(%arg12 : memref<!tpu.dma_semaphore, #tpu.memory_space<semaphore_mem>>)
    %dma_start3A_128 = arith.constant 1120 : i32
    %dma_start3A_129 = arith.constant 0 : i32
    %dma_start3A_130 = tpu.memref_slice %arg8[%dma_start3A_128, %dma_start3A_129] : memref<1600x32xf32, #tpu.memory_space<vmem>> -> memref<80x32xf32, #tpu.memory_space<vmem>>
    %dma_start3A_131 = arith.constant 1120 : i32
    %dma_start3A_132 = tpu.memref_slice %arg6[%dma_start3A_131] : memref<1600xi32, #tpu.memory_space<vmem>> -> memref<80xi32, #tpu.memory_space<vmem>>
    %dma_start3A_133 = arith.constant 0 : i32
    %dma_start3A_134 = arith.constant 0 : i32
    %dma_start3A_135 = tpu.memref_slice %arg3[%dma_start3A_133, %dma_start3A_134] : memref<1015808x32xf32, #tpu.memory_space<hbm>> -> memref<1015808x32xf32, #tpu.memory_space<hbm>>
    tpu.enqueue_indirect_dma source(%dma_start3A_135 : memref<1015808x32xf32, #tpu.memory_space<hbm>>) target(%dma_start3A_130 : memref<80x32xf32, #tpu.memory_space<vmem>>) offsets(%dma_start3A_132 : memref<80xi32, #tpu.memory_space<vmem>>) semaphore(%arg12 : memref<!tpu.dma_semaphore, #tpu.memory_space<semaphore_mem>>)
    %dma_start3A_136 = arith.constant 1200 : i32
    %dma_start3A_137 = arith.constant 0 : i32
    %dma_start3A_138 = tpu.memref_slice %arg8[%dma_start3A_136, %dma_start3A_137] : memref<1600x32xf32, #tpu.memory_space<vmem>> -> memref<80x32xf32, #tpu.memory_space<vmem>>
    %dma_start3A_139 = arith.constant 1200 : i32
    %dma_start3A_140 = tpu.memref_slice %arg6[%dma_start3A_139] : memref<1600xi32, #tpu.memory_space<vmem>> -> memref<80xi32, #tpu.memory_space<vmem>>
    %dma_start3A_141 = arith.constant 0 : i32
    %dma_start3A_142 = arith.constant 0 : i32
    %dma_start3A_143 = tpu.memref_slice %arg3[%dma_start3A_141, %dma_start3A_142] : memref<1015808x32xf32, #tpu.memory_space<hbm>> -> memref<1015808x32xf32, #tpu.memory_space<hbm>>
    tpu.enqueue_indirect_dma source(%dma_start3A_143 : memref<1015808x32xf32, #tpu.memory_space<hbm>>) target(%dma_start3A_138 : memref<80x32xf32, #tpu.memory_space<vmem>>) offsets(%dma_start3A_140 : memref<80xi32, #tpu.memory_space<vmem>>) semaphore(%arg12 : memref<!tpu.dma_semaphore, #tpu.memory_space<semaphore_mem>>)
    %dma_start3A_144 = arith.constant 1280 : i32
    %dma_start3A_145 = arith.constant 0 : i32
    %dma_start3A_146 = tpu.memref_slice %arg8[%dma_start3A_144, %dma_start3A_145] : memref<1600x32xf32, #tpu.memory_space<vmem>> -> memref<80x32xf32, #tpu.memory_space<vmem>>
    %dma_start3A_147 = arith.constant 1280 : i32
    %dma_start3A_148 = tpu.memref_slice %arg6[%dma_start3A_147] : memref<1600xi32, #tpu.memory_space<vmem>> -> memref<80xi32, #tpu.memory_space<vmem>>
    %dma_start3A_149 = arith.constant 0 : i32
    %dma_start3A_150 = arith.constant 0 : i32
    %dma_start3A_151 = tpu.memref_slice %arg3[%dma_start3A_149, %dma_start3A_150] : memref<1015808x32xf32, #tpu.memory_space<hbm>> -> memref<1015808x32xf32, #tpu.memory_space<hbm>>
    tpu.enqueue_indirect_dma source(%dma_start3A_151 : memref<1015808x32xf32, #tpu.memory_space<hbm>>) target(%dma_start3A_146 : memref<80x32xf32, #tpu.memory_space<vmem>>) offsets(%dma_start3A_148 : memref<80xi32, #tpu.memory_space<vmem>>) semaphore(%arg12 : memref<!tpu.dma_semaphore, #tpu.memory_space<semaphore_mem>>)
    %dma_start3A_152 = arith.constant 1360 : i32
    %dma_start3A_153 = arith.constant 0 : i32
    %dma_start3A_154 = tpu.memref_slice %arg8[%dma_start3A_152, %dma_start3A_153] : memref<1600x32xf32, #tpu.memory_space<vmem>> -> memref<80x32xf32, #tpu.memory_space<vmem>>
    %dma_start3A_155 = arith.constant 1360 : i32
    %dma_start3A_156 = tpu.memref_slice %arg6[%dma_start3A_155] : memref<1600xi32, #tpu.memory_space<vmem>> -> memref<80xi32, #tpu.memory_space<vmem>>
    %dma_start3A_157 = arith.constant 0 : i32
    %dma_start3A_158 = arith.constant 0 : i32
    %dma_start3A_159 = tpu.memref_slice %arg3[%dma_start3A_157, %dma_start3A_158] : memref<1015808x32xf32, #tpu.memory_space<hbm>> -> memref<1015808x32xf32, #tpu.memory_space<hbm>>
    tpu.enqueue_indirect_dma source(%dma_start3A_159 : memref<1015808x32xf32, #tpu.memory_space<hbm>>) target(%dma_start3A_154 : memref<80x32xf32, #tpu.memory_space<vmem>>) offsets(%dma_start3A_156 : memref<80xi32, #tpu.memory_space<vmem>>) semaphore(%arg12 : memref<!tpu.dma_semaphore, #tpu.memory_space<semaphore_mem>>)
    %dma_start3A_160 = arith.constant 1440 : i32
    %dma_start3A_161 = arith.constant 0 : i32
    %dma_start3A_162 = tpu.memref_slice %arg8[%dma_start3A_160, %dma_start3A_161] : memref<1600x32xf32, #tpu.memory_space<vmem>> -> memref<80x32xf32, #tpu.memory_space<vmem>>
    %dma_start3A_163 = arith.constant 1440 : i32
    %dma_start3A_164 = tpu.memref_slice %arg6[%dma_start3A_163] : memref<1600xi32, #tpu.memory_space<vmem>> -> memref<80xi32, #tpu.memory_space<vmem>>
    %dma_start3A_165 = arith.constant 0 : i32
    %dma_start3A_166 = arith.constant 0 : i32
    %dma_start3A_167 = tpu.memref_slice %arg3[%dma_start3A_165, %dma_start3A_166] : memref<1015808x32xf32, #tpu.memory_space<hbm>> -> memref<1015808x32xf32, #tpu.memory_space<hbm>>
    tpu.enqueue_indirect_dma source(%dma_start3A_167 : memref<1015808x32xf32, #tpu.memory_space<hbm>>) target(%dma_start3A_162 : memref<80x32xf32, #tpu.memory_space<vmem>>) offsets(%dma_start3A_164 : memref<80xi32, #tpu.memory_space<vmem>>) semaphore(%arg12 : memref<!tpu.dma_semaphore, #tpu.memory_space<semaphore_mem>>)
    %dma_start3A_168 = arith.constant 1520 : i32
    %dma_start3A_169 = arith.constant 0 : i32
    %dma_start3A_170 = tpu.memref_slice %arg8[%dma_start3A_168, %dma_start3A_169] : memref<1600x32xf32, #tpu.memory_space<vmem>> -> memref<80x32xf32, #tpu.memory_space<vmem>>
    %dma_start3A_171 = arith.constant 1520 : i32
    %dma_start3A_172 = tpu.memref_slice %arg6[%dma_start3A_171] : memref<1600xi32, #tpu.memory_space<vmem>> -> memref<80xi32, #tpu.memory_space<vmem>>
    %dma_start3A_173 = arith.constant 0 : i32
    %dma_start3A_174 = arith.constant 0 : i32
    %dma_start3A_175 = tpu.memref_slice %arg3[%dma_start3A_173, %dma_start3A_174] : memref<1015808x32xf32, #tpu.memory_space<hbm>> -> memref<1015808x32xf32, #tpu.memory_space<hbm>>
    tpu.enqueue_indirect_dma source(%dma_start3A_175 : memref<1015808x32xf32, #tpu.memory_space<hbm>>) target(%dma_start3A_170 : memref<80x32xf32, #tpu.memory_space<vmem>>) offsets(%dma_start3A_172 : memref<80xi32, #tpu.memory_space<vmem>>) semaphore(%arg12 : memref<!tpu.dma_semaphore, #tpu.memory_space<semaphore_mem>>)
    %mul3A_176 = arith.constant 64 : i32
    %mul3A_177 = arith.muli %add3A, %mul3A_176 : i32
    %add3A_178 = arith.constant 1 : i32
    %add3A_179 = arith.addi %mul3A_177, %add3A_178 : i32
    %mul3A_180 = arith.constant 1600 : i32
    %mul3A_181 = arith.muli %add3A_179, %mul3A_180 : i32
    %dma_start3A_182 = tpu.memref_slice %arg2[%mul3A_181] : memref<3276800xi32, #tpu.memory_space<hbm>> -> memref<1600xi32, #tpu.memory_space<hbm>>
    %dma_start3A_183 = tpu.memref_slice %arg2[%mul3A_181] : memref<3276800xi32, #tpu.memory_space<hbm>> -> memref<1600xi32, #tpu.memory_space<hbm>>
    tpu.enqueue_dma source(%dma_start3A_183 : memref<1600xi32, #tpu.memory_space<hbm>>) target(%arg7 : memref<1600xi32, #tpu.memory_space<vmem>>) target_semaphore(%arg15 : memref<!tpu.dma_semaphore, #tpu.memory_space<semaphore_mem>>)
    %scan3A = arith.constant 0 : i32
    %scan3A_184 = arith.constant 0 : i32
    %scan3A_185 = arith.constant 32 : i32
    %scan3A_186 = arith.addi %scan3A_184, %scan3A_185 : i32
    %scan3A_187 = arith.constant 1 : i32
    scf.for %scan3A_189 = %scan3A_184 to %scan3A_186 step %scan3A_187  : i32 {
      %mul3A_190 = arith.constant 2 : i32
      %mul3A_191 = arith.muli %mul3A_190, %scan3A_189 : i32
      %dma_wait3A_192 = arith.constant 0 : i32
      %dma_wait3A_193 = tpu.memref_slice %arg2[%dma_wait3A_192] : memref<3276800xi32, #tpu.memory_space<hbm>> -> memref<1600xi32, #tpu.memory_space<hbm>>
      %dma_wait3A_194 = arith.constant 0 : i32
      %dma_wait3A_195 = tpu.memref_slice %arg2[%dma_wait3A_194] : memref<3276800xi32, #tpu.memory_space<hbm>> -> memref<1600xi32, #tpu.memory_space<hbm>>
      tpu.wait_dma2 semaphore(%arg15 : memref<!tpu.dma_semaphore, #tpu.memory_space<semaphore_mem>>) src(%dma_wait3A_195 : memref<1600xi32, #tpu.memory_space<hbm>>) dst(%arg7 : memref<1600xi32, #tpu.memory_space<vmem>>)
      %dma_start3A_196 = arith.constant 0 : i32
      %dma_start3A_197 = arith.constant 0 : i32
      %dma_start3A_198 = tpu.memref_slice %arg9[%dma_start3A_196, %dma_start3A_197] : memref<1600x32xf32, #tpu.memory_space<vmem>> -> memref<80x32xf32, #tpu.memory_space<vmem>>
      %dma_start3A_199 = arith.constant 0 : i32
      %dma_start3A_200 = tpu.memref_slice %arg7[%dma_start3A_199] : memref<1600xi32, #tpu.memory_space<vmem>> -> memref<80xi32, #tpu.memory_space<vmem>>
      %dma_start3A_201 = arith.constant 0 : i32
      %dma_start3A_202 = arith.constant 0 : i32
      %dma_start3A_203 = tpu.memref_slice %arg3[%dma_start3A_201, %dma_start3A_202] : memref<1015808x32xf32, #tpu.memory_space<hbm>> -> memref<1015808x32xf32, #tpu.memory_space<hbm>>
      tpu.enqueue_indirect_dma source(%dma_start3A_203 : memref<1015808x32xf32, #tpu.memory_space<hbm>>) target(%dma_start3A_198 : memref<80x32xf32, #tpu.memory_space<vmem>>) offsets(%dma_start3A_200 : memref<80xi32, #tpu.memory_space<vmem>>) semaphore(%arg13 : memref<!tpu.dma_semaphore, #tpu.memory_space<semaphore_mem>>)
      %dma_start3A_204 = arith.constant 80 : i32
      %dma_start3A_205 = arith.constant 0 : i32
      %dma_start3A_206 = tpu.memref_slice %arg9[%dma_start3A_204, %dma_start3A_205] : memref<1600x32xf32, #tpu.memory_space<vmem>> -> memref<80x32xf32, #tpu.memory_space<vmem>>
      %dma_start3A_207 = arith.constant 80 : i32
      %dma_start3A_208 = tpu.memref_slice %arg7[%dma_start3A_207] : memref<1600xi32, #tpu.memory_space<vmem>> -> memref<80xi32, #tpu.memory_space<vmem>>
      %dma_start3A_209 = arith.constant 0 : i32
      %dma_start3A_210 = arith.constant 0 : i32
      %dma_start3A_211 = tpu.memref_slice %arg3[%dma_start3A_209, %dma_start3A_210] : memref<1015808x32xf32, #tpu.memory_space<hbm>> -> memref<1015808x32xf32, #tpu.memory_space<hbm>>
      tpu.enqueue_indirect_dma source(%dma_start3A_211 : memref<1015808x32xf32, #tpu.memory_space<hbm>>) target(%dma_start3A_206 : memref<80x32xf32, #tpu.memory_space<vmem>>) offsets(%dma_start3A_208 : memref<80xi32, #tpu.memory_space<vmem>>) semaphore(%arg13 : memref<!tpu.dma_semaphore, #tpu.memory_space<semaphore_mem>>)
      %dma_start3A_212 = arith.constant 160 : i32
      %dma_start3A_213 = arith.constant 0 : i32
      %dma_start3A_214 = tpu.memref_slice %arg9[%dma_start3A_212, %dma_start3A_213] : memref<1600x32xf32, #tpu.memory_space<vmem>> -> memref<80x32xf32, #tpu.memory_space<vmem>>
      %dma_start3A_215 = arith.constant 160 : i32
      %dma_start3A_216 = tpu.memref_slice %arg7[%dma_start3A_215] : memref<1600xi32, #tpu.memory_space<vmem>> -> memref<80xi32, #tpu.memory_space<vmem>>
      %dma_start3A_217 = arith.constant 0 : i32
      %dma_start3A_218 = arith.constant 0 : i32
      %dma_start3A_219 = tpu.memref_slice %arg3[%dma_start3A_217, %dma_start3A_218] : memref<1015808x32xf32, #tpu.memory_space<hbm>> -> memref<1015808x32xf32, #tpu.memory_space<hbm>>
      tpu.enqueue_indirect_dma source(%dma_start3A_219 : memref<1015808x32xf32, #tpu.memory_space<hbm>>) target(%dma_start3A_214 : memref<80x32xf32, #tpu.memory_space<vmem>>) offsets(%dma_start3A_216 : memref<80xi32, #tpu.memory_space<vmem>>) semaphore(%arg13 : memref<!tpu.dma_semaphore, #tpu.memory_space<semaphore_mem>>)
      %dma_start3A_220 = arith.constant 240 : i32
      %dma_start3A_221 = arith.constant 0 : i32
      %dma_start3A_222 = tpu.memref_slice %arg9[%dma_start3A_220, %dma_start3A_221] : memref<1600x32xf32, #tpu.memory_space<vmem>> -> memref<80x32xf32, #tpu.memory_space<vmem>>
      %dma_start3A_223 = arith.constant 240 : i32
      %dma_start3A_224 = tpu.memref_slice %arg7[%dma_start3A_223] : memref<1600xi32, #tpu.memory_space<vmem>> -> memref<80xi32, #tpu.memory_space<vmem>>
      %dma_start3A_225 = arith.constant 0 : i32
      %dma_start3A_226 = arith.constant 0 : i32
      %dma_start3A_227 = tpu.memref_slice %arg3[%dma_start3A_225, %dma_start3A_226] : memref<1015808x32xf32, #tpu.memory_space<hbm>> -> memref<1015808x32xf32, #tpu.memory_space<hbm>>
      tpu.enqueue_indirect_dma source(%dma_start3A_227 : memref<1015808x32xf32, #tpu.memory_space<hbm>>) target(%dma_start3A_222 : memref<80x32xf32, #tpu.memory_space<vmem>>) offsets(%dma_start3A_224 : memref<80xi32, #tpu.memory_space<vmem>>) semaphore(%arg13 : memref<!tpu.dma_semaphore, #tpu.memory_space<semaphore_mem>>)
      %dma_start3A_228 = arith.constant 320 : i32
      %dma_start3A_229 = arith.constant 0 : i32
      %dma_start3A_230 = tpu.memref_slice %arg9[%dma_start3A_228, %dma_start3A_229] : memref<1600x32xf32, #tpu.memory_space<vmem>> -> memref<80x32xf32, #tpu.memory_space<vmem>>
      %dma_start3A_231 = arith.constant 320 : i32
      %dma_start3A_232 = tpu.memref_slice %arg7[%dma_start3A_231] : memref<1600xi32, #tpu.memory_space<vmem>> -> memref<80xi32, #tpu.memory_space<vmem>>
      %dma_start3A_233 = arith.constant 0 : i32
      %dma_start3A_234 = arith.constant 0 : i32
      %dma_start3A_235 = tpu.memref_slice %arg3[%dma_start3A_233, %dma_start3A_234] : memref<1015808x32xf32, #tpu.memory_space<hbm>> -> memref<1015808x32xf32, #tpu.memory_space<hbm>>
      tpu.enqueue_indirect_dma source(%dma_start3A_235 : memref<1015808x32xf32, #tpu.memory_space<hbm>>) target(%dma_start3A_230 : memref<80x32xf32, #tpu.memory_space<vmem>>) offsets(%dma_start3A_232 : memref<80xi32, #tpu.memory_space<vmem>>) semaphore(%arg13 : memref<!tpu.dma_semaphore, #tpu.memory_space<semaphore_mem>>)
      %dma_start3A_236 = arith.constant 400 : i32
      %dma_start3A_237 = arith.constant 0 : i32
      %dma_start3A_238 = tpu.memref_slice %arg9[%dma_start3A_236, %dma_start3A_237] : memref<1600x32xf32, #tpu.memory_space<vmem>> -> memref<80x32xf32, #tpu.memory_space<vmem>>
      %dma_start3A_239 = arith.constant 400 : i32
      %dma_start3A_240 = tpu.memref_slice %arg7[%dma_start3A_239] : memref<1600xi32, #tpu.memory_space<vmem>> -> memref<80xi32, #tpu.memory_space<vmem>>
      %dma_start3A_241 = arith.constant 0 : i32
      %dma_start3A_242 = arith.constant 0 : i32
      %dma_start3A_243 = tpu.memref_slice %arg3[%dma_start3A_241, %dma_start3A_242] : memref<1015808x32xf32, #tpu.memory_space<hbm>> -> memref<1015808x32xf32, #tpu.memory_space<hbm>>
      tpu.enqueue_indirect_dma source(%dma_start3A_243 : memref<1015808x32xf32, #tpu.memory_space<hbm>>) target(%dma_start3A_238 : memref<80x32xf32, #tpu.memory_space<vmem>>) offsets(%dma_start3A_240 : memref<80xi32, #tpu.memory_space<vmem>>) semaphore(%arg13 : memref<!tpu.dma_semaphore, #tpu.memory_space<semaphore_mem>>)
      %dma_start3A_244 = arith.constant 480 : i32
      %dma_start3A_245 = arith.constant 0 : i32
      %dma_start3A_246 = tpu.memref_slice %arg9[%dma_start3A_244, %dma_start3A_245] : memref<1600x32xf32, #tpu.memory_space<vmem>> -> memref<80x32xf32, #tpu.memory_space<vmem>>
      %dma_start3A_247 = arith.constant 480 : i32
      %dma_start3A_248 = tpu.memref_slice %arg7[%dma_start3A_247] : memref<1600xi32, #tpu.memory_space<vmem>> -> memref<80xi32, #tpu.memory_space<vmem>>
      %dma_start3A_249 = arith.constant 0 : i32
      %dma_start3A_250 = arith.constant 0 : i32
      %dma_start3A_251 = tpu.memref_slice %arg3[%dma_start3A_249, %dma_start3A_250] : memref<1015808x32xf32, #tpu.memory_space<hbm>> -> memref<1015808x32xf32, #tpu.memory_space<hbm>>
      tpu.enqueue_indirect_dma source(%dma_start3A_251 : memref<1015808x32xf32, #tpu.memory_space<hbm>>) target(%dma_start3A_246 : memref<80x32xf32, #tpu.memory_space<vmem>>) offsets(%dma_start3A_248 : memref<80xi32, #tpu.memory_space<vmem>>) semaphore(%arg13 : memref<!tpu.dma_semaphore, #tpu.memory_space<semaphore_mem>>)
      %dma_start3A_252 = arith.constant 560 : i32
      %dma_start3A_253 = arith.constant 0 : i32
      %dma_start3A_254 = tpu.memref_slice %arg9[%dma_start3A_252, %dma_start3A_253] : memref<1600x32xf32, #tpu.memory_space<vmem>> -> memref<80x32xf32, #tpu.memory_space<vmem>>
      %dma_start3A_255 = arith.constant 560 : i32
      %dma_start3A_256 = tpu.memref_slice %arg7[%dma_start3A_255] : memref<1600xi32, #tpu.memory_space<vmem>> -> memref<80xi32, #tpu.memory_space<vmem>>
      %dma_start3A_257 = arith.constant 0 : i32
      %dma_start3A_258 = arith.constant 0 : i32
      %dma_start3A_259 = tpu.memref_slice %arg3[%dma_start3A_257, %dma_start3A_258] : memref<1015808x32xf32, #tpu.memory_space<hbm>> -> memref<1015808x32xf32, #tpu.memory_space<hbm>>
      tpu.enqueue_indirect_dma source(%dma_start3A_259 : memref<1015808x32xf32, #tpu.memory_space<hbm>>) target(%dma_start3A_254 : memref<80x32xf32, #tpu.memory_space<vmem>>) offsets(%dma_start3A_256 : memref<80xi32, #tpu.memory_space<vmem>>) semaphore(%arg13 : memref<!tpu.dma_semaphore, #tpu.memory_space<semaphore_mem>>)
      %dma_start3A_260 = arith.constant 640 : i32
      %dma_start3A_261 = arith.constant 0 : i32
      %dma_start3A_262 = tpu.memref_slice %arg9[%dma_start3A_260, %dma_start3A_261] : memref<1600x32xf32, #tpu.memory_space<vmem>> -> memref<80x32xf32, #tpu.memory_space<vmem>>
      %dma_start3A_263 = arith.constant 640 : i32
      %dma_start3A_264 = tpu.memref_slice %arg7[%dma_start3A_263] : memref<1600xi32, #tpu.memory_space<vmem>> -> memref<80xi32, #tpu.memory_space<vmem>>
      %dma_start3A_265 = arith.constant 0 : i32
      %dma_start3A_266 = arith.constant 0 : i32
      %dma_start3A_267 = tpu.memref_slice %arg3[%dma_start3A_265, %dma_start3A_266] : memref<1015808x32xf32, #tpu.memory_space<hbm>> -> memref<1015808x32xf32, #tpu.memory_space<hbm>>
      tpu.enqueue_indirect_dma source(%dma_start3A_267 : memref<1015808x32xf32, #tpu.memory_space<hbm>>) target(%dma_start3A_262 : memref<80x32xf32, #tpu.memory_space<vmem>>) offsets(%dma_start3A_264 : memref<80xi32, #tpu.memory_space<vmem>>) semaphore(%arg13 : memref<!tpu.dma_semaphore, #tpu.memory_space<semaphore_mem>>)
      %dma_start3A_268 = arith.constant 720 : i32
      %dma_start3A_269 = arith.constant 0 : i32
      %dma_start3A_270 = tpu.memref_slice %arg9[%dma_start3A_268, %dma_start3A_269] : memref<1600x32xf32, #tpu.memory_space<vmem>> -> memref<80x32xf32, #tpu.memory_space<vmem>>
      %dma_start3A_271 = arith.constant 720 : i32
      %dma_start3A_272 = tpu.memref_slice %arg7[%dma_start3A_271] : memref<1600xi32, #tpu.memory_space<vmem>> -> memref<80xi32, #tpu.memory_space<vmem>>
      %dma_start3A_273 = arith.constant 0 : i32
      %dma_start3A_274 = arith.constant 0 : i32
      %dma_start3A_275 = tpu.memref_slice %arg3[%dma_start3A_273, %dma_start3A_274] : memref<1015808x32xf32, #tpu.memory_space<hbm>> -> memref<1015808x32xf32, #tpu.memory_space<hbm>>
      tpu.enqueue_indirect_dma source(%dma_start3A_275 : memref<1015808x32xf32, #tpu.memory_space<hbm>>) target(%dma_start3A_270 : memref<80x32xf32, #tpu.memory_space<vmem>>) offsets(%dma_start3A_272 : memref<80xi32, #tpu.memory_space<vmem>>) semaphore(%arg13 : memref<!tpu.dma_semaphore, #tpu.memory_space<semaphore_mem>>)
      %dma_start3A_276 = arith.constant 800 : i32
      %dma_start3A_277 = arith.constant 0 : i32
      %dma_start3A_278 = tpu.memref_slice %arg9[%dma_start3A_276, %dma_start3A_277] : memref<1600x32xf32, #tpu.memory_space<vmem>> -> memref<80x32xf32, #tpu.memory_space<vmem>>
      %dma_start3A_279 = arith.constant 800 : i32
      %dma_start3A_280 = tpu.memref_slice %arg7[%dma_start3A_279] : memref<1600xi32, #tpu.memory_space<vmem>> -> memref<80xi32, #tpu.memory_space<vmem>>
      %dma_start3A_281 = arith.constant 0 : i32
      %dma_start3A_282 = arith.constant 0 : i32
      %dma_start3A_283 = tpu.memref_slice %arg3[%dma_start3A_281, %dma_start3A_282] : memref<1015808x32xf32, #tpu.memory_space<hbm>> -> memref<1015808x32xf32, #tpu.memory_space<hbm>>
      tpu.enqueue_indirect_dma source(%dma_start3A_283 : memref<1015808x32xf32, #tpu.memory_space<hbm>>) target(%dma_start3A_278 : memref<80x32xf32, #tpu.memory_space<vmem>>) offsets(%dma_start3A_280 : memref<80xi32, #tpu.memory_space<vmem>>) semaphore(%arg13 : memref<!tpu.dma_semaphore, #tpu.memory_space<semaphore_mem>>)
      %dma_start3A_284 = arith.constant 880 : i32
      %dma_start3A_285 = arith.constant 0 : i32
      %dma_start3A_286 = tpu.memref_slice %arg9[%dma_start3A_284, %dma_start3A_285] : memref<1600x32xf32, #tpu.memory_space<vmem>> -> memref<80x32xf32, #tpu.memory_space<vmem>>
      %dma_start3A_287 = arith.constant 880 : i32
      %dma_start3A_288 = tpu.memref_slice %arg7[%dma_start3A_287] : memref<1600xi32, #tpu.memory_space<vmem>> -> memref<80xi32, #tpu.memory_space<vmem>>
      %dma_start3A_289 = arith.constant 0 : i32
      %dma_start3A_290 = arith.constant 0 : i32
      %dma_start3A_291 = tpu.memref_slice %arg3[%dma_start3A_289, %dma_start3A_290] : memref<1015808x32xf32, #tpu.memory_space<hbm>> -> memref<1015808x32xf32, #tpu.memory_space<hbm>>
      tpu.enqueue_indirect_dma source(%dma_start3A_291 : memref<1015808x32xf32, #tpu.memory_space<hbm>>) target(%dma_start3A_286 : memref<80x32xf32, #tpu.memory_space<vmem>>) offsets(%dma_start3A_288 : memref<80xi32, #tpu.memory_space<vmem>>) semaphore(%arg13 : memref<!tpu.dma_semaphore, #tpu.memory_space<semaphore_mem>>)
      %dma_start3A_292 = arith.constant 960 : i32
      %dma_start3A_293 = arith.constant 0 : i32
      %dma_start3A_294 = tpu.memref_slice %arg9[%dma_start3A_292, %dma_start3A_293] : memref<1600x32xf32, #tpu.memory_space<vmem>> -> memref<80x32xf32, #tpu.memory_space<vmem>>
      %dma_start3A_295 = arith.constant 960 : i32
      %dma_start3A_296 = tpu.memref_slice %arg7[%dma_start3A_295] : memref<1600xi32, #tpu.memory_space<vmem>> -> memref<80xi32, #tpu.memory_space<vmem>>
      %dma_start3A_297 = arith.constant 0 : i32
      %dma_start3A_298 = arith.constant 0 : i32
      %dma_start3A_299 = tpu.memref_slice %arg3[%dma_start3A_297, %dma_start3A_298] : memref<1015808x32xf32, #tpu.memory_space<hbm>> -> memref<1015808x32xf32, #tpu.memory_space<hbm>>
      tpu.enqueue_indirect_dma source(%dma_start3A_299 : memref<1015808x32xf32, #tpu.memory_space<hbm>>) target(%dma_start3A_294 : memref<80x32xf32, #tpu.memory_space<vmem>>) offsets(%dma_start3A_296 : memref<80xi32, #tpu.memory_space<vmem>>) semaphore(%arg13 : memref<!tpu.dma_semaphore, #tpu.memory_space<semaphore_mem>>)
      %dma_start3A_300 = arith.constant 1040 : i32
      %dma_start3A_301 = arith.constant 0 : i32
      %dma_start3A_302 = tpu.memref_slice %arg9[%dma_start3A_300, %dma_start3A_301] : memref<1600x32xf32, #tpu.memory_space<vmem>> -> memref<80x32xf32, #tpu.memory_space<vmem>>
      %dma_start3A_303 = arith.constant 1040 : i32
      %dma_start3A_304 = tpu.memref_slice %arg7[%dma_start3A_303] : memref<1600xi32, #tpu.memory_space<vmem>> -> memref<80xi32, #tpu.memory_space<vmem>>
      %dma_start3A_305 = arith.constant 0 : i32
      %dma_start3A_306 = arith.constant 0 : i32
      %dma_start3A_307 = tpu.memref_slice %arg3[%dma_start3A_305, %dma_start3A_306] : memref<1015808x32xf32, #tpu.memory_space<hbm>> -> memref<1015808x32xf32, #tpu.memory_space<hbm>>
      tpu.enqueue_indirect_dma source(%dma_start3A_307 : memref<1015808x32xf32, #tpu.memory_space<hbm>>) target(%dma_start3A_302 : memref<80x32xf32, #tpu.memory_space<vmem>>) offsets(%dma_start3A_304 : memref<80xi32, #tpu.memory_space<vmem>>) semaphore(%arg13 : memref<!tpu.dma_semaphore, #tpu.memory_space<semaphore_mem>>)
      %dma_start3A_308 = arith.constant 1120 : i32
      %dma_start3A_309 = arith.constant 0 : i32
      %dma_start3A_310 = tpu.memref_slice %arg9[%dma_start3A_308, %dma_start3A_309] : memref<1600x32xf32, #tpu.memory_space<vmem>> -> memref<80x32xf32, #tpu.memory_space<vmem>>
      %dma_start3A_311 = arith.constant 1120 : i32
      %dma_start3A_312 = tpu.memref_slice %arg7[%dma_start3A_311] : memref<1600xi32, #tpu.memory_space<vmem>> -> memref<80xi32, #tpu.memory_space<vmem>>
      %dma_start3A_313 = arith.constant 0 : i32
      %dma_start3A_314 = arith.constant 0 : i32
      %dma_start3A_315 = tpu.memref_slice %arg3[%dma_start3A_313, %dma_start3A_314] : memref<1015808x32xf32, #tpu.memory_space<hbm>> -> memref<1015808x32xf32, #tpu.memory_space<hbm>>
      tpu.enqueue_indirect_dma source(%dma_start3A_315 : memref<1015808x32xf32, #tpu.memory_space<hbm>>) target(%dma_start3A_310 : memref<80x32xf32, #tpu.memory_space<vmem>>) offsets(%dma_start3A_312 : memref<80xi32, #tpu.memory_space<vmem>>) semaphore(%arg13 : memref<!tpu.dma_semaphore, #tpu.memory_space<semaphore_mem>>)
      %dma_start3A_316 = arith.constant 1200 : i32
      %dma_start3A_317 = arith.constant 0 : i32
      %dma_start3A_318 = tpu.memref_slice %arg9[%dma_start3A_316, %dma_start3A_317] : memref<1600x32xf32, #tpu.memory_space<vmem>> -> memref<80x32xf32, #tpu.memory_space<vmem>>
      %dma_start3A_319 = arith.constant 1200 : i32
      %dma_start3A_320 = tpu.memref_slice %arg7[%dma_start3A_319] : memref<1600xi32, #tpu.memory_space<vmem>> -> memref<80xi32, #tpu.memory_space<vmem>>
      %dma_start3A_321 = arith.constant 0 : i32
      %dma_start3A_322 = arith.constant 0 : i32
      %dma_start3A_323 = tpu.memref_slice %arg3[%dma_start3A_321, %dma_start3A_322] : memref<1015808x32xf32, #tpu.memory_space<hbm>> -> memref<1015808x32xf32, #tpu.memory_space<hbm>>
      tpu.enqueue_indirect_dma source(%dma_start3A_323 : memref<1015808x32xf32, #tpu.memory_space<hbm>>) target(%dma_start3A_318 : memref<80x32xf32, #tpu.memory_space<vmem>>) offsets(%dma_start3A_320 : memref<80xi32, #tpu.memory_space<vmem>>) semaphore(%arg13 : memref<!tpu.dma_semaphore, #tpu.memory_space<semaphore_mem>>)
      %dma_start3A_324 = arith.constant 1280 : i32
      %dma_start3A_325 = arith.constant 0 : i32
      %dma_start3A_326 = tpu.memref_slice %arg9[%dma_start3A_324, %dma_start3A_325] : memref<1600x32xf32, #tpu.memory_space<vmem>> -> memref<80x32xf32, #tpu.memory_space<vmem>>
      %dma_start3A_327 = arith.constant 1280 : i32
      %dma_start3A_328 = tpu.memref_slice %arg7[%dma_start3A_327] : memref<1600xi32, #tpu.memory_space<vmem>> -> memref<80xi32, #tpu.memory_space<vmem>>
      %dma_start3A_329 = arith.constant 0 : i32
      %dma_start3A_330 = arith.constant 0 : i32
      %dma_start3A_331 = tpu.memref_slice %arg3[%dma_start3A_329, %dma_start3A_330] : memref<1015808x32xf32, #tpu.memory_space<hbm>> -> memref<1015808x32xf32, #tpu.memory_space<hbm>>
      tpu.enqueue_indirect_dma source(%dma_start3A_331 : memref<1015808x32xf32, #tpu.memory_space<hbm>>) target(%dma_start3A_326 : memref<80x32xf32, #tpu.memory_space<vmem>>) offsets(%dma_start3A_328 : memref<80xi32, #tpu.memory_space<vmem>>) semaphore(%arg13 : memref<!tpu.dma_semaphore, #tpu.memory_space<semaphore_mem>>)
      %dma_start3A_332 = arith.constant 1360 : i32
      %dma_start3A_333 = arith.constant 0 : i32
      %dma_start3A_334 = tpu.memref_slice %arg9[%dma_start3A_332, %dma_start3A_333] : memref<1600x32xf32, #tpu.memory_space<vmem>> -> memref<80x32xf32, #tpu.memory_space<vmem>>
      %dma_start3A_335 = arith.constant 1360 : i32
      %dma_start3A_336 = tpu.memref_slice %arg7[%dma_start3A_335] : memref<1600xi32, #tpu.memory_space<vmem>> -> memref<80xi32, #tpu.memory_space<vmem>>
      %dma_start3A_337 = arith.constant 0 : i32
      %dma_start3A_338 = arith.constant 0 : i32
      %dma_start3A_339 = tpu.memref_slice %arg3[%dma_start3A_337, %dma_start3A_338] : memref<1015808x32xf32, #tpu.memory_space<hbm>> -> memref<1015808x32xf32, #tpu.memory_space<hbm>>
      tpu.enqueue_indirect_dma source(%dma_start3A_339 : memref<1015808x32xf32, #tpu.memory_space<hbm>>) target(%dma_start3A_334 : memref<80x32xf32, #tpu.memory_space<vmem>>) offsets(%dma_start3A_336 : memref<80xi32, #tpu.memory_space<vmem>>) semaphore(%arg13 : memref<!tpu.dma_semaphore, #tpu.memory_space<semaphore_mem>>)
      %dma_start3A_340 = arith.constant 1440 : i32
      %dma_start3A_341 = arith.constant 0 : i32
      %dma_start3A_342 = tpu.memref_slice %arg9[%dma_start3A_340, %dma_start3A_341] : memref<1600x32xf32, #tpu.memory_space<vmem>> -> memref<80x32xf32, #tpu.memory_space<vmem>>
      %dma_start3A_343 = arith.constant 1440 : i32
      %dma_start3A_344 = tpu.memref_slice %arg7[%dma_start3A_343] : memref<1600xi32, #tpu.memory_space<vmem>> -> memref<80xi32, #tpu.memory_space<vmem>>
      %dma_start3A_345 = arith.constant 0 : i32
      %dma_start3A_346 = arith.constant 0 : i32
      %dma_start3A_347 = tpu.memref_slice %arg3[%dma_start3A_345, %dma_start3A_346] : memref<1015808x32xf32, #tpu.memory_space<hbm>> -> memref<1015808x32xf32, #tpu.memory_space<hbm>>
      tpu.enqueue_indirect_dma source(%dma_start3A_347 : memref<1015808x32xf32, #tpu.memory_space<hbm>>) target(%dma_start3A_342 : memref<80x32xf32, #tpu.memory_space<vmem>>) offsets(%dma_start3A_344 : memref<80xi32, #tpu.memory_space<vmem>>) semaphore(%arg13 : memref<!tpu.dma_semaphore, #tpu.memory_space<semaphore_mem>>)
      %dma_start3A_348 = arith.constant 1520 : i32
      %dma_start3A_349 = arith.constant 0 : i32
      %dma_start3A_350 = tpu.memref_slice %arg9[%dma_start3A_348, %dma_start3A_349] : memref<1600x32xf32, #tpu.memory_space<vmem>> -> memref<80x32xf32, #tpu.memory_space<vmem>>
      %dma_start3A_351 = arith.constant 1520 : i32
      %dma_start3A_352 = tpu.memref_slice %arg7[%dma_start3A_351] : memref<1600xi32, #tpu.memory_space<vmem>> -> memref<80xi32, #tpu.memory_space<vmem>>
      %dma_start3A_353 = arith.constant 0 : i32
      %dma_start3A_354 = arith.constant 0 : i32
      %dma_start3A_355 = tpu.memref_slice %arg3[%dma_start3A_353, %dma_start3A_354] : memref<1015808x32xf32, #tpu.memory_space<hbm>> -> memref<1015808x32xf32, #tpu.memory_space<hbm>>
      tpu.enqueue_indirect_dma source(%dma_start3A_355 : memref<1015808x32xf32, #tpu.memory_space<hbm>>) target(%dma_start3A_350 : memref<80x32xf32, #tpu.memory_space<vmem>>) offsets(%dma_start3A_352 : memref<80xi32, #tpu.memory_space<vmem>>) semaphore(%arg13 : memref<!tpu.dma_semaphore, #tpu.memory_space<semaphore_mem>>)
      %dma_wait3A_356 = arith.constant 0 : i32
      %dma_wait3A_357 = arith.constant 0 : i32
      %dma_wait3A_358 = tpu.memref_slice %arg3[%dma_wait3A_356, %dma_wait3A_357] : memref<1015808x32xf32, #tpu.memory_space<hbm>> -> memref<1600x32xf32, #tpu.memory_space<hbm>>
      %dma_wait3A_359 = arith.constant 0 : i32
      %dma_wait3A_360 = arith.constant 0 : i32
      %dma_wait3A_361 = tpu.memref_slice %arg3[%dma_wait3A_359, %dma_wait3A_360] : memref<1015808x32xf32, #tpu.memory_space<hbm>> -> memref<1600x32xf32, #tpu.memory_space<hbm>>
      tpu.wait_dma2 semaphore(%arg12 : memref<!tpu.dma_semaphore, #tpu.memory_space<semaphore_mem>>) src(%dma_wait3A_361 : memref<1600x32xf32, #tpu.memory_space<hbm>>) dst(%arg8 : memref<1600x32xf32, #tpu.memory_space<vmem>>)
      %lt3A = arith.constant 31 : i32
      %lt3A_362 = arith.cmpi slt, %scan3A_189, %lt3A : i32
      %convert_element_type3A = arith.extui %lt3A_362 : i1 to i32
      %cond3A = arith.constant 0 : i32
      %cond3A_363 = arith.cmpi ne, %convert_element_type3A, %cond3A : i32
      scf.if %cond3A_363 {
        %add3A_966 = arith.constant 2 : i32
        %add3A_967 = arith.addi %mul3A_191, %add3A_966 : i32
        %mul3A_968 = arith.constant 64 : i32
        %mul3A_969 = arith.muli %add3A, %mul3A_968 : i32
        %add3A_970 = arith.addi %mul3A_969, %add3A_967 : i32
        %mul3A_971 = arith.constant 1600 : i32
        %mul3A_972 = arith.muli %add3A_970, %mul3A_971 : i32
        %dma_start3A_973 = tpu.memref_slice %arg2[%mul3A_972] : memref<3276800xi32, #tpu.memory_space<hbm>> -> memref<1600xi32, #tpu.memory_space<hbm>>
        %dma_start3A_974 = tpu.memref_slice %arg2[%mul3A_972] : memref<3276800xi32, #tpu.memory_space<hbm>> -> memref<1600xi32, #tpu.memory_space<hbm>>
        tpu.enqueue_dma source(%dma_start3A_974 : memref<1600xi32, #tpu.memory_space<hbm>>) target(%arg6 : memref<1600xi32, #tpu.memory_space<vmem>>) target_semaphore(%arg14 : memref<!tpu.dma_semaphore, #tpu.memory_space<semaphore_mem>>)
      } else {
      }
      %mul3A_364 = arith.constant 64 : i32
      %mul3A_365 = arith.muli %add3A, %mul3A_364 : i32
      %add3A_366 = arith.addi %mul3A_365, %mul3A_191 : i32
      %broadcast_in_dim3A = arith.constant 0.000000e+00 : f32
      %broadcast_in_dim3A_367 = vector.broadcast %broadcast_in_dim3A : f32 to vector<16xf32>
      %scan3A_368 = arith.constant 0 : i32
      %scan3A_369 = arith.constant 25 : i32
      %scan3A_370 = arith.addi %scan3A_368, %scan3A_369 : i32
      %scan3A_371 = arith.constant 1 : i32
      %scan3A_372:16 = scf.for %scan3A_966 = %scan3A_368 to %scan3A_370 step %scan3A_371 iter_args(%scan3A_967 = %broadcast_in_dim3A_367, %scan3A_968 = %broadcast_in_dim3A_367, %scan3A_969 = %broadcast_in_dim3A_367, %scan3A_970 = %broadcast_in_dim3A_367, %scan3A_971 = %broadcast_in_dim3A_367, %scan3A_972 = %broadcast_in_dim3A_367, %scan3A_973 = %broadcast_in_dim3A_367, %scan3A_974 = %broadcast_in_dim3A_367, %scan3A_975 = %broadcast_in_dim3A_367, %scan3A_976 = %broadcast_in_dim3A_367, %scan3A_977 = %broadcast_in_dim3A_367, %scan3A_978 = %broadcast_in_dim3A_367, %scan3A_979 = %broadcast_in_dim3A_367, %scan3A_980 = %broadcast_in_dim3A_367, %scan3A_981 = %broadcast_in_dim3A_367, %scan3A_982 = %broadcast_in_dim3A_367) -> (vector<16xf32>, vector<16xf32>, vector<16xf32>, vector<16xf32>, vector<16xf32>, vector<16xf32>, vector<16xf32>, vector<16xf32>, vector<16xf32>, vector<16xf32>, vector<16xf32>, vector<16xf32>, vector<16xf32>, vector<16xf32>, vector<16xf32>, vector<16xf32>)  : i32 {
        %mul3A_983 = arith.constant 8 : i32
        %mul3A_984 = arith.muli %scan3A_966, %mul3A_983 : i32
        %add3A_985 = arith.constant 0 : i32
        %add3A_986 = arith.addi %add3A_985, %mul3A_984 : i32
        %add3A_987 = arith.constant 0 : i32
        %add3A_988 = arith.addi %add3A_986, %add3A_987 : i32
        %get3A_989 = arith.index_cast %add3A_988 : i32 to index
        %get3A_990 = arith.constant 0 : index
        %get3A_991 = tpu.vector_load %arg8[%get3A_989, %get3A_990] {strides = array<i32>} : memref<1600x32xf32, #tpu.memory_space<vmem>>, vector<1x16xf32>,
        %get3A_992 = vector.shape_cast %get3A_991 : vector<1x16xf32> to vector<16xf32>
        %add3A_993 = arith.addf %scan3A_967, %get3A_992 : vector<16xf32>
        %get3A_994 = arith.index_cast %add3A_988 : i32 to index
        %get3A_995 = arith.constant 16 : index
        %get3A_996 = tpu.vector_load %arg8[%get3A_994, %get3A_995] {strides = array<i32>} : memref<1600x32xf32, #tpu.memory_space<vmem>>, vector<1x16xf32>,
        %get3A_997 = vector.shape_cast %get3A_996 : vector<1x16xf32> to vector<16xf32>
        %add3A_998 = arith.addf %scan3A_968, %get3A_997 : vector<16xf32>
        %mul3A_999 = arith.constant 8 : i32
        %mul3A_1000 = arith.muli %scan3A_966, %mul3A_999 : i32
        %add3A_1001 = arith.constant 0 : i32
        %add3A_1002 = arith.addi %add3A_1001, %mul3A_1000 : i32
        %add3A_1003 = arith.constant 1 : i32
        %add3A_1004 = arith.addi %add3A_1002, %add3A_1003 : i32
        %get3A_1005 = arith.index_cast %add3A_1004 : i32 to index
        %get3A_1006 = arith.constant 0 : index
        %get3A_1007 = tpu.vector_load %arg8[%get3A_1005, %get3A_1006] {strides = array<i32>} : memref<1600x32xf32, #tpu.memory_space<vmem>>, vector<1x16xf32>,
        %get3A_1008 = vector.shape_cast %get3A_1007 : vector<1x16xf32> to vector<16xf32>
        %add3A_1009 = arith.addf %scan3A_969, %get3A_1008 : vector<16xf32>
        %get3A_1010 = arith.index_cast %add3A_1004 : i32 to index
        %get3A_1011 = arith.constant 16 : index
        %get3A_1012 = tpu.vector_load %arg8[%get3A_1010, %get3A_1011] {strides = array<i32>} : memref<1600x32xf32, #tpu.memory_space<vmem>>, vector<1x16xf32>,
        %get3A_1013 = vector.shape_cast %get3A_1012 : vector<1x16xf32> to vector<16xf32>
        %add3A_1014 = arith.addf %scan3A_970, %get3A_1013 : vector<16xf32>
        %mul3A_1015 = arith.constant 8 : i32
        %mul3A_1016 = arith.muli %scan3A_966, %mul3A_1015 : i32
        %add3A_1017 = arith.constant 0 : i32
        %add3A_1018 = arith.addi %add3A_1017, %mul3A_1016 : i32
        %add3A_1019 = arith.constant 2 : i32
        %add3A_1020 = arith.addi %add3A_1018, %add3A_1019 : i32
        %get3A_1021 = arith.index_cast %add3A_1020 : i32 to index
        %get3A_1022 = arith.constant 0 : index
        %get3A_1023 = tpu.vector_load %arg8[%get3A_1021, %get3A_1022] {strides = array<i32>} : memref<1600x32xf32, #tpu.memory_space<vmem>>, vector<1x16xf32>,
        %get3A_1024 = vector.shape_cast %get3A_1023 : vector<1x16xf32> to vector<16xf32>
        %add3A_1025 = arith.addf %scan3A_971, %get3A_1024 : vector<16xf32>
        %get3A_1026 = arith.index_cast %add3A_1020 : i32 to index
        %get3A_1027 = arith.constant 16 : index
        %get3A_1028 = tpu.vector_load %arg8[%get3A_1026, %get3A_1027] {strides = array<i32>} : memref<1600x32xf32, #tpu.memory_space<vmem>>, vector<1x16xf32>,
        %get3A_1029 = vector.shape_cast %get3A_1028 : vector<1x16xf32> to vector<16xf32>
        %add3A_1030 = arith.addf %scan3A_972, %get3A_1029 : vector<16xf32>
        %mul3A_1031 = arith.constant 8 : i32
        %mul3A_1032 = arith.muli %scan3A_966, %mul3A_1031 : i32
        %add3A_1033 = arith.constant 0 : i32
        %add3A_1034 = arith.addi %add3A_1033, %mul3A_1032 : i32
        %add3A_1035 = arith.constant 3 : i32
        %add3A_1036 = arith.addi %add3A_1034, %add3A_1035 : i32
        %get3A_1037 = arith.index_cast %add3A_1036 : i32 to index
        %get3A_1038 = arith.constant 0 : index
        %get3A_1039 = tpu.vector_load %arg8[%get3A_1037, %get3A_1038] {strides = array<i32>} : memref<1600x32xf32, #tpu.memory_space<vmem>>, vector<1x16xf32>,
        %get3A_1040 = vector.shape_cast %get3A_1039 : vector<1x16xf32> to vector<16xf32>
        %add3A_1041 = arith.addf %scan3A_973, %get3A_1040 : vector<16xf32>
        %get3A_1042 = arith.index_cast %add3A_1036 : i32 to index
        %get3A_1043 = arith.constant 16 : index
        %get3A_1044 = tpu.vector_load %arg8[%get3A_1042, %get3A_1043] {strides = array<i32>} : memref<1600x32xf32, #tpu.memory_space<vmem>>, vector<1x16xf32>,
        %get3A_1045 = vector.shape_cast %get3A_1044 : vector<1x16xf32> to vector<16xf32>
        %add3A_1046 = arith.addf %scan3A_974, %get3A_1045 : vector<16xf32>
        %mul3A_1047 = arith.constant 8 : i32
        %mul3A_1048 = arith.muli %scan3A_966, %mul3A_1047 : i32
        %add3A_1049 = arith.constant 0 : i32
        %add3A_1050 = arith.addi %add3A_1049, %mul3A_1048 : i32
        %add3A_1051 = arith.constant 4 : i32
        %add3A_1052 = arith.addi %add3A_1050, %add3A_1051 : i32
        %get3A_1053 = arith.index_cast %add3A_1052 : i32 to index
        %get3A_1054 = arith.constant 0 : index
        %get3A_1055 = tpu.vector_load %arg8[%get3A_1053, %get3A_1054] {strides = array<i32>} : memref<1600x32xf32, #tpu.memory_space<vmem>>, vector<1x16xf32>,
        %get3A_1056 = vector.shape_cast %get3A_1055 : vector<1x16xf32> to vector<16xf32>
        %add3A_1057 = arith.addf %scan3A_975, %get3A_1056 : vector<16xf32>
        %get3A_1058 = arith.index_cast %add3A_1052 : i32 to index
        %get3A_1059 = arith.constant 16 : index
        %get3A_1060 = tpu.vector_load %arg8[%get3A_1058, %get3A_1059] {strides = array<i32>} : memref<1600x32xf32, #tpu.memory_space<vmem>>, vector<1x16xf32>,
        %get3A_1061 = vector.shape_cast %get3A_1060 : vector<1x16xf32> to vector<16xf32>
        %add3A_1062 = arith.addf %scan3A_976, %get3A_1061 : vector<16xf32>
        %mul3A_1063 = arith.constant 8 : i32
        %mul3A_1064 = arith.muli %scan3A_966, %mul3A_1063 : i32
        %add3A_1065 = arith.constant 0 : i32
        %add3A_1066 = arith.addi %add3A_1065, %mul3A_1064 : i32
        %add3A_1067 = arith.constant 5 : i32
        %add3A_1068 = arith.addi %add3A_1066, %add3A_1067 : i32
        %get3A_1069 = arith.index_cast %add3A_1068 : i32 to index
        %get3A_1070 = arith.constant 0 : index
        %get3A_1071 = tpu.vector_load %arg8[%get3A_1069, %get3A_1070] {strides = array<i32>} : memref<1600x32xf32, #tpu.memory_space<vmem>>, vector<1x16xf32>,
        %get3A_1072 = vector.shape_cast %get3A_1071 : vector<1x16xf32> to vector<16xf32>
        %add3A_1073 = arith.addf %scan3A_977, %get3A_1072 : vector<16xf32>
        %get3A_1074 = arith.index_cast %add3A_1068 : i32 to index
        %get3A_1075 = arith.constant 16 : index
        %get3A_1076 = tpu.vector_load %arg8[%get3A_1074, %get3A_1075] {strides = array<i32>} : memref<1600x32xf32, #tpu.memory_space<vmem>>, vector<1x16xf32>,
        %get3A_1077 = vector.shape_cast %get3A_1076 : vector<1x16xf32> to vector<16xf32>
        %add3A_1078 = arith.addf %scan3A_978, %get3A_1077 : vector<16xf32>
        %mul3A_1079 = arith.constant 8 : i32
        %mul3A_1080 = arith.muli %scan3A_966, %mul3A_1079 : i32
        %add3A_1081 = arith.constant 0 : i32
        %add3A_1082 = arith.addi %add3A_1081, %mul3A_1080 : i32
        %add3A_1083 = arith.constant 6 : i32
        %add3A_1084 = arith.addi %add3A_1082, %add3A_1083 : i32
        %get3A_1085 = arith.index_cast %add3A_1084 : i32 to index
        %get3A_1086 = arith.constant 0 : index
        %get3A_1087 = tpu.vector_load %arg8[%get3A_1085, %get3A_1086] {strides = array<i32>} : memref<1600x32xf32, #tpu.memory_space<vmem>>, vector<1x16xf32>,
        %get3A_1088 = vector.shape_cast %get3A_1087 : vector<1x16xf32> to vector<16xf32>
        %add3A_1089 = arith.addf %scan3A_979, %get3A_1088 : vector<16xf32>
        %get3A_1090 = arith.index_cast %add3A_1084 : i32 to index
        %get3A_1091 = arith.constant 16 : index
        %get3A_1092 = tpu.vector_load %arg8[%get3A_1090, %get3A_1091] {strides = array<i32>} : memref<1600x32xf32, #tpu.memory_space<vmem>>, vector<1x16xf32>,
        %get3A_1093 = vector.shape_cast %get3A_1092 : vector<1x16xf32> to vector<16xf32>
        %add3A_1094 = arith.addf %scan3A_980, %get3A_1093 : vector<16xf32>
        %mul3A_1095 = arith.constant 8 : i32
        %mul3A_1096 = arith.muli %scan3A_966, %mul3A_1095 : i32
        %add3A_1097 = arith.constant 0 : i32
        %add3A_1098 = arith.addi %add3A_1097, %mul3A_1096 : i32
        %add3A_1099 = arith.constant 7 : i32
        %add3A_1100 = arith.addi %add3A_1098, %add3A_1099 : i32
        %get3A_1101 = arith.index_cast %add3A_1100 : i32 to index
        %get3A_1102 = arith.constant 0 : index
        %get3A_1103 = tpu.vector_load %arg8[%get3A_1101, %get3A_1102] {strides = array<i32>} : memref<1600x32xf32, #tpu.memory_space<vmem>>, vector<1x16xf32>,
        %get3A_1104 = vector.shape_cast %get3A_1103 : vector<1x16xf32> to vector<16xf32>
        %add3A_1105 = arith.addf %scan3A_981, %get3A_1104 : vector<16xf32>
        %get3A_1106 = arith.index_cast %add3A_1100 : i32 to index
        %get3A_1107 = arith.constant 16 : index
        %get3A_1108 = tpu.vector_load %arg8[%get3A_1106, %get3A_1107] {strides = array<i32>} : memref<1600x32xf32, #tpu.memory_space<vmem>>, vector<1x16xf32>,
        %get3A_1109 = vector.shape_cast %get3A_1108 : vector<1x16xf32> to vector<16xf32>
        %add3A_1110 = arith.addf %scan3A_982, %get3A_1109 : vector<16xf32>
        scf.yield %add3A_993, %add3A_998, %add3A_1009, %add3A_1014, %add3A_1025, %add3A_1030, %add3A_1041, %add3A_1046, %add3A_1057, %add3A_1062, %add3A_1073, %add3A_1078, %add3A_1089, %add3A_1094, %add3A_1105, %add3A_1110 : vector<16xf32>, vector<16xf32>, vector<16xf32>, vector<16xf32>, vector<16xf32>, vector<16xf32>, vector<16xf32>, vector<16xf32>, vector<16xf32>, vector<16xf32>, vector<16xf32>, vector<16xf32>, vector<16xf32>, vector<16xf32>, vector<16xf32>, vector<16xf32>
      }
      %scan3A_373 = arith.constant 25 : i32
      %add3A_374 = arith.addf %scan3A_372#0, %scan3A_372#2 : vector<16xf32>
      %add3A_375 = arith.addf %scan3A_372#4, %scan3A_372#6 : vector<16xf32>
      %add3A_376 = arith.addf %add3A_374, %add3A_375 : vector<16xf32>
      %add3A_377 = arith.addf %scan3A_372#8, %scan3A_372#10 : vector<16xf32>
      %add3A_378 = arith.addf %scan3A_372#12, %scan3A_372#14 : vector<16xf32>
      %add3A_379 = arith.addf %add3A_377, %add3A_378 : vector<16xf32>
      %add3A_380 = arith.addf %add3A_376, %add3A_379 : vector<16xf32>
      %add3A_381 = arith.addf %scan3A_372#1, %scan3A_372#3 : vector<16xf32>
      %add3A_382 = arith.addf %scan3A_372#5, %scan3A_372#7 : vector<16xf32>
      %add3A_383 = arith.addf %add3A_381, %add3A_382 : vector<16xf32>
      %add3A_384 = arith.addf %scan3A_372#9, %scan3A_372#11 : vector<16xf32>
      %add3A_385 = arith.addf %scan3A_372#13, %scan3A_372#15 : vector<16xf32>
      %add3A_386 = arith.addf %add3A_384, %add3A_385 : vector<16xf32>
      %add3A_387 = arith.addf %add3A_383, %add3A_386 : vector<16xf32>
      %add3A_388 = arith.addf %add3A_380, %get3A_2 : vector<16xf32>
      %swap3A = arith.constant 0 : i32
      %swap3A_389 = arith.index_cast %swap3A : i32 to index
      %swap3A_390 = arith.constant 0 : index
      %swap3A_391 = tpu.vector_load %arg10[%swap3A_389, %swap3A_390] {strides = array<i32>} : memref<8x32xf32, #tpu.memory_space<vmem>>, vector<1x16xf32>,
      %swap3A_392 = vector.shape_cast %swap3A_391 : vector<1x16xf32> to vector<16xf32>
      %swap3A_393 = vector.shape_cast %add3A_388 : vector<16xf32> to vector<1x16xf32>
      tpu.vector_store %arg10[%swap3A_389, %swap3A_390], %swap3A_393 {strides = array<i32>} : memref<8x32xf32, #tpu.memory_space<vmem>>, vector<1x16xf32>,
      %add3A_394 = arith.addf %add3A_387, %get3A_5 : vector<16xf32>
      %swap3A_395 = arith.constant 0 : i32
      %swap3A_396 = arith.index_cast %swap3A_395 : i32 to index
      %swap3A_397 = arith.constant 16 : index
      %swap3A_398 = tpu.vector_load %arg10[%swap3A_396, %swap3A_397] {strides = array<i32>} : memref<8x32xf32, #tpu.memory_space<vmem>>, vector<1x16xf32>,
      %swap3A_399 = vector.shape_cast %swap3A_398 : vector<1x16xf32> to vector<16xf32>
      %swap3A_400 = vector.shape_cast %add3A_394 : vector<16xf32> to vector<1x16xf32>
      tpu.vector_store %arg10[%swap3A_396, %swap3A_397], %swap3A_400 {strides = array<i32>} : memref<8x32xf32, #tpu.memory_space<vmem>>, vector<1x16xf32>,
      %broadcast_in_dim3A_401 = arith.constant 0.000000e+00 : f32
      %broadcast_in_dim3A_402 = vector.broadcast %broadcast_in_dim3A_401 : f32 to vector<16xf32>
      %scan3A_403 = arith.constant 0 : i32
      %scan3A_404 = arith.constant 25 : i32
      %scan3A_405 = arith.addi %scan3A_403, %scan3A_404 : i32
      %scan3A_406 = arith.constant 1 : i32
      %scan3A_407:16 = scf.for %scan3A_966 = %scan3A_403 to %scan3A_405 step %scan3A_406 iter_args(%scan3A_967 = %broadcast_in_dim3A_402, %scan3A_968 = %broadcast_in_dim3A_402, %scan3A_969 = %broadcast_in_dim3A_402, %scan3A_970 = %broadcast_in_dim3A_402, %scan3A_971 = %broadcast_in_dim3A_402, %scan3A_972 = %broadcast_in_dim3A_402, %scan3A_973 = %broadcast_in_dim3A_402, %scan3A_974 = %broadcast_in_dim3A_402, %scan3A_975 = %broadcast_in_dim3A_402, %scan3A_976 = %broadcast_in_dim3A_402, %scan3A_977 = %broadcast_in_dim3A_402, %scan3A_978 = %broadcast_in_dim3A_402, %scan3A_979 = %broadcast_in_dim3A_402, %scan3A_980 = %broadcast_in_dim3A_402, %scan3A_981 = %broadcast_in_dim3A_402, %scan3A_982 = %broadcast_in_dim3A_402) -> (vector<16xf32>, vector<16xf32>, vector<16xf32>, vector<16xf32>, vector<16xf32>, vector<16xf32>, vector<16xf32>, vector<16xf32>, vector<16xf32>, vector<16xf32>, vector<16xf32>, vector<16xf32>, vector<16xf32>, vector<16xf32>, vector<16xf32>, vector<16xf32>)  : i32 {
        %mul3A_983 = arith.constant 8 : i32
        %mul3A_984 = arith.muli %scan3A_966, %mul3A_983 : i32
        %add3A_985 = arith.constant 200 : i32
        %add3A_986 = arith.addi %add3A_985, %mul3A_984 : i32
        %add3A_987 = arith.constant 0 : i32
        %add3A_988 = arith.addi %add3A_986, %add3A_987 : i32
        %get3A_989 = arith.index_cast %add3A_988 : i32 to index
        %get3A_990 = arith.constant 0 : index
        %get3A_991 = tpu.vector_load %arg8[%get3A_989, %get3A_990] {strides = array<i32>} : memref<1600x32xf32, #tpu.memory_space<vmem>>, vector<1x16xf32>,
        %get3A_992 = vector.shape_cast %get3A_991 : vector<1x16xf32> to vector<16xf32>
        %add3A_993 = arith.addf %scan3A_967, %get3A_992 : vector<16xf32>
        %get3A_994 = arith.index_cast %add3A_988 : i32 to index
        %get3A_995 = arith.constant 16 : index
        %get3A_996 = tpu.vector_load %arg8[%get3A_994, %get3A_995] {strides = array<i32>} : memref<1600x32xf32, #tpu.memory_space<vmem>>, vector<1x16xf32>,
        %get3A_997 = vector.shape_cast %get3A_996 : vector<1x16xf32> to vector<16xf32>
        %add3A_998 = arith.addf %scan3A_968, %get3A_997 : vector<16xf32>
        %mul3A_999 = arith.constant 8 : i32
        %mul3A_1000 = arith.muli %scan3A_966, %mul3A_999 : i32
        %add3A_1001 = arith.constant 200 : i32
        %add3A_1002 = arith.addi %add3A_1001, %mul3A_1000 : i32
        %add3A_1003 = arith.constant 1 : i32
        %add3A_1004 = arith.addi %add3A_1002, %add3A_1003 : i32
        %get3A_1005 = arith.index_cast %add3A_1004 : i32 to index
        %get3A_1006 = arith.constant 0 : index
        %get3A_1007 = tpu.vector_load %arg8[%get3A_1005, %get3A_1006] {strides = array<i32>} : memref<1600x32xf32, #tpu.memory_space<vmem>>, vector<1x16xf32>,
        %get3A_1008 = vector.shape_cast %get3A_1007 : vector<1x16xf32> to vector<16xf32>
        %add3A_1009 = arith.addf %scan3A_969, %get3A_1008 : vector<16xf32>
        %get3A_1010 = arith.index_cast %add3A_1004 : i32 to index
        %get3A_1011 = arith.constant 16 : index
        %get3A_1012 = tpu.vector_load %arg8[%get3A_1010, %get3A_1011] {strides = array<i32>} : memref<1600x32xf32, #tpu.memory_space<vmem>>, vector<1x16xf32>,
        %get3A_1013 = vector.shape_cast %get3A_1012 : vector<1x16xf32> to vector<16xf32>
        %add3A_1014 = arith.addf %scan3A_970, %get3A_1013 : vector<16xf32>
        %mul3A_1015 = arith.constant 8 : i32
        %mul3A_1016 = arith.muli %scan3A_966, %mul3A_1015 : i32
        %add3A_1017 = arith.constant 200 : i32
        %add3A_1018 = arith.addi %add3A_1017, %mul3A_1016 : i32
        %add3A_1019 = arith.constant 2 : i32
        %add3A_1020 = arith.addi %add3A_1018, %add3A_1019 : i32
        %get3A_1021 = arith.index_cast %add3A_1020 : i32 to index
        %get3A_1022 = arith.constant 0 : index
        %get3A_1023 = tpu.vector_load %arg8[%get3A_1021, %get3A_1022] {strides = array<i32>} : memref<1600x32xf32, #tpu.memory_space<vmem>>, vector<1x16xf32>,
        %get3A_1024 = vector.shape_cast %get3A_1023 : vector<1x16xf32> to vector<16xf32>
        %add3A_1025 = arith.addf %scan3A_971, %get3A_1024 : vector<16xf32>
        %get3A_1026 = arith.index_cast %add3A_1020 : i32 to index
        %get3A_1027 = arith.constant 16 : index
        %get3A_1028 = tpu.vector_load %arg8[%get3A_1026, %get3A_1027] {strides = array<i32>} : memref<1600x32xf32, #tpu.memory_space<vmem>>, vector<1x16xf32>,
        %get3A_1029 = vector.shape_cast %get3A_1028 : vector<1x16xf32> to vector<16xf32>
        %add3A_1030 = arith.addf %scan3A_972, %get3A_1029 : vector<16xf32>
        %mul3A_1031 = arith.constant 8 : i32
        %mul3A_1032 = arith.muli %scan3A_966, %mul3A_1031 : i32
        %add3A_1033 = arith.constant 200 : i32
        %add3A_1034 = arith.addi %add3A_1033, %mul3A_1032 : i32
        %add3A_1035 = arith.constant 3 : i32
        %add3A_1036 = arith.addi %add3A_1034, %add3A_1035 : i32
        %get3A_1037 = arith.index_cast %add3A_1036 : i32 to index
        %get3A_1038 = arith.constant 0 : index
        %get3A_1039 = tpu.vector_load %arg8[%get3A_1037, %get3A_1038] {strides = array<i32>} : memref<1600x32xf32, #tpu.memory_space<vmem>>, vector<1x16xf32>,
        %get3A_1040 = vector.shape_cast %get3A_1039 : vector<1x16xf32> to vector<16xf32>
        %add3A_1041 = arith.addf %scan3A_973, %get3A_1040 : vector<16xf32>
        %get3A_1042 = arith.index_cast %add3A_1036 : i32 to index
        %get3A_1043 = arith.constant 16 : index
        %get3A_1044 = tpu.vector_load %arg8[%get3A_1042, %get3A_1043] {strides = array<i32>} : memref<1600x32xf32, #tpu.memory_space<vmem>>, vector<1x16xf32>,
        %get3A_1045 = vector.shape_cast %get3A_1044 : vector<1x16xf32> to vector<16xf32>
        %add3A_1046 = arith.addf %scan3A_974, %get3A_1045 : vector<16xf32>
        %mul3A_1047 = arith.constant 8 : i32
        %mul3A_1048 = arith.muli %scan3A_966, %mul3A_1047 : i32
        %add3A_1049 = arith.constant 200 : i32
        %add3A_1050 = arith.addi %add3A_1049, %mul3A_1048 : i32
        %add3A_1051 = arith.constant 4 : i32
        %add3A_1052 = arith.addi %add3A_1050, %add3A_1051 : i32
        %get3A_1053 = arith.index_cast %add3A_1052 : i32 to index
        %get3A_1054 = arith.constant 0 : index
        %get3A_1055 = tpu.vector_load %arg8[%get3A_1053, %get3A_1054] {strides = array<i32>} : memref<1600x32xf32, #tpu.memory_space<vmem>>, vector<1x16xf32>,
        %get3A_1056 = vector.shape_cast %get3A_1055 : vector<1x16xf32> to vector<16xf32>
        %add3A_1057 = arith.addf %scan3A_975, %get3A_1056 : vector<16xf32>
        %get3A_1058 = arith.index_cast %add3A_1052 : i32 to index
        %get3A_1059 = arith.constant 16 : index
        %get3A_1060 = tpu.vector_load %arg8[%get3A_1058, %get3A_1059] {strides = array<i32>} : memref<1600x32xf32, #tpu.memory_space<vmem>>, vector<1x16xf32>,
        %get3A_1061 = vector.shape_cast %get3A_1060 : vector<1x16xf32> to vector<16xf32>
        %add3A_1062 = arith.addf %scan3A_976, %get3A_1061 : vector<16xf32>
        %mul3A_1063 = arith.constant 8 : i32
        %mul3A_1064 = arith.muli %scan3A_966, %mul3A_1063 : i32
        %add3A_1065 = arith.constant 200 : i32
        %add3A_1066 = arith.addi %add3A_1065, %mul3A_1064 : i32
        %add3A_1067 = arith.constant 5 : i32
        %add3A_1068 = arith.addi %add3A_1066, %add3A_1067 : i32
        %get3A_1069 = arith.index_cast %add3A_1068 : i32 to index
        %get3A_1070 = arith.constant 0 : index
        %get3A_1071 = tpu.vector_load %arg8[%get3A_1069, %get3A_1070] {strides = array<i32>} : memref<1600x32xf32, #tpu.memory_space<vmem>>, vector<1x16xf32>,
        %get3A_1072 = vector.shape_cast %get3A_1071 : vector<1x16xf32> to vector<16xf32>
        %add3A_1073 = arith.addf %scan3A_977, %get3A_1072 : vector<16xf32>
        %get3A_1074 = arith.index_cast %add3A_1068 : i32 to index
        %get3A_1075 = arith.constant 16 : index
        %get3A_1076 = tpu.vector_load %arg8[%get3A_1074, %get3A_1075] {strides = array<i32>} : memref<1600x32xf32, #tpu.memory_space<vmem>>, vector<1x16xf32>,
        %get3A_1077 = vector.shape_cast %get3A_1076 : vector<1x16xf32> to vector<16xf32>
        %add3A_1078 = arith.addf %scan3A_978, %get3A_1077 : vector<16xf32>
        %mul3A_1079 = arith.constant 8 : i32
        %mul3A_1080 = arith.muli %scan3A_966, %mul3A_1079 : i32
        %add3A_1081 = arith.constant 200 : i32
        %add3A_1082 = arith.addi %add3A_1081, %mul3A_1080 : i32
        %add3A_1083 = arith.constant 6 : i32
        %add3A_1084 = arith.addi %add3A_1082, %add3A_1083 : i32
        %get3A_1085 = arith.index_cast %add3A_1084 : i32 to index
        %get3A_1086 = arith.constant 0 : index
        %get3A_1087 = tpu.vector_load %arg8[%get3A_1085, %get3A_1086] {strides = array<i32>} : memref<1600x32xf32, #tpu.memory_space<vmem>>, vector<1x16xf32>,
        %get3A_1088 = vector.shape_cast %get3A_1087 : vector<1x16xf32> to vector<16xf32>
        %add3A_1089 = arith.addf %scan3A_979, %get3A_1088 : vector<16xf32>
        %get3A_1090 = arith.index_cast %add3A_1084 : i32 to index
        %get3A_1091 = arith.constant 16 : index
        %get3A_1092 = tpu.vector_load %arg8[%get3A_1090, %get3A_1091] {strides = array<i32>} : memref<1600x32xf32, #tpu.memory_space<vmem>>, vector<1x16xf32>,
        %get3A_1093 = vector.shape_cast %get3A_1092 : vector<1x16xf32> to vector<16xf32>
        %add3A_1094 = arith.addf %scan3A_980, %get3A_1093 : vector<16xf32>
        %mul3A_1095 = arith.constant 8 : i32
        %mul3A_1096 = arith.muli %scan3A_966, %mul3A_1095 : i32
        %add3A_1097 = arith.constant 200 : i32
        %add3A_1098 = arith.addi %add3A_1097, %mul3A_1096 : i32
        %add3A_1099 = arith.constant 7 : i32
        %add3A_1100 = arith.addi %add3A_1098, %add3A_1099 : i32
        %get3A_1101 = arith.index_cast %add3A_1100 : i32 to index
        %get3A_1102 = arith.constant 0 : index
        %get3A_1103 = tpu.vector_load %arg8[%get3A_1101, %get3A_1102] {strides = array<i32>} : memref<1600x32xf32, #tpu.memory_space<vmem>>, vector<1x16xf32>,
        %get3A_1104 = vector.shape_cast %get3A_1103 : vector<1x16xf32> to vector<16xf32>
        %add3A_1105 = arith.addf %scan3A_981, %get3A_1104 : vector<16xf32>
        %get3A_1106 = arith.index_cast %add3A_1100 : i32 to index
        %get3A_1107 = arith.constant 16 : index
        %get3A_1108 = tpu.vector_load %arg8[%get3A_1106, %get3A_1107] {strides = array<i32>} : memref<1600x32xf32, #tpu.memory_space<vmem>>, vector<1x16xf32>,
        %get3A_1109 = vector.shape_cast %get3A_1108 : vector<1x16xf32> to vector<16xf32>
        %add3A_1110 = arith.addf %scan3A_982, %get3A_1109 : vector<16xf32>
        scf.yield %add3A_993, %add3A_998, %add3A_1009, %add3A_1014, %add3A_1025, %add3A_1030, %add3A_1041, %add3A_1046, %add3A_1057, %add3A_1062, %add3A_1073, %add3A_1078, %add3A_1089, %add3A_1094, %add3A_1105, %add3A_1110 : vector<16xf32>, vector<16xf32>, vector<16xf32>, vector<16xf32>, vector<16xf32>, vector<16xf32>, vector<16xf32>, vector<16xf32>, vector<16xf32>, vector<16xf32>, vector<16xf32>, vector<16xf32>, vector<16xf32>, vector<16xf32>, vector<16xf32>, vector<16xf32>
      }
      %scan3A_408 = arith.constant 25 : i32
      %add3A_409 = arith.addf %scan3A_407#0, %scan3A_407#2 : vector<16xf32>
      %add3A_410 = arith.addf %scan3A_407#4, %scan3A_407#6 : vector<16xf32>
      %add3A_411 = arith.addf %add3A_409, %add3A_410 : vector<16xf32>
      %add3A_412 = arith.addf %scan3A_407#8, %scan3A_407#10 : vector<16xf32>
      %add3A_413 = arith.addf %scan3A_407#12, %scan3A_407#14 : vector<16xf32>
      %add3A_414 = arith.addf %add3A_412, %add3A_413 : vector<16xf32>
      %add3A_415 = arith.addf %add3A_411, %add3A_414 : vector<16xf32>
      %add3A_416 = arith.addf %scan3A_407#1, %scan3A_407#3 : vector<16xf32>
      %add3A_417 = arith.addf %scan3A_407#5, %scan3A_407#7 : vector<16xf32>
      %add3A_418 = arith.addf %add3A_416, %add3A_417 : vector<16xf32>
      %add3A_419 = arith.addf %scan3A_407#9, %scan3A_407#11 : vector<16xf32>
      %add3A_420 = arith.addf %scan3A_407#13, %scan3A_407#15 : vector<16xf32>
      %add3A_421 = arith.addf %add3A_419, %add3A_420 : vector<16xf32>
      %add3A_422 = arith.addf %add3A_418, %add3A_421 : vector<16xf32>
      %add3A_423 = arith.addf %add3A_415, %get3A_2 : vector<16xf32>
      %swap3A_424 = arith.constant 1 : i32
      %swap3A_425 = arith.index_cast %swap3A_424 : i32 to index
      %swap3A_426 = arith.constant 0 : index
      %swap3A_427 = tpu.vector_load %arg10[%swap3A_425, %swap3A_426] {strides = array<i32>} : memref<8x32xf32, #tpu.memory_space<vmem>>, vector<1x16xf32>,
      %swap3A_428 = vector.shape_cast %swap3A_427 : vector<1x16xf32> to vector<16xf32>
      %swap3A_429 = vector.shape_cast %add3A_423 : vector<16xf32> to vector<1x16xf32>
      tpu.vector_store %arg10[%swap3A_425, %swap3A_426], %swap3A_429 {strides = array<i32>} : memref<8x32xf32, #tpu.memory_space<vmem>>, vector<1x16xf32>,
      %add3A_430 = arith.addf %add3A_422, %get3A_5 : vector<16xf32>
      %swap3A_431 = arith.constant 1 : i32
      %swap3A_432 = arith.index_cast %swap3A_431 : i32 to index
      %swap3A_433 = arith.constant 16 : index
      %swap3A_434 = tpu.vector_load %arg10[%swap3A_432, %swap3A_433] {strides = array<i32>} : memref<8x32xf32, #tpu.memory_space<vmem>>, vector<1x16xf32>,
      %swap3A_435 = vector.shape_cast %swap3A_434 : vector<1x16xf32> to vector<16xf32>
      %swap3A_436 = vector.shape_cast %add3A_430 : vector<16xf32> to vector<1x16xf32>
      tpu.vector_store %arg10[%swap3A_432, %swap3A_433], %swap3A_436 {strides = array<i32>} : memref<8x32xf32, #tpu.memory_space<vmem>>, vector<1x16xf32>,
      %broadcast_in_dim3A_437 = arith.constant 0.000000e+00 : f32
      %broadcast_in_dim3A_438 = vector.broadcast %broadcast_in_dim3A_437 : f32 to vector<16xf32>
      %scan3A_439 = arith.constant 0 : i32
      %scan3A_440 = arith.constant 25 : i32
      %scan3A_441 = arith.addi %scan3A_439, %scan3A_440 : i32
      %scan3A_442 = arith.constant 1 : i32
      %scan3A_443:16 = scf.for %scan3A_966 = %scan3A_439 to %scan3A_441 step %scan3A_442 iter_args(%scan3A_967 = %broadcast_in_dim3A_438, %scan3A_968 = %broadcast_in_dim3A_438, %scan3A_969 = %broadcast_in_dim3A_438, %scan3A_970 = %broadcast_in_dim3A_438, %scan3A_971 = %broadcast_in_dim3A_438, %scan3A_972 = %broadcast_in_dim3A_438, %scan3A_973 = %broadcast_in_dim3A_438, %scan3A_974 = %broadcast_in_dim3A_438, %scan3A_975 = %broadcast_in_dim3A_438, %scan3A_976 = %broadcast_in_dim3A_438, %scan3A_977 = %broadcast_in_dim3A_438, %scan3A_978 = %broadcast_in_dim3A_438, %scan3A_979 = %broadcast_in_dim3A_438, %scan3A_980 = %broadcast_in_dim3A_438, %scan3A_981 = %broadcast_in_dim3A_438, %scan3A_982 = %broadcast_in_dim3A_438) -> (vector<16xf32>, vector<16xf32>, vector<16xf32>, vector<16xf32>, vector<16xf32>, vector<16xf32>, vector<16xf32>, vector<16xf32>, vector<16xf32>, vector<16xf32>, vector<16xf32>, vector<16xf32>, vector<16xf32>, vector<16xf32>, vector<16xf32>, vector<16xf32>)  : i32 {
        %mul3A_983 = arith.constant 8 : i32
        %mul3A_984 = arith.muli %scan3A_966, %mul3A_983 : i32
        %add3A_985 = arith.constant 400 : i32
        %add3A_986 = arith.addi %add3A_985, %mul3A_984 : i32
        %add3A_987 = arith.constant 0 : i32
        %add3A_988 = arith.addi %add3A_986, %add3A_987 : i32
        %get3A_989 = arith.index_cast %add3A_988 : i32 to index
        %get3A_990 = arith.constant 0 : index
        %get3A_991 = tpu.vector_load %arg8[%get3A_989, %get3A_990] {strides = array<i32>} : memref<1600x32xf32, #tpu.memory_space<vmem>>, vector<1x16xf32>,
        %get3A_992 = vector.shape_cast %get3A_991 : vector<1x16xf32> to vector<16xf32>
        %add3A_993 = arith.addf %scan3A_967, %get3A_992 : vector<16xf32>
        %get3A_994 = arith.index_cast %add3A_988 : i32 to index
        %get3A_995 = arith.constant 16 : index
        %get3A_996 = tpu.vector_load %arg8[%get3A_994, %get3A_995] {strides = array<i32>} : memref<1600x32xf32, #tpu.memory_space<vmem>>, vector<1x16xf32>,
        %get3A_997 = vector.shape_cast %get3A_996 : vector<1x16xf32> to vector<16xf32>
        %add3A_998 = arith.addf %scan3A_968, %get3A_997 : vector<16xf32>
        %mul3A_999 = arith.constant 8 : i32
        %mul3A_1000 = arith.muli %scan3A_966, %mul3A_999 : i32
        %add3A_1001 = arith.constant 400 : i32
        %add3A_1002 = arith.addi %add3A_1001, %mul3A_1000 : i32
        %add3A_1003 = arith.constant 1 : i32
        %add3A_1004 = arith.addi %add3A_1002, %add3A_1003 : i32
        %get3A_1005 = arith.index_cast %add3A_1004 : i32 to index
        %get3A_1006 = arith.constant 0 : index
        %get3A_1007 = tpu.vector_load %arg8[%get3A_1005, %get3A_1006] {strides = array<i32>} : memref<1600x32xf32, #tpu.memory_space<vmem>>, vector<1x16xf32>,
        %get3A_1008 = vector.shape_cast %get3A_1007 : vector<1x16xf32> to vector<16xf32>
        %add3A_1009 = arith.addf %scan3A_969, %get3A_1008 : vector<16xf32>
        %get3A_1010 = arith.index_cast %add3A_1004 : i32 to index
        %get3A_1011 = arith.constant 16 : index
        %get3A_1012 = tpu.vector_load %arg8[%get3A_1010, %get3A_1011] {strides = array<i32>} : memref<1600x32xf32, #tpu.memory_space<vmem>>, vector<1x16xf32>,
        %get3A_1013 = vector.shape_cast %get3A_1012 : vector<1x16xf32> to vector<16xf32>
        %add3A_1014 = arith.addf %scan3A_970, %get3A_1013 : vector<16xf32>
        %mul3A_1015 = arith.constant 8 : i32
        %mul3A_1016 = arith.muli %scan3A_966, %mul3A_1015 : i32
        %add3A_1017 = arith.constant 400 : i32
        %add3A_1018 = arith.addi %add3A_1017, %mul3A_1016 : i32
        %add3A_1019 = arith.constant 2 : i32
        %add3A_1020 = arith.addi %add3A_1018, %add3A_1019 : i32
        %get3A_1021 = arith.index_cast %add3A_1020 : i32 to index
        %get3A_1022 = arith.constant 0 : index
        %get3A_1023 = tpu.vector_load %arg8[%get3A_1021, %get3A_1022] {strides = array<i32>} : memref<1600x32xf32, #tpu.memory_space<vmem>>, vector<1x16xf32>,
        %get3A_1024 = vector.shape_cast %get3A_1023 : vector<1x16xf32> to vector<16xf32>
        %add3A_1025 = arith.addf %scan3A_971, %get3A_1024 : vector<16xf32>
        %get3A_1026 = arith.index_cast %add3A_1020 : i32 to index
        %get3A_1027 = arith.constant 16 : index
        %get3A_1028 = tpu.vector_load %arg8[%get3A_1026, %get3A_1027] {strides = array<i32>} : memref<1600x32xf32, #tpu.memory_space<vmem>>, vector<1x16xf32>,
        %get3A_1029 = vector.shape_cast %get3A_1028 : vector<1x16xf32> to vector<16xf32>
        %add3A_1030 = arith.addf %scan3A_972, %get3A_1029 : vector<16xf32>
        %mul3A_1031 = arith.constant 8 : i32
        %mul3A_1032 = arith.muli %scan3A_966, %mul3A_1031 : i32
        %add3A_1033 = arith.constant 400 : i32
        %add3A_1034 = arith.addi %add3A_1033, %mul3A_1032 : i32
        %add3A_1035 = arith.constant 3 : i32
        %add3A_1036 = arith.addi %add3A_1034, %add3A_1035 : i32
        %get3A_1037 = arith.index_cast %add3A_1036 : i32 to index
        %get3A_1038 = arith.constant 0 : index
        %get3A_1039 = tpu.vector_load %arg8[%get3A_1037, %get3A_1038] {strides = array<i32>} : memref<1600x32xf32, #tpu.memory_space<vmem>>, vector<1x16xf32>,
        %get3A_1040 = vector.shape_cast %get3A_1039 : vector<1x16xf32> to vector<16xf32>
        %add3A_1041 = arith.addf %scan3A_973, %get3A_1040 : vector<16xf32>
        %get3A_1042 = arith.index_cast %add3A_1036 : i32 to index
        %get3A_1043 = arith.constant 16 : index
        %get3A_1044 = tpu.vector_load %arg8[%get3A_1042, %get3A_1043] {strides = array<i32>} : memref<1600x32xf32, #tpu.memory_space<vmem>>, vector<1x16xf32>,
        %get3A_1045 = vector.shape_cast %get3A_1044 : vector<1x16xf32> to vector<16xf32>
        %add3A_1046 = arith.addf %scan3A_974, %get3A_1045 : vector<16xf32>
        %mul3A_1047 = arith.constant 8 : i32
        %mul3A_1048 = arith.muli %scan3A_966, %mul3A_1047 : i32
        %add3A_1049 = arith.constant 400 : i32
        %add3A_1050 = arith.addi %add3A_1049, %mul3A_1048 : i32
        %add3A_1051 = arith.constant 4 : i32
        %add3A_1052 = arith.addi %add3A_1050, %add3A_1051 : i32
        %get3A_1053 = arith.index_cast %add3A_1052 : i32 to index
        %get3A_1054 = arith.constant 0 : index
        %get3A_1055 = tpu.vector_load %arg8[%get3A_1053, %get3A_1054] {strides = array<i32>} : memref<1600x32xf32, #tpu.memory_space<vmem>>, vector<1x16xf32>,
        %get3A_1056 = vector.shape_cast %get3A_1055 : vector<1x16xf32> to vector<16xf32>
        %add3A_1057 = arith.addf %scan3A_975, %get3A_1056 : vector<16xf32>
        %get3A_1058 = arith.index_cast %add3A_1052 : i32 to index
        %get3A_1059 = arith.constant 16 : index
        %get3A_1060 = tpu.vector_load %arg8[%get3A_1058, %get3A_1059] {strides = array<i32>} : memref<1600x32xf32, #tpu.memory_space<vmem>>, vector<1x16xf32>,
        %get3A_1061 = vector.shape_cast %get3A_1060 : vector<1x16xf32> to vector<16xf32>
        %add3A_1062 = arith.addf %scan3A_976, %get3A_1061 : vector<16xf32>
        %mul3A_1063 = arith.constant 8 : i32
        %mul3A_1064 = arith.muli %scan3A_966, %mul3A_1063 : i32
        %add3A_1065 = arith.constant 400 : i32
        %add3A_1066 = arith.addi %add3A_1065, %mul3A_1064 : i32
        %add3A_1067 = arith.constant 5 : i32
        %add3A_1068 = arith.addi %add3A_1066, %add3A_1067 : i32
        %get3A_1069 = arith.index_cast %add3A_1068 : i32 to index
        %get3A_1070 = arith.constant 0 : index
        %get3A_1071 = tpu.vector_load %arg8[%get3A_1069, %get3A_1070] {strides = array<i32>} : memref<1600x32xf32, #tpu.memory_space<vmem>>, vector<1x16xf32>,
        %get3A_1072 = vector.shape_cast %get3A_1071 : vector<1x16xf32> to vector<16xf32>
        %add3A_1073 = arith.addf %scan3A_977, %get3A_1072 : vector<16xf32>
        %get3A_1074 = arith.index_cast %add3A_1068 : i32 to index
        %get3A_1075 = arith.constant 16 : index
        %get3A_1076 = tpu.vector_load %arg8[%get3A_1074, %get3A_1075] {strides = array<i32>} : memref<1600x32xf32, #tpu.memory_space<vmem>>, vector<1x16xf32>,
        %get3A_1077 = vector.shape_cast %get3A_1076 : vector<1x16xf32> to vector<16xf32>
        %add3A_1078 = arith.addf %scan3A_978, %get3A_1077 : vector<16xf32>
        %mul3A_1079 = arith.constant 8 : i32
        %mul3A_1080 = arith.muli %scan3A_966, %mul3A_1079 : i32
        %add3A_1081 = arith.constant 400 : i32
        %add3A_1082 = arith.addi %add3A_1081, %mul3A_1080 : i32
        %add3A_1083 = arith.constant 6 : i32
        %add3A_1084 = arith.addi %add3A_1082, %add3A_1083 : i32
        %get3A_1085 = arith.index_cast %add3A_1084 : i32 to index
        %get3A_1086 = arith.constant 0 : index
        %get3A_1087 = tpu.vector_load %arg8[%get3A_1085, %get3A_1086] {strides = array<i32>} : memref<1600x32xf32, #tpu.memory_space<vmem>>, vector<1x16xf32>,
        %get3A_1088 = vector.shape_cast %get3A_1087 : vector<1x16xf32> to vector<16xf32>
        %add3A_1089 = arith.addf %scan3A_979, %get3A_1088 : vector<16xf32>
        %get3A_1090 = arith.index_cast %add3A_1084 : i32 to index
        %get3A_1091 = arith.constant 16 : index
        %get3A_1092 = tpu.vector_load %arg8[%get3A_1090, %get3A_1091] {strides = array<i32>} : memref<1600x32xf32, #tpu.memory_space<vmem>>, vector<1x16xf32>,
        %get3A_1093 = vector.shape_cast %get3A_1092 : vector<1x16xf32> to vector<16xf32>
        %add3A_1094 = arith.addf %scan3A_980, %get3A_1093 : vector<16xf32>
        %mul3A_1095 = arith.constant 8 : i32
        %mul3A_1096 = arith.muli %scan3A_966, %mul3A_1095 : i32
        %add3A_1097 = arith.constant 400 : i32
        %add3A_1098 = arith.addi %add3A_1097, %mul3A_1096 : i32
        %add3A_1099 = arith.constant 7 : i32
        %add3A_1100 = arith.addi %add3A_1098, %add3A_1099 : i32
        %get3A_1101 = arith.index_cast %add3A_1100 : i32 to index
        %get3A_1102 = arith.constant 0 : index
        %get3A_1103 = tpu.vector_load %arg8[%get3A_1101, %get3A_1102] {strides = array<i32>} : memref<1600x32xf32, #tpu.memory_space<vmem>>, vector<1x16xf32>,
        %get3A_1104 = vector.shape_cast %get3A_1103 : vector<1x16xf32> to vector<16xf32>
        %add3A_1105 = arith.addf %scan3A_981, %get3A_1104 : vector<16xf32>
        %get3A_1106 = arith.index_cast %add3A_1100 : i32 to index
        %get3A_1107 = arith.constant 16 : index
        %get3A_1108 = tpu.vector_load %arg8[%get3A_1106, %get3A_1107] {strides = array<i32>} : memref<1600x32xf32, #tpu.memory_space<vmem>>, vector<1x16xf32>,
        %get3A_1109 = vector.shape_cast %get3A_1108 : vector<1x16xf32> to vector<16xf32>
        %add3A_1110 = arith.addf %scan3A_982, %get3A_1109 : vector<16xf32>
        scf.yield %add3A_993, %add3A_998, %add3A_1009, %add3A_1014, %add3A_1025, %add3A_1030, %add3A_1041, %add3A_1046, %add3A_1057, %add3A_1062, %add3A_1073, %add3A_1078, %add3A_1089, %add3A_1094, %add3A_1105, %add3A_1110 : vector<16xf32>, vector<16xf32>, vector<16xf32>, vector<16xf32>, vector<16xf32>, vector<16xf32>, vector<16xf32>, vector<16xf32>, vector<16xf32>, vector<16xf32>, vector<16xf32>, vector<16xf32>, vector<16xf32>, vector<16xf32>, vector<16xf32>, vector<16xf32>
      }
      %scan3A_444 = arith.constant 25 : i32
      %add3A_445 = arith.addf %scan3A_443#0, %scan3A_443#2 : vector<16xf32>
      %add3A_446 = arith.addf %scan3A_443#4, %scan3A_443#6 : vector<16xf32>
      %add3A_447 = arith.addf %add3A_445, %add3A_446 : vector<16xf32>
      %add3A_448 = arith.addf %scan3A_443#8, %scan3A_443#10 : vector<16xf32>
      %add3A_449 = arith.addf %scan3A_443#12, %scan3A_443#14 : vector<16xf32>
      %add3A_450 = arith.addf %add3A_448, %add3A_449 : vector<16xf32>
      %add3A_451 = arith.addf %add3A_447, %add3A_450 : vector<16xf32>
      %add3A_452 = arith.addf %scan3A_443#1, %scan3A_443#3 : vector<16xf32>
      %add3A_453 = arith.addf %scan3A_443#5, %scan3A_443#7 : vector<16xf32>
      %add3A_454 = arith.addf %add3A_452, %add3A_453 : vector<16xf32>
      %add3A_455 = arith.addf %scan3A_443#9, %scan3A_443#11 : vector<16xf32>
      %add3A_456 = arith.addf %scan3A_443#13, %scan3A_443#15 : vector<16xf32>
      %add3A_457 = arith.addf %add3A_455, %add3A_456 : vector<16xf32>
      %add3A_458 = arith.addf %add3A_454, %add3A_457 : vector<16xf32>
      %add3A_459 = arith.addf %add3A_451, %get3A_2 : vector<16xf32>
      %swap3A_460 = arith.constant 2 : i32
      %swap3A_461 = arith.index_cast %swap3A_460 : i32 to index
      %swap3A_462 = arith.constant 0 : index
      %swap3A_463 = tpu.vector_load %arg10[%swap3A_461, %swap3A_462] {strides = array<i32>} : memref<8x32xf32, #tpu.memory_space<vmem>>, vector<1x16xf32>,
      %swap3A_464 = vector.shape_cast %swap3A_463 : vector<1x16xf32> to vector<16xf32>
      %swap3A_465 = vector.shape_cast %add3A_459 : vector<16xf32> to vector<1x16xf32>
      tpu.vector_store %arg10[%swap3A_461, %swap3A_462], %swap3A_465 {strides = array<i32>} : memref<8x32xf32, #tpu.memory_space<vmem>>, vector<1x16xf32>,
      %add3A_466 = arith.addf %add3A_458, %get3A_5 : vector<16xf32>
      %swap3A_467 = arith.constant 2 : i32
      %swap3A_468 = arith.index_cast %swap3A_467 : i32 to index
      %swap3A_469 = arith.constant 16 : index
      %swap3A_470 = tpu.vector_load %arg10[%swap3A_468, %swap3A_469] {strides = array<i32>} : memref<8x32xf32, #tpu.memory_space<vmem>>, vector<1x16xf32>,
      %swap3A_471 = vector.shape_cast %swap3A_470 : vector<1x16xf32> to vector<16xf32>
      %swap3A_472 = vector.shape_cast %add3A_466 : vector<16xf32> to vector<1x16xf32>
      tpu.vector_store %arg10[%swap3A_468, %swap3A_469], %swap3A_472 {strides = array<i32>} : memref<8x32xf32, #tpu.memory_space<vmem>>, vector<1x16xf32>,
      %broadcast_in_dim3A_473 = arith.constant 0.000000e+00 : f32
      %broadcast_in_dim3A_474 = vector.broadcast %broadcast_in_dim3A_473 : f32 to vector<16xf32>
      %scan3A_475 = arith.constant 0 : i32
      %scan3A_476 = arith.constant 25 : i32
      %scan3A_477 = arith.addi %scan3A_475, %scan3A_476 : i32
      %scan3A_478 = arith.constant 1 : i32
      %scan3A_479:16 = scf.for %scan3A_966 = %scan3A_475 to %scan3A_477 step %scan3A_478 iter_args(%scan3A_967 = %broadcast_in_dim3A_474, %scan3A_968 = %broadcast_in_dim3A_474, %scan3A_969 = %broadcast_in_dim3A_474, %scan3A_970 = %broadcast_in_dim3A_474, %scan3A_971 = %broadcast_in_dim3A_474, %scan3A_972 = %broadcast_in_dim3A_474, %scan3A_973 = %broadcast_in_dim3A_474, %scan3A_974 = %broadcast_in_dim3A_474, %scan3A_975 = %broadcast_in_dim3A_474, %scan3A_976 = %broadcast_in_dim3A_474, %scan3A_977 = %broadcast_in_dim3A_474, %scan3A_978 = %broadcast_in_dim3A_474, %scan3A_979 = %broadcast_in_dim3A_474, %scan3A_980 = %broadcast_in_dim3A_474, %scan3A_981 = %broadcast_in_dim3A_474, %scan3A_982 = %broadcast_in_dim3A_474) -> (vector<16xf32>, vector<16xf32>, vector<16xf32>, vector<16xf32>, vector<16xf32>, vector<16xf32>, vector<16xf32>, vector<16xf32>, vector<16xf32>, vector<16xf32>, vector<16xf32>, vector<16xf32>, vector<16xf32>, vector<16xf32>, vector<16xf32>, vector<16xf32>)  : i32 {
        %mul3A_983 = arith.constant 8 : i32
        %mul3A_984 = arith.muli %scan3A_966, %mul3A_983 : i32
        %add3A_985 = arith.constant 600 : i32
        %add3A_986 = arith.addi %add3A_985, %mul3A_984 : i32
        %add3A_987 = arith.constant 0 : i32
        %add3A_988 = arith.addi %add3A_986, %add3A_987 : i32
        %get3A_989 = arith.index_cast %add3A_988 : i32 to index
        %get3A_990 = arith.constant 0 : index
        %get3A_991 = tpu.vector_load %arg8[%get3A_989, %get3A_990] {strides = array<i32>} : memref<1600x32xf32, #tpu.memory_space<vmem>>, vector<1x16xf32>,
        %get3A_992 = vector.shape_cast %get3A_991 : vector<1x16xf32> to vector<16xf32>
        %add3A_993 = arith.addf %scan3A_967, %get3A_992 : vector<16xf32>
        %get3A_994 = arith.index_cast %add3A_988 : i32 to index
        %get3A_995 = arith.constant 16 : index
        %get3A_996 = tpu.vector_load %arg8[%get3A_994, %get3A_995] {strides = array<i32>} : memref<1600x32xf32, #tpu.memory_space<vmem>>, vector<1x16xf32>,
        %get3A_997 = vector.shape_cast %get3A_996 : vector<1x16xf32> to vector<16xf32>
        %add3A_998 = arith.addf %scan3A_968, %get3A_997 : vector<16xf32>
        %mul3A_999 = arith.constant 8 : i32
        %mul3A_1000 = arith.muli %scan3A_966, %mul3A_999 : i32
        %add3A_1001 = arith.constant 600 : i32
        %add3A_1002 = arith.addi %add3A_1001, %mul3A_1000 : i32
        %add3A_1003 = arith.constant 1 : i32
        %add3A_1004 = arith.addi %add3A_1002, %add3A_1003 : i32
        %get3A_1005 = arith.index_cast %add3A_1004 : i32 to index
        %get3A_1006 = arith.constant 0 : index
        %get3A_1007 = tpu.vector_load %arg8[%get3A_1005, %get3A_1006] {strides = array<i32>} : memref<1600x32xf32, #tpu.memory_space<vmem>>, vector<1x16xf32>,
        %get3A_1008 = vector.shape_cast %get3A_1007 : vector<1x16xf32> to vector<16xf32>
        %add3A_1009 = arith.addf %scan3A_969, %get3A_1008 : vector<16xf32>
        %get3A_1010 = arith.index_cast %add3A_1004 : i32 to index
        %get3A_1011 = arith.constant 16 : index
        %get3A_1012 = tpu.vector_load %arg8[%get3A_1010, %get3A_1011] {strides = array<i32>} : memref<1600x32xf32, #tpu.memory_space<vmem>>, vector<1x16xf32>,
        %get3A_1013 = vector.shape_cast %get3A_1012 : vector<1x16xf32> to vector<16xf32>
        %add3A_1014 = arith.addf %scan3A_970, %get3A_1013 : vector<16xf32>
        %mul3A_1015 = arith.constant 8 : i32
        %mul3A_1016 = arith.muli %scan3A_966, %mul3A_1015 : i32
        %add3A_1017 = arith.constant 600 : i32
        %add3A_1018 = arith.addi %add3A_1017, %mul3A_1016 : i32
        %add3A_1019 = arith.constant 2 : i32
        %add3A_1020 = arith.addi %add3A_1018, %add3A_1019 : i32
        %get3A_1021 = arith.index_cast %add3A_1020 : i32 to index
        %get3A_1022 = arith.constant 0 : index
        %get3A_1023 = tpu.vector_load %arg8[%get3A_1021, %get3A_1022] {strides = array<i32>} : memref<1600x32xf32, #tpu.memory_space<vmem>>, vector<1x16xf32>,
        %get3A_1024 = vector.shape_cast %get3A_1023 : vector<1x16xf32> to vector<16xf32>
        %add3A_1025 = arith.addf %scan3A_971, %get3A_1024 : vector<16xf32>
        %get3A_1026 = arith.index_cast %add3A_1020 : i32 to index
        %get3A_1027 = arith.constant 16 : index
        %get3A_1028 = tpu.vector_load %arg8[%get3A_1026, %get3A_1027] {strides = array<i32>} : memref<1600x32xf32, #tpu.memory_space<vmem>>, vector<1x16xf32>,
        %get3A_1029 = vector.shape_cast %get3A_1028 : vector<1x16xf32> to vector<16xf32>
        %add3A_1030 = arith.addf %scan3A_972, %get3A_1029 : vector<16xf32>
        %mul3A_1031 = arith.constant 8 : i32
        %mul3A_1032 = arith.muli %scan3A_966, %mul3A_1031 : i32
        %add3A_1033 = arith.constant 600 : i32
        %add3A_1034 = arith.addi %add3A_1033, %mul3A_1032 : i32
        %add3A_1035 = arith.constant 3 : i32
        %add3A_1036 = arith.addi %add3A_1034, %add3A_1035 : i32
        %get3A_1037 = arith.index_cast %add3A_1036 : i32 to index
        %get3A_1038 = arith.constant 0 : index
        %get3A_1039 = tpu.vector_load %arg8[%get3A_1037, %get3A_1038] {strides = array<i32>} : memref<1600x32xf32, #tpu.memory_space<vmem>>, vector<1x16xf32>,
        %get3A_1040 = vector.shape_cast %get3A_1039 : vector<1x16xf32> to vector<16xf32>
        %add3A_1041 = arith.addf %scan3A_973, %get3A_1040 : vector<16xf32>
        %get3A_1042 = arith.index_cast %add3A_1036 : i32 to index
        %get3A_1043 = arith.constant 16 : index
        %get3A_1044 = tpu.vector_load %arg8[%get3A_1042, %get3A_1043] {strides = array<i32>} : memref<1600x32xf32, #tpu.memory_space<vmem>>, vector<1x16xf32>,
        %get3A_1045 = vector.shape_cast %get3A_1044 : vector<1x16xf32> to vector<16xf32>
        %add3A_1046 = arith.addf %scan3A_974, %get3A_1045 : vector<16xf32>
        %mul3A_1047 = arith.constant 8 : i32
        %mul3A_1048 = arith.muli %scan3A_966, %mul3A_1047 : i32
        %add3A_1049 = arith.constant 600 : i32
        %add3A_1050 = arith.addi %add3A_1049, %mul3A_1048 : i32
        %add3A_1051 = arith.constant 4 : i32
        %add3A_1052 = arith.addi %add3A_1050, %add3A_1051 : i32
        %get3A_1053 = arith.index_cast %add3A_1052 : i32 to index
        %get3A_1054 = arith.constant 0 : index
        %get3A_1055 = tpu.vector_load %arg8[%get3A_1053, %get3A_1054] {strides = array<i32>} : memref<1600x32xf32, #tpu.memory_space<vmem>>, vector<1x16xf32>,
        %get3A_1056 = vector.shape_cast %get3A_1055 : vector<1x16xf32> to vector<16xf32>
        %add3A_1057 = arith.addf %scan3A_975, %get3A_1056 : vector<16xf32>
        %get3A_1058 = arith.index_cast %add3A_1052 : i32 to index
        %get3A_1059 = arith.constant 16 : index
        %get3A_1060 = tpu.vector_load %arg8[%get3A_1058, %get3A_1059] {strides = array<i32>} : memref<1600x32xf32, #tpu.memory_space<vmem>>, vector<1x16xf32>,
        %get3A_1061 = vector.shape_cast %get3A_1060 : vector<1x16xf32> to vector<16xf32>
        %add3A_1062 = arith.addf %scan3A_976, %get3A_1061 : vector<16xf32>
        %mul3A_1063 = arith.constant 8 : i32
        %mul3A_1064 = arith.muli %scan3A_966, %mul3A_1063 : i32
        %add3A_1065 = arith.constant 600 : i32
        %add3A_1066 = arith.addi %add3A_1065, %mul3A_1064 : i32
        %add3A_1067 = arith.constant 5 : i32
        %add3A_1068 = arith.addi %add3A_1066, %add3A_1067 : i32
        %get3A_1069 = arith.index_cast %add3A_1068 : i32 to index
        %get3A_1070 = arith.constant 0 : index
        %get3A_1071 = tpu.vector_load %arg8[%get3A_1069, %get3A_1070] {strides = array<i32>} : memref<1600x32xf32, #tpu.memory_space<vmem>>, vector<1x16xf32>,
        %get3A_1072 = vector.shape_cast %get3A_1071 : vector<1x16xf32> to vector<16xf32>
        %add3A_1073 = arith.addf %scan3A_977, %get3A_1072 : vector<16xf32>
        %get3A_1074 = arith.index_cast %add3A_1068 : i32 to index
        %get3A_1075 = arith.constant 16 : index
        %get3A_1076 = tpu.vector_load %arg8[%get3A_1074, %get3A_1075] {strides = array<i32>} : memref<1600x32xf32, #tpu.memory_space<vmem>>, vector<1x16xf32>,
        %get3A_1077 = vector.shape_cast %get3A_1076 : vector<1x16xf32> to vector<16xf32>
        %add3A_1078 = arith.addf %scan3A_978, %get3A_1077 : vector<16xf32>
        %mul3A_1079 = arith.constant 8 : i32
        %mul3A_1080 = arith.muli %scan3A_966, %mul3A_1079 : i32
        %add3A_1081 = arith.constant 600 : i32
        %add3A_1082 = arith.addi %add3A_1081, %mul3A_1080 : i32
        %add3A_1083 = arith.constant 6 : i32
        %add3A_1084 = arith.addi %add3A_1082, %add3A_1083 : i32
        %get3A_1085 = arith.index_cast %add3A_1084 : i32 to index
        %get3A_1086 = arith.constant 0 : index
        %get3A_1087 = tpu.vector_load %arg8[%get3A_1085, %get3A_1086] {strides = array<i32>} : memref<1600x32xf32, #tpu.memory_space<vmem>>, vector<1x16xf32>,
        %get3A_1088 = vector.shape_cast %get3A_1087 : vector<1x16xf32> to vector<16xf32>
        %add3A_1089 = arith.addf %scan3A_979, %get3A_1088 : vector<16xf32>
        %get3A_1090 = arith.index_cast %add3A_1084 : i32 to index
        %get3A_1091 = arith.constant 16 : index
        %get3A_1092 = tpu.vector_load %arg8[%get3A_1090, %get3A_1091] {strides = array<i32>} : memref<1600x32xf32, #tpu.memory_space<vmem>>, vector<1x16xf32>,
        %get3A_1093 = vector.shape_cast %get3A_1092 : vector<1x16xf32> to vector<16xf32>
        %add3A_1094 = arith.addf %scan3A_980, %get3A_1093 : vector<16xf32>
        %mul3A_1095 = arith.constant 8 : i32
        %mul3A_1096 = arith.muli %scan3A_966, %mul3A_1095 : i32
        %add3A_1097 = arith.constant 600 : i32
        %add3A_1098 = arith.addi %add3A_1097, %mul3A_1096 : i32
        %add3A_1099 = arith.constant 7 : i32
        %add3A_1100 = arith.addi %add3A_1098, %add3A_1099 : i32
        %get3A_1101 = arith.index_cast %add3A_1100 : i32 to index
        %get3A_1102 = arith.constant 0 : index
        %get3A_1103 = tpu.vector_load %arg8[%get3A_1101, %get3A_1102] {strides = array<i32>} : memref<1600x32xf32, #tpu.memory_space<vmem>>, vector<1x16xf32>,
        %get3A_1104 = vector.shape_cast %get3A_1103 : vector<1x16xf32> to vector<16xf32>
        %add3A_1105 = arith.addf %scan3A_981, %get3A_1104 : vector<16xf32>
        %get3A_1106 = arith.index_cast %add3A_1100 : i32 to index
        %get3A_1107 = arith.constant 16 : index
        %get3A_1108 = tpu.vector_load %arg8[%get3A_1106, %get3A_1107] {strides = array<i32>} : memref<1600x32xf32, #tpu.memory_space<vmem>>, vector<1x16xf32>,
        %get3A_1109 = vector.shape_cast %get3A_1108 : vector<1x16xf32> to vector<16xf32>
        %add3A_1110 = arith.addf %scan3A_982, %get3A_1109 : vector<16xf32>
        scf.yield %add3A_993, %add3A_998, %add3A_1009, %add3A_1014, %add3A_1025, %add3A_1030, %add3A_1041, %add3A_1046, %add3A_1057, %add3A_1062, %add3A_1073, %add3A_1078, %add3A_1089, %add3A_1094, %add3A_1105, %add3A_1110 : vector<16xf32>, vector<16xf32>, vector<16xf32>, vector<16xf32>, vector<16xf32>, vector<16xf32>, vector<16xf32>, vector<16xf32>, vector<16xf32>, vector<16xf32>, vector<16xf32>, vector<16xf32>, vector<16xf32>, vector<16xf32>, vector<16xf32>, vector<16xf32>
      }
      %scan3A_480 = arith.constant 25 : i32
      %add3A_481 = arith.addf %scan3A_479#0, %scan3A_479#2 : vector<16xf32>
      %add3A_482 = arith.addf %scan3A_479#4, %scan3A_479#6 : vector<16xf32>
      %add3A_483 = arith.addf %add3A_481, %add3A_482 : vector<16xf32>
      %add3A_484 = arith.addf %scan3A_479#8, %scan3A_479#10 : vector<16xf32>
      %add3A_485 = arith.addf %scan3A_479#12, %scan3A_479#14 : vector<16xf32>
      %add3A_486 = arith.addf %add3A_484, %add3A_485 : vector<16xf32>
      %add3A_487 = arith.addf %add3A_483, %add3A_486 : vector<16xf32>
      %add3A_488 = arith.addf %scan3A_479#1, %scan3A_479#3 : vector<16xf32>
      %add3A_489 = arith.addf %scan3A_479#5, %scan3A_479#7 : vector<16xf32>
      %add3A_490 = arith.addf %add3A_488, %add3A_489 : vector<16xf32>
      %add3A_491 = arith.addf %scan3A_479#9, %scan3A_479#11 : vector<16xf32>
      %add3A_492 = arith.addf %scan3A_479#13, %scan3A_479#15 : vector<16xf32>
      %add3A_493 = arith.addf %add3A_491, %add3A_492 : vector<16xf32>
      %add3A_494 = arith.addf %add3A_490, %add3A_493 : vector<16xf32>
      %add3A_495 = arith.addf %add3A_487, %get3A_2 : vector<16xf32>
      %swap3A_496 = arith.constant 3 : i32
      %swap3A_497 = arith.index_cast %swap3A_496 : i32 to index
      %swap3A_498 = arith.constant 0 : index
      %swap3A_499 = tpu.vector_load %arg10[%swap3A_497, %swap3A_498] {strides = array<i32>} : memref<8x32xf32, #tpu.memory_space<vmem>>, vector<1x16xf32>,
      %swap3A_500 = vector.shape_cast %swap3A_499 : vector<1x16xf32> to vector<16xf32>
      %swap3A_501 = vector.shape_cast %add3A_495 : vector<16xf32> to vector<1x16xf32>
      tpu.vector_store %arg10[%swap3A_497, %swap3A_498], %swap3A_501 {strides = array<i32>} : memref<8x32xf32, #tpu.memory_space<vmem>>, vector<1x16xf32>,
      %add3A_502 = arith.addf %add3A_494, %get3A_5 : vector<16xf32>
      %swap3A_503 = arith.constant 3 : i32
      %swap3A_504 = arith.index_cast %swap3A_503 : i32 to index
      %swap3A_505 = arith.constant 16 : index
      %swap3A_506 = tpu.vector_load %arg10[%swap3A_504, %swap3A_505] {strides = array<i32>} : memref<8x32xf32, #tpu.memory_space<vmem>>, vector<1x16xf32>,
      %swap3A_507 = vector.shape_cast %swap3A_506 : vector<1x16xf32> to vector<16xf32>
      %swap3A_508 = vector.shape_cast %add3A_502 : vector<16xf32> to vector<1x16xf32>
      tpu.vector_store %arg10[%swap3A_504, %swap3A_505], %swap3A_508 {strides = array<i32>} : memref<8x32xf32, #tpu.memory_space<vmem>>, vector<1x16xf32>,
      %broadcast_in_dim3A_509 = arith.constant 0.000000e+00 : f32
      %broadcast_in_dim3A_510 = vector.broadcast %broadcast_in_dim3A_509 : f32 to vector<16xf32>
      %scan3A_511 = arith.constant 0 : i32
      %scan3A_512 = arith.constant 25 : i32
      %scan3A_513 = arith.addi %scan3A_511, %scan3A_512 : i32
      %scan3A_514 = arith.constant 1 : i32
      %scan3A_515:16 = scf.for %scan3A_966 = %scan3A_511 to %scan3A_513 step %scan3A_514 iter_args(%scan3A_967 = %broadcast_in_dim3A_510, %scan3A_968 = %broadcast_in_dim3A_510, %scan3A_969 = %broadcast_in_dim3A_510, %scan3A_970 = %broadcast_in_dim3A_510, %scan3A_971 = %broadcast_in_dim3A_510, %scan3A_972 = %broadcast_in_dim3A_510, %scan3A_973 = %broadcast_in_dim3A_510, %scan3A_974 = %broadcast_in_dim3A_510, %scan3A_975 = %broadcast_in_dim3A_510, %scan3A_976 = %broadcast_in_dim3A_510, %scan3A_977 = %broadcast_in_dim3A_510, %scan3A_978 = %broadcast_in_dim3A_510, %scan3A_979 = %broadcast_in_dim3A_510, %scan3A_980 = %broadcast_in_dim3A_510, %scan3A_981 = %broadcast_in_dim3A_510, %scan3A_982 = %broadcast_in_dim3A_510) -> (vector<16xf32>, vector<16xf32>, vector<16xf32>, vector<16xf32>, vector<16xf32>, vector<16xf32>, vector<16xf32>, vector<16xf32>, vector<16xf32>, vector<16xf32>, vector<16xf32>, vector<16xf32>, vector<16xf32>, vector<16xf32>, vector<16xf32>, vector<16xf32>)  : i32 {
        %mul3A_983 = arith.constant 8 : i32
        %mul3A_984 = arith.muli %scan3A_966, %mul3A_983 : i32
        %add3A_985 = arith.constant 800 : i32
        %add3A_986 = arith.addi %add3A_985, %mul3A_984 : i32
        %add3A_987 = arith.constant 0 : i32
        %add3A_988 = arith.addi %add3A_986, %add3A_987 : i32
        %get3A_989 = arith.index_cast %add3A_988 : i32 to index
        %get3A_990 = arith.constant 0 : index
        %get3A_991 = tpu.vector_load %arg8[%get3A_989, %get3A_990] {strides = array<i32>} : memref<1600x32xf32, #tpu.memory_space<vmem>>, vector<1x16xf32>,
        %get3A_992 = vector.shape_cast %get3A_991 : vector<1x16xf32> to vector<16xf32>
        %add3A_993 = arith.addf %scan3A_967, %get3A_992 : vector<16xf32>
        %get3A_994 = arith.index_cast %add3A_988 : i32 to index
        %get3A_995 = arith.constant 16 : index
        %get3A_996 = tpu.vector_load %arg8[%get3A_994, %get3A_995] {strides = array<i32>} : memref<1600x32xf32, #tpu.memory_space<vmem>>, vector<1x16xf32>,
        %get3A_997 = vector.shape_cast %get3A_996 : vector<1x16xf32> to vector<16xf32>
        %add3A_998 = arith.addf %scan3A_968, %get3A_997 : vector<16xf32>
        %mul3A_999 = arith.constant 8 : i32
        %mul3A_1000 = arith.muli %scan3A_966, %mul3A_999 : i32
        %add3A_1001 = arith.constant 800 : i32
        %add3A_1002 = arith.addi %add3A_1001, %mul3A_1000 : i32
        %add3A_1003 = arith.constant 1 : i32
        %add3A_1004 = arith.addi %add3A_1002, %add3A_1003 : i32
        %get3A_1005 = arith.index_cast %add3A_1004 : i32 to index
        %get3A_1006 = arith.constant 0 : index
        %get3A_1007 = tpu.vector_load %arg8[%get3A_1005, %get3A_1006] {strides = array<i32>} : memref<1600x32xf32, #tpu.memory_space<vmem>>, vector<1x16xf32>,
        %get3A_1008 = vector.shape_cast %get3A_1007 : vector<1x16xf32> to vector<16xf32>
        %add3A_1009 = arith.addf %scan3A_969, %get3A_1008 : vector<16xf32>
        %get3A_1010 = arith.index_cast %add3A_1004 : i32 to index
        %get3A_1011 = arith.constant 16 : index
        %get3A_1012 = tpu.vector_load %arg8[%get3A_1010, %get3A_1011] {strides = array<i32>} : memref<1600x32xf32, #tpu.memory_space<vmem>>, vector<1x16xf32>,
        %get3A_1013 = vector.shape_cast %get3A_1012 : vector<1x16xf32> to vector<16xf32>
        %add3A_1014 = arith.addf %scan3A_970, %get3A_1013 : vector<16xf32>
        %mul3A_1015 = arith.constant 8 : i32
        %mul3A_1016 = arith.muli %scan3A_966, %mul3A_1015 : i32
        %add3A_1017 = arith.constant 800 : i32
        %add3A_1018 = arith.addi %add3A_1017, %mul3A_1016 : i32
        %add3A_1019 = arith.constant 2 : i32
        %add3A_1020 = arith.addi %add3A_1018, %add3A_1019 : i32
        %get3A_1021 = arith.index_cast %add3A_1020 : i32 to index
        %get3A_1022 = arith.constant 0 : index
        %get3A_1023 = tpu.vector_load %arg8[%get3A_1021, %get3A_1022] {strides = array<i32>} : memref<1600x32xf32, #tpu.memory_space<vmem>>, vector<1x16xf32>,
        %get3A_1024 = vector.shape_cast %get3A_1023 : vector<1x16xf32> to vector<16xf32>
        %add3A_1025 = arith.addf %scan3A_971, %get3A_1024 : vector<16xf32>
        %get3A_1026 = arith.index_cast %add3A_1020 : i32 to index
        %get3A_1027 = arith.constant 16 : index
        %get3A_1028 = tpu.vector_load %arg8[%get3A_1026, %get3A_1027] {strides = array<i32>} : memref<1600x32xf32, #tpu.memory_space<vmem>>, vector<1x16xf32>,
        %get3A_1029 = vector.shape_cast %get3A_1028 : vector<1x16xf32> to vector<16xf32>
        %add3A_1030 = arith.addf %scan3A_972, %get3A_1029 : vector<16xf32>
        %mul3A_1031 = arith.constant 8 : i32
        %mul3A_1032 = arith.muli %scan3A_966, %mul3A_1031 : i32
        %add3A_1033 = arith.constant 800 : i32
        %add3A_1034 = arith.addi %add3A_1033, %mul3A_1032 : i32
        %add3A_1035 = arith.constant 3 : i32
        %add3A_1036 = arith.addi %add3A_1034, %add3A_1035 : i32
        %get3A_1037 = arith.index_cast %add3A_1036 : i32 to index
        %get3A_1038 = arith.constant 0 : index
        %get3A_1039 = tpu.vector_load %arg8[%get3A_1037, %get3A_1038] {strides = array<i32>} : memref<1600x32xf32, #tpu.memory_space<vmem>>, vector<1x16xf32>,
        %get3A_1040 = vector.shape_cast %get3A_1039 : vector<1x16xf32> to vector<16xf32>
        %add3A_1041 = arith.addf %scan3A_973, %get3A_1040 : vector<16xf32>
        %get3A_1042 = arith.index_cast %add3A_1036 : i32 to index
        %get3A_1043 = arith.constant 16 : index
        %get3A_1044 = tpu.vector_load %arg8[%get3A_1042, %get3A_1043] {strides = array<i32>} : memref<1600x32xf32, #tpu.memory_space<vmem>>, vector<1x16xf32>,
        %get3A_1045 = vector.shape_cast %get3A_1044 : vector<1x16xf32> to vector<16xf32>
        %add3A_1046 = arith.addf %scan3A_974, %get3A_1045 : vector<16xf32>
        %mul3A_1047 = arith.constant 8 : i32
        %mul3A_1048 = arith.muli %scan3A_966, %mul3A_1047 : i32
        %add3A_1049 = arith.constant 800 : i32
        %add3A_1050 = arith.addi %add3A_1049, %mul3A_1048 : i32
        %add3A_1051 = arith.constant 4 : i32
        %add3A_1052 = arith.addi %add3A_1050, %add3A_1051 : i32
        %get3A_1053 = arith.index_cast %add3A_1052 : i32 to index
        %get3A_1054 = arith.constant 0 : index
        %get3A_1055 = tpu.vector_load %arg8[%get3A_1053, %get3A_1054] {strides = array<i32>} : memref<1600x32xf32, #tpu.memory_space<vmem>>, vector<1x16xf32>,
        %get3A_1056 = vector.shape_cast %get3A_1055 : vector<1x16xf32> to vector<16xf32>
        %add3A_1057 = arith.addf %scan3A_975, %get3A_1056 : vector<16xf32>
        %get3A_1058 = arith.index_cast %add3A_1052 : i32 to index
        %get3A_1059 = arith.constant 16 : index
        %get3A_1060 = tpu.vector_load %arg8[%get3A_1058, %get3A_1059] {strides = array<i32>} : memref<1600x32xf32, #tpu.memory_space<vmem>>, vector<1x16xf32>,
        %get3A_1061 = vector.shape_cast %get3A_1060 : vector<1x16xf32> to vector<16xf32>
        %add3A_1062 = arith.addf %scan3A_976, %get3A_1061 : vector<16xf32>
        %mul3A_1063 = arith.constant 8 : i32
        %mul3A_1064 = arith.muli %scan3A_966, %mul3A_1063 : i32
        %add3A_1065 = arith.constant 800 : i32
        %add3A_1066 = arith.addi %add3A_1065, %mul3A_1064 : i32
        %add3A_1067 = arith.constant 5 : i32
        %add3A_1068 = arith.addi %add3A_1066, %add3A_1067 : i32
        %get3A_1069 = arith.index_cast %add3A_1068 : i32 to index
        %get3A_1070 = arith.constant 0 : index
        %get3A_1071 = tpu.vector_load %arg8[%get3A_1069, %get3A_1070] {strides = array<i32>} : memref<1600x32xf32, #tpu.memory_space<vmem>>, vector<1x16xf32>,
        %get3A_1072 = vector.shape_cast %get3A_1071 : vector<1x16xf32> to vector<16xf32>
        %add3A_1073 = arith.addf %scan3A_977, %get3A_1072 : vector<16xf32>
        %get3A_1074 = arith.index_cast %add3A_1068 : i32 to index
        %get3A_1075 = arith.constant 16 : index
        %get3A_1076 = tpu.vector_load %arg8[%get3A_1074, %get3A_1075] {strides = array<i32>} : memref<1600x32xf32, #tpu.memory_space<vmem>>, vector<1x16xf32>,
        %get3A_1077 = vector.shape_cast %get3A_1076 : vector<1x16xf32> to vector<16xf32>
        %add3A_1078 = arith.addf %scan3A_978, %get3A_1077 : vector<16xf32>
        %mul3A_1079 = arith.constant 8 : i32
        %mul3A_1080 = arith.muli %scan3A_966, %mul3A_1079 : i32
        %add3A_1081 = arith.constant 800 : i32
        %add3A_1082 = arith.addi %add3A_1081, %mul3A_1080 : i32
        %add3A_1083 = arith.constant 6 : i32
        %add3A_1084 = arith.addi %add3A_1082, %add3A_1083 : i32
        %get3A_1085 = arith.index_cast %add3A_1084 : i32 to index
        %get3A_1086 = arith.constant 0 : index
        %get3A_1087 = tpu.vector_load %arg8[%get3A_1085, %get3A_1086] {strides = array<i32>} : memref<1600x32xf32, #tpu.memory_space<vmem>>, vector<1x16xf32>,
        %get3A_1088 = vector.shape_cast %get3A_1087 : vector<1x16xf32> to vector<16xf32>
        %add3A_1089 = arith.addf %scan3A_979, %get3A_1088 : vector<16xf32>
        %get3A_1090 = arith.index_cast %add3A_1084 : i32 to index
        %get3A_1091 = arith.constant 16 : index
        %get3A_1092 = tpu.vector_load %arg8[%get3A_1090, %get3A_1091] {strides = array<i32>} : memref<1600x32xf32, #tpu.memory_space<vmem>>, vector<1x16xf32>,
        %get3A_1093 = vector.shape_cast %get3A_1092 : vector<1x16xf32> to vector<16xf32>
        %add3A_1094 = arith.addf %scan3A_980, %get3A_1093 : vector<16xf32>
        %mul3A_1095 = arith.constant 8 : i32
        %mul3A_1096 = arith.muli %scan3A_966, %mul3A_1095 : i32
        %add3A_1097 = arith.constant 800 : i32
        %add3A_1098 = arith.addi %add3A_1097, %mul3A_1096 : i32
        %add3A_1099 = arith.constant 7 : i32
        %add3A_1100 = arith.addi %add3A_1098, %add3A_1099 : i32
        %get3A_1101 = arith.index_cast %add3A_1100 : i32 to index
        %get3A_1102 = arith.constant 0 : index
        %get3A_1103 = tpu.vector_load %arg8[%get3A_1101, %get3A_1102] {strides = array<i32>} : memref<1600x32xf32, #tpu.memory_space<vmem>>, vector<1x16xf32>,
        %get3A_1104 = vector.shape_cast %get3A_1103 : vector<1x16xf32> to vector<16xf32>
        %add3A_1105 = arith.addf %scan3A_981, %get3A_1104 : vector<16xf32>
        %get3A_1106 = arith.index_cast %add3A_1100 : i32 to index
        %get3A_1107 = arith.constant 16 : index
        %get3A_1108 = tpu.vector_load %arg8[%get3A_1106, %get3A_1107] {strides = array<i32>} : memref<1600x32xf32, #tpu.memory_space<vmem>>, vector<1x16xf32>,
        %get3A_1109 = vector.shape_cast %get3A_1108 : vector<1x16xf32> to vector<16xf32>
        %add3A_1110 = arith.addf %scan3A_982, %get3A_1109 : vector<16xf32>
        scf.yield %add3A_993, %add3A_998, %add3A_1009, %add3A_1014, %add3A_1025, %add3A_1030, %add3A_1041, %add3A_1046, %add3A_1057, %add3A_1062, %add3A_1073, %add3A_1078, %add3A_1089, %add3A_1094, %add3A_1105, %add3A_1110 : vector<16xf32>, vector<16xf32>, vector<16xf32>, vector<16xf32>, vector<16xf32>, vector<16xf32>, vector<16xf32>, vector<16xf32>, vector<16xf32>, vector<16xf32>, vector<16xf32>, vector<16xf32>, vector<16xf32>, vector<16xf32>, vector<16xf32>, vector<16xf32>
      }
      %scan3A_516 = arith.constant 25 : i32
      %add3A_517 = arith.addf %scan3A_515#0, %scan3A_515#2 : vector<16xf32>
      %add3A_518 = arith.addf %scan3A_515#4, %scan3A_515#6 : vector<16xf32>
      %add3A_519 = arith.addf %add3A_517, %add3A_518 : vector<16xf32>
      %add3A_520 = arith.addf %scan3A_515#8, %scan3A_515#10 : vector<16xf32>
      %add3A_521 = arith.addf %scan3A_515#12, %scan3A_515#14 : vector<16xf32>
      %add3A_522 = arith.addf %add3A_520, %add3A_521 : vector<16xf32>
      %add3A_523 = arith.addf %add3A_519, %add3A_522 : vector<16xf32>
      %add3A_524 = arith.addf %scan3A_515#1, %scan3A_515#3 : vector<16xf32>
      %add3A_525 = arith.addf %scan3A_515#5, %scan3A_515#7 : vector<16xf32>
      %add3A_526 = arith.addf %add3A_524, %add3A_525 : vector<16xf32>
      %add3A_527 = arith.addf %scan3A_515#9, %scan3A_515#11 : vector<16xf32>
      %add3A_528 = arith.addf %scan3A_515#13, %scan3A_515#15 : vector<16xf32>
      %add3A_529 = arith.addf %add3A_527, %add3A_528 : vector<16xf32>
      %add3A_530 = arith.addf %add3A_526, %add3A_529 : vector<16xf32>
      %add3A_531 = arith.addf %add3A_523, %get3A_2 : vector<16xf32>
      %swap3A_532 = arith.constant 4 : i32
      %swap3A_533 = arith.index_cast %swap3A_532 : i32 to index
      %swap3A_534 = arith.constant 0 : index
      %swap3A_535 = tpu.vector_load %arg10[%swap3A_533, %swap3A_534] {strides = array<i32>} : memref<8x32xf32, #tpu.memory_space<vmem>>, vector<1x16xf32>,
      %swap3A_536 = vector.shape_cast %swap3A_535 : vector<1x16xf32> to vector<16xf32>
      %swap3A_537 = vector.shape_cast %add3A_531 : vector<16xf32> to vector<1x16xf32>
      tpu.vector_store %arg10[%swap3A_533, %swap3A_534], %swap3A_537 {strides = array<i32>} : memref<8x32xf32, #tpu.memory_space<vmem>>, vector<1x16xf32>,
      %add3A_538 = arith.addf %add3A_530, %get3A_5 : vector<16xf32>
      %swap3A_539 = arith.constant 4 : i32
      %swap3A_540 = arith.index_cast %swap3A_539 : i32 to index
      %swap3A_541 = arith.constant 16 : index
      %swap3A_542 = tpu.vector_load %arg10[%swap3A_540, %swap3A_541] {strides = array<i32>} : memref<8x32xf32, #tpu.memory_space<vmem>>, vector<1x16xf32>,
      %swap3A_543 = vector.shape_cast %swap3A_542 : vector<1x16xf32> to vector<16xf32>
      %swap3A_544 = vector.shape_cast %add3A_538 : vector<16xf32> to vector<1x16xf32>
      tpu.vector_store %arg10[%swap3A_540, %swap3A_541], %swap3A_544 {strides = array<i32>} : memref<8x32xf32, #tpu.memory_space<vmem>>, vector<1x16xf32>,
      %broadcast_in_dim3A_545 = arith.constant 0.000000e+00 : f32
      %broadcast_in_dim3A_546 = vector.broadcast %broadcast_in_dim3A_545 : f32 to vector<16xf32>
      %scan3A_547 = arith.constant 0 : i32
      %scan3A_548 = arith.constant 25 : i32
      %scan3A_549 = arith.addi %scan3A_547, %scan3A_548 : i32
      %scan3A_550 = arith.constant 1 : i32
      %scan3A_551:16 = scf.for %scan3A_966 = %scan3A_547 to %scan3A_549 step %scan3A_550 iter_args(%scan3A_967 = %broadcast_in_dim3A_546, %scan3A_968 = %broadcast_in_dim3A_546, %scan3A_969 = %broadcast_in_dim3A_546, %scan3A_970 = %broadcast_in_dim3A_546, %scan3A_971 = %broadcast_in_dim3A_546, %scan3A_972 = %broadcast_in_dim3A_546, %scan3A_973 = %broadcast_in_dim3A_546, %scan3A_974 = %broadcast_in_dim3A_546, %scan3A_975 = %broadcast_in_dim3A_546, %scan3A_976 = %broadcast_in_dim3A_546, %scan3A_977 = %broadcast_in_dim3A_546, %scan3A_978 = %broadcast_in_dim3A_546, %scan3A_979 = %broadcast_in_dim3A_546, %scan3A_980 = %broadcast_in_dim3A_546, %scan3A_981 = %broadcast_in_dim3A_546, %scan3A_982 = %broadcast_in_dim3A_546) -> (vector<16xf32>, vector<16xf32>, vector<16xf32>, vector<16xf32>, vector<16xf32>, vector<16xf32>, vector<16xf32>, vector<16xf32>, vector<16xf32>, vector<16xf32>, vector<16xf32>, vector<16xf32>, vector<16xf32>, vector<16xf32>, vector<16xf32>, vector<16xf32>)  : i32 {
        %mul3A_983 = arith.constant 8 : i32
        %mul3A_984 = arith.muli %scan3A_966, %mul3A_983 : i32
        %add3A_985 = arith.constant 1000 : i32
        %add3A_986 = arith.addi %add3A_985, %mul3A_984 : i32
        %add3A_987 = arith.constant 0 : i32
        %add3A_988 = arith.addi %add3A_986, %add3A_987 : i32
        %get3A_989 = arith.index_cast %add3A_988 : i32 to index
        %get3A_990 = arith.constant 0 : index
        %get3A_991 = tpu.vector_load %arg8[%get3A_989, %get3A_990] {strides = array<i32>} : memref<1600x32xf32, #tpu.memory_space<vmem>>, vector<1x16xf32>,
        %get3A_992 = vector.shape_cast %get3A_991 : vector<1x16xf32> to vector<16xf32>
        %add3A_993 = arith.addf %scan3A_967, %get3A_992 : vector<16xf32>
        %get3A_994 = arith.index_cast %add3A_988 : i32 to index
        %get3A_995 = arith.constant 16 : index
        %get3A_996 = tpu.vector_load %arg8[%get3A_994, %get3A_995] {strides = array<i32>} : memref<1600x32xf32, #tpu.memory_space<vmem>>, vector<1x16xf32>,
        %get3A_997 = vector.shape_cast %get3A_996 : vector<1x16xf32> to vector<16xf32>
        %add3A_998 = arith.addf %scan3A_968, %get3A_997 : vector<16xf32>
        %mul3A_999 = arith.constant 8 : i32
        %mul3A_1000 = arith.muli %scan3A_966, %mul3A_999 : i32
        %add3A_1001 = arith.constant 1000 : i32
        %add3A_1002 = arith.addi %add3A_1001, %mul3A_1000 : i32
        %add3A_1003 = arith.constant 1 : i32
        %add3A_1004 = arith.addi %add3A_1002, %add3A_1003 : i32
        %get3A_1005 = arith.index_cast %add3A_1004 : i32 to index
        %get3A_1006 = arith.constant 0 : index
        %get3A_1007 = tpu.vector_load %arg8[%get3A_1005, %get3A_1006] {strides = array<i32>} : memref<1600x32xf32, #tpu.memory_space<vmem>>, vector<1x16xf32>,
        %get3A_1008 = vector.shape_cast %get3A_1007 : vector<1x16xf32> to vector<16xf32>
        %add3A_1009 = arith.addf %scan3A_969, %get3A_1008 : vector<16xf32>
        %get3A_1010 = arith.index_cast %add3A_1004 : i32 to index
        %get3A_1011 = arith.constant 16 : index
        %get3A_1012 = tpu.vector_load %arg8[%get3A_1010, %get3A_1011] {strides = array<i32>} : memref<1600x32xf32, #tpu.memory_space<vmem>>, vector<1x16xf32>,
        %get3A_1013 = vector.shape_cast %get3A_1012 : vector<1x16xf32> to vector<16xf32>
        %add3A_1014 = arith.addf %scan3A_970, %get3A_1013 : vector<16xf32>
        %mul3A_1015 = arith.constant 8 : i32
        %mul3A_1016 = arith.muli %scan3A_966, %mul3A_1015 : i32
        %add3A_1017 = arith.constant 1000 : i32
        %add3A_1018 = arith.addi %add3A_1017, %mul3A_1016 : i32
        %add3A_1019 = arith.constant 2 : i32
        %add3A_1020 = arith.addi %add3A_1018, %add3A_1019 : i32
        %get3A_1021 = arith.index_cast %add3A_1020 : i32 to index
        %get3A_1022 = arith.constant 0 : index
        %get3A_1023 = tpu.vector_load %arg8[%get3A_1021, %get3A_1022] {strides = array<i32>} : memref<1600x32xf32, #tpu.memory_space<vmem>>, vector<1x16xf32>,
        %get3A_1024 = vector.shape_cast %get3A_1023 : vector<1x16xf32> to vector<16xf32>
        %add3A_1025 = arith.addf %scan3A_971, %get3A_1024 : vector<16xf32>
        %get3A_1026 = arith.index_cast %add3A_1020 : i32 to index
        %get3A_1027 = arith.constant 16 : index
        %get3A_1028 = tpu.vector_load %arg8[%get3A_1026, %get3A_1027] {strides = array<i32>} : memref<1600x32xf32, #tpu.memory_space<vmem>>, vector<1x16xf32>,
        %get3A_1029 = vector.shape_cast %get3A_1028 : vector<1x16xf32> to vector<16xf32>
        %add3A_1030 = arith.addf %scan3A_972, %get3A_1029 : vector<16xf32>
        %mul3A_1031 = arith.constant 8 : i32
        %mul3A_1032 = arith.muli %scan3A_966, %mul3A_1031 : i32
        %add3A_1033 = arith.constant 1000 : i32
        %add3A_1034 = arith.addi %add3A_1033, %mul3A_1032 : i32
        %add3A_1035 = arith.constant 3 : i32
        %add3A_1036 = arith.addi %add3A_1034, %add3A_1035 : i32
        %get3A_1037 = arith.index_cast %add3A_1036 : i32 to index
        %get3A_1038 = arith.constant 0 : index
        %get3A_1039 = tpu.vector_load %arg8[%get3A_1037, %get3A_1038] {strides = array<i32>} : memref<1600x32xf32, #tpu.memory_space<vmem>>, vector<1x16xf32>,
        %get3A_1040 = vector.shape_cast %get3A_1039 : vector<1x16xf32> to vector<16xf32>
        %add3A_1041 = arith.addf %scan3A_973, %get3A_1040 : vector<16xf32>
        %get3A_1042 = arith.index_cast %add3A_1036 : i32 to index
        %get3A_1043 = arith.constant 16 : index
        %get3A_1044 = tpu.vector_load %arg8[%get3A_1042, %get3A_1043] {strides = array<i32>} : memref<1600x32xf32, #tpu.memory_space<vmem>>, vector<1x16xf32>,
        %get3A_1045 = vector.shape_cast %get3A_1044 : vector<1x16xf32> to vector<16xf32>
        %add3A_1046 = arith.addf %scan3A_974, %get3A_1045 : vector<16xf32>
        %mul3A_1047 = arith.constant 8 : i32
        %mul3A_1048 = arith.muli %scan3A_966, %mul3A_1047 : i32
        %add3A_1049 = arith.constant 1000 : i32
        %add3A_1050 = arith.addi %add3A_1049, %mul3A_1048 : i32
        %add3A_1051 = arith.constant 4 : i32
        %add3A_1052 = arith.addi %add3A_1050, %add3A_1051 : i32
        %get3A_1053 = arith.index_cast %add3A_1052 : i32 to index
        %get3A_1054 = arith.constant 0 : index
        %get3A_1055 = tpu.vector_load %arg8[%get3A_1053, %get3A_1054] {strides = array<i32>} : memref<1600x32xf32, #tpu.memory_space<vmem>>, vector<1x16xf32>,
        %get3A_1056 = vector.shape_cast %get3A_1055 : vector<1x16xf32> to vector<16xf32>
        %add3A_1057 = arith.addf %scan3A_975, %get3A_1056 : vector<16xf32>
        %get3A_1058 = arith.index_cast %add3A_1052 : i32 to index
        %get3A_1059 = arith.constant 16 : index
        %get3A_1060 = tpu.vector_load %arg8[%get3A_1058, %get3A_1059] {strides = array<i32>} : memref<1600x32xf32, #tpu.memory_space<vmem>>, vector<1x16xf32>,
        %get3A_1061 = vector.shape_cast %get3A_1060 : vector<1x16xf32> to vector<16xf32>
        %add3A_1062 = arith.addf %scan3A_976, %get3A_1061 : vector<16xf32>
        %mul3A_1063 = arith.constant 8 : i32
        %mul3A_1064 = arith.muli %scan3A_966, %mul3A_1063 : i32
        %add3A_1065 = arith.constant 1000 : i32
        %add3A_1066 = arith.addi %add3A_1065, %mul3A_1064 : i32
        %add3A_1067 = arith.constant 5 : i32
        %add3A_1068 = arith.addi %add3A_1066, %add3A_1067 : i32
        %get3A_1069 = arith.index_cast %add3A_1068 : i32 to index
        %get3A_1070 = arith.constant 0 : index
        %get3A_1071 = tpu.vector_load %arg8[%get3A_1069, %get3A_1070] {strides = array<i32>} : memref<1600x32xf32, #tpu.memory_space<vmem>>, vector<1x16xf32>,
        %get3A_1072 = vector.shape_cast %get3A_1071 : vector<1x16xf32> to vector<16xf32>
        %add3A_1073 = arith.addf %scan3A_977, %get3A_1072 : vector<16xf32>
        %get3A_1074 = arith.index_cast %add3A_1068 : i32 to index
        %get3A_1075 = arith.constant 16 : index
        %get3A_1076 = tpu.vector_load %arg8[%get3A_1074, %get3A_1075] {strides = array<i32>} : memref<1600x32xf32, #tpu.memory_space<vmem>>, vector<1x16xf32>,
        %get3A_1077 = vector.shape_cast %get3A_1076 : vector<1x16xf32> to vector<16xf32>
        %add3A_1078 = arith.addf %scan3A_978, %get3A_1077 : vector<16xf32>
        %mul3A_1079 = arith.constant 8 : i32
        %mul3A_1080 = arith.muli %scan3A_966, %mul3A_1079 : i32
        %add3A_1081 = arith.constant 1000 : i32
        %add3A_1082 = arith.addi %add3A_1081, %mul3A_1080 : i32
        %add3A_1083 = arith.constant 6 : i32
        %add3A_1084 = arith.addi %add3A_1082, %add3A_1083 : i32
        %get3A_1085 = arith.index_cast %add3A_1084 : i32 to index
        %get3A_1086 = arith.constant 0 : index
        %get3A_1087 = tpu.vector_load %arg8[%get3A_1085, %get3A_1086] {strides = array<i32>} : memref<1600x32xf32, #tpu.memory_space<vmem>>, vector<1x16xf32>,
        %get3A_1088 = vector.shape_cast %get3A_1087 : vector<1x16xf32> to vector<16xf32>
        %add3A_1089 = arith.addf %scan3A_979, %get3A_1088 : vector<16xf32>
        %get3A_1090 = arith.index_cast %add3A_1084 : i32 to index
        %get3A_1091 = arith.constant 16 : index
        %get3A_1092 = tpu.vector_load %arg8[%get3A_1090, %get3A_1091] {strides = array<i32>} : memref<1600x32xf32, #tpu.memory_space<vmem>>, vector<1x16xf32>,
        %get3A_1093 = vector.shape_cast %get3A_1092 : vector<1x16xf32> to vector<16xf32>
        %add3A_1094 = arith.addf %scan3A_980, %get3A_1093 : vector<16xf32>
        %mul3A_1095 = arith.constant 8 : i32
        %mul3A_1096 = arith.muli %scan3A_966, %mul3A_1095 : i32
        %add3A_1097 = arith.constant 1000 : i32
        %add3A_1098 = arith.addi %add3A_1097, %mul3A_1096 : i32
        %add3A_1099 = arith.constant 7 : i32
        %add3A_1100 = arith.addi %add3A_1098, %add3A_1099 : i32
        %get3A_1101 = arith.index_cast %add3A_1100 : i32 to index
        %get3A_1102 = arith.constant 0 : index
        %get3A_1103 = tpu.vector_load %arg8[%get3A_1101, %get3A_1102] {strides = array<i32>} : memref<1600x32xf32, #tpu.memory_space<vmem>>, vector<1x16xf32>,
        %get3A_1104 = vector.shape_cast %get3A_1103 : vector<1x16xf32> to vector<16xf32>
        %add3A_1105 = arith.addf %scan3A_981, %get3A_1104 : vector<16xf32>
        %get3A_1106 = arith.index_cast %add3A_1100 : i32 to index
        %get3A_1107 = arith.constant 16 : index
        %get3A_1108 = tpu.vector_load %arg8[%get3A_1106, %get3A_1107] {strides = array<i32>} : memref<1600x32xf32, #tpu.memory_space<vmem>>, vector<1x16xf32>,
        %get3A_1109 = vector.shape_cast %get3A_1108 : vector<1x16xf32> to vector<16xf32>
        %add3A_1110 = arith.addf %scan3A_982, %get3A_1109 : vector<16xf32>
        scf.yield %add3A_993, %add3A_998, %add3A_1009, %add3A_1014, %add3A_1025, %add3A_1030, %add3A_1041, %add3A_1046, %add3A_1057, %add3A_1062, %add3A_1073, %add3A_1078, %add3A_1089, %add3A_1094, %add3A_1105, %add3A_1110 : vector<16xf32>, vector<16xf32>, vector<16xf32>, vector<16xf32>, vector<16xf32>, vector<16xf32>, vector<16xf32>, vector<16xf32>, vector<16xf32>, vector<16xf32>, vector<16xf32>, vector<16xf32>, vector<16xf32>, vector<16xf32>, vector<16xf32>, vector<16xf32>
      }
      %scan3A_552 = arith.constant 25 : i32
      %add3A_553 = arith.addf %scan3A_551#0, %scan3A_551#2 : vector<16xf32>
      %add3A_554 = arith.addf %scan3A_551#4, %scan3A_551#6 : vector<16xf32>
      %add3A_555 = arith.addf %add3A_553, %add3A_554 : vector<16xf32>
      %add3A_556 = arith.addf %scan3A_551#8, %scan3A_551#10 : vector<16xf32>
      %add3A_557 = arith.addf %scan3A_551#12, %scan3A_551#14 : vector<16xf32>
      %add3A_558 = arith.addf %add3A_556, %add3A_557 : vector<16xf32>
      %add3A_559 = arith.addf %add3A_555, %add3A_558 : vector<16xf32>
      %add3A_560 = arith.addf %scan3A_551#1, %scan3A_551#3 : vector<16xf32>
      %add3A_561 = arith.addf %scan3A_551#5, %scan3A_551#7 : vector<16xf32>
      %add3A_562 = arith.addf %add3A_560, %add3A_561 : vector<16xf32>
      %add3A_563 = arith.addf %scan3A_551#9, %scan3A_551#11 : vector<16xf32>
      %add3A_564 = arith.addf %scan3A_551#13, %scan3A_551#15 : vector<16xf32>
      %add3A_565 = arith.addf %add3A_563, %add3A_564 : vector<16xf32>
      %add3A_566 = arith.addf %add3A_562, %add3A_565 : vector<16xf32>
      %add3A_567 = arith.addf %add3A_559, %get3A_2 : vector<16xf32>
      %swap3A_568 = arith.constant 5 : i32
      %swap3A_569 = arith.index_cast %swap3A_568 : i32 to index
      %swap3A_570 = arith.constant 0 : index
      %swap3A_571 = tpu.vector_load %arg10[%swap3A_569, %swap3A_570] {strides = array<i32>} : memref<8x32xf32, #tpu.memory_space<vmem>>, vector<1x16xf32>,
      %swap3A_572 = vector.shape_cast %swap3A_571 : vector<1x16xf32> to vector<16xf32>
      %swap3A_573 = vector.shape_cast %add3A_567 : vector<16xf32> to vector<1x16xf32>
      tpu.vector_store %arg10[%swap3A_569, %swap3A_570], %swap3A_573 {strides = array<i32>} : memref<8x32xf32, #tpu.memory_space<vmem>>, vector<1x16xf32>,
      %add3A_574 = arith.addf %add3A_566, %get3A_5 : vector<16xf32>
      %swap3A_575 = arith.constant 5 : i32
      %swap3A_576 = arith.index_cast %swap3A_575 : i32 to index
      %swap3A_577 = arith.constant 16 : index
      %swap3A_578 = tpu.vector_load %arg10[%swap3A_576, %swap3A_577] {strides = array<i32>} : memref<8x32xf32, #tpu.memory_space<vmem>>, vector<1x16xf32>,
      %swap3A_579 = vector.shape_cast %swap3A_578 : vector<1x16xf32> to vector<16xf32>
      %swap3A_580 = vector.shape_cast %add3A_574 : vector<16xf32> to vector<1x16xf32>
      tpu.vector_store %arg10[%swap3A_576, %swap3A_577], %swap3A_580 {strides = array<i32>} : memref<8x32xf32, #tpu.memory_space<vmem>>, vector<1x16xf32>,
      %broadcast_in_dim3A_581 = arith.constant 0.000000e+00 : f32
      %broadcast_in_dim3A_582 = vector.broadcast %broadcast_in_dim3A_581 : f32 to vector<16xf32>
      %scan3A_583 = arith.constant 0 : i32
      %scan3A_584 = arith.constant 25 : i32
      %scan3A_585 = arith.addi %scan3A_583, %scan3A_584 : i32
      %scan3A_586 = arith.constant 1 : i32
      %scan3A_587:16 = scf.for %scan3A_966 = %scan3A_583 to %scan3A_585 step %scan3A_586 iter_args(%scan3A_967 = %broadcast_in_dim3A_582, %scan3A_968 = %broadcast_in_dim3A_582, %scan3A_969 = %broadcast_in_dim3A_582, %scan3A_970 = %broadcast_in_dim3A_582, %scan3A_971 = %broadcast_in_dim3A_582, %scan3A_972 = %broadcast_in_dim3A_582, %scan3A_973 = %broadcast_in_dim3A_582, %scan3A_974 = %broadcast_in_dim3A_582, %scan3A_975 = %broadcast_in_dim3A_582, %scan3A_976 = %broadcast_in_dim3A_582, %scan3A_977 = %broadcast_in_dim3A_582, %scan3A_978 = %broadcast_in_dim3A_582, %scan3A_979 = %broadcast_in_dim3A_582, %scan3A_980 = %broadcast_in_dim3A_582, %scan3A_981 = %broadcast_in_dim3A_582, %scan3A_982 = %broadcast_in_dim3A_582) -> (vector<16xf32>, vector<16xf32>, vector<16xf32>, vector<16xf32>, vector<16xf32>, vector<16xf32>, vector<16xf32>, vector<16xf32>, vector<16xf32>, vector<16xf32>, vector<16xf32>, vector<16xf32>, vector<16xf32>, vector<16xf32>, vector<16xf32>, vector<16xf32>)  : i32 {
        %mul3A_983 = arith.constant 8 : i32
        %mul3A_984 = arith.muli %scan3A_966, %mul3A_983 : i32
        %add3A_985 = arith.constant 1200 : i32
        %add3A_986 = arith.addi %add3A_985, %mul3A_984 : i32
        %add3A_987 = arith.constant 0 : i32
        %add3A_988 = arith.addi %add3A_986, %add3A_987 : i32
        %get3A_989 = arith.index_cast %add3A_988 : i32 to index
        %get3A_990 = arith.constant 0 : index
        %get3A_991 = tpu.vector_load %arg8[%get3A_989, %get3A_990] {strides = array<i32>} : memref<1600x32xf32, #tpu.memory_space<vmem>>, vector<1x16xf32>,
        %get3A_992 = vector.shape_cast %get3A_991 : vector<1x16xf32> to vector<16xf32>
        %add3A_993 = arith.addf %scan3A_967, %get3A_992 : vector<16xf32>
        %get3A_994 = arith.index_cast %add3A_988 : i32 to index
        %get3A_995 = arith.constant 16 : index
        %get3A_996 = tpu.vector_load %arg8[%get3A_994, %get3A_995] {strides = array<i32>} : memref<1600x32xf32, #tpu.memory_space<vmem>>, vector<1x16xf32>,
        %get3A_997 = vector.shape_cast %get3A_996 : vector<1x16xf32> to vector<16xf32>
        %add3A_998 = arith.addf %scan3A_968, %get3A_997 : vector<16xf32>
        %mul3A_999 = arith.constant 8 : i32
        %mul3A_1000 = arith.muli %scan3A_966, %mul3A_999 : i32
        %add3A_1001 = arith.constant 1200 : i32
        %add3A_1002 = arith.addi %add3A_1001, %mul3A_1000 : i32
        %add3A_1003 = arith.constant 1 : i32
        %add3A_1004 = arith.addi %add3A_1002, %add3A_1003 : i32
        %get3A_1005 = arith.index_cast %add3A_1004 : i32 to index
        %get3A_1006 = arith.constant 0 : index
        %get3A_1007 = tpu.vector_load %arg8[%get3A_1005, %get3A_1006] {strides = array<i32>} : memref<1600x32xf32, #tpu.memory_space<vmem>>, vector<1x16xf32>,
        %get3A_1008 = vector.shape_cast %get3A_1007 : vector<1x16xf32> to vector<16xf32>
        %add3A_1009 = arith.addf %scan3A_969, %get3A_1008 : vector<16xf32>
        %get3A_1010 = arith.index_cast %add3A_1004 : i32 to index
        %get3A_1011 = arith.constant 16 : index
        %get3A_1012 = tpu.vector_load %arg8[%get3A_1010, %get3A_1011] {strides = array<i32>} : memref<1600x32xf32, #tpu.memory_space<vmem>>, vector<1x16xf32>,
        %get3A_1013 = vector.shape_cast %get3A_1012 : vector<1x16xf32> to vector<16xf32>
        %add3A_1014 = arith.addf %scan3A_970, %get3A_1013 : vector<16xf32>
        %mul3A_1015 = arith.constant 8 : i32
        %mul3A_1016 = arith.muli %scan3A_966, %mul3A_1015 : i32
        %add3A_1017 = arith.constant 1200 : i32
        %add3A_1018 = arith.addi %add3A_1017, %mul3A_1016 : i32
        %add3A_1019 = arith.constant 2 : i32
        %add3A_1020 = arith.addi %add3A_1018, %add3A_1019 : i32
        %get3A_1021 = arith.index_cast %add3A_1020 : i32 to index
        %get3A_1022 = arith.constant 0 : index
        %get3A_1023 = tpu.vector_load %arg8[%get3A_1021, %get3A_1022] {strides = array<i32>} : memref<1600x32xf32, #tpu.memory_space<vmem>>, vector<1x16xf32>,
        %get3A_1024 = vector.shape_cast %get3A_1023 : vector<1x16xf32> to vector<16xf32>
        %add3A_1025 = arith.addf %scan3A_971, %get3A_1024 : vector<16xf32>
        %get3A_1026 = arith.index_cast %add3A_1020 : i32 to index
        %get3A_1027 = arith.constant 16 : index
        %get3A_1028 = tpu.vector_load %arg8[%get3A_1026, %get3A_1027] {strides = array<i32>} : memref<1600x32xf32, #tpu.memory_space<vmem>>, vector<1x16xf32>,
        %get3A_1029 = vector.shape_cast %get3A_1028 : vector<1x16xf32> to vector<16xf32>
        %add3A_1030 = arith.addf %scan3A_972, %get3A_1029 : vector<16xf32>
        %mul3A_1031 = arith.constant 8 : i32
        %mul3A_1032 = arith.muli %scan3A_966, %mul3A_1031 : i32
        %add3A_1033 = arith.constant 1200 : i32
        %add3A_1034 = arith.addi %add3A_1033, %mul3A_1032 : i32
        %add3A_1035 = arith.constant 3 : i32
        %add3A_1036 = arith.addi %add3A_1034, %add3A_1035 : i32
        %get3A_1037 = arith.index_cast %add3A_1036 : i32 to index
        %get3A_1038 = arith.constant 0 : index
        %get3A_1039 = tpu.vector_load %arg8[%get3A_1037, %get3A_1038] {strides = array<i32>} : memref<1600x32xf32, #tpu.memory_space<vmem>>, vector<1x16xf32>,
        %get3A_1040 = vector.shape_cast %get3A_1039 : vector<1x16xf32> to vector<16xf32>
        %add3A_1041 = arith.addf %scan3A_973, %get3A_1040 : vector<16xf32>
        %get3A_1042 = arith.index_cast %add3A_1036 : i32 to index
        %get3A_1043 = arith.constant 16 : index
        %get3A_1044 = tpu.vector_load %arg8[%get3A_1042, %get3A_1043] {strides = array<i32>} : memref<1600x32xf32, #tpu.memory_space<vmem>>, vector<1x16xf32>,
        %get3A_1045 = vector.shape_cast %get3A_1044 : vector<1x16xf32> to vector<16xf32>
        %add3A_1046 = arith.addf %scan3A_974, %get3A_1045 : vector<16xf32>
        %mul3A_1047 = arith.constant 8 : i32
        %mul3A_1048 = arith.muli %scan3A_966, %mul3A_1047 : i32
        %add3A_1049 = arith.constant 1200 : i32
        %add3A_1050 = arith.addi %add3A_1049, %mul3A_1048 : i32
        %add3A_1051 = arith.constant 4 : i32
        %add3A_1052 = arith.addi %add3A_1050, %add3A_1051 : i32
        %get3A_1053 = arith.index_cast %add3A_1052 : i32 to index
        %get3A_1054 = arith.constant 0 : index
        %get3A_1055 = tpu.vector_load %arg8[%get3A_1053, %get3A_1054] {strides = array<i32>} : memref<1600x32xf32, #tpu.memory_space<vmem>>, vector<1x16xf32>,
        %get3A_1056 = vector.shape_cast %get3A_1055 : vector<1x16xf32> to vector<16xf32>
        %add3A_1057 = arith.addf %scan3A_975, %get3A_1056 : vector<16xf32>
        %get3A_1058 = arith.index_cast %add3A_1052 : i32 to index
        %get3A_1059 = arith.constant 16 : index
        %get3A_1060 = tpu.vector_load %arg8[%get3A_1058, %get3A_1059] {strides = array<i32>} : memref<1600x32xf32, #tpu.memory_space<vmem>>, vector<1x16xf32>,
        %get3A_1061 = vector.shape_cast %get3A_1060 : vector<1x16xf32> to vector<16xf32>
        %add3A_1062 = arith.addf %scan3A_976, %get3A_1061 : vector<16xf32>
        %mul3A_1063 = arith.constant 8 : i32
        %mul3A_1064 = arith.muli %scan3A_966, %mul3A_1063 : i32
        %add3A_1065 = arith.constant 1200 : i32
        %add3A_1066 = arith.addi %add3A_1065, %mul3A_1064 : i32
        %add3A_1067 = arith.constant 5 : i32
        %add3A_1068 = arith.addi %add3A_1066, %add3A_1067 : i32
        %get3A_1069 = arith.index_cast %add3A_1068 : i32 to index
        %get3A_1070 = arith.constant 0 : index
        %get3A_1071 = tpu.vector_load %arg8[%get3A_1069, %get3A_1070] {strides = array<i32>} : memref<1600x32xf32, #tpu.memory_space<vmem>>, vector<1x16xf32>,
        %get3A_1072 = vector.shape_cast %get3A_1071 : vector<1x16xf32> to vector<16xf32>
        %add3A_1073 = arith.addf %scan3A_977, %get3A_1072 : vector<16xf32>
        %get3A_1074 = arith.index_cast %add3A_1068 : i32 to index
        %get3A_1075 = arith.constant 16 : index
        %get3A_1076 = tpu.vector_load %arg8[%get3A_1074, %get3A_1075] {strides = array<i32>} : memref<1600x32xf32, #tpu.memory_space<vmem>>, vector<1x16xf32>,
        %get3A_1077 = vector.shape_cast %get3A_1076 : vector<1x16xf32> to vector<16xf32>
        %add3A_1078 = arith.addf %scan3A_978, %get3A_1077 : vector<16xf32>
        %mul3A_1079 = arith.constant 8 : i32
        %mul3A_1080 = arith.muli %scan3A_966, %mul3A_1079 : i32
        %add3A_1081 = arith.constant 1200 : i32
        %add3A_1082 = arith.addi %add3A_1081, %mul3A_1080 : i32
        %add3A_1083 = arith.constant 6 : i32
        %add3A_1084 = arith.addi %add3A_1082, %add3A_1083 : i32
        %get3A_1085 = arith.index_cast %add3A_1084 : i32 to index
        %get3A_1086 = arith.constant 0 : index
        %get3A_1087 = tpu.vector_load %arg8[%get3A_1085, %get3A_1086] {strides = array<i32>} : memref<1600x32xf32, #tpu.memory_space<vmem>>, vector<1x16xf32>,
        %get3A_1088 = vector.shape_cast %get3A_1087 : vector<1x16xf32> to vector<16xf32>
        %add3A_1089 = arith.addf %scan3A_979, %get3A_1088 : vector<16xf32>
        %get3A_1090 = arith.index_cast %add3A_1084 : i32 to index
        %get3A_1091 = arith.constant 16 : index
        %get3A_1092 = tpu.vector_load %arg8[%get3A_1090, %get3A_1091] {strides = array<i32>} : memref<1600x32xf32, #tpu.memory_space<vmem>>, vector<1x16xf32>,
        %get3A_1093 = vector.shape_cast %get3A_1092 : vector<1x16xf32> to vector<16xf32>
        %add3A_1094 = arith.addf %scan3A_980, %get3A_1093 : vector<16xf32>
        %mul3A_1095 = arith.constant 8 : i32
        %mul3A_1096 = arith.muli %scan3A_966, %mul3A_1095 : i32
        %add3A_1097 = arith.constant 1200 : i32
        %add3A_1098 = arith.addi %add3A_1097, %mul3A_1096 : i32
        %add3A_1099 = arith.constant 7 : i32
        %add3A_1100 = arith.addi %add3A_1098, %add3A_1099 : i32
        %get3A_1101 = arith.index_cast %add3A_1100 : i32 to index
        %get3A_1102 = arith.constant 0 : index
        %get3A_1103 = tpu.vector_load %arg8[%get3A_1101, %get3A_1102] {strides = array<i32>} : memref<1600x32xf32, #tpu.memory_space<vmem>>, vector<1x16xf32>,
        %get3A_1104 = vector.shape_cast %get3A_1103 : vector<1x16xf32> to vector<16xf32>
        %add3A_1105 = arith.addf %scan3A_981, %get3A_1104 : vector<16xf32>
        %get3A_1106 = arith.index_cast %add3A_1100 : i32 to index
        %get3A_1107 = arith.constant 16 : index
        %get3A_1108 = tpu.vector_load %arg8[%get3A_1106, %get3A_1107] {strides = array<i32>} : memref<1600x32xf32, #tpu.memory_space<vmem>>, vector<1x16xf32>,
        %get3A_1109 = vector.shape_cast %get3A_1108 : vector<1x16xf32> to vector<16xf32>
        %add3A_1110 = arith.addf %scan3A_982, %get3A_1109 : vector<16xf32>
        scf.yield %add3A_993, %add3A_998, %add3A_1009, %add3A_1014, %add3A_1025, %add3A_1030, %add3A_1041, %add3A_1046, %add3A_1057, %add3A_1062, %add3A_1073, %add3A_1078, %add3A_1089, %add3A_1094, %add3A_1105, %add3A_1110 : vector<16xf32>, vector<16xf32>, vector<16xf32>, vector<16xf32>, vector<16xf32>, vector<16xf32>, vector<16xf32>, vector<16xf32>, vector<16xf32>, vector<16xf32>, vector<16xf32>, vector<16xf32>, vector<16xf32>, vector<16xf32>, vector<16xf32>, vector<16xf32>
      }
      %scan3A_588 = arith.constant 25 : i32
      %add3A_589 = arith.addf %scan3A_587#0, %scan3A_587#2 : vector<16xf32>
      %add3A_590 = arith.addf %scan3A_587#4, %scan3A_587#6 : vector<16xf32>
      %add3A_591 = arith.addf %add3A_589, %add3A_590 : vector<16xf32>
      %add3A_592 = arith.addf %scan3A_587#8, %scan3A_587#10 : vector<16xf32>
      %add3A_593 = arith.addf %scan3A_587#12, %scan3A_587#14 : vector<16xf32>
      %add3A_594 = arith.addf %add3A_592, %add3A_593 : vector<16xf32>
      %add3A_595 = arith.addf %add3A_591, %add3A_594 : vector<16xf32>
      %add3A_596 = arith.addf %scan3A_587#1, %scan3A_587#3 : vector<16xf32>
      %add3A_597 = arith.addf %scan3A_587#5, %scan3A_587#7 : vector<16xf32>
      %add3A_598 = arith.addf %add3A_596, %add3A_597 : vector<16xf32>
      %add3A_599 = arith.addf %scan3A_587#9, %scan3A_587#11 : vector<16xf32>
      %add3A_600 = arith.addf %scan3A_587#13, %scan3A_587#15 : vector<16xf32>
      %add3A_601 = arith.addf %add3A_599, %add3A_600 : vector<16xf32>
      %add3A_602 = arith.addf %add3A_598, %add3A_601 : vector<16xf32>
      %add3A_603 = arith.addf %add3A_595, %get3A_2 : vector<16xf32>
      %swap3A_604 = arith.constant 6 : i32
      %swap3A_605 = arith.index_cast %swap3A_604 : i32 to index
      %swap3A_606 = arith.constant 0 : index
      %swap3A_607 = tpu.vector_load %arg10[%swap3A_605, %swap3A_606] {strides = array<i32>} : memref<8x32xf32, #tpu.memory_space<vmem>>, vector<1x16xf32>,
      %swap3A_608 = vector.shape_cast %swap3A_607 : vector<1x16xf32> to vector<16xf32>
      %swap3A_609 = vector.shape_cast %add3A_603 : vector<16xf32> to vector<1x16xf32>
      tpu.vector_store %arg10[%swap3A_605, %swap3A_606], %swap3A_609 {strides = array<i32>} : memref<8x32xf32, #tpu.memory_space<vmem>>, vector<1x16xf32>,
      %add3A_610 = arith.addf %add3A_602, %get3A_5 : vector<16xf32>
      %swap3A_611 = arith.constant 6 : i32
      %swap3A_612 = arith.index_cast %swap3A_611 : i32 to index
      %swap3A_613 = arith.constant 16 : index
      %swap3A_614 = tpu.vector_load %arg10[%swap3A_612, %swap3A_613] {strides = array<i32>} : memref<8x32xf32, #tpu.memory_space<vmem>>, vector<1x16xf32>,
      %swap3A_615 = vector.shape_cast %swap3A_614 : vector<1x16xf32> to vector<16xf32>
      %swap3A_616 = vector.shape_cast %add3A_610 : vector<16xf32> to vector<1x16xf32>
      tpu.vector_store %arg10[%swap3A_612, %swap3A_613], %swap3A_616 {strides = array<i32>} : memref<8x32xf32, #tpu.memory_space<vmem>>, vector<1x16xf32>,
      %broadcast_in_dim3A_617 = arith.constant 0.000000e+00 : f32
      %broadcast_in_dim3A_618 = vector.broadcast %broadcast_in_dim3A_617 : f32 to vector<16xf32>
      %scan3A_619 = arith.constant 0 : i32
      %scan3A_620 = arith.constant 25 : i32
      %scan3A_621 = arith.addi %scan3A_619, %scan3A_620 : i32
      %scan3A_622 = arith.constant 1 : i32
      %scan3A_623:16 = scf.for %scan3A_966 = %scan3A_619 to %scan3A_621 step %scan3A_622 iter_args(%scan3A_967 = %broadcast_in_dim3A_618, %scan3A_968 = %broadcast_in_dim3A_618, %scan3A_969 = %broadcast_in_dim3A_618, %scan3A_970 = %broadcast_in_dim3A_618, %scan3A_971 = %broadcast_in_dim3A_618, %scan3A_972 = %broadcast_in_dim3A_618, %scan3A_973 = %broadcast_in_dim3A_618, %scan3A_974 = %broadcast_in_dim3A_618, %scan3A_975 = %broadcast_in_dim3A_618, %scan3A_976 = %broadcast_in_dim3A_618, %scan3A_977 = %broadcast_in_dim3A_618, %scan3A_978 = %broadcast_in_dim3A_618, %scan3A_979 = %broadcast_in_dim3A_618, %scan3A_980 = %broadcast_in_dim3A_618, %scan3A_981 = %broadcast_in_dim3A_618, %scan3A_982 = %broadcast_in_dim3A_618) -> (vector<16xf32>, vector<16xf32>, vector<16xf32>, vector<16xf32>, vector<16xf32>, vector<16xf32>, vector<16xf32>, vector<16xf32>, vector<16xf32>, vector<16xf32>, vector<16xf32>, vector<16xf32>, vector<16xf32>, vector<16xf32>, vector<16xf32>, vector<16xf32>)  : i32 {
        %mul3A_983 = arith.constant 8 : i32
        %mul3A_984 = arith.muli %scan3A_966, %mul3A_983 : i32
        %add3A_985 = arith.constant 1400 : i32
        %add3A_986 = arith.addi %add3A_985, %mul3A_984 : i32
        %add3A_987 = arith.constant 0 : i32
        %add3A_988 = arith.addi %add3A_986, %add3A_987 : i32
        %get3A_989 = arith.index_cast %add3A_988 : i32 to index
        %get3A_990 = arith.constant 0 : index
        %get3A_991 = tpu.vector_load %arg8[%get3A_989, %get3A_990] {strides = array<i32>} : memref<1600x32xf32, #tpu.memory_space<vmem>>, vector<1x16xf32>,
        %get3A_992 = vector.shape_cast %get3A_991 : vector<1x16xf32> to vector<16xf32>
        %add3A_993 = arith.addf %scan3A_967, %get3A_992 : vector<16xf32>
        %get3A_994 = arith.index_cast %add3A_988 : i32 to index
        %get3A_995 = arith.constant 16 : index
        %get3A_996 = tpu.vector_load %arg8[%get3A_994, %get3A_995] {strides = array<i32>} : memref<1600x32xf32, #tpu.memory_space<vmem>>, vector<1x16xf32>,
        %get3A_997 = vector.shape_cast %get3A_996 : vector<1x16xf32> to vector<16xf32>
        %add3A_998 = arith.addf %scan3A_968, %get3A_997 : vector<16xf32>
        %mul3A_999 = arith.constant 8 : i32
        %mul3A_1000 = arith.muli %scan3A_966, %mul3A_999 : i32
        %add3A_1001 = arith.constant 1400 : i32
        %add3A_1002 = arith.addi %add3A_1001, %mul3A_1000 : i32
        %add3A_1003 = arith.constant 1 : i32
        %add3A_1004 = arith.addi %add3A_1002, %add3A_1003 : i32
        %get3A_1005 = arith.index_cast %add3A_1004 : i32 to index
        %get3A_1006 = arith.constant 0 : index
        %get3A_1007 = tpu.vector_load %arg8[%get3A_1005, %get3A_1006] {strides = array<i32>} : memref<1600x32xf32, #tpu.memory_space<vmem>>, vector<1x16xf32>,
        %get3A_1008 = vector.shape_cast %get3A_1007 : vector<1x16xf32> to vector<16xf32>
        %add3A_1009 = arith.addf %scan3A_969, %get3A_1008 : vector<16xf32>
        %get3A_1010 = arith.index_cast %add3A_1004 : i32 to index
        %get3A_1011 = arith.constant 16 : index
        %get3A_1012 = tpu.vector_load %arg8[%get3A_1010, %get3A_1011] {strides = array<i32>} : memref<1600x32xf32, #tpu.memory_space<vmem>>, vector<1x16xf32>,
        %get3A_1013 = vector.shape_cast %get3A_1012 : vector<1x16xf32> to vector<16xf32>
        %add3A_1014 = arith.addf %scan3A_970, %get3A_1013 : vector<16xf32>
        %mul3A_1015 = arith.constant 8 : i32
        %mul3A_1016 = arith.muli %scan3A_966, %mul3A_1015 : i32
        %add3A_1017 = arith.constant 1400 : i32
        %add3A_1018 = arith.addi %add3A_1017, %mul3A_1016 : i32
        %add3A_1019 = arith.constant 2 : i32
        %add3A_1020 = arith.addi %add3A_1018, %add3A_1019 : i32
        %get3A_1021 = arith.index_cast %add3A_1020 : i32 to index
        %get3A_1022 = arith.constant 0 : index
        %get3A_1023 = tpu.vector_load %arg8[%get3A_1021, %get3A_1022] {strides = array<i32>} : memref<1600x32xf32, #tpu.memory_space<vmem>>, vector<1x16xf32>,
        %get3A_1024 = vector.shape_cast %get3A_1023 : vector<1x16xf32> to vector<16xf32>
        %add3A_1025 = arith.addf %scan3A_971, %get3A_1024 : vector<16xf32>
        %get3A_1026 = arith.index_cast %add3A_1020 : i32 to index
        %get3A_1027 = arith.constant 16 : index
        %get3A_1028 = tpu.vector_load %arg8[%get3A_1026, %get3A_1027] {strides = array<i32>} : memref<1600x32xf32, #tpu.memory_space<vmem>>, vector<1x16xf32>,
        %get3A_1029 = vector.shape_cast %get3A_1028 : vector<1x16xf32> to vector<16xf32>
        %add3A_1030 = arith.addf %scan3A_972, %get3A_1029 : vector<16xf32>
        %mul3A_1031 = arith.constant 8 : i32
        %mul3A_1032 = arith.muli %scan3A_966, %mul3A_1031 : i32
        %add3A_1033 = arith.constant 1400 : i32
        %add3A_1034 = arith.addi %add3A_1033, %mul3A_1032 : i32
        %add3A_1035 = arith.constant 3 : i32
        %add3A_1036 = arith.addi %add3A_1034, %add3A_1035 : i32
        %get3A_1037 = arith.index_cast %add3A_1036 : i32 to index
        %get3A_1038 = arith.constant 0 : index
        %get3A_1039 = tpu.vector_load %arg8[%get3A_1037, %get3A_1038] {strides = array<i32>} : memref<1600x32xf32, #tpu.memory_space<vmem>>, vector<1x16xf32>,
        %get3A_1040 = vector.shape_cast %get3A_1039 : vector<1x16xf32> to vector<16xf32>
        %add3A_1041 = arith.addf %scan3A_973, %get3A_1040 : vector<16xf32>
        %get3A_1042 = arith.index_cast %add3A_1036 : i32 to index
        %get3A_1043 = arith.constant 16 : index
        %get3A_1044 = tpu.vector_load %arg8[%get3A_1042, %get3A_1043] {strides = array<i32>} : memref<1600x32xf32, #tpu.memory_space<vmem>>, vector<1x16xf32>,
        %get3A_1045 = vector.shape_cast %get3A_1044 : vector<1x16xf32> to vector<16xf32>
        %add3A_1046 = arith.addf %scan3A_974, %get3A_1045 : vector<16xf32>
        %mul3A_1047 = arith.constant 8 : i32
        %mul3A_1048 = arith.muli %scan3A_966, %mul3A_1047 : i32
        %add3A_1049 = arith.constant 1400 : i32
        %add3A_1050 = arith.addi %add3A_1049, %mul3A_1048 : i32
        %add3A_1051 = arith.constant 4 : i32
        %add3A_1052 = arith.addi %add3A_1050, %add3A_1051 : i32
        %get3A_1053 = arith.index_cast %add3A_1052 : i32 to index
        %get3A_1054 = arith.constant 0 : index
        %get3A_1055 = tpu.vector_load %arg8[%get3A_1053, %get3A_1054] {strides = array<i32>} : memref<1600x32xf32, #tpu.memory_space<vmem>>, vector<1x16xf32>,
        %get3A_1056 = vector.shape_cast %get3A_1055 : vector<1x16xf32> to vector<16xf32>
        %add3A_1057 = arith.addf %scan3A_975, %get3A_1056 : vector<16xf32>
        %get3A_1058 = arith.index_cast %add3A_1052 : i32 to index
        %get3A_1059 = arith.constant 16 : index
        %get3A_1060 = tpu.vector_load %arg8[%get3A_1058, %get3A_1059] {strides = array<i32>} : memref<1600x32xf32, #tpu.memory_space<vmem>>, vector<1x16xf32>,
        %get3A_1061 = vector.shape_cast %get3A_1060 : vector<1x16xf32> to vector<16xf32>
        %add3A_1062 = arith.addf %scan3A_976, %get3A_1061 : vector<16xf32>
        %mul3A_1063 = arith.constant 8 : i32
        %mul3A_1064 = arith.muli %scan3A_966, %mul3A_1063 : i32
        %add3A_1065 = arith.constant 1400 : i32
        %add3A_1066 = arith.addi %add3A_1065, %mul3A_1064 : i32
        %add3A_1067 = arith.constant 5 : i32
        %add3A_1068 = arith.addi %add3A_1066, %add3A_1067 : i32
        %get3A_1069 = arith.index_cast %add3A_1068 : i32 to index
        %get3A_1070 = arith.constant 0 : index
        %get3A_1071 = tpu.vector_load %arg8[%get3A_1069, %get3A_1070] {strides = array<i32>} : memref<1600x32xf32, #tpu.memory_space<vmem>>, vector<1x16xf32>,
        %get3A_1072 = vector.shape_cast %get3A_1071 : vector<1x16xf32> to vector<16xf32>
        %add3A_1073 = arith.addf %scan3A_977, %get3A_1072 : vector<16xf32>
        %get3A_1074 = arith.index_cast %add3A_1068 : i32 to index
        %get3A_1075 = arith.constant 16 : index
        %get3A_1076 = tpu.vector_load %arg8[%get3A_1074, %get3A_1075] {strides = array<i32>} : memref<1600x32xf32, #tpu.memory_space<vmem>>, vector<1x16xf32>,
        %get3A_1077 = vector.shape_cast %get3A_1076 : vector<1x16xf32> to vector<16xf32>
        %add3A_1078 = arith.addf %scan3A_978, %get3A_1077 : vector<16xf32>
        %mul3A_1079 = arith.constant 8 : i32
        %mul3A_1080 = arith.muli %scan3A_966, %mul3A_1079 : i32
        %add3A_1081 = arith.constant 1400 : i32
        %add3A_1082 = arith.addi %add3A_1081, %mul3A_1080 : i32
        %add3A_1083 = arith.constant 6 : i32
        %add3A_1084 = arith.addi %add3A_1082, %add3A_1083 : i32
        %get3A_1085 = arith.index_cast %add3A_1084 : i32 to index
        %get3A_1086 = arith.constant 0 : index
        %get3A_1087 = tpu.vector_load %arg8[%get3A_1085, %get3A_1086] {strides = array<i32>} : memref<1600x32xf32, #tpu.memory_space<vmem>>, vector<1x16xf32>,
        %get3A_1088 = vector.shape_cast %get3A_1087 : vector<1x16xf32> to vector<16xf32>
        %add3A_1089 = arith.addf %scan3A_979, %get3A_1088 : vector<16xf32>
        %get3A_1090 = arith.index_cast %add3A_1084 : i32 to index
        %get3A_1091 = arith.constant 16 : index
        %get3A_1092 = tpu.vector_load %arg8[%get3A_1090, %get3A_1091] {strides = array<i32>} : memref<1600x32xf32, #tpu.memory_space<vmem>>, vector<1x16xf32>,
        %get3A_1093 = vector.shape_cast %get3A_1092 : vector<1x16xf32> to vector<16xf32>
        %add3A_1094 = arith.addf %scan3A_980, %get3A_1093 : vector<16xf32>
        %mul3A_1095 = arith.constant 8 : i32
        %mul3A_1096 = arith.muli %scan3A_966, %mul3A_1095 : i32
        %add3A_1097 = arith.constant 1400 : i32
        %add3A_1098 = arith.addi %add3A_1097, %mul3A_1096 : i32
        %add3A_1099 = arith.constant 7 : i32
        %add3A_1100 = arith.addi %add3A_1098, %add3A_1099 : i32
        %get3A_1101 = arith.index_cast %add3A_1100 : i32 to index
        %get3A_1102 = arith.constant 0 : index
        %get3A_1103 = tpu.vector_load %arg8[%get3A_1101, %get3A_1102] {strides = array<i32>} : memref<1600x32xf32, #tpu.memory_space<vmem>>, vector<1x16xf32>,
        %get3A_1104 = vector.shape_cast %get3A_1103 : vector<1x16xf32> to vector<16xf32>
        %add3A_1105 = arith.addf %scan3A_981, %get3A_1104 : vector<16xf32>
        %get3A_1106 = arith.index_cast %add3A_1100 : i32 to index
        %get3A_1107 = arith.constant 16 : index
        %get3A_1108 = tpu.vector_load %arg8[%get3A_1106, %get3A_1107] {strides = array<i32>} : memref<1600x32xf32, #tpu.memory_space<vmem>>, vector<1x16xf32>,
        %get3A_1109 = vector.shape_cast %get3A_1108 : vector<1x16xf32> to vector<16xf32>
        %add3A_1110 = arith.addf %scan3A_982, %get3A_1109 : vector<16xf32>
        scf.yield %add3A_993, %add3A_998, %add3A_1009, %add3A_1014, %add3A_1025, %add3A_1030, %add3A_1041, %add3A_1046, %add3A_1057, %add3A_1062, %add3A_1073, %add3A_1078, %add3A_1089, %add3A_1094, %add3A_1105, %add3A_1110 : vector<16xf32>, vector<16xf32>, vector<16xf32>, vector<16xf32>, vector<16xf32>, vector<16xf32>, vector<16xf32>, vector<16xf32>, vector<16xf32>, vector<16xf32>, vector<16xf32>, vector<16xf32>, vector<16xf32>, vector<16xf32>, vector<16xf32>, vector<16xf32>
      }
      %scan3A_624 = arith.constant 25 : i32
      %add3A_625 = arith.addf %scan3A_623#0, %scan3A_623#2 : vector<16xf32>
      %add3A_626 = arith.addf %scan3A_623#4, %scan3A_623#6 : vector<16xf32>
      %add3A_627 = arith.addf %add3A_625, %add3A_626 : vector<16xf32>
      %add3A_628 = arith.addf %scan3A_623#8, %scan3A_623#10 : vector<16xf32>
      %add3A_629 = arith.addf %scan3A_623#12, %scan3A_623#14 : vector<16xf32>
      %add3A_630 = arith.addf %add3A_628, %add3A_629 : vector<16xf32>
      %add3A_631 = arith.addf %add3A_627, %add3A_630 : vector<16xf32>
      %add3A_632 = arith.addf %scan3A_623#1, %scan3A_623#3 : vector<16xf32>
      %add3A_633 = arith.addf %scan3A_623#5, %scan3A_623#7 : vector<16xf32>
      %add3A_634 = arith.addf %add3A_632, %add3A_633 : vector<16xf32>
      %add3A_635 = arith.addf %scan3A_623#9, %scan3A_623#11 : vector<16xf32>
      %add3A_636 = arith.addf %scan3A_623#13, %scan3A_623#15 : vector<16xf32>
      %add3A_637 = arith.addf %add3A_635, %add3A_636 : vector<16xf32>
      %add3A_638 = arith.addf %add3A_634, %add3A_637 : vector<16xf32>
      %add3A_639 = arith.addf %add3A_631, %get3A_2 : vector<16xf32>
      %swap3A_640 = arith.constant 7 : i32
      %swap3A_641 = arith.index_cast %swap3A_640 : i32 to index
      %swap3A_642 = arith.constant 0 : index
      %swap3A_643 = tpu.vector_load %arg10[%swap3A_641, %swap3A_642] {strides = array<i32>} : memref<8x32xf32, #tpu.memory_space<vmem>>, vector<1x16xf32>,
      %swap3A_644 = vector.shape_cast %swap3A_643 : vector<1x16xf32> to vector<16xf32>
      %swap3A_645 = vector.shape_cast %add3A_639 : vector<16xf32> to vector<1x16xf32>
      tpu.vector_store %arg10[%swap3A_641, %swap3A_642], %swap3A_645 {strides = array<i32>} : memref<8x32xf32, #tpu.memory_space<vmem>>, vector<1x16xf32>,
      %add3A_646 = arith.addf %add3A_638, %get3A_5 : vector<16xf32>
      %swap3A_647 = arith.constant 7 : i32
      %swap3A_648 = arith.index_cast %swap3A_647 : i32 to index
      %swap3A_649 = arith.constant 16 : index
      %swap3A_650 = tpu.vector_load %arg10[%swap3A_648, %swap3A_649] {strides = array<i32>} : memref<8x32xf32, #tpu.memory_space<vmem>>, vector<1x16xf32>,
      %swap3A_651 = vector.shape_cast %swap3A_650 : vector<1x16xf32> to vector<16xf32>
      %swap3A_652 = vector.shape_cast %add3A_646 : vector<16xf32> to vector<1x16xf32>
      tpu.vector_store %arg10[%swap3A_648, %swap3A_649], %swap3A_652 {strides = array<i32>} : memref<8x32xf32, #tpu.memory_space<vmem>>, vector<1x16xf32>,
      %mul3A_653 = arith.constant 8 : i32
      %mul3A_654 = arith.muli %add3A_366, %mul3A_653 : i32
      "tpu.region"() ({
        %run_scoped3A = tpu.sem_alloc : memref<!tpu.dma_semaphore, #tpu.memory_space<semaphore_mem>>
        %dma_start3A_966 = arith.constant 0 : i32
        %dma_start3A_967 = tpu.memref_slice %arg5[%mul3A_654, %dma_start3A_966] : memref<16384x32xf32, #tpu.memory_space<hbm>> -> memref<8x32xf32, #tpu.memory_space<hbm>>
        %dma_start3A_968 = arith.constant 0 : i32
        %dma_start3A_969 = tpu.memref_slice %arg5[%mul3A_654, %dma_start3A_968] : memref<16384x32xf32, #tpu.memory_space<hbm>> -> memref<8x32xf32, #tpu.memory_space<hbm>>
        tpu.enqueue_dma source(%arg10 : memref<8x32xf32, #tpu.memory_space<vmem>>) target(%dma_start3A_969 : memref<8x32xf32, #tpu.memory_space<hbm>>) target_semaphore(%run_scoped3A : memref<!tpu.dma_semaphore, #tpu.memory_space<semaphore_mem>>)
        %dma_wait3A_970 = arith.constant 0 : i32
        %dma_wait3A_971 = tpu.memref_slice %arg5[%mul3A_654, %dma_wait3A_970] : memref<16384x32xf32, #tpu.memory_space<hbm>> -> memref<8x32xf32, #tpu.memory_space<hbm>>
        %dma_wait3A_972 = arith.constant 0 : i32
        %dma_wait3A_973 = tpu.memref_slice %arg5[%mul3A_654, %dma_wait3A_972] : memref<16384x32xf32, #tpu.memory_space<hbm>> -> memref<8x32xf32, #tpu.memory_space<hbm>>
        tpu.wait_dma2 semaphore(%run_scoped3A : memref<!tpu.dma_semaphore, #tpu.memory_space<semaphore_mem>>) src(%arg10 : memref<8x32xf32, #tpu.memory_space<vmem>>) dst(%dma_wait3A_973 : memref<8x32xf32, #tpu.memory_space<hbm>>)
        tpu.yield
      }) : () -> ()
      %lt3A_655 = arith.constant 31 : i32
      %lt3A_656 = arith.cmpi slt, %scan3A_189, %lt3A_655 : i32
      %convert_element_type3A_657 = arith.extui %lt3A_656 : i1 to i32
      %cond3A_658 = arith.constant 0 : i32
      %cond3A_659 = arith.cmpi ne, %convert_element_type3A_657, %cond3A_658 : i32
      scf.if %cond3A_659 {
        %dma_wait3A_966 = arith.constant 0 : i32
        %dma_wait3A_967 = tpu.memref_slice %arg2[%dma_wait3A_966] : memref<3276800xi32, #tpu.memory_space<hbm>> -> memref<1600xi32, #tpu.memory_space<hbm>>
        %dma_wait3A_968 = arith.constant 0 : i32
        %dma_wait3A_969 = tpu.memref_slice %arg2[%dma_wait3A_968] : memref<3276800xi32, #tpu.memory_space<hbm>> -> memref<1600xi32, #tpu.memory_space<hbm>>
        tpu.wait_dma2 semaphore(%arg14 : memref<!tpu.dma_semaphore, #tpu.memory_space<semaphore_mem>>) src(%dma_wait3A_969 : memref<1600xi32, #tpu.memory_space<hbm>>) dst(%arg6 : memref<1600xi32, #tpu.memory_space<vmem>>)
        %dma_start3A_970 = arith.constant 0 : i32
        %dma_start3A_971 = arith.constant 0 : i32
        %dma_start3A_972 = tpu.memref_slice %arg8[%dma_start3A_970, %dma_start3A_971] : memref<1600x32xf32, #tpu.memory_space<vmem>> -> memref<80x32xf32, #tpu.memory_space<vmem>>
        %dma_start3A_973 = arith.constant 0 : i32
        %dma_start3A_974 = tpu.memref_slice %arg6[%dma_start3A_973] : memref<1600xi32, #tpu.memory_space<vmem>> -> memref<80xi32, #tpu.memory_space<vmem>>
        %dma_start3A_975 = arith.constant 0 : i32
        %dma_start3A_976 = arith.constant 0 : i32
        %dma_start3A_977 = tpu.memref_slice %arg3[%dma_start3A_975, %dma_start3A_976] : memref<1015808x32xf32, #tpu.memory_space<hbm>> -> memref<1015808x32xf32, #tpu.memory_space<hbm>>
        tpu.enqueue_indirect_dma source(%dma_start3A_977 : memref<1015808x32xf32, #tpu.memory_space<hbm>>) target(%dma_start3A_972 : memref<80x32xf32, #tpu.memory_space<vmem>>) offsets(%dma_start3A_974 : memref<80xi32, #tpu.memory_space<vmem>>) semaphore(%arg12 : memref<!tpu.dma_semaphore, #tpu.memory_space<semaphore_mem>>)
        %dma_start3A_978 = arith.constant 80 : i32
        %dma_start3A_979 = arith.constant 0 : i32
        %dma_start3A_980 = tpu.memref_slice %arg8[%dma_start3A_978, %dma_start3A_979] : memref<1600x32xf32, #tpu.memory_space<vmem>> -> memref<80x32xf32, #tpu.memory_space<vmem>>
        %dma_start3A_981 = arith.constant 80 : i32
        %dma_start3A_982 = tpu.memref_slice %arg6[%dma_start3A_981] : memref<1600xi32, #tpu.memory_space<vmem>> -> memref<80xi32, #tpu.memory_space<vmem>>
        %dma_start3A_983 = arith.constant 0 : i32
        %dma_start3A_984 = arith.constant 0 : i32
        %dma_start3A_985 = tpu.memref_slice %arg3[%dma_start3A_983, %dma_start3A_984] : memref<1015808x32xf32, #tpu.memory_space<hbm>> -> memref<1015808x32xf32, #tpu.memory_space<hbm>>
        tpu.enqueue_indirect_dma source(%dma_start3A_985 : memref<1015808x32xf32, #tpu.memory_space<hbm>>) target(%dma_start3A_980 : memref<80x32xf32, #tpu.memory_space<vmem>>) offsets(%dma_start3A_982 : memref<80xi32, #tpu.memory_space<vmem>>) semaphore(%arg12 : memref<!tpu.dma_semaphore, #tpu.memory_space<semaphore_mem>>)
        %dma_start3A_986 = arith.constant 160 : i32
        %dma_start3A_987 = arith.constant 0 : i32
        %dma_start3A_988 = tpu.memref_slice %arg8[%dma_start3A_986, %dma_start3A_987] : memref<1600x32xf32, #tpu.memory_space<vmem>> -> memref<80x32xf32, #tpu.memory_space<vmem>>
        %dma_start3A_989 = arith.constant 160 : i32
        %dma_start3A_990 = tpu.memref_slice %arg6[%dma_start3A_989] : memref<1600xi32, #tpu.memory_space<vmem>> -> memref<80xi32, #tpu.memory_space<vmem>>
        %dma_start3A_991 = arith.constant 0 : i32
        %dma_start3A_992 = arith.constant 0 : i32
        %dma_start3A_993 = tpu.memref_slice %arg3[%dma_start3A_991, %dma_start3A_992] : memref<1015808x32xf32, #tpu.memory_space<hbm>> -> memref<1015808x32xf32, #tpu.memory_space<hbm>>
        tpu.enqueue_indirect_dma source(%dma_start3A_993 : memref<1015808x32xf32, #tpu.memory_space<hbm>>) target(%dma_start3A_988 : memref<80x32xf32, #tpu.memory_space<vmem>>) offsets(%dma_start3A_990 : memref<80xi32, #tpu.memory_space<vmem>>) semaphore(%arg12 : memref<!tpu.dma_semaphore, #tpu.memory_space<semaphore_mem>>)
        %dma_start3A_994 = arith.constant 240 : i32
        %dma_start3A_995 = arith.constant 0 : i32
        %dma_start3A_996 = tpu.memref_slice %arg8[%dma_start3A_994, %dma_start3A_995] : memref<1600x32xf32, #tpu.memory_space<vmem>> -> memref<80x32xf32, #tpu.memory_space<vmem>>
        %dma_start3A_997 = arith.constant 240 : i32
        %dma_start3A_998 = tpu.memref_slice %arg6[%dma_start3A_997] : memref<1600xi32, #tpu.memory_space<vmem>> -> memref<80xi32, #tpu.memory_space<vmem>>
        %dma_start3A_999 = arith.constant 0 : i32
        %dma_start3A_1000 = arith.constant 0 : i32
        %dma_start3A_1001 = tpu.memref_slice %arg3[%dma_start3A_999, %dma_start3A_1000] : memref<1015808x32xf32, #tpu.memory_space<hbm>> -> memref<1015808x32xf32, #tpu.memory_space<hbm>>
        tpu.enqueue_indirect_dma source(%dma_start3A_1001 : memref<1015808x32xf32, #tpu.memory_space<hbm>>) target(%dma_start3A_996 : memref<80x32xf32, #tpu.memory_space<vmem>>) offsets(%dma_start3A_998 : memref<80xi32, #tpu.memory_space<vmem>>) semaphore(%arg12 : memref<!tpu.dma_semaphore, #tpu.memory_space<semaphore_mem>>)
        %dma_start3A_1002 = arith.constant 320 : i32
        %dma_start3A_1003 = arith.constant 0 : i32
        %dma_start3A_1004 = tpu.memref_slice %arg8[%dma_start3A_1002, %dma_start3A_1003] : memref<1600x32xf32, #tpu.memory_space<vmem>> -> memref<80x32xf32, #tpu.memory_space<vmem>>
        %dma_start3A_1005 = arith.constant 320 : i32
        %dma_start3A_1006 = tpu.memref_slice %arg6[%dma_start3A_1005] : memref<1600xi32, #tpu.memory_space<vmem>> -> memref<80xi32, #tpu.memory_space<vmem>>
        %dma_start3A_1007 = arith.constant 0 : i32
        %dma_start3A_1008 = arith.constant 0 : i32
        %dma_start3A_1009 = tpu.memref_slice %arg3[%dma_start3A_1007, %dma_start3A_1008] : memref<1015808x32xf32, #tpu.memory_space<hbm>> -> memref<1015808x32xf32, #tpu.memory_space<hbm>>
        tpu.enqueue_indirect_dma source(%dma_start3A_1009 : memref<1015808x32xf32, #tpu.memory_space<hbm>>) target(%dma_start3A_1004 : memref<80x32xf32, #tpu.memory_space<vmem>>) offsets(%dma_start3A_1006 : memref<80xi32, #tpu.memory_space<vmem>>) semaphore(%arg12 : memref<!tpu.dma_semaphore, #tpu.memory_space<semaphore_mem>>)
        %dma_start3A_1010 = arith.constant 400 : i32
        %dma_start3A_1011 = arith.constant 0 : i32
        %dma_start3A_1012 = tpu.memref_slice %arg8[%dma_start3A_1010, %dma_start3A_1011] : memref<1600x32xf32, #tpu.memory_space<vmem>> -> memref<80x32xf32, #tpu.memory_space<vmem>>
        %dma_start3A_1013 = arith.constant 400 : i32
        %dma_start3A_1014 = tpu.memref_slice %arg6[%dma_start3A_1013] : memref<1600xi32, #tpu.memory_space<vmem>> -> memref<80xi32, #tpu.memory_space<vmem>>
        %dma_start3A_1015 = arith.constant 0 : i32
        %dma_start3A_1016 = arith.constant 0 : i32
        %dma_start3A_1017 = tpu.memref_slice %arg3[%dma_start3A_1015, %dma_start3A_1016] : memref<1015808x32xf32, #tpu.memory_space<hbm>> -> memref<1015808x32xf32, #tpu.memory_space<hbm>>
        tpu.enqueue_indirect_dma source(%dma_start3A_1017 : memref<1015808x32xf32, #tpu.memory_space<hbm>>) target(%dma_start3A_1012 : memref<80x32xf32, #tpu.memory_space<vmem>>) offsets(%dma_start3A_1014 : memref<80xi32, #tpu.memory_space<vmem>>) semaphore(%arg12 : memref<!tpu.dma_semaphore, #tpu.memory_space<semaphore_mem>>)
        %dma_start3A_1018 = arith.constant 480 : i32
        %dma_start3A_1019 = arith.constant 0 : i32
        %dma_start3A_1020 = tpu.memref_slice %arg8[%dma_start3A_1018, %dma_start3A_1019] : memref<1600x32xf32, #tpu.memory_space<vmem>> -> memref<80x32xf32, #tpu.memory_space<vmem>>
        %dma_start3A_1021 = arith.constant 480 : i32
        %dma_start3A_1022 = tpu.memref_slice %arg6[%dma_start3A_1021] : memref<1600xi32, #tpu.memory_space<vmem>> -> memref<80xi32, #tpu.memory_space<vmem>>
        %dma_start3A_1023 = arith.constant 0 : i32
        %dma_start3A_1024 = arith.constant 0 : i32
        %dma_start3A_1025 = tpu.memref_slice %arg3[%dma_start3A_1023, %dma_start3A_1024] : memref<1015808x32xf32, #tpu.memory_space<hbm>> -> memref<1015808x32xf32, #tpu.memory_space<hbm>>
        tpu.enqueue_indirect_dma source(%dma_start3A_1025 : memref<1015808x32xf32, #tpu.memory_space<hbm>>) target(%dma_start3A_1020 : memref<80x32xf32, #tpu.memory_space<vmem>>) offsets(%dma_start3A_1022 : memref<80xi32, #tpu.memory_space<vmem>>) semaphore(%arg12 : memref<!tpu.dma_semaphore, #tpu.memory_space<semaphore_mem>>)
        %dma_start3A_1026 = arith.constant 560 : i32
        %dma_start3A_1027 = arith.constant 0 : i32
        %dma_start3A_1028 = tpu.memref_slice %arg8[%dma_start3A_1026, %dma_start3A_1027] : memref<1600x32xf32, #tpu.memory_space<vmem>> -> memref<80x32xf32, #tpu.memory_space<vmem>>
        %dma_start3A_1029 = arith.constant 560 : i32
        %dma_start3A_1030 = tpu.memref_slice %arg6[%dma_start3A_1029] : memref<1600xi32, #tpu.memory_space<vmem>> -> memref<80xi32, #tpu.memory_space<vmem>>
        %dma_start3A_1031 = arith.constant 0 : i32
        %dma_start3A_1032 = arith.constant 0 : i32
        %dma_start3A_1033 = tpu.memref_slice %arg3[%dma_start3A_1031, %dma_start3A_1032] : memref<1015808x32xf32, #tpu.memory_space<hbm>> -> memref<1015808x32xf32, #tpu.memory_space<hbm>>
        tpu.enqueue_indirect_dma source(%dma_start3A_1033 : memref<1015808x32xf32, #tpu.memory_space<hbm>>) target(%dma_start3A_1028 : memref<80x32xf32, #tpu.memory_space<vmem>>) offsets(%dma_start3A_1030 : memref<80xi32, #tpu.memory_space<vmem>>) semaphore(%arg12 : memref<!tpu.dma_semaphore, #tpu.memory_space<semaphore_mem>>)
        %dma_start3A_1034 = arith.constant 640 : i32
        %dma_start3A_1035 = arith.constant 0 : i32
        %dma_start3A_1036 = tpu.memref_slice %arg8[%dma_start3A_1034, %dma_start3A_1035] : memref<1600x32xf32, #tpu.memory_space<vmem>> -> memref<80x32xf32, #tpu.memory_space<vmem>>
        %dma_start3A_1037 = arith.constant 640 : i32
        %dma_start3A_1038 = tpu.memref_slice %arg6[%dma_start3A_1037] : memref<1600xi32, #tpu.memory_space<vmem>> -> memref<80xi32, #tpu.memory_space<vmem>>
        %dma_start3A_1039 = arith.constant 0 : i32
        %dma_start3A_1040 = arith.constant 0 : i32
        %dma_start3A_1041 = tpu.memref_slice %arg3[%dma_start3A_1039, %dma_start3A_1040] : memref<1015808x32xf32, #tpu.memory_space<hbm>> -> memref<1015808x32xf32, #tpu.memory_space<hbm>>
        tpu.enqueue_indirect_dma source(%dma_start3A_1041 : memref<1015808x32xf32, #tpu.memory_space<hbm>>) target(%dma_start3A_1036 : memref<80x32xf32, #tpu.memory_space<vmem>>) offsets(%dma_start3A_1038 : memref<80xi32, #tpu.memory_space<vmem>>) semaphore(%arg12 : memref<!tpu.dma_semaphore, #tpu.memory_space<semaphore_mem>>)
        %dma_start3A_1042 = arith.constant 720 : i32
        %dma_start3A_1043 = arith.constant 0 : i32
        %dma_start3A_1044 = tpu.memref_slice %arg8[%dma_start3A_1042, %dma_start3A_1043] : memref<1600x32xf32, #tpu.memory_space<vmem>> -> memref<80x32xf32, #tpu.memory_space<vmem>>
        %dma_start3A_1045 = arith.constant 720 : i32
        %dma_start3A_1046 = tpu.memref_slice %arg6[%dma_start3A_1045] : memref<1600xi32, #tpu.memory_space<vmem>> -> memref<80xi32, #tpu.memory_space<vmem>>
        %dma_start3A_1047 = arith.constant 0 : i32
        %dma_start3A_1048 = arith.constant 0 : i32
        %dma_start3A_1049 = tpu.memref_slice %arg3[%dma_start3A_1047, %dma_start3A_1048] : memref<1015808x32xf32, #tpu.memory_space<hbm>> -> memref<1015808x32xf32, #tpu.memory_space<hbm>>
        tpu.enqueue_indirect_dma source(%dma_start3A_1049 : memref<1015808x32xf32, #tpu.memory_space<hbm>>) target(%dma_start3A_1044 : memref<80x32xf32, #tpu.memory_space<vmem>>) offsets(%dma_start3A_1046 : memref<80xi32, #tpu.memory_space<vmem>>) semaphore(%arg12 : memref<!tpu.dma_semaphore, #tpu.memory_space<semaphore_mem>>)
        %dma_start3A_1050 = arith.constant 800 : i32
        %dma_start3A_1051 = arith.constant 0 : i32
        %dma_start3A_1052 = tpu.memref_slice %arg8[%dma_start3A_1050, %dma_start3A_1051] : memref<1600x32xf32, #tpu.memory_space<vmem>> -> memref<80x32xf32, #tpu.memory_space<vmem>>
        %dma_start3A_1053 = arith.constant 800 : i32
        %dma_start3A_1054 = tpu.memref_slice %arg6[%dma_start3A_1053] : memref<1600xi32, #tpu.memory_space<vmem>> -> memref<80xi32, #tpu.memory_space<vmem>>
        %dma_start3A_1055 = arith.constant 0 : i32
        %dma_start3A_1056 = arith.constant 0 : i32
        %dma_start3A_1057 = tpu.memref_slice %arg3[%dma_start3A_1055, %dma_start3A_1056] : memref<1015808x32xf32, #tpu.memory_space<hbm>> -> memref<1015808x32xf32, #tpu.memory_space<hbm>>
        tpu.enqueue_indirect_dma source(%dma_start3A_1057 : memref<1015808x32xf32, #tpu.memory_space<hbm>>) target(%dma_start3A_1052 : memref<80x32xf32, #tpu.memory_space<vmem>>) offsets(%dma_start3A_1054 : memref<80xi32, #tpu.memory_space<vmem>>) semaphore(%arg12 : memref<!tpu.dma_semaphore, #tpu.memory_space<semaphore_mem>>)
        %dma_start3A_1058 = arith.constant 880 : i32
        %dma_start3A_1059 = arith.constant 0 : i32
        %dma_start3A_1060 = tpu.memref_slice %arg8[%dma_start3A_1058, %dma_start3A_1059] : memref<1600x32xf32, #tpu.memory_space<vmem>> -> memref<80x32xf32, #tpu.memory_space<vmem>>
        %dma_start3A_1061 = arith.constant 880 : i32
        %dma_start3A_1062 = tpu.memref_slice %arg6[%dma_start3A_1061] : memref<1600xi32, #tpu.memory_space<vmem>> -> memref<80xi32, #tpu.memory_space<vmem>>
        %dma_start3A_1063 = arith.constant 0 : i32
        %dma_start3A_1064 = arith.constant 0 : i32
        %dma_start3A_1065 = tpu.memref_slice %arg3[%dma_start3A_1063, %dma_start3A_1064] : memref<1015808x32xf32, #tpu.memory_space<hbm>> -> memref<1015808x32xf32, #tpu.memory_space<hbm>>
        tpu.enqueue_indirect_dma source(%dma_start3A_1065 : memref<1015808x32xf32, #tpu.memory_space<hbm>>) target(%dma_start3A_1060 : memref<80x32xf32, #tpu.memory_space<vmem>>) offsets(%dma_start3A_1062 : memref<80xi32, #tpu.memory_space<vmem>>) semaphore(%arg12 : memref<!tpu.dma_semaphore, #tpu.memory_space<semaphore_mem>>)
        %dma_start3A_1066 = arith.constant 960 : i32
        %dma_start3A_1067 = arith.constant 0 : i32
        %dma_start3A_1068 = tpu.memref_slice %arg8[%dma_start3A_1066, %dma_start3A_1067] : memref<1600x32xf32, #tpu.memory_space<vmem>> -> memref<80x32xf32, #tpu.memory_space<vmem>>
        %dma_start3A_1069 = arith.constant 960 : i32
        %dma_start3A_1070 = tpu.memref_slice %arg6[%dma_start3A_1069] : memref<1600xi32, #tpu.memory_space<vmem>> -> memref<80xi32, #tpu.memory_space<vmem>>
        %dma_start3A_1071 = arith.constant 0 : i32
        %dma_start3A_1072 = arith.constant 0 : i32
        %dma_start3A_1073 = tpu.memref_slice %arg3[%dma_start3A_1071, %dma_start3A_1072] : memref<1015808x32xf32, #tpu.memory_space<hbm>> -> memref<1015808x32xf32, #tpu.memory_space<hbm>>
        tpu.enqueue_indirect_dma source(%dma_start3A_1073 : memref<1015808x32xf32, #tpu.memory_space<hbm>>) target(%dma_start3A_1068 : memref<80x32xf32, #tpu.memory_space<vmem>>) offsets(%dma_start3A_1070 : memref<80xi32, #tpu.memory_space<vmem>>) semaphore(%arg12 : memref<!tpu.dma_semaphore, #tpu.memory_space<semaphore_mem>>)
        %dma_start3A_1074 = arith.constant 1040 : i32
        %dma_start3A_1075 = arith.constant 0 : i32
        %dma_start3A_1076 = tpu.memref_slice %arg8[%dma_start3A_1074, %dma_start3A_1075] : memref<1600x32xf32, #tpu.memory_space<vmem>> -> memref<80x32xf32, #tpu.memory_space<vmem>>
        %dma_start3A_1077 = arith.constant 1040 : i32
        %dma_start3A_1078 = tpu.memref_slice %arg6[%dma_start3A_1077] : memref<1600xi32, #tpu.memory_space<vmem>> -> memref<80xi32, #tpu.memory_space<vmem>>
        %dma_start3A_1079 = arith.constant 0 : i32
        %dma_start3A_1080 = arith.constant 0 : i32
        %dma_start3A_1081 = tpu.memref_slice %arg3[%dma_start3A_1079, %dma_start3A_1080] : memref<1015808x32xf32, #tpu.memory_space<hbm>> -> memref<1015808x32xf32, #tpu.memory_space<hbm>>
        tpu.enqueue_indirect_dma source(%dma_start3A_1081 : memref<1015808x32xf32, #tpu.memory_space<hbm>>) target(%dma_start3A_1076 : memref<80x32xf32, #tpu.memory_space<vmem>>) offsets(%dma_start3A_1078 : memref<80xi32, #tpu.memory_space<vmem>>) semaphore(%arg12 : memref<!tpu.dma_semaphore, #tpu.memory_space<semaphore_mem>>)
        %dma_start3A_1082 = arith.constant 1120 : i32
        %dma_start3A_1083 = arith.constant 0 : i32
        %dma_start3A_1084 = tpu.memref_slice %arg8[%dma_start3A_1082, %dma_start3A_1083] : memref<1600x32xf32, #tpu.memory_space<vmem>> -> memref<80x32xf32, #tpu.memory_space<vmem>>
        %dma_start3A_1085 = arith.constant 1120 : i32
        %dma_start3A_1086 = tpu.memref_slice %arg6[%dma_start3A_1085] : memref<1600xi32, #tpu.memory_space<vmem>> -> memref<80xi32, #tpu.memory_space<vmem>>
        %dma_start3A_1087 = arith.constant 0 : i32
        %dma_start3A_1088 = arith.constant 0 : i32
        %dma_start3A_1089 = tpu.memref_slice %arg3[%dma_start3A_1087, %dma_start3A_1088] : memref<1015808x32xf32, #tpu.memory_space<hbm>> -> memref<1015808x32xf32, #tpu.memory_space<hbm>>
        tpu.enqueue_indirect_dma source(%dma_start3A_1089 : memref<1015808x32xf32, #tpu.memory_space<hbm>>) target(%dma_start3A_1084 : memref<80x32xf32, #tpu.memory_space<vmem>>) offsets(%dma_start3A_1086 : memref<80xi32, #tpu.memory_space<vmem>>) semaphore(%arg12 : memref<!tpu.dma_semaphore, #tpu.memory_space<semaphore_mem>>)
        %dma_start3A_1090 = arith.constant 1200 : i32
        %dma_start3A_1091 = arith.constant 0 : i32
        %dma_start3A_1092 = tpu.memref_slice %arg8[%dma_start3A_1090, %dma_start3A_1091] : memref<1600x32xf32, #tpu.memory_space<vmem>> -> memref<80x32xf32, #tpu.memory_space<vmem>>
        %dma_start3A_1093 = arith.constant 1200 : i32
        %dma_start3A_1094 = tpu.memref_slice %arg6[%dma_start3A_1093] : memref<1600xi32, #tpu.memory_space<vmem>> -> memref<80xi32, #tpu.memory_space<vmem>>
        %dma_start3A_1095 = arith.constant 0 : i32
        %dma_start3A_1096 = arith.constant 0 : i32
        %dma_start3A_1097 = tpu.memref_slice %arg3[%dma_start3A_1095, %dma_start3A_1096] : memref<1015808x32xf32, #tpu.memory_space<hbm>> -> memref<1015808x32xf32, #tpu.memory_space<hbm>>
        tpu.enqueue_indirect_dma source(%dma_start3A_1097 : memref<1015808x32xf32, #tpu.memory_space<hbm>>) target(%dma_start3A_1092 : memref<80x32xf32, #tpu.memory_space<vmem>>) offsets(%dma_start3A_1094 : memref<80xi32, #tpu.memory_space<vmem>>) semaphore(%arg12 : memref<!tpu.dma_semaphore, #tpu.memory_space<semaphore_mem>>)
        %dma_start3A_1098 = arith.constant 1280 : i32
        %dma_start3A_1099 = arith.constant 0 : i32
        %dma_start3A_1100 = tpu.memref_slice %arg8[%dma_start3A_1098, %dma_start3A_1099] : memref<1600x32xf32, #tpu.memory_space<vmem>> -> memref<80x32xf32, #tpu.memory_space<vmem>>
        %dma_start3A_1101 = arith.constant 1280 : i32
        %dma_start3A_1102 = tpu.memref_slice %arg6[%dma_start3A_1101] : memref<1600xi32, #tpu.memory_space<vmem>> -> memref<80xi32, #tpu.memory_space<vmem>>
        %dma_start3A_1103 = arith.constant 0 : i32
        %dma_start3A_1104 = arith.constant 0 : i32
        %dma_start3A_1105 = tpu.memref_slice %arg3[%dma_start3A_1103, %dma_start3A_1104] : memref<1015808x32xf32, #tpu.memory_space<hbm>> -> memref<1015808x32xf32, #tpu.memory_space<hbm>>
        tpu.enqueue_indirect_dma source(%dma_start3A_1105 : memref<1015808x32xf32, #tpu.memory_space<hbm>>) target(%dma_start3A_1100 : memref<80x32xf32, #tpu.memory_space<vmem>>) offsets(%dma_start3A_1102 : memref<80xi32, #tpu.memory_space<vmem>>) semaphore(%arg12 : memref<!tpu.dma_semaphore, #tpu.memory_space<semaphore_mem>>)
        %dma_start3A_1106 = arith.constant 1360 : i32
        %dma_start3A_1107 = arith.constant 0 : i32
        %dma_start3A_1108 = tpu.memref_slice %arg8[%dma_start3A_1106, %dma_start3A_1107] : memref<1600x32xf32, #tpu.memory_space<vmem>> -> memref<80x32xf32, #tpu.memory_space<vmem>>
        %dma_start3A_1109 = arith.constant 1360 : i32
        %dma_start3A_1110 = tpu.memref_slice %arg6[%dma_start3A_1109] : memref<1600xi32, #tpu.memory_space<vmem>> -> memref<80xi32, #tpu.memory_space<vmem>>
        %dma_start3A_1111 = arith.constant 0 : i32
        %dma_start3A_1112 = arith.constant 0 : i32
        %dma_start3A_1113 = tpu.memref_slice %arg3[%dma_start3A_1111, %dma_start3A_1112] : memref<1015808x32xf32, #tpu.memory_space<hbm>> -> memref<1015808x32xf32, #tpu.memory_space<hbm>>
        tpu.enqueue_indirect_dma source(%dma_start3A_1113 : memref<1015808x32xf32, #tpu.memory_space<hbm>>) target(%dma_start3A_1108 : memref<80x32xf32, #tpu.memory_space<vmem>>) offsets(%dma_start3A_1110 : memref<80xi32, #tpu.memory_space<vmem>>) semaphore(%arg12 : memref<!tpu.dma_semaphore, #tpu.memory_space<semaphore_mem>>)
        %dma_start3A_1114 = arith.constant 1440 : i32
        %dma_start3A_1115 = arith.constant 0 : i32
        %dma_start3A_1116 = tpu.memref_slice %arg8[%dma_start3A_1114, %dma_start3A_1115] : memref<1600x32xf32, #tpu.memory_space<vmem>> -> memref<80x32xf32, #tpu.memory_space<vmem>>
        %dma_start3A_1117 = arith.constant 1440 : i32
        %dma_start3A_1118 = tpu.memref_slice %arg6[%dma_start3A_1117] : memref<1600xi32, #tpu.memory_space<vmem>> -> memref<80xi32, #tpu.memory_space<vmem>>
        %dma_start3A_1119 = arith.constant 0 : i32
        %dma_start3A_1120 = arith.constant 0 : i32
        %dma_start3A_1121 = tpu.memref_slice %arg3[%dma_start3A_1119, %dma_start3A_1120] : memref<1015808x32xf32, #tpu.memory_space<hbm>> -> memref<1015808x32xf32, #tpu.memory_space<hbm>>
        tpu.enqueue_indirect_dma source(%dma_start3A_1121 : memref<1015808x32xf32, #tpu.memory_space<hbm>>) target(%dma_start3A_1116 : memref<80x32xf32, #tpu.memory_space<vmem>>) offsets(%dma_start3A_1118 : memref<80xi32, #tpu.memory_space<vmem>>) semaphore(%arg12 : memref<!tpu.dma_semaphore, #tpu.memory_space<semaphore_mem>>)
        %dma_start3A_1122 = arith.constant 1520 : i32
        %dma_start3A_1123 = arith.constant 0 : i32
        %dma_start3A_1124 = tpu.memref_slice %arg8[%dma_start3A_1122, %dma_start3A_1123] : memref<1600x32xf32, #tpu.memory_space<vmem>> -> memref<80x32xf32, #tpu.memory_space<vmem>>
        %dma_start3A_1125 = arith.constant 1520 : i32
        %dma_start3A_1126 = tpu.memref_slice %arg6[%dma_start3A_1125] : memref<1600xi32, #tpu.memory_space<vmem>> -> memref<80xi32, #tpu.memory_space<vmem>>
        %dma_start3A_1127 = arith.constant 0 : i32
        %dma_start3A_1128 = arith.constant 0 : i32
        %dma_start3A_1129 = tpu.memref_slice %arg3[%dma_start3A_1127, %dma_start3A_1128] : memref<1015808x32xf32, #tpu.memory_space<hbm>> -> memref<1015808x32xf32, #tpu.memory_space<hbm>>
        tpu.enqueue_indirect_dma source(%dma_start3A_1129 : memref<1015808x32xf32, #tpu.memory_space<hbm>>) target(%dma_start3A_1124 : memref<80x32xf32, #tpu.memory_space<vmem>>) offsets(%dma_start3A_1126 : memref<80xi32, #tpu.memory_space<vmem>>) semaphore(%arg12 : memref<!tpu.dma_semaphore, #tpu.memory_space<semaphore_mem>>)
      } else {
      }
      %dma_wait3A_660 = arith.constant 0 : i32
      %dma_wait3A_661 = arith.constant 0 : i32
      %dma_wait3A_662 = tpu.memref_slice %arg3[%dma_wait3A_660, %dma_wait3A_661] : memref<1015808x32xf32, #tpu.memory_space<hbm>> -> memref<1600x32xf32, #tpu.memory_space<hbm>>
      %dma_wait3A_663 = arith.constant 0 : i32
      %dma_wait3A_664 = arith.constant 0 : i32
      %dma_wait3A_665 = tpu.memref_slice %arg3[%dma_wait3A_663, %dma_wait3A_664] : memref<1015808x32xf32, #tpu.memory_space<hbm>> -> memref<1600x32xf32, #tpu.memory_space<hbm>>
      tpu.wait_dma2 semaphore(%arg13 : memref<!tpu.dma_semaphore, #tpu.memory_space<semaphore_mem>>) src(%dma_wait3A_665 : memref<1600x32xf32, #tpu.memory_space<hbm>>) dst(%arg9 : memref<1600x32xf32, #tpu.memory_space<vmem>>)
      %lt3A_666 = arith.constant 31 : i32
      %lt3A_667 = arith.cmpi slt, %scan3A_189, %lt3A_666 : i32
      %convert_element_type3A_668 = arith.extui %lt3A_667 : i1 to i32
      %cond3A_669 = arith.constant 0 : i32
      %cond3A_670 = arith.cmpi ne, %convert_element_type3A_668, %cond3A_669 : i32
      scf.if %cond3A_670 {
        %add3A_966 = arith.constant 3 : i32
        %add3A_967 = arith.addi %mul3A_191, %add3A_966 : i32
        %mul3A_968 = arith.constant 64 : i32
        %mul3A_969 = arith.muli %add3A, %mul3A_968 : i32
        %add3A_970 = arith.addi %mul3A_969, %add3A_967 : i32
        %mul3A_971 = arith.constant 1600 : i32
        %mul3A_972 = arith.muli %add3A_970, %mul3A_971 : i32
        %dma_start3A_973 = tpu.memref_slice %arg2[%mul3A_972] : memref<3276800xi32, #tpu.memory_space<hbm>> -> memref<1600xi32, #tpu.memory_space<hbm>>
        %dma_start3A_974 = tpu.memref_slice %arg2[%mul3A_972] : memref<3276800xi32, #tpu.memory_space<hbm>> -> memref<1600xi32, #tpu.memory_space<hbm>>
        tpu.enqueue_dma source(%dma_start3A_974 : memref<1600xi32, #tpu.memory_space<hbm>>) target(%arg7 : memref<1600xi32, #tpu.memory_space<vmem>>) target_semaphore(%arg15 : memref<!tpu.dma_semaphore, #tpu.memory_space<semaphore_mem>>)
      } else {
      }
      %add3A_671 = arith.constant 1 : i32
      %add3A_672 = arith.addi %mul3A_191, %add3A_671 : i32
      %mul3A_673 = arith.constant 64 : i32
      %mul3A_674 = arith.muli %add3A, %mul3A_673 : i32
      %add3A_675 = arith.addi %mul3A_674, %add3A_672 : i32
      %broadcast_in_dim3A_676 = arith.constant 0.000000e+00 : f32
      %broadcast_in_dim3A_677 = vector.broadcast %broadcast_in_dim3A_676 : f32 to vector<16xf32>
      %scan3A_678 = arith.constant 0 : i32
      %scan3A_679 = arith.constant 25 : i32
      %scan3A_680 = arith.addi %scan3A_678, %scan3A_679 : i32
      %scan3A_681 = arith.constant 1 : i32
      %scan3A_682:16 = scf.for %scan3A_966 = %scan3A_678 to %scan3A_680 step %scan3A_681 iter_args(%scan3A_967 = %broadcast_in_dim3A_677, %scan3A_968 = %broadcast_in_dim3A_677, %scan3A_969 = %broadcast_in_dim3A_677, %scan3A_970 = %broadcast_in_dim3A_677, %scan3A_971 = %broadcast_in_dim3A_677, %scan3A_972 = %broadcast_in_dim3A_677, %scan3A_973 = %broadcast_in_dim3A_677, %scan3A_974 = %broadcast_in_dim3A_677, %scan3A_975 = %broadcast_in_dim3A_677, %scan3A_976 = %broadcast_in_dim3A_677, %scan3A_977 = %broadcast_in_dim3A_677, %scan3A_978 = %broadcast_in_dim3A_677, %scan3A_979 = %broadcast_in_dim3A_677, %scan3A_980 = %broadcast_in_dim3A_677, %scan3A_981 = %broadcast_in_dim3A_677, %scan3A_982 = %broadcast_in_dim3A_677) -> (vector<16xf32>, vector<16xf32>, vector<16xf32>, vector<16xf32>, vector<16xf32>, vector<16xf32>, vector<16xf32>, vector<16xf32>, vector<16xf32>, vector<16xf32>, vector<16xf32>, vector<16xf32>, vector<16xf32>, vector<16xf32>, vector<16xf32>, vector<16xf32>)  : i32 {
        %mul3A_983 = arith.constant 8 : i32
        %mul3A_984 = arith.muli %scan3A_966, %mul3A_983 : i32
        %add3A_985 = arith.constant 0 : i32
        %add3A_986 = arith.addi %add3A_985, %mul3A_984 : i32
        %add3A_987 = arith.constant 0 : i32
        %add3A_988 = arith.addi %add3A_986, %add3A_987 : i32
        %get3A_989 = arith.index_cast %add3A_988 : i32 to index
        %get3A_990 = arith.constant 0 : index
        %get3A_991 = tpu.vector_load %arg9[%get3A_989, %get3A_990] {strides = array<i32>} : memref<1600x32xf32, #tpu.memory_space<vmem>>, vector<1x16xf32>,
        %get3A_992 = vector.shape_cast %get3A_991 : vector<1x16xf32> to vector<16xf32>
        %add3A_993 = arith.addf %scan3A_967, %get3A_992 : vector<16xf32>
        %get3A_994 = arith.index_cast %add3A_988 : i32 to index
        %get3A_995 = arith.constant 16 : index
        %get3A_996 = tpu.vector_load %arg9[%get3A_994, %get3A_995] {strides = array<i32>} : memref<1600x32xf32, #tpu.memory_space<vmem>>, vector<1x16xf32>,
        %get3A_997 = vector.shape_cast %get3A_996 : vector<1x16xf32> to vector<16xf32>
        %add3A_998 = arith.addf %scan3A_968, %get3A_997 : vector<16xf32>
        %mul3A_999 = arith.constant 8 : i32
        %mul3A_1000 = arith.muli %scan3A_966, %mul3A_999 : i32
        %add3A_1001 = arith.constant 0 : i32
        %add3A_1002 = arith.addi %add3A_1001, %mul3A_1000 : i32
        %add3A_1003 = arith.constant 1 : i32
        %add3A_1004 = arith.addi %add3A_1002, %add3A_1003 : i32
        %get3A_1005 = arith.index_cast %add3A_1004 : i32 to index
        %get3A_1006 = arith.constant 0 : index
        %get3A_1007 = tpu.vector_load %arg9[%get3A_1005, %get3A_1006] {strides = array<i32>} : memref<1600x32xf32, #tpu.memory_space<vmem>>, vector<1x16xf32>,
        %get3A_1008 = vector.shape_cast %get3A_1007 : vector<1x16xf32> to vector<16xf32>
        %add3A_1009 = arith.addf %scan3A_969, %get3A_1008 : vector<16xf32>
        %get3A_1010 = arith.index_cast %add3A_1004 : i32 to index
        %get3A_1011 = arith.constant 16 : index
        %get3A_1012 = tpu.vector_load %arg9[%get3A_1010, %get3A_1011] {strides = array<i32>} : memref<1600x32xf32, #tpu.memory_space<vmem>>, vector<1x16xf32>,
        %get3A_1013 = vector.shape_cast %get3A_1012 : vector<1x16xf32> to vector<16xf32>
        %add3A_1014 = arith.addf %scan3A_970, %get3A_1013 : vector<16xf32>
        %mul3A_1015 = arith.constant 8 : i32
        %mul3A_1016 = arith.muli %scan3A_966, %mul3A_1015 : i32
        %add3A_1017 = arith.constant 0 : i32
        %add3A_1018 = arith.addi %add3A_1017, %mul3A_1016 : i32
        %add3A_1019 = arith.constant 2 : i32
        %add3A_1020 = arith.addi %add3A_1018, %add3A_1019 : i32
        %get3A_1021 = arith.index_cast %add3A_1020 : i32 to index
        %get3A_1022 = arith.constant 0 : index
        %get3A_1023 = tpu.vector_load %arg9[%get3A_1021, %get3A_1022] {strides = array<i32>} : memref<1600x32xf32, #tpu.memory_space<vmem>>, vector<1x16xf32>,
        %get3A_1024 = vector.shape_cast %get3A_1023 : vector<1x16xf32> to vector<16xf32>
        %add3A_1025 = arith.addf %scan3A_971, %get3A_1024 : vector<16xf32>
        %get3A_1026 = arith.index_cast %add3A_1020 : i32 to index
        %get3A_1027 = arith.constant 16 : index
        %get3A_1028 = tpu.vector_load %arg9[%get3A_1026, %get3A_1027] {strides = array<i32>} : memref<1600x32xf32, #tpu.memory_space<vmem>>, vector<1x16xf32>,
        %get3A_1029 = vector.shape_cast %get3A_1028 : vector<1x16xf32> to vector<16xf32>
        %add3A_1030 = arith.addf %scan3A_972, %get3A_1029 : vector<16xf32>
        %mul3A_1031 = arith.constant 8 : i32
        %mul3A_1032 = arith.muli %scan3A_966, %mul3A_1031 : i32
        %add3A_1033 = arith.constant 0 : i32
        %add3A_1034 = arith.addi %add3A_1033, %mul3A_1032 : i32
        %add3A_1035 = arith.constant 3 : i32
        %add3A_1036 = arith.addi %add3A_1034, %add3A_1035 : i32
        %get3A_1037 = arith.index_cast %add3A_1036 : i32 to index
        %get3A_1038 = arith.constant 0 : index
        %get3A_1039 = tpu.vector_load %arg9[%get3A_1037, %get3A_1038] {strides = array<i32>} : memref<1600x32xf32, #tpu.memory_space<vmem>>, vector<1x16xf32>,
        %get3A_1040 = vector.shape_cast %get3A_1039 : vector<1x16xf32> to vector<16xf32>
        %add3A_1041 = arith.addf %scan3A_973, %get3A_1040 : vector<16xf32>
        %get3A_1042 = arith.index_cast %add3A_1036 : i32 to index
        %get3A_1043 = arith.constant 16 : index
        %get3A_1044 = tpu.vector_load %arg9[%get3A_1042, %get3A_1043] {strides = array<i32>} : memref<1600x32xf32, #tpu.memory_space<vmem>>, vector<1x16xf32>,
        %get3A_1045 = vector.shape_cast %get3A_1044 : vector<1x16xf32> to vector<16xf32>
        %add3A_1046 = arith.addf %scan3A_974, %get3A_1045 : vector<16xf32>
        %mul3A_1047 = arith.constant 8 : i32
        %mul3A_1048 = arith.muli %scan3A_966, %mul3A_1047 : i32
        %add3A_1049 = arith.constant 0 : i32
        %add3A_1050 = arith.addi %add3A_1049, %mul3A_1048 : i32
        %add3A_1051 = arith.constant 4 : i32
        %add3A_1052 = arith.addi %add3A_1050, %add3A_1051 : i32
        %get3A_1053 = arith.index_cast %add3A_1052 : i32 to index
        %get3A_1054 = arith.constant 0 : index
        %get3A_1055 = tpu.vector_load %arg9[%get3A_1053, %get3A_1054] {strides = array<i32>} : memref<1600x32xf32, #tpu.memory_space<vmem>>, vector<1x16xf32>,
        %get3A_1056 = vector.shape_cast %get3A_1055 : vector<1x16xf32> to vector<16xf32>
        %add3A_1057 = arith.addf %scan3A_975, %get3A_1056 : vector<16xf32>
        %get3A_1058 = arith.index_cast %add3A_1052 : i32 to index
        %get3A_1059 = arith.constant 16 : index
        %get3A_1060 = tpu.vector_load %arg9[%get3A_1058, %get3A_1059] {strides = array<i32>} : memref<1600x32xf32, #tpu.memory_space<vmem>>, vector<1x16xf32>,
        %get3A_1061 = vector.shape_cast %get3A_1060 : vector<1x16xf32> to vector<16xf32>
        %add3A_1062 = arith.addf %scan3A_976, %get3A_1061 : vector<16xf32>
        %mul3A_1063 = arith.constant 8 : i32
        %mul3A_1064 = arith.muli %scan3A_966, %mul3A_1063 : i32
        %add3A_1065 = arith.constant 0 : i32
        %add3A_1066 = arith.addi %add3A_1065, %mul3A_1064 : i32
        %add3A_1067 = arith.constant 5 : i32
        %add3A_1068 = arith.addi %add3A_1066, %add3A_1067 : i32
        %get3A_1069 = arith.index_cast %add3A_1068 : i32 to index
        %get3A_1070 = arith.constant 0 : index
        %get3A_1071 = tpu.vector_load %arg9[%get3A_1069, %get3A_1070] {strides = array<i32>} : memref<1600x32xf32, #tpu.memory_space<vmem>>, vector<1x16xf32>,
        %get3A_1072 = vector.shape_cast %get3A_1071 : vector<1x16xf32> to vector<16xf32>
        %add3A_1073 = arith.addf %scan3A_977, %get3A_1072 : vector<16xf32>
        %get3A_1074 = arith.index_cast %add3A_1068 : i32 to index
        %get3A_1075 = arith.constant 16 : index
        %get3A_1076 = tpu.vector_load %arg9[%get3A_1074, %get3A_1075] {strides = array<i32>} : memref<1600x32xf32, #tpu.memory_space<vmem>>, vector<1x16xf32>,
        %get3A_1077 = vector.shape_cast %get3A_1076 : vector<1x16xf32> to vector<16xf32>
        %add3A_1078 = arith.addf %scan3A_978, %get3A_1077 : vector<16xf32>
        %mul3A_1079 = arith.constant 8 : i32
        %mul3A_1080 = arith.muli %scan3A_966, %mul3A_1079 : i32
        %add3A_1081 = arith.constant 0 : i32
        %add3A_1082 = arith.addi %add3A_1081, %mul3A_1080 : i32
        %add3A_1083 = arith.constant 6 : i32
        %add3A_1084 = arith.addi %add3A_1082, %add3A_1083 : i32
        %get3A_1085 = arith.index_cast %add3A_1084 : i32 to index
        %get3A_1086 = arith.constant 0 : index
        %get3A_1087 = tpu.vector_load %arg9[%get3A_1085, %get3A_1086] {strides = array<i32>} : memref<1600x32xf32, #tpu.memory_space<vmem>>, vector<1x16xf32>,
        %get3A_1088 = vector.shape_cast %get3A_1087 : vector<1x16xf32> to vector<16xf32>
        %add3A_1089 = arith.addf %scan3A_979, %get3A_1088 : vector<16xf32>
        %get3A_1090 = arith.index_cast %add3A_1084 : i32 to index
        %get3A_1091 = arith.constant 16 : index
        %get3A_1092 = tpu.vector_load %arg9[%get3A_1090, %get3A_1091] {strides = array<i32>} : memref<1600x32xf32, #tpu.memory_space<vmem>>, vector<1x16xf32>,
        %get3A_1093 = vector.shape_cast %get3A_1092 : vector<1x16xf32> to vector<16xf32>
        %add3A_1094 = arith.addf %scan3A_980, %get3A_1093 : vector<16xf32>
        %mul3A_1095 = arith.constant 8 : i32
        %mul3A_1096 = arith.muli %scan3A_966, %mul3A_1095 : i32
        %add3A_1097 = arith.constant 0 : i32
        %add3A_1098 = arith.addi %add3A_1097, %mul3A_1096 : i32
        %add3A_1099 = arith.constant 7 : i32
        %add3A_1100 = arith.addi %add3A_1098, %add3A_1099 : i32
        %get3A_1101 = arith.index_cast %add3A_1100 : i32 to index
        %get3A_1102 = arith.constant 0 : index
        %get3A_1103 = tpu.vector_load %arg9[%get3A_1101, %get3A_1102] {strides = array<i32>} : memref<1600x32xf32, #tpu.memory_space<vmem>>, vector<1x16xf32>,
        %get3A_1104 = vector.shape_cast %get3A_1103 : vector<1x16xf32> to vector<16xf32>
        %add3A_1105 = arith.addf %scan3A_981, %get3A_1104 : vector<16xf32>
        %get3A_1106 = arith.index_cast %add3A_1100 : i32 to index
        %get3A_1107 = arith.constant 16 : index
        %get3A_1108 = tpu.vector_load %arg9[%get3A_1106, %get3A_1107] {strides = array<i32>} : memref<1600x32xf32, #tpu.memory_space<vmem>>, vector<1x16xf32>,
        %get3A_1109 = vector.shape_cast %get3A_1108 : vector<1x16xf32> to vector<16xf32>
        %add3A_1110 = arith.addf %scan3A_982, %get3A_1109 : vector<16xf32>
        scf.yield %add3A_993, %add3A_998, %add3A_1009, %add3A_1014, %add3A_1025, %add3A_1030, %add3A_1041, %add3A_1046, %add3A_1057, %add3A_1062, %add3A_1073, %add3A_1078, %add3A_1089, %add3A_1094, %add3A_1105, %add3A_1110 : vector<16xf32>, vector<16xf32>, vector<16xf32>, vector<16xf32>, vector<16xf32>, vector<16xf32>, vector<16xf32>, vector<16xf32>, vector<16xf32>, vector<16xf32>, vector<16xf32>, vector<16xf32>, vector<16xf32>, vector<16xf32>, vector<16xf32>, vector<16xf32>
      }
      %scan3A_683 = arith.constant 25 : i32
      %add3A_684 = arith.addf %scan3A_682#0, %scan3A_682#2 : vector<16xf32>
      %add3A_685 = arith.addf %scan3A_682#4, %scan3A_682#6 : vector<16xf32>
      %add3A_686 = arith.addf %add3A_684, %add3A_685 : vector<16xf32>
      %add3A_687 = arith.addf %scan3A_682#8, %scan3A_682#10 : vector<16xf32>
      %add3A_688 = arith.addf %scan3A_682#12, %scan3A_682#14 : vector<16xf32>
      %add3A_689 = arith.addf %add3A_687, %add3A_688 : vector<16xf32>
      %add3A_690 = arith.addf %add3A_686, %add3A_689 : vector<16xf32>
      %add3A_691 = arith.addf %scan3A_682#1, %scan3A_682#3 : vector<16xf32>
      %add3A_692 = arith.addf %scan3A_682#5, %scan3A_682#7 : vector<16xf32>
      %add3A_693 = arith.addf %add3A_691, %add3A_692 : vector<16xf32>
      %add3A_694 = arith.addf %scan3A_682#9, %scan3A_682#11 : vector<16xf32>
      %add3A_695 = arith.addf %scan3A_682#13, %scan3A_682#15 : vector<16xf32>
      %add3A_696 = arith.addf %add3A_694, %add3A_695 : vector<16xf32>
      %add3A_697 = arith.addf %add3A_693, %add3A_696 : vector<16xf32>
      %add3A_698 = arith.addf %add3A_690, %get3A_2 : vector<16xf32>
      %swap3A_699 = arith.constant 0 : i32
      %swap3A_700 = arith.index_cast %swap3A_699 : i32 to index
      %swap3A_701 = arith.constant 0 : index
      %swap3A_702 = tpu.vector_load %arg10[%swap3A_700, %swap3A_701] {strides = array<i32>} : memref<8x32xf32, #tpu.memory_space<vmem>>, vector<1x16xf32>,
      %swap3A_703 = vector.shape_cast %swap3A_702 : vector<1x16xf32> to vector<16xf32>
      %swap3A_704 = vector.shape_cast %add3A_698 : vector<16xf32> to vector<1x16xf32>
      tpu.vector_store %arg10[%swap3A_700, %swap3A_701], %swap3A_704 {strides = array<i32>} : memref<8x32xf32, #tpu.memory_space<vmem>>, vector<1x16xf32>,
      %add3A_705 = arith.addf %add3A_697, %get3A_5 : vector<16xf32>
      %swap3A_706 = arith.constant 0 : i32
      %swap3A_707 = arith.index_cast %swap3A_706 : i32 to index
      %swap3A_708 = arith.constant 16 : index
      %swap3A_709 = tpu.vector_load %arg10[%swap3A_707, %swap3A_708] {strides = array<i32>} : memref<8x32xf32, #tpu.memory_space<vmem>>, vector<1x16xf32>,
      %swap3A_710 = vector.shape_cast %swap3A_709 : vector<1x16xf32> to vector<16xf32>
      %swap3A_711 = vector.shape_cast %add3A_705 : vector<16xf32> to vector<1x16xf32>
      tpu.vector_store %arg10[%swap3A_707, %swap3A_708], %swap3A_711 {strides = array<i32>} : memref<8x32xf32, #tpu.memory_space<vmem>>, vector<1x16xf32>,
      %broadcast_in_dim3A_712 = arith.constant 0.000000e+00 : f32
      %broadcast_in_dim3A_713 = vector.broadcast %broadcast_in_dim3A_712 : f32 to vector<16xf32>
      %scan3A_714 = arith.constant 0 : i32
      %scan3A_715 = arith.constant 25 : i32
      %scan3A_716 = arith.addi %scan3A_714, %scan3A_715 : i32
      %scan3A_717 = arith.constant 1 : i32
      %scan3A_718:16 = scf.for %scan3A_966 = %scan3A_714 to %scan3A_716 step %scan3A_717 iter_args(%scan3A_967 = %broadcast_in_dim3A_713, %scan3A_968 = %broadcast_in_dim3A_713, %scan3A_969 = %broadcast_in_dim3A_713, %scan3A_970 = %broadcast_in_dim3A_713, %scan3A_971 = %broadcast_in_dim3A_713, %scan3A_972 = %broadcast_in_dim3A_713, %scan3A_973 = %broadcast_in_dim3A_713, %scan3A_974 = %broadcast_in_dim3A_713, %scan3A_975 = %broadcast_in_dim3A_713, %scan3A_976 = %broadcast_in_dim3A_713, %scan3A_977 = %broadcast_in_dim3A_713, %scan3A_978 = %broadcast_in_dim3A_713, %scan3A_979 = %broadcast_in_dim3A_713, %scan3A_980 = %broadcast_in_dim3A_713, %scan3A_981 = %broadcast_in_dim3A_713, %scan3A_982 = %broadcast_in_dim3A_713) -> (vector<16xf32>, vector<16xf32>, vector<16xf32>, vector<16xf32>, vector<16xf32>, vector<16xf32>, vector<16xf32>, vector<16xf32>, vector<16xf32>, vector<16xf32>, vector<16xf32>, vector<16xf32>, vector<16xf32>, vector<16xf32>, vector<16xf32>, vector<16xf32>)  : i32 {
        %mul3A_983 = arith.constant 8 : i32
        %mul3A_984 = arith.muli %scan3A_966, %mul3A_983 : i32
        %add3A_985 = arith.constant 200 : i32
        %add3A_986 = arith.addi %add3A_985, %mul3A_984 : i32
        %add3A_987 = arith.constant 0 : i32
        %add3A_988 = arith.addi %add3A_986, %add3A_987 : i32
        %get3A_989 = arith.index_cast %add3A_988 : i32 to index
        %get3A_990 = arith.constant 0 : index
        %get3A_991 = tpu.vector_load %arg9[%get3A_989, %get3A_990] {strides = array<i32>} : memref<1600x32xf32, #tpu.memory_space<vmem>>, vector<1x16xf32>,
        %get3A_992 = vector.shape_cast %get3A_991 : vector<1x16xf32> to vector<16xf32>
        %add3A_993 = arith.addf %scan3A_967, %get3A_992 : vector<16xf32>
        %get3A_994 = arith.index_cast %add3A_988 : i32 to index
        %get3A_995 = arith.constant 16 : index
        %get3A_996 = tpu.vector_load %arg9[%get3A_994, %get3A_995] {strides = array<i32>} : memref<1600x32xf32, #tpu.memory_space<vmem>>, vector<1x16xf32>,
        %get3A_997 = vector.shape_cast %get3A_996 : vector<1x16xf32> to vector<16xf32>
        %add3A_998 = arith.addf %scan3A_968, %get3A_997 : vector<16xf32>
        %mul3A_999 = arith.constant 8 : i32
        %mul3A_1000 = arith.muli %scan3A_966, %mul3A_999 : i32
        %add3A_1001 = arith.constant 200 : i32
        %add3A_1002 = arith.addi %add3A_1001, %mul3A_1000 : i32
        %add3A_1003 = arith.constant 1 : i32
        %add3A_1004 = arith.addi %add3A_1002, %add3A_1003 : i32
        %get3A_1005 = arith.index_cast %add3A_1004 : i32 to index
        %get3A_1006 = arith.constant 0 : index
        %get3A_1007 = tpu.vector_load %arg9[%get3A_1005, %get3A_1006] {strides = array<i32>} : memref<1600x32xf32, #tpu.memory_space<vmem>>, vector<1x16xf32>,
        %get3A_1008 = vector.shape_cast %get3A_1007 : vector<1x16xf32> to vector<16xf32>
        %add3A_1009 = arith.addf %scan3A_969, %get3A_1008 : vector<16xf32>
        %get3A_1010 = arith.index_cast %add3A_1004 : i32 to index
        %get3A_1011 = arith.constant 16 : index
        %get3A_1012 = tpu.vector_load %arg9[%get3A_1010, %get3A_1011] {strides = array<i32>} : memref<1600x32xf32, #tpu.memory_space<vmem>>, vector<1x16xf32>,
        %get3A_1013 = vector.shape_cast %get3A_1012 : vector<1x16xf32> to vector<16xf32>
        %add3A_1014 = arith.addf %scan3A_970, %get3A_1013 : vector<16xf32>
        %mul3A_1015 = arith.constant 8 : i32
        %mul3A_1016 = arith.muli %scan3A_966, %mul3A_1015 : i32
        %add3A_1017 = arith.constant 200 : i32
        %add3A_1018 = arith.addi %add3A_1017, %mul3A_1016 : i32
        %add3A_1019 = arith.constant 2 : i32
        %add3A_1020 = arith.addi %add3A_1018, %add3A_1019 : i32
        %get3A_1021 = arith.index_cast %add3A_1020 : i32 to index
        %get3A_1022 = arith.constant 0 : index
        %get3A_1023 = tpu.vector_load %arg9[%get3A_1021, %get3A_1022] {strides = array<i32>} : memref<1600x32xf32, #tpu.memory_space<vmem>>, vector<1x16xf32>,
        %get3A_1024 = vector.shape_cast %get3A_1023 : vector<1x16xf32> to vector<16xf32>
        %add3A_1025 = arith.addf %scan3A_971, %get3A_1024 : vector<16xf32>
        %get3A_1026 = arith.index_cast %add3A_1020 : i32 to index
        %get3A_1027 = arith.constant 16 : index
        %get3A_1028 = tpu.vector_load %arg9[%get3A_1026, %get3A_1027] {strides = array<i32>} : memref<1600x32xf32, #tpu.memory_space<vmem>>, vector<1x16xf32>,
        %get3A_1029 = vector.shape_cast %get3A_1028 : vector<1x16xf32> to vector<16xf32>
        %add3A_1030 = arith.addf %scan3A_972, %get3A_1029 : vector<16xf32>
        %mul3A_1031 = arith.constant 8 : i32
        %mul3A_1032 = arith.muli %scan3A_966, %mul3A_1031 : i32
        %add3A_1033 = arith.constant 200 : i32
        %add3A_1034 = arith.addi %add3A_1033, %mul3A_1032 : i32
        %add3A_1035 = arith.constant 3 : i32
        %add3A_1036 = arith.addi %add3A_1034, %add3A_1035 : i32
        %get3A_1037 = arith.index_cast %add3A_1036 : i32 to index
        %get3A_1038 = arith.constant 0 : index
        %get3A_1039 = tpu.vector_load %arg9[%get3A_1037, %get3A_1038] {strides = array<i32>} : memref<1600x32xf32, #tpu.memory_space<vmem>>, vector<1x16xf32>,
        %get3A_1040 = vector.shape_cast %get3A_1039 : vector<1x16xf32> to vector<16xf32>
        %add3A_1041 = arith.addf %scan3A_973, %get3A_1040 : vector<16xf32>
        %get3A_1042 = arith.index_cast %add3A_1036 : i32 to index
        %get3A_1043 = arith.constant 16 : index
        %get3A_1044 = tpu.vector_load %arg9[%get3A_1042, %get3A_1043] {strides = array<i32>} : memref<1600x32xf32, #tpu.memory_space<vmem>>, vector<1x16xf32>,
        %get3A_1045 = vector.shape_cast %get3A_1044 : vector<1x16xf32> to vector<16xf32>
        %add3A_1046 = arith.addf %scan3A_974, %get3A_1045 : vector<16xf32>
        %mul3A_1047 = arith.constant 8 : i32
        %mul3A_1048 = arith.muli %scan3A_966, %mul3A_1047 : i32
        %add3A_1049 = arith.constant 200 : i32
        %add3A_1050 = arith.addi %add3A_1049, %mul3A_1048 : i32
        %add3A_1051 = arith.constant 4 : i32
        %add3A_1052 = arith.addi %add3A_1050, %add3A_1051 : i32
        %get3A_1053 = arith.index_cast %add3A_1052 : i32 to index
        %get3A_1054 = arith.constant 0 : index
        %get3A_1055 = tpu.vector_load %arg9[%get3A_1053, %get3A_1054] {strides = array<i32>} : memref<1600x32xf32, #tpu.memory_space<vmem>>, vector<1x16xf32>,
        %get3A_1056 = vector.shape_cast %get3A_1055 : vector<1x16xf32> to vector<16xf32>
        %add3A_1057 = arith.addf %scan3A_975, %get3A_1056 : vector<16xf32>
        %get3A_1058 = arith.index_cast %add3A_1052 : i32 to index
        %get3A_1059 = arith.constant 16 : index
        %get3A_1060 = tpu.vector_load %arg9[%get3A_1058, %get3A_1059] {strides = array<i32>} : memref<1600x32xf32, #tpu.memory_space<vmem>>, vector<1x16xf32>,
        %get3A_1061 = vector.shape_cast %get3A_1060 : vector<1x16xf32> to vector<16xf32>
        %add3A_1062 = arith.addf %scan3A_976, %get3A_1061 : vector<16xf32>
        %mul3A_1063 = arith.constant 8 : i32
        %mul3A_1064 = arith.muli %scan3A_966, %mul3A_1063 : i32
        %add3A_1065 = arith.constant 200 : i32
        %add3A_1066 = arith.addi %add3A_1065, %mul3A_1064 : i32
        %add3A_1067 = arith.constant 5 : i32
        %add3A_1068 = arith.addi %add3A_1066, %add3A_1067 : i32
        %get3A_1069 = arith.index_cast %add3A_1068 : i32 to index
        %get3A_1070 = arith.constant 0 : index
        %get3A_1071 = tpu.vector_load %arg9[%get3A_1069, %get3A_1070] {strides = array<i32>} : memref<1600x32xf32, #tpu.memory_space<vmem>>, vector<1x16xf32>,
        %get3A_1072 = vector.shape_cast %get3A_1071 : vector<1x16xf32> to vector<16xf32>
        %add3A_1073 = arith.addf %scan3A_977, %get3A_1072 : vector<16xf32>
        %get3A_1074 = arith.index_cast %add3A_1068 : i32 to index
        %get3A_1075 = arith.constant 16 : index
        %get3A_1076 = tpu.vector_load %arg9[%get3A_1074, %get3A_1075] {strides = array<i32>} : memref<1600x32xf32, #tpu.memory_space<vmem>>, vector<1x16xf32>,
        %get3A_1077 = vector.shape_cast %get3A_1076 : vector<1x16xf32> to vector<16xf32>
        %add3A_1078 = arith.addf %scan3A_978, %get3A_1077 : vector<16xf32>
        %mul3A_1079 = arith.constant 8 : i32
        %mul3A_1080 = arith.muli %scan3A_966, %mul3A_1079 : i32
        %add3A_1081 = arith.constant 200 : i32
        %add3A_1082 = arith.addi %add3A_1081, %mul3A_1080 : i32
        %add3A_1083 = arith.constant 6 : i32
        %add3A_1084 = arith.addi %add3A_1082, %add3A_1083 : i32
        %get3A_1085 = arith.index_cast %add3A_1084 : i32 to index
        %get3A_1086 = arith.constant 0 : index
        %get3A_1087 = tpu.vector_load %arg9[%get3A_1085, %get3A_1086] {strides = array<i32>} : memref<1600x32xf32, #tpu.memory_space<vmem>>, vector<1x16xf32>,
        %get3A_1088 = vector.shape_cast %get3A_1087 : vector<1x16xf32> to vector<16xf32>
        %add3A_1089 = arith.addf %scan3A_979, %get3A_1088 : vector<16xf32>
        %get3A_1090 = arith.index_cast %add3A_1084 : i32 to index
        %get3A_1091 = arith.constant 16 : index
        %get3A_1092 = tpu.vector_load %arg9[%get3A_1090, %get3A_1091] {strides = array<i32>} : memref<1600x32xf32, #tpu.memory_space<vmem>>, vector<1x16xf32>,
        %get3A_1093 = vector.shape_cast %get3A_1092 : vector<1x16xf32> to vector<16xf32>
        %add3A_1094 = arith.addf %scan3A_980, %get3A_1093 : vector<16xf32>
        %mul3A_1095 = arith.constant 8 : i32
        %mul3A_1096 = arith.muli %scan3A_966, %mul3A_1095 : i32
        %add3A_1097 = arith.constant 200 : i32
        %add3A_1098 = arith.addi %add3A_1097, %mul3A_1096 : i32
        %add3A_1099 = arith.constant 7 : i32
        %add3A_1100 = arith.addi %add3A_1098, %add3A_1099 : i32
        %get3A_1101 = arith.index_cast %add3A_1100 : i32 to index
        %get3A_1102 = arith.constant 0 : index
        %get3A_1103 = tpu.vector_load %arg9[%get3A_1101, %get3A_1102] {strides = array<i32>} : memref<1600x32xf32, #tpu.memory_space<vmem>>, vector<1x16xf32>,
        %get3A_1104 = vector.shape_cast %get3A_1103 : vector<1x16xf32> to vector<16xf32>
        %add3A_1105 = arith.addf %scan3A_981, %get3A_1104 : vector<16xf32>
        %get3A_1106 = arith.index_cast %add3A_1100 : i32 to index
        %get3A_1107 = arith.constant 16 : index
        %get3A_1108 = tpu.vector_load %arg9[%get3A_1106, %get3A_1107] {strides = array<i32>} : memref<1600x32xf32, #tpu.memory_space<vmem>>, vector<1x16xf32>,
        %get3A_1109 = vector.shape_cast %get3A_1108 : vector<1x16xf32> to vector<16xf32>
        %add3A_1110 = arith.addf %scan3A_982, %get3A_1109 : vector<16xf32>
        scf.yield %add3A_993, %add3A_998, %add3A_1009, %add3A_1014, %add3A_1025, %add3A_1030, %add3A_1041, %add3A_1046, %add3A_1057, %add3A_1062, %add3A_1073, %add3A_1078, %add3A_1089, %add3A_1094, %add3A_1105, %add3A_1110 : vector<16xf32>, vector<16xf32>, vector<16xf32>, vector<16xf32>, vector<16xf32>, vector<16xf32>, vector<16xf32>, vector<16xf32>, vector<16xf32>, vector<16xf32>, vector<16xf32>, vector<16xf32>, vector<16xf32>, vector<16xf32>, vector<16xf32>, vector<16xf32>
      }
      %scan3A_719 = arith.constant 25 : i32
      %add3A_720 = arith.addf %scan3A_718#0, %scan3A_718#2 : vector<16xf32>
      %add3A_721 = arith.addf %scan3A_718#4, %scan3A_718#6 : vector<16xf32>
      %add3A_722 = arith.addf %add3A_720, %add3A_721 : vector<16xf32>
      %add3A_723 = arith.addf %scan3A_718#8, %scan3A_718#10 : vector<16xf32>
      %add3A_724 = arith.addf %scan3A_718#12, %scan3A_718#14 : vector<16xf32>
      %add3A_725 = arith.addf %add3A_723, %add3A_724 : vector<16xf32>
      %add3A_726 = arith.addf %add3A_722, %add3A_725 : vector<16xf32>
      %add3A_727 = arith.addf %scan3A_718#1, %scan3A_718#3 : vector<16xf32>
      %add3A_728 = arith.addf %scan3A_718#5, %scan3A_718#7 : vector<16xf32>
      %add3A_729 = arith.addf %add3A_727, %add3A_728 : vector<16xf32>
      %add3A_730 = arith.addf %scan3A_718#9, %scan3A_718#11 : vector<16xf32>
      %add3A_731 = arith.addf %scan3A_718#13, %scan3A_718#15 : vector<16xf32>
      %add3A_732 = arith.addf %add3A_730, %add3A_731 : vector<16xf32>
      %add3A_733 = arith.addf %add3A_729, %add3A_732 : vector<16xf32>
      %add3A_734 = arith.addf %add3A_726, %get3A_2 : vector<16xf32>
      %swap3A_735 = arith.constant 1 : i32
      %swap3A_736 = arith.index_cast %swap3A_735 : i32 to index
      %swap3A_737 = arith.constant 0 : index
      %swap3A_738 = tpu.vector_load %arg10[%swap3A_736, %swap3A_737] {strides = array<i32>} : memref<8x32xf32, #tpu.memory_space<vmem>>, vector<1x16xf32>,
      %swap3A_739 = vector.shape_cast %swap3A_738 : vector<1x16xf32> to vector<16xf32>
      %swap3A_740 = vector.shape_cast %add3A_734 : vector<16xf32> to vector<1x16xf32>
      tpu.vector_store %arg10[%swap3A_736, %swap3A_737], %swap3A_740 {strides = array<i32>} : memref<8x32xf32, #tpu.memory_space<vmem>>, vector<1x16xf32>,
      %add3A_741 = arith.addf %add3A_733, %get3A_5 : vector<16xf32>
      %swap3A_742 = arith.constant 1 : i32
      %swap3A_743 = arith.index_cast %swap3A_742 : i32 to index
      %swap3A_744 = arith.constant 16 : index
      %swap3A_745 = tpu.vector_load %arg10[%swap3A_743, %swap3A_744] {strides = array<i32>} : memref<8x32xf32, #tpu.memory_space<vmem>>, vector<1x16xf32>,
      %swap3A_746 = vector.shape_cast %swap3A_745 : vector<1x16xf32> to vector<16xf32>
      %swap3A_747 = vector.shape_cast %add3A_741 : vector<16xf32> to vector<1x16xf32>
      tpu.vector_store %arg10[%swap3A_743, %swap3A_744], %swap3A_747 {strides = array<i32>} : memref<8x32xf32, #tpu.memory_space<vmem>>, vector<1x16xf32>,
      %broadcast_in_dim3A_748 = arith.constant 0.000000e+00 : f32
      %broadcast_in_dim3A_749 = vector.broadcast %broadcast_in_dim3A_748 : f32 to vector<16xf32>
      %scan3A_750 = arith.constant 0 : i32
      %scan3A_751 = arith.constant 25 : i32
      %scan3A_752 = arith.addi %scan3A_750, %scan3A_751 : i32
      %scan3A_753 = arith.constant 1 : i32
      %scan3A_754:16 = scf.for %scan3A_966 = %scan3A_750 to %scan3A_752 step %scan3A_753 iter_args(%scan3A_967 = %broadcast_in_dim3A_749, %scan3A_968 = %broadcast_in_dim3A_749, %scan3A_969 = %broadcast_in_dim3A_749, %scan3A_970 = %broadcast_in_dim3A_749, %scan3A_971 = %broadcast_in_dim3A_749, %scan3A_972 = %broadcast_in_dim3A_749, %scan3A_973 = %broadcast_in_dim3A_749, %scan3A_974 = %broadcast_in_dim3A_749, %scan3A_975 = %broadcast_in_dim3A_749, %scan3A_976 = %broadcast_in_dim3A_749, %scan3A_977 = %broadcast_in_dim3A_749, %scan3A_978 = %broadcast_in_dim3A_749, %scan3A_979 = %broadcast_in_dim3A_749, %scan3A_980 = %broadcast_in_dim3A_749, %scan3A_981 = %broadcast_in_dim3A_749, %scan3A_982 = %broadcast_in_dim3A_749) -> (vector<16xf32>, vector<16xf32>, vector<16xf32>, vector<16xf32>, vector<16xf32>, vector<16xf32>, vector<16xf32>, vector<16xf32>, vector<16xf32>, vector<16xf32>, vector<16xf32>, vector<16xf32>, vector<16xf32>, vector<16xf32>, vector<16xf32>, vector<16xf32>)  : i32 {
        %mul3A_983 = arith.constant 8 : i32
        %mul3A_984 = arith.muli %scan3A_966, %mul3A_983 : i32
        %add3A_985 = arith.constant 400 : i32
        %add3A_986 = arith.addi %add3A_985, %mul3A_984 : i32
        %add3A_987 = arith.constant 0 : i32
        %add3A_988 = arith.addi %add3A_986, %add3A_987 : i32
        %get3A_989 = arith.index_cast %add3A_988 : i32 to index
        %get3A_990 = arith.constant 0 : index
        %get3A_991 = tpu.vector_load %arg9[%get3A_989, %get3A_990] {strides = array<i32>} : memref<1600x32xf32, #tpu.memory_space<vmem>>, vector<1x16xf32>,
        %get3A_992 = vector.shape_cast %get3A_991 : vector<1x16xf32> to vector<16xf32>
        %add3A_993 = arith.addf %scan3A_967, %get3A_992 : vector<16xf32>
        %get3A_994 = arith.index_cast %add3A_988 : i32 to index
        %get3A_995 = arith.constant 16 : index
        %get3A_996 = tpu.vector_load %arg9[%get3A_994, %get3A_995] {strides = array<i32>} : memref<1600x32xf32, #tpu.memory_space<vmem>>, vector<1x16xf32>,
        %get3A_997 = vector.shape_cast %get3A_996 : vector<1x16xf32> to vector<16xf32>
        %add3A_998 = arith.addf %scan3A_968, %get3A_997 : vector<16xf32>
        %mul3A_999 = arith.constant 8 : i32
        %mul3A_1000 = arith.muli %scan3A_966, %mul3A_999 : i32
        %add3A_1001 = arith.constant 400 : i32
        %add3A_1002 = arith.addi %add3A_1001, %mul3A_1000 : i32
        %add3A_1003 = arith.constant 1 : i32
        %add3A_1004 = arith.addi %add3A_1002, %add3A_1003 : i32
        %get3A_1005 = arith.index_cast %add3A_1004 : i32 to index
        %get3A_1006 = arith.constant 0 : index
        %get3A_1007 = tpu.vector_load %arg9[%get3A_1005, %get3A_1006] {strides = array<i32>} : memref<1600x32xf32, #tpu.memory_space<vmem>>, vector<1x16xf32>,
        %get3A_1008 = vector.shape_cast %get3A_1007 : vector<1x16xf32> to vector<16xf32>
        %add3A_1009 = arith.addf %scan3A_969, %get3A_1008 : vector<16xf32>
        %get3A_1010 = arith.index_cast %add3A_1004 : i32 to index
        %get3A_1011 = arith.constant 16 : index
        %get3A_1012 = tpu.vector_load %arg9[%get3A_1010, %get3A_1011] {strides = array<i32>} : memref<1600x32xf32, #tpu.memory_space<vmem>>, vector<1x16xf32>,
        %get3A_1013 = vector.shape_cast %get3A_1012 : vector<1x16xf32> to vector<16xf32>
        %add3A_1014 = arith.addf %scan3A_970, %get3A_1013 : vector<16xf32>
        %mul3A_1015 = arith.constant 8 : i32
        %mul3A_1016 = arith.muli %scan3A_966, %mul3A_1015 : i32
        %add3A_1017 = arith.constant 400 : i32
        %add3A_1018 = arith.addi %add3A_1017, %mul3A_1016 : i32
        %add3A_1019 = arith.constant 2 : i32
        %add3A_1020 = arith.addi %add3A_1018, %add3A_1019 : i32
        %get3A_1021 = arith.index_cast %add3A_1020 : i32 to index
        %get3A_1022 = arith.constant 0 : index
        %get3A_1023 = tpu.vector_load %arg9[%get3A_1021, %get3A_1022] {strides = array<i32>} : memref<1600x32xf32, #tpu.memory_space<vmem>>, vector<1x16xf32>,
        %get3A_1024 = vector.shape_cast %get3A_1023 : vector<1x16xf32> to vector<16xf32>
        %add3A_1025 = arith.addf %scan3A_971, %get3A_1024 : vector<16xf32>
        %get3A_1026 = arith.index_cast %add3A_1020 : i32 to index
        %get3A_1027 = arith.constant 16 : index
        %get3A_1028 = tpu.vector_load %arg9[%get3A_1026, %get3A_1027] {strides = array<i32>} : memref<1600x32xf32, #tpu.memory_space<vmem>>, vector<1x16xf32>,
        %get3A_1029 = vector.shape_cast %get3A_1028 : vector<1x16xf32> to vector<16xf32>
        %add3A_1030 = arith.addf %scan3A_972, %get3A_1029 : vector<16xf32>
        %mul3A_1031 = arith.constant 8 : i32
        %mul3A_1032 = arith.muli %scan3A_966, %mul3A_1031 : i32
        %add3A_1033 = arith.constant 400 : i32
        %add3A_1034 = arith.addi %add3A_1033, %mul3A_1032 : i32
        %add3A_1035 = arith.constant 3 : i32
        %add3A_1036 = arith.addi %add3A_1034, %add3A_1035 : i32
        %get3A_1037 = arith.index_cast %add3A_1036 : i32 to index
        %get3A_1038 = arith.constant 0 : index
        %get3A_1039 = tpu.vector_load %arg9[%get3A_1037, %get3A_1038] {strides = array<i32>} : memref<1600x32xf32, #tpu.memory_space<vmem>>, vector<1x16xf32>,
        %get3A_1040 = vector.shape_cast %get3A_1039 : vector<1x16xf32> to vector<16xf32>
        %add3A_1041 = arith.addf %scan3A_973, %get3A_1040 : vector<16xf32>
        %get3A_1042 = arith.index_cast %add3A_1036 : i32 to index
        %get3A_1043 = arith.constant 16 : index
        %get3A_1044 = tpu.vector_load %arg9[%get3A_1042, %get3A_1043] {strides = array<i32>} : memref<1600x32xf32, #tpu.memory_space<vmem>>, vector<1x16xf32>,
        %get3A_1045 = vector.shape_cast %get3A_1044 : vector<1x16xf32> to vector<16xf32>
        %add3A_1046 = arith.addf %scan3A_974, %get3A_1045 : vector<16xf32>
        %mul3A_1047 = arith.constant 8 : i32
        %mul3A_1048 = arith.muli %scan3A_966, %mul3A_1047 : i32
        %add3A_1049 = arith.constant 400 : i32
        %add3A_1050 = arith.addi %add3A_1049, %mul3A_1048 : i32
        %add3A_1051 = arith.constant 4 : i32
        %add3A_1052 = arith.addi %add3A_1050, %add3A_1051 : i32
        %get3A_1053 = arith.index_cast %add3A_1052 : i32 to index
        %get3A_1054 = arith.constant 0 : index
        %get3A_1055 = tpu.vector_load %arg9[%get3A_1053, %get3A_1054] {strides = array<i32>} : memref<1600x32xf32, #tpu.memory_space<vmem>>, vector<1x16xf32>,
        %get3A_1056 = vector.shape_cast %get3A_1055 : vector<1x16xf32> to vector<16xf32>
        %add3A_1057 = arith.addf %scan3A_975, %get3A_1056 : vector<16xf32>
        %get3A_1058 = arith.index_cast %add3A_1052 : i32 to index
        %get3A_1059 = arith.constant 16 : index
        %get3A_1060 = tpu.vector_load %arg9[%get3A_1058, %get3A_1059] {strides = array<i32>} : memref<1600x32xf32, #tpu.memory_space<vmem>>, vector<1x16xf32>,
        %get3A_1061 = vector.shape_cast %get3A_1060 : vector<1x16xf32> to vector<16xf32>
        %add3A_1062 = arith.addf %scan3A_976, %get3A_1061 : vector<16xf32>
        %mul3A_1063 = arith.constant 8 : i32
        %mul3A_1064 = arith.muli %scan3A_966, %mul3A_1063 : i32
        %add3A_1065 = arith.constant 400 : i32
        %add3A_1066 = arith.addi %add3A_1065, %mul3A_1064 : i32
        %add3A_1067 = arith.constant 5 : i32
        %add3A_1068 = arith.addi %add3A_1066, %add3A_1067 : i32
        %get3A_1069 = arith.index_cast %add3A_1068 : i32 to index
        %get3A_1070 = arith.constant 0 : index
        %get3A_1071 = tpu.vector_load %arg9[%get3A_1069, %get3A_1070] {strides = array<i32>} : memref<1600x32xf32, #tpu.memory_space<vmem>>, vector<1x16xf32>,
        %get3A_1072 = vector.shape_cast %get3A_1071 : vector<1x16xf32> to vector<16xf32>
        %add3A_1073 = arith.addf %scan3A_977, %get3A_1072 : vector<16xf32>
        %get3A_1074 = arith.index_cast %add3A_1068 : i32 to index
        %get3A_1075 = arith.constant 16 : index
        %get3A_1076 = tpu.vector_load %arg9[%get3A_1074, %get3A_1075] {strides = array<i32>} : memref<1600x32xf32, #tpu.memory_space<vmem>>, vector<1x16xf32>,
        %get3A_1077 = vector.shape_cast %get3A_1076 : vector<1x16xf32> to vector<16xf32>
        %add3A_1078 = arith.addf %scan3A_978, %get3A_1077 : vector<16xf32>
        %mul3A_1079 = arith.constant 8 : i32
        %mul3A_1080 = arith.muli %scan3A_966, %mul3A_1079 : i32
        %add3A_1081 = arith.constant 400 : i32
        %add3A_1082 = arith.addi %add3A_1081, %mul3A_1080 : i32
        %add3A_1083 = arith.constant 6 : i32
        %add3A_1084 = arith.addi %add3A_1082, %add3A_1083 : i32
        %get3A_1085 = arith.index_cast %add3A_1084 : i32 to index
        %get3A_1086 = arith.constant 0 : index
        %get3A_1087 = tpu.vector_load %arg9[%get3A_1085, %get3A_1086] {strides = array<i32>} : memref<1600x32xf32, #tpu.memory_space<vmem>>, vector<1x16xf32>,
        %get3A_1088 = vector.shape_cast %get3A_1087 : vector<1x16xf32> to vector<16xf32>
        %add3A_1089 = arith.addf %scan3A_979, %get3A_1088 : vector<16xf32>
        %get3A_1090 = arith.index_cast %add3A_1084 : i32 to index
        %get3A_1091 = arith.constant 16 : index
        %get3A_1092 = tpu.vector_load %arg9[%get3A_1090, %get3A_1091] {strides = array<i32>} : memref<1600x32xf32, #tpu.memory_space<vmem>>, vector<1x16xf32>,
        %get3A_1093 = vector.shape_cast %get3A_1092 : vector<1x16xf32> to vector<16xf32>
        %add3A_1094 = arith.addf %scan3A_980, %get3A_1093 : vector<16xf32>
        %mul3A_1095 = arith.constant 8 : i32
        %mul3A_1096 = arith.muli %scan3A_966, %mul3A_1095 : i32
        %add3A_1097 = arith.constant 400 : i32
        %add3A_1098 = arith.addi %add3A_1097, %mul3A_1096 : i32
        %add3A_1099 = arith.constant 7 : i32
        %add3A_1100 = arith.addi %add3A_1098, %add3A_1099 : i32
        %get3A_1101 = arith.index_cast %add3A_1100 : i32 to index
        %get3A_1102 = arith.constant 0 : index
        %get3A_1103 = tpu.vector_load %arg9[%get3A_1101, %get3A_1102] {strides = array<i32>} : memref<1600x32xf32, #tpu.memory_space<vmem>>, vector<1x16xf32>,
        %get3A_1104 = vector.shape_cast %get3A_1103 : vector<1x16xf32> to vector<16xf32>
        %add3A_1105 = arith.addf %scan3A_981, %get3A_1104 : vector<16xf32>
        %get3A_1106 = arith.index_cast %add3A_1100 : i32 to index
        %get3A_1107 = arith.constant 16 : index
        %get3A_1108 = tpu.vector_load %arg9[%get3A_1106, %get3A_1107] {strides = array<i32>} : memref<1600x32xf32, #tpu.memory_space<vmem>>, vector<1x16xf32>,
        %get3A_1109 = vector.shape_cast %get3A_1108 : vector<1x16xf32> to vector<16xf32>
        %add3A_1110 = arith.addf %scan3A_982, %get3A_1109 : vector<16xf32>
        scf.yield %add3A_993, %add3A_998, %add3A_1009, %add3A_1014, %add3A_1025, %add3A_1030, %add3A_1041, %add3A_1046, %add3A_1057, %add3A_1062, %add3A_1073, %add3A_1078, %add3A_1089, %add3A_1094, %add3A_1105, %add3A_1110 : vector<16xf32>, vector<16xf32>, vector<16xf32>, vector<16xf32>, vector<16xf32>, vector<16xf32>, vector<16xf32>, vector<16xf32>, vector<16xf32>, vector<16xf32>, vector<16xf32>, vector<16xf32>, vector<16xf32>, vector<16xf32>, vector<16xf32>, vector<16xf32>
      }
      %scan3A_755 = arith.constant 25 : i32
      %add3A_756 = arith.addf %scan3A_754#0, %scan3A_754#2 : vector<16xf32>
      %add3A_757 = arith.addf %scan3A_754#4, %scan3A_754#6 : vector<16xf32>
      %add3A_758 = arith.addf %add3A_756, %add3A_757 : vector<16xf32>
      %add3A_759 = arith.addf %scan3A_754#8, %scan3A_754#10 : vector<16xf32>
      %add3A_760 = arith.addf %scan3A_754#12, %scan3A_754#14 : vector<16xf32>
      %add3A_761 = arith.addf %add3A_759, %add3A_760 : vector<16xf32>
      %add3A_762 = arith.addf %add3A_758, %add3A_761 : vector<16xf32>
      %add3A_763 = arith.addf %scan3A_754#1, %scan3A_754#3 : vector<16xf32>
      %add3A_764 = arith.addf %scan3A_754#5, %scan3A_754#7 : vector<16xf32>
      %add3A_765 = arith.addf %add3A_763, %add3A_764 : vector<16xf32>
      %add3A_766 = arith.addf %scan3A_754#9, %scan3A_754#11 : vector<16xf32>
      %add3A_767 = arith.addf %scan3A_754#13, %scan3A_754#15 : vector<16xf32>
      %add3A_768 = arith.addf %add3A_766, %add3A_767 : vector<16xf32>
      %add3A_769 = arith.addf %add3A_765, %add3A_768 : vector<16xf32>
      %add3A_770 = arith.addf %add3A_762, %get3A_2 : vector<16xf32>
      %swap3A_771 = arith.constant 2 : i32
      %swap3A_772 = arith.index_cast %swap3A_771 : i32 to index
      %swap3A_773 = arith.constant 0 : index
      %swap3A_774 = tpu.vector_load %arg10[%swap3A_772, %swap3A_773] {strides = array<i32>} : memref<8x32xf32, #tpu.memory_space<vmem>>, vector<1x16xf32>,
      %swap3A_775 = vector.shape_cast %swap3A_774 : vector<1x16xf32> to vector<16xf32>
      %swap3A_776 = vector.shape_cast %add3A_770 : vector<16xf32> to vector<1x16xf32>
      tpu.vector_store %arg10[%swap3A_772, %swap3A_773], %swap3A_776 {strides = array<i32>} : memref<8x32xf32, #tpu.memory_space<vmem>>, vector<1x16xf32>,
      %add3A_777 = arith.addf %add3A_769, %get3A_5 : vector<16xf32>
      %swap3A_778 = arith.constant 2 : i32
      %swap3A_779 = arith.index_cast %swap3A_778 : i32 to index
      %swap3A_780 = arith.constant 16 : index
      %swap3A_781 = tpu.vector_load %arg10[%swap3A_779, %swap3A_780] {strides = array<i32>} : memref<8x32xf32, #tpu.memory_space<vmem>>, vector<1x16xf32>,
      %swap3A_782 = vector.shape_cast %swap3A_781 : vector<1x16xf32> to vector<16xf32>
      %swap3A_783 = vector.shape_cast %add3A_777 : vector<16xf32> to vector<1x16xf32>
      tpu.vector_store %arg10[%swap3A_779, %swap3A_780], %swap3A_783 {strides = array<i32>} : memref<8x32xf32, #tpu.memory_space<vmem>>, vector<1x16xf32>,
      %broadcast_in_dim3A_784 = arith.constant 0.000000e+00 : f32
      %broadcast_in_dim3A_785 = vector.broadcast %broadcast_in_dim3A_784 : f32 to vector<16xf32>
      %scan3A_786 = arith.constant 0 : i32
      %scan3A_787 = arith.constant 25 : i32
      %scan3A_788 = arith.addi %scan3A_786, %scan3A_787 : i32
      %scan3A_789 = arith.constant 1 : i32
      %scan3A_790:16 = scf.for %scan3A_966 = %scan3A_786 to %scan3A_788 step %scan3A_789 iter_args(%scan3A_967 = %broadcast_in_dim3A_785, %scan3A_968 = %broadcast_in_dim3A_785, %scan3A_969 = %broadcast_in_dim3A_785, %scan3A_970 = %broadcast_in_dim3A_785, %scan3A_971 = %broadcast_in_dim3A_785, %scan3A_972 = %broadcast_in_dim3A_785, %scan3A_973 = %broadcast_in_dim3A_785, %scan3A_974 = %broadcast_in_dim3A_785, %scan3A_975 = %broadcast_in_dim3A_785, %scan3A_976 = %broadcast_in_dim3A_785, %scan3A_977 = %broadcast_in_dim3A_785, %scan3A_978 = %broadcast_in_dim3A_785, %scan3A_979 = %broadcast_in_dim3A_785, %scan3A_980 = %broadcast_in_dim3A_785, %scan3A_981 = %broadcast_in_dim3A_785, %scan3A_982 = %broadcast_in_dim3A_785) -> (vector<16xf32>, vector<16xf32>, vector<16xf32>, vector<16xf32>, vector<16xf32>, vector<16xf32>, vector<16xf32>, vector<16xf32>, vector<16xf32>, vector<16xf32>, vector<16xf32>, vector<16xf32>, vector<16xf32>, vector<16xf32>, vector<16xf32>, vector<16xf32>)  : i32 {
        %mul3A_983 = arith.constant 8 : i32
        %mul3A_984 = arith.muli %scan3A_966, %mul3A_983 : i32
        %add3A_985 = arith.constant 600 : i32
        %add3A_986 = arith.addi %add3A_985, %mul3A_984 : i32
        %add3A_987 = arith.constant 0 : i32
        %add3A_988 = arith.addi %add3A_986, %add3A_987 : i32
        %get3A_989 = arith.index_cast %add3A_988 : i32 to index
        %get3A_990 = arith.constant 0 : index
        %get3A_991 = tpu.vector_load %arg9[%get3A_989, %get3A_990] {strides = array<i32>} : memref<1600x32xf32, #tpu.memory_space<vmem>>, vector<1x16xf32>,
        %get3A_992 = vector.shape_cast %get3A_991 : vector<1x16xf32> to vector<16xf32>
        %add3A_993 = arith.addf %scan3A_967, %get3A_992 : vector<16xf32>
        %get3A_994 = arith.index_cast %add3A_988 : i32 to index
        %get3A_995 = arith.constant 16 : index
        %get3A_996 = tpu.vector_load %arg9[%get3A_994, %get3A_995] {strides = array<i32>} : memref<1600x32xf32, #tpu.memory_space<vmem>>, vector<1x16xf32>,
        %get3A_997 = vector.shape_cast %get3A_996 : vector<1x16xf32> to vector<16xf32>
        %add3A_998 = arith.addf %scan3A_968, %get3A_997 : vector<16xf32>
        %mul3A_999 = arith.constant 8 : i32
        %mul3A_1000 = arith.muli %scan3A_966, %mul3A_999 : i32
        %add3A_1001 = arith.constant 600 : i32
        %add3A_1002 = arith.addi %add3A_1001, %mul3A_1000 : i32
        %add3A_1003 = arith.constant 1 : i32
        %add3A_1004 = arith.addi %add3A_1002, %add3A_1003 : i32
        %get3A_1005 = arith.index_cast %add3A_1004 : i32 to index
        %get3A_1006 = arith.constant 0 : index
        %get3A_1007 = tpu.vector_load %arg9[%get3A_1005, %get3A_1006] {strides = array<i32>} : memref<1600x32xf32, #tpu.memory_space<vmem>>, vector<1x16xf32>,
        %get3A_1008 = vector.shape_cast %get3A_1007 : vector<1x16xf32> to vector<16xf32>
        %add3A_1009 = arith.addf %scan3A_969, %get3A_1008 : vector<16xf32>
        %get3A_1010 = arith.index_cast %add3A_1004 : i32 to index
        %get3A_1011 = arith.constant 16 : index
        %get3A_1012 = tpu.vector_load %arg9[%get3A_1010, %get3A_1011] {strides = array<i32>} : memref<1600x32xf32, #tpu.memory_space<vmem>>, vector<1x16xf32>,
        %get3A_1013 = vector.shape_cast %get3A_1012 : vector<1x16xf32> to vector<16xf32>
        %add3A_1014 = arith.addf %scan3A_970, %get3A_1013 : vector<16xf32>
        %mul3A_1015 = arith.constant 8 : i32
        %mul3A_1016 = arith.muli %scan3A_966, %mul3A_1015 : i32
        %add3A_1017 = arith.constant 600 : i32
        %add3A_1018 = arith.addi %add3A_1017, %mul3A_1016 : i32
        %add3A_1019 = arith.constant 2 : i32
        %add3A_1020 = arith.addi %add3A_1018, %add3A_1019 : i32
        %get3A_1021 = arith.index_cast %add3A_1020 : i32 to index
        %get3A_1022 = arith.constant 0 : index
        %get3A_1023 = tpu.vector_load %arg9[%get3A_1021, %get3A_1022] {strides = array<i32>} : memref<1600x32xf32, #tpu.memory_space<vmem>>, vector<1x16xf32>,
        %get3A_1024 = vector.shape_cast %get3A_1023 : vector<1x16xf32> to vector<16xf32>
        %add3A_1025 = arith.addf %scan3A_971, %get3A_1024 : vector<16xf32>
        %get3A_1026 = arith.index_cast %add3A_1020 : i32 to index
        %get3A_1027 = arith.constant 16 : index
        %get3A_1028 = tpu.vector_load %arg9[%get3A_1026, %get3A_1027] {strides = array<i32>} : memref<1600x32xf32, #tpu.memory_space<vmem>>, vector<1x16xf32>,
        %get3A_1029 = vector.shape_cast %get3A_1028 : vector<1x16xf32> to vector<16xf32>
        %add3A_1030 = arith.addf %scan3A_972, %get3A_1029 : vector<16xf32>
        %mul3A_1031 = arith.constant 8 : i32
        %mul3A_1032 = arith.muli %scan3A_966, %mul3A_1031 : i32
        %add3A_1033 = arith.constant 600 : i32
        %add3A_1034 = arith.addi %add3A_1033, %mul3A_1032 : i32
        %add3A_1035 = arith.constant 3 : i32
        %add3A_1036 = arith.addi %add3A_1034, %add3A_1035 : i32
        %get3A_1037 = arith.index_cast %add3A_1036 : i32 to index
        %get3A_1038 = arith.constant 0 : index
        %get3A_1039 = tpu.vector_load %arg9[%get3A_1037, %get3A_1038] {strides = array<i32>} : memref<1600x32xf32, #tpu.memory_space<vmem>>, vector<1x16xf32>,
        %get3A_1040 = vector.shape_cast %get3A_1039 : vector<1x16xf32> to vector<16xf32>
        %add3A_1041 = arith.addf %scan3A_973, %get3A_1040 : vector<16xf32>
        %get3A_1042 = arith.index_cast %add3A_1036 : i32 to index
        %get3A_1043 = arith.constant 16 : index
        %get3A_1044 = tpu.vector_load %arg9[%get3A_1042, %get3A_1043] {strides = array<i32>} : memref<1600x32xf32, #tpu.memory_space<vmem>>, vector<1x16xf32>,
        %get3A_1045 = vector.shape_cast %get3A_1044 : vector<1x16xf32> to vector<16xf32>
        %add3A_1046 = arith.addf %scan3A_974, %get3A_1045 : vector<16xf32>
        %mul3A_1047 = arith.constant 8 : i32
        %mul3A_1048 = arith.muli %scan3A_966, %mul3A_1047 : i32
        %add3A_1049 = arith.constant 600 : i32
        %add3A_1050 = arith.addi %add3A_1049, %mul3A_1048 : i32
        %add3A_1051 = arith.constant 4 : i32
        %add3A_1052 = arith.addi %add3A_1050, %add3A_1051 : i32
        %get3A_1053 = arith.index_cast %add3A_1052 : i32 to index
        %get3A_1054 = arith.constant 0 : index
        %get3A_1055 = tpu.vector_load %arg9[%get3A_1053, %get3A_1054] {strides = array<i32>} : memref<1600x32xf32, #tpu.memory_space<vmem>>, vector<1x16xf32>,
        %get3A_1056 = vector.shape_cast %get3A_1055 : vector<1x16xf32> to vector<16xf32>
        %add3A_1057 = arith.addf %scan3A_975, %get3A_1056 : vector<16xf32>
        %get3A_1058 = arith.index_cast %add3A_1052 : i32 to index
        %get3A_1059 = arith.constant 16 : index
        %get3A_1060 = tpu.vector_load %arg9[%get3A_1058, %get3A_1059] {strides = array<i32>} : memref<1600x32xf32, #tpu.memory_space<vmem>>, vector<1x16xf32>,
        %get3A_1061 = vector.shape_cast %get3A_1060 : vector<1x16xf32> to vector<16xf32>
        %add3A_1062 = arith.addf %scan3A_976, %get3A_1061 : vector<16xf32>
        %mul3A_1063 = arith.constant 8 : i32
        %mul3A_1064 = arith.muli %scan3A_966, %mul3A_1063 : i32
        %add3A_1065 = arith.constant 600 : i32
        %add3A_1066 = arith.addi %add3A_1065, %mul3A_1064 : i32
        %add3A_1067 = arith.constant 5 : i32
        %add3A_1068 = arith.addi %add3A_1066, %add3A_1067 : i32
        %get3A_1069 = arith.index_cast %add3A_1068 : i32 to index
        %get3A_1070 = arith.constant 0 : index
        %get3A_1071 = tpu.vector_load %arg9[%get3A_1069, %get3A_1070] {strides = array<i32>} : memref<1600x32xf32, #tpu.memory_space<vmem>>, vector<1x16xf32>,
        %get3A_1072 = vector.shape_cast %get3A_1071 : vector<1x16xf32> to vector<16xf32>
        %add3A_1073 = arith.addf %scan3A_977, %get3A_1072 : vector<16xf32>
        %get3A_1074 = arith.index_cast %add3A_1068 : i32 to index
        %get3A_1075 = arith.constant 16 : index
        %get3A_1076 = tpu.vector_load %arg9[%get3A_1074, %get3A_1075] {strides = array<i32>} : memref<1600x32xf32, #tpu.memory_space<vmem>>, vector<1x16xf32>,
        %get3A_1077 = vector.shape_cast %get3A_1076 : vector<1x16xf32> to vector<16xf32>
        %add3A_1078 = arith.addf %scan3A_978, %get3A_1077 : vector<16xf32>
        %mul3A_1079 = arith.constant 8 : i32
        %mul3A_1080 = arith.muli %scan3A_966, %mul3A_1079 : i32
        %add3A_1081 = arith.constant 600 : i32
        %add3A_1082 = arith.addi %add3A_1081, %mul3A_1080 : i32
        %add3A_1083 = arith.constant 6 : i32
        %add3A_1084 = arith.addi %add3A_1082, %add3A_1083 : i32
        %get3A_1085 = arith.index_cast %add3A_1084 : i32 to index
        %get3A_1086 = arith.constant 0 : index
        %get3A_1087 = tpu.vector_load %arg9[%get3A_1085, %get3A_1086] {strides = array<i32>} : memref<1600x32xf32, #tpu.memory_space<vmem>>, vector<1x16xf32>,
        %get3A_1088 = vector.shape_cast %get3A_1087 : vector<1x16xf32> to vector<16xf32>
        %add3A_1089 = arith.addf %scan3A_979, %get3A_1088 : vector<16xf32>
        %get3A_1090 = arith.index_cast %add3A_1084 : i32 to index
        %get3A_1091 = arith.constant 16 : index
        %get3A_1092 = tpu.vector_load %arg9[%get3A_1090, %get3A_1091] {strides = array<i32>} : memref<1600x32xf32, #tpu.memory_space<vmem>>, vector<1x16xf32>,
        %get3A_1093 = vector.shape_cast %get3A_1092 : vector<1x16xf32> to vector<16xf32>
        %add3A_1094 = arith.addf %scan3A_980, %get3A_1093 : vector<16xf32>
        %mul3A_1095 = arith.constant 8 : i32
        %mul3A_1096 = arith.muli %scan3A_966, %mul3A_1095 : i32
        %add3A_1097 = arith.constant 600 : i32
        %add3A_1098 = arith.addi %add3A_1097, %mul3A_1096 : i32
        %add3A_1099 = arith.constant 7 : i32
        %add3A_1100 = arith.addi %add3A_1098, %add3A_1099 : i32
        %get3A_1101 = arith.index_cast %add3A_1100 : i32 to index
        %get3A_1102 = arith.constant 0 : index
        %get3A_1103 = tpu.vector_load %arg9[%get3A_1101, %get3A_1102] {strides = array<i32>} : memref<1600x32xf32, #tpu.memory_space<vmem>>, vector<1x16xf32>,
        %get3A_1104 = vector.shape_cast %get3A_1103 : vector<1x16xf32> to vector<16xf32>
        %add3A_1105 = arith.addf %scan3A_981, %get3A_1104 : vector<16xf32>
        %get3A_1106 = arith.index_cast %add3A_1100 : i32 to index
        %get3A_1107 = arith.constant 16 : index
        %get3A_1108 = tpu.vector_load %arg9[%get3A_1106, %get3A_1107] {strides = array<i32>} : memref<1600x32xf32, #tpu.memory_space<vmem>>, vector<1x16xf32>,
        %get3A_1109 = vector.shape_cast %get3A_1108 : vector<1x16xf32> to vector<16xf32>
        %add3A_1110 = arith.addf %scan3A_982, %get3A_1109 : vector<16xf32>
        scf.yield %add3A_993, %add3A_998, %add3A_1009, %add3A_1014, %add3A_1025, %add3A_1030, %add3A_1041, %add3A_1046, %add3A_1057, %add3A_1062, %add3A_1073, %add3A_1078, %add3A_1089, %add3A_1094, %add3A_1105, %add3A_1110 : vector<16xf32>, vector<16xf32>, vector<16xf32>, vector<16xf32>, vector<16xf32>, vector<16xf32>, vector<16xf32>, vector<16xf32>, vector<16xf32>, vector<16xf32>, vector<16xf32>, vector<16xf32>, vector<16xf32>, vector<16xf32>, vector<16xf32>, vector<16xf32>
      }
      %scan3A_791 = arith.constant 25 : i32
      %add3A_792 = arith.addf %scan3A_790#0, %scan3A_790#2 : vector<16xf32>
      %add3A_793 = arith.addf %scan3A_790#4, %scan3A_790#6 : vector<16xf32>
      %add3A_794 = arith.addf %add3A_792, %add3A_793 : vector<16xf32>
      %add3A_795 = arith.addf %scan3A_790#8, %scan3A_790#10 : vector<16xf32>
      %add3A_796 = arith.addf %scan3A_790#12, %scan3A_790#14 : vector<16xf32>
      %add3A_797 = arith.addf %add3A_795, %add3A_796 : vector<16xf32>
      %add3A_798 = arith.addf %add3A_794, %add3A_797 : vector<16xf32>
      %add3A_799 = arith.addf %scan3A_790#1, %scan3A_790#3 : vector<16xf32>
      %add3A_800 = arith.addf %scan3A_790#5, %scan3A_790#7 : vector<16xf32>
      %add3A_801 = arith.addf %add3A_799, %add3A_800 : vector<16xf32>
      %add3A_802 = arith.addf %scan3A_790#9, %scan3A_790#11 : vector<16xf32>
      %add3A_803 = arith.addf %scan3A_790#13, %scan3A_790#15 : vector<16xf32>
      %add3A_804 = arith.addf %add3A_802, %add3A_803 : vector<16xf32>
      %add3A_805 = arith.addf %add3A_801, %add3A_804 : vector<16xf32>
      %add3A_806 = arith.addf %add3A_798, %get3A_2 : vector<16xf32>
      %swap3A_807 = arith.constant 3 : i32
      %swap3A_808 = arith.index_cast %swap3A_807 : i32 to index
      %swap3A_809 = arith.constant 0 : index
      %swap3A_810 = tpu.vector_load %arg10[%swap3A_808, %swap3A_809] {strides = array<i32>} : memref<8x32xf32, #tpu.memory_space<vmem>>, vector<1x16xf32>,
      %swap3A_811 = vector.shape_cast %swap3A_810 : vector<1x16xf32> to vector<16xf32>
      %swap3A_812 = vector.shape_cast %add3A_806 : vector<16xf32> to vector<1x16xf32>
      tpu.vector_store %arg10[%swap3A_808, %swap3A_809], %swap3A_812 {strides = array<i32>} : memref<8x32xf32, #tpu.memory_space<vmem>>, vector<1x16xf32>,
      %add3A_813 = arith.addf %add3A_805, %get3A_5 : vector<16xf32>
      %swap3A_814 = arith.constant 3 : i32
      %swap3A_815 = arith.index_cast %swap3A_814 : i32 to index
      %swap3A_816 = arith.constant 16 : index
      %swap3A_817 = tpu.vector_load %arg10[%swap3A_815, %swap3A_816] {strides = array<i32>} : memref<8x32xf32, #tpu.memory_space<vmem>>, vector<1x16xf32>,
      %swap3A_818 = vector.shape_cast %swap3A_817 : vector<1x16xf32> to vector<16xf32>
      %swap3A_819 = vector.shape_cast %add3A_813 : vector<16xf32> to vector<1x16xf32>
      tpu.vector_store %arg10[%swap3A_815, %swap3A_816], %swap3A_819 {strides = array<i32>} : memref<8x32xf32, #tpu.memory_space<vmem>>, vector<1x16xf32>,
      %broadcast_in_dim3A_820 = arith.constant 0.000000e+00 : f32
      %broadcast_in_dim3A_821 = vector.broadcast %broadcast_in_dim3A_820 : f32 to vector<16xf32>
      %scan3A_822 = arith.constant 0 : i32
      %scan3A_823 = arith.constant 25 : i32
      %scan3A_824 = arith.addi %scan3A_822, %scan3A_823 : i32
      %scan3A_825 = arith.constant 1 : i32
      %scan3A_826:16 = scf.for %scan3A_966 = %scan3A_822 to %scan3A_824 step %scan3A_825 iter_args(%scan3A_967 = %broadcast_in_dim3A_821, %scan3A_968 = %broadcast_in_dim3A_821, %scan3A_969 = %broadcast_in_dim3A_821, %scan3A_970 = %broadcast_in_dim3A_821, %scan3A_971 = %broadcast_in_dim3A_821, %scan3A_972 = %broadcast_in_dim3A_821, %scan3A_973 = %broadcast_in_dim3A_821, %scan3A_974 = %broadcast_in_dim3A_821, %scan3A_975 = %broadcast_in_dim3A_821, %scan3A_976 = %broadcast_in_dim3A_821, %scan3A_977 = %broadcast_in_dim3A_821, %scan3A_978 = %broadcast_in_dim3A_821, %scan3A_979 = %broadcast_in_dim3A_821, %scan3A_980 = %broadcast_in_dim3A_821, %scan3A_981 = %broadcast_in_dim3A_821, %scan3A_982 = %broadcast_in_dim3A_821) -> (vector<16xf32>, vector<16xf32>, vector<16xf32>, vector<16xf32>, vector<16xf32>, vector<16xf32>, vector<16xf32>, vector<16xf32>, vector<16xf32>, vector<16xf32>, vector<16xf32>, vector<16xf32>, vector<16xf32>, vector<16xf32>, vector<16xf32>, vector<16xf32>)  : i32 {
        %mul3A_983 = arith.constant 8 : i32
        %mul3A_984 = arith.muli %scan3A_966, %mul3A_983 : i32
        %add3A_985 = arith.constant 800 : i32
        %add3A_986 = arith.addi %add3A_985, %mul3A_984 : i32
        %add3A_987 = arith.constant 0 : i32
        %add3A_988 = arith.addi %add3A_986, %add3A_987 : i32
        %get3A_989 = arith.index_cast %add3A_988 : i32 to index
        %get3A_990 = arith.constant 0 : index
        %get3A_991 = tpu.vector_load %arg9[%get3A_989, %get3A_990] {strides = array<i32>} : memref<1600x32xf32, #tpu.memory_space<vmem>>, vector<1x16xf32>,
        %get3A_992 = vector.shape_cast %get3A_991 : vector<1x16xf32> to vector<16xf32>
        %add3A_993 = arith.addf %scan3A_967, %get3A_992 : vector<16xf32>
        %get3A_994 = arith.index_cast %add3A_988 : i32 to index
        %get3A_995 = arith.constant 16 : index
        %get3A_996 = tpu.vector_load %arg9[%get3A_994, %get3A_995] {strides = array<i32>} : memref<1600x32xf32, #tpu.memory_space<vmem>>, vector<1x16xf32>,
        %get3A_997 = vector.shape_cast %get3A_996 : vector<1x16xf32> to vector<16xf32>
        %add3A_998 = arith.addf %scan3A_968, %get3A_997 : vector<16xf32>
        %mul3A_999 = arith.constant 8 : i32
        %mul3A_1000 = arith.muli %scan3A_966, %mul3A_999 : i32
        %add3A_1001 = arith.constant 800 : i32
        %add3A_1002 = arith.addi %add3A_1001, %mul3A_1000 : i32
        %add3A_1003 = arith.constant 1 : i32
        %add3A_1004 = arith.addi %add3A_1002, %add3A_1003 : i32
        %get3A_1005 = arith.index_cast %add3A_1004 : i32 to index
        %get3A_1006 = arith.constant 0 : index
        %get3A_1007 = tpu.vector_load %arg9[%get3A_1005, %get3A_1006] {strides = array<i32>} : memref<1600x32xf32, #tpu.memory_space<vmem>>, vector<1x16xf32>,
        %get3A_1008 = vector.shape_cast %get3A_1007 : vector<1x16xf32> to vector<16xf32>
        %add3A_1009 = arith.addf %scan3A_969, %get3A_1008 : vector<16xf32>
        %get3A_1010 = arith.index_cast %add3A_1004 : i32 to index
        %get3A_1011 = arith.constant 16 : index
        %get3A_1012 = tpu.vector_load %arg9[%get3A_1010, %get3A_1011] {strides = array<i32>} : memref<1600x32xf32, #tpu.memory_space<vmem>>, vector<1x16xf32>,
        %get3A_1013 = vector.shape_cast %get3A_1012 : vector<1x16xf32> to vector<16xf32>
        %add3A_1014 = arith.addf %scan3A_970, %get3A_1013 : vector<16xf32>
        %mul3A_1015 = arith.constant 8 : i32
        %mul3A_1016 = arith.muli %scan3A_966, %mul3A_1015 : i32
        %add3A_1017 = arith.constant 800 : i32
        %add3A_1018 = arith.addi %add3A_1017, %mul3A_1016 : i32
        %add3A_1019 = arith.constant 2 : i32
        %add3A_1020 = arith.addi %add3A_1018, %add3A_1019 : i32
        %get3A_1021 = arith.index_cast %add3A_1020 : i32 to index
        %get3A_1022 = arith.constant 0 : index
        %get3A_1023 = tpu.vector_load %arg9[%get3A_1021, %get3A_1022] {strides = array<i32>} : memref<1600x32xf32, #tpu.memory_space<vmem>>, vector<1x16xf32>,
        %get3A_1024 = vector.shape_cast %get3A_1023 : vector<1x16xf32> to vector<16xf32>
        %add3A_1025 = arith.addf %scan3A_971, %get3A_1024 : vector<16xf32>
        %get3A_1026 = arith.index_cast %add3A_1020 : i32 to index
        %get3A_1027 = arith.constant 16 : index
        %get3A_1028 = tpu.vector_load %arg9[%get3A_1026, %get3A_1027] {strides = array<i32>} : memref<1600x32xf32, #tpu.memory_space<vmem>>, vector<1x16xf32>,
        %get3A_1029 = vector.shape_cast %get3A_1028 : vector<1x16xf32> to vector<16xf32>
        %add3A_1030 = arith.addf %scan3A_972, %get3A_1029 : vector<16xf32>
        %mul3A_1031 = arith.constant 8 : i32
        %mul3A_1032 = arith.muli %scan3A_966, %mul3A_1031 : i32
        %add3A_1033 = arith.constant 800 : i32
        %add3A_1034 = arith.addi %add3A_1033, %mul3A_1032 : i32
        %add3A_1035 = arith.constant 3 : i32
        %add3A_1036 = arith.addi %add3A_1034, %add3A_1035 : i32
        %get3A_1037 = arith.index_cast %add3A_1036 : i32 to index
        %get3A_1038 = arith.constant 0 : index
        %get3A_1039 = tpu.vector_load %arg9[%get3A_1037, %get3A_1038] {strides = array<i32>} : memref<1600x32xf32, #tpu.memory_space<vmem>>, vector<1x16xf32>,
        %get3A_1040 = vector.shape_cast %get3A_1039 : vector<1x16xf32> to vector<16xf32>
        %add3A_1041 = arith.addf %scan3A_973, %get3A_1040 : vector<16xf32>
        %get3A_1042 = arith.index_cast %add3A_1036 : i32 to index
        %get3A_1043 = arith.constant 16 : index
        %get3A_1044 = tpu.vector_load %arg9[%get3A_1042, %get3A_1043] {strides = array<i32>} : memref<1600x32xf32, #tpu.memory_space<vmem>>, vector<1x16xf32>,
        %get3A_1045 = vector.shape_cast %get3A_1044 : vector<1x16xf32> to vector<16xf32>
        %add3A_1046 = arith.addf %scan3A_974, %get3A_1045 : vector<16xf32>
        %mul3A_1047 = arith.constant 8 : i32
        %mul3A_1048 = arith.muli %scan3A_966, %mul3A_1047 : i32
        %add3A_1049 = arith.constant 800 : i32
        %add3A_1050 = arith.addi %add3A_1049, %mul3A_1048 : i32
        %add3A_1051 = arith.constant 4 : i32
        %add3A_1052 = arith.addi %add3A_1050, %add3A_1051 : i32
        %get3A_1053 = arith.index_cast %add3A_1052 : i32 to index
        %get3A_1054 = arith.constant 0 : index
        %get3A_1055 = tpu.vector_load %arg9[%get3A_1053, %get3A_1054] {strides = array<i32>} : memref<1600x32xf32, #tpu.memory_space<vmem>>, vector<1x16xf32>,
        %get3A_1056 = vector.shape_cast %get3A_1055 : vector<1x16xf32> to vector<16xf32>
        %add3A_1057 = arith.addf %scan3A_975, %get3A_1056 : vector<16xf32>
        %get3A_1058 = arith.index_cast %add3A_1052 : i32 to index
        %get3A_1059 = arith.constant 16 : index
        %get3A_1060 = tpu.vector_load %arg9[%get3A_1058, %get3A_1059] {strides = array<i32>} : memref<1600x32xf32, #tpu.memory_space<vmem>>, vector<1x16xf32>,
        %get3A_1061 = vector.shape_cast %get3A_1060 : vector<1x16xf32> to vector<16xf32>
        %add3A_1062 = arith.addf %scan3A_976, %get3A_1061 : vector<16xf32>
        %mul3A_1063 = arith.constant 8 : i32
        %mul3A_1064 = arith.muli %scan3A_966, %mul3A_1063 : i32
        %add3A_1065 = arith.constant 800 : i32
        %add3A_1066 = arith.addi %add3A_1065, %mul3A_1064 : i32
        %add3A_1067 = arith.constant 5 : i32
        %add3A_1068 = arith.addi %add3A_1066, %add3A_1067 : i32
        %get3A_1069 = arith.index_cast %add3A_1068 : i32 to index
        %get3A_1070 = arith.constant 0 : index
        %get3A_1071 = tpu.vector_load %arg9[%get3A_1069, %get3A_1070] {strides = array<i32>} : memref<1600x32xf32, #tpu.memory_space<vmem>>, vector<1x16xf32>,
        %get3A_1072 = vector.shape_cast %get3A_1071 : vector<1x16xf32> to vector<16xf32>
        %add3A_1073 = arith.addf %scan3A_977, %get3A_1072 : vector<16xf32>
        %get3A_1074 = arith.index_cast %add3A_1068 : i32 to index
        %get3A_1075 = arith.constant 16 : index
        %get3A_1076 = tpu.vector_load %arg9[%get3A_1074, %get3A_1075] {strides = array<i32>} : memref<1600x32xf32, #tpu.memory_space<vmem>>, vector<1x16xf32>,
        %get3A_1077 = vector.shape_cast %get3A_1076 : vector<1x16xf32> to vector<16xf32>
        %add3A_1078 = arith.addf %scan3A_978, %get3A_1077 : vector<16xf32>
        %mul3A_1079 = arith.constant 8 : i32
        %mul3A_1080 = arith.muli %scan3A_966, %mul3A_1079 : i32
        %add3A_1081 = arith.constant 800 : i32
        %add3A_1082 = arith.addi %add3A_1081, %mul3A_1080 : i32
        %add3A_1083 = arith.constant 6 : i32
        %add3A_1084 = arith.addi %add3A_1082, %add3A_1083 : i32
        %get3A_1085 = arith.index_cast %add3A_1084 : i32 to index
        %get3A_1086 = arith.constant 0 : index
        %get3A_1087 = tpu.vector_load %arg9[%get3A_1085, %get3A_1086] {strides = array<i32>} : memref<1600x32xf32, #tpu.memory_space<vmem>>, vector<1x16xf32>,
        %get3A_1088 = vector.shape_cast %get3A_1087 : vector<1x16xf32> to vector<16xf32>
        %add3A_1089 = arith.addf %scan3A_979, %get3A_1088 : vector<16xf32>
        %get3A_1090 = arith.index_cast %add3A_1084 : i32 to index
        %get3A_1091 = arith.constant 16 : index
        %get3A_1092 = tpu.vector_load %arg9[%get3A_1090, %get3A_1091] {strides = array<i32>} : memref<1600x32xf32, #tpu.memory_space<vmem>>, vector<1x16xf32>,
        %get3A_1093 = vector.shape_cast %get3A_1092 : vector<1x16xf32> to vector<16xf32>
        %add3A_1094 = arith.addf %scan3A_980, %get3A_1093 : vector<16xf32>
        %mul3A_1095 = arith.constant 8 : i32
        %mul3A_1096 = arith.muli %scan3A_966, %mul3A_1095 : i32
        %add3A_1097 = arith.constant 800 : i32
        %add3A_1098 = arith.addi %add3A_1097, %mul3A_1096 : i32
        %add3A_1099 = arith.constant 7 : i32
        %add3A_1100 = arith.addi %add3A_1098, %add3A_1099 : i32
        %get3A_1101 = arith.index_cast %add3A_1100 : i32 to index
        %get3A_1102 = arith.constant 0 : index
        %get3A_1103 = tpu.vector_load %arg9[%get3A_1101, %get3A_1102] {strides = array<i32>} : memref<1600x32xf32, #tpu.memory_space<vmem>>, vector<1x16xf32>,
        %get3A_1104 = vector.shape_cast %get3A_1103 : vector<1x16xf32> to vector<16xf32>
        %add3A_1105 = arith.addf %scan3A_981, %get3A_1104 : vector<16xf32>
        %get3A_1106 = arith.index_cast %add3A_1100 : i32 to index
        %get3A_1107 = arith.constant 16 : index
        %get3A_1108 = tpu.vector_load %arg9[%get3A_1106, %get3A_1107] {strides = array<i32>} : memref<1600x32xf32, #tpu.memory_space<vmem>>, vector<1x16xf32>,
        %get3A_1109 = vector.shape_cast %get3A_1108 : vector<1x16xf32> to vector<16xf32>
        %add3A_1110 = arith.addf %scan3A_982, %get3A_1109 : vector<16xf32>
        scf.yield %add3A_993, %add3A_998, %add3A_1009, %add3A_1014, %add3A_1025, %add3A_1030, %add3A_1041, %add3A_1046, %add3A_1057, %add3A_1062, %add3A_1073, %add3A_1078, %add3A_1089, %add3A_1094, %add3A_1105, %add3A_1110 : vector<16xf32>, vector<16xf32>, vector<16xf32>, vector<16xf32>, vector<16xf32>, vector<16xf32>, vector<16xf32>, vector<16xf32>, vector<16xf32>, vector<16xf32>, vector<16xf32>, vector<16xf32>, vector<16xf32>, vector<16xf32>, vector<16xf32>, vector<16xf32>
      }
      %scan3A_827 = arith.constant 25 : i32
      %add3A_828 = arith.addf %scan3A_826#0, %scan3A_826#2 : vector<16xf32>
      %add3A_829 = arith.addf %scan3A_826#4, %scan3A_826#6 : vector<16xf32>
      %add3A_830 = arith.addf %add3A_828, %add3A_829 : vector<16xf32>
      %add3A_831 = arith.addf %scan3A_826#8, %scan3A_826#10 : vector<16xf32>
      %add3A_832 = arith.addf %scan3A_826#12, %scan3A_826#14 : vector<16xf32>
      %add3A_833 = arith.addf %add3A_831, %add3A_832 : vector<16xf32>
      %add3A_834 = arith.addf %add3A_830, %add3A_833 : vector<16xf32>
      %add3A_835 = arith.addf %scan3A_826#1, %scan3A_826#3 : vector<16xf32>
      %add3A_836 = arith.addf %scan3A_826#5, %scan3A_826#7 : vector<16xf32>
      %add3A_837 = arith.addf %add3A_835, %add3A_836 : vector<16xf32>
      %add3A_838 = arith.addf %scan3A_826#9, %scan3A_826#11 : vector<16xf32>
      %add3A_839 = arith.addf %scan3A_826#13, %scan3A_826#15 : vector<16xf32>
      %add3A_840 = arith.addf %add3A_838, %add3A_839 : vector<16xf32>
      %add3A_841 = arith.addf %add3A_837, %add3A_840 : vector<16xf32>
      %add3A_842 = arith.addf %add3A_834, %get3A_2 : vector<16xf32>
      %swap3A_843 = arith.constant 4 : i32
      %swap3A_844 = arith.index_cast %swap3A_843 : i32 to index
      %swap3A_845 = arith.constant 0 : index
      %swap3A_846 = tpu.vector_load %arg10[%swap3A_844, %swap3A_845] {strides = array<i32>} : memref<8x32xf32, #tpu.memory_space<vmem>>, vector<1x16xf32>,
      %swap3A_847 = vector.shape_cast %swap3A_846 : vector<1x16xf32> to vector<16xf32>
      %swap3A_848 = vector.shape_cast %add3A_842 : vector<16xf32> to vector<1x16xf32>
      tpu.vector_store %arg10[%swap3A_844, %swap3A_845], %swap3A_848 {strides = array<i32>} : memref<8x32xf32, #tpu.memory_space<vmem>>, vector<1x16xf32>,
      %add3A_849 = arith.addf %add3A_841, %get3A_5 : vector<16xf32>
      %swap3A_850 = arith.constant 4 : i32
      %swap3A_851 = arith.index_cast %swap3A_850 : i32 to index
      %swap3A_852 = arith.constant 16 : index
      %swap3A_853 = tpu.vector_load %arg10[%swap3A_851, %swap3A_852] {strides = array<i32>} : memref<8x32xf32, #tpu.memory_space<vmem>>, vector<1x16xf32>,
      %swap3A_854 = vector.shape_cast %swap3A_853 : vector<1x16xf32> to vector<16xf32>
      %swap3A_855 = vector.shape_cast %add3A_849 : vector<16xf32> to vector<1x16xf32>
      tpu.vector_store %arg10[%swap3A_851, %swap3A_852], %swap3A_855 {strides = array<i32>} : memref<8x32xf32, #tpu.memory_space<vmem>>, vector<1x16xf32>,
      %broadcast_in_dim3A_856 = arith.constant 0.000000e+00 : f32
      %broadcast_in_dim3A_857 = vector.broadcast %broadcast_in_dim3A_856 : f32 to vector<16xf32>
      %scan3A_858 = arith.constant 0 : i32
      %scan3A_859 = arith.constant 25 : i32
      %scan3A_860 = arith.addi %scan3A_858, %scan3A_859 : i32
      %scan3A_861 = arith.constant 1 : i32
      %scan3A_862:16 = scf.for %scan3A_966 = %scan3A_858 to %scan3A_860 step %scan3A_861 iter_args(%scan3A_967 = %broadcast_in_dim3A_857, %scan3A_968 = %broadcast_in_dim3A_857, %scan3A_969 = %broadcast_in_dim3A_857, %scan3A_970 = %broadcast_in_dim3A_857, %scan3A_971 = %broadcast_in_dim3A_857, %scan3A_972 = %broadcast_in_dim3A_857, %scan3A_973 = %broadcast_in_dim3A_857, %scan3A_974 = %broadcast_in_dim3A_857, %scan3A_975 = %broadcast_in_dim3A_857, %scan3A_976 = %broadcast_in_dim3A_857, %scan3A_977 = %broadcast_in_dim3A_857, %scan3A_978 = %broadcast_in_dim3A_857, %scan3A_979 = %broadcast_in_dim3A_857, %scan3A_980 = %broadcast_in_dim3A_857, %scan3A_981 = %broadcast_in_dim3A_857, %scan3A_982 = %broadcast_in_dim3A_857) -> (vector<16xf32>, vector<16xf32>, vector<16xf32>, vector<16xf32>, vector<16xf32>, vector<16xf32>, vector<16xf32>, vector<16xf32>, vector<16xf32>, vector<16xf32>, vector<16xf32>, vector<16xf32>, vector<16xf32>, vector<16xf32>, vector<16xf32>, vector<16xf32>)  : i32 {
        %mul3A_983 = arith.constant 8 : i32
        %mul3A_984 = arith.muli %scan3A_966, %mul3A_983 : i32
        %add3A_985 = arith.constant 1000 : i32
        %add3A_986 = arith.addi %add3A_985, %mul3A_984 : i32
        %add3A_987 = arith.constant 0 : i32
        %add3A_988 = arith.addi %add3A_986, %add3A_987 : i32
        %get3A_989 = arith.index_cast %add3A_988 : i32 to index
        %get3A_990 = arith.constant 0 : index
        %get3A_991 = tpu.vector_load %arg9[%get3A_989, %get3A_990] {strides = array<i32>} : memref<1600x32xf32, #tpu.memory_space<vmem>>, vector<1x16xf32>,
        %get3A_992 = vector.shape_cast %get3A_991 : vector<1x16xf32> to vector<16xf32>
        %add3A_993 = arith.addf %scan3A_967, %get3A_992 : vector<16xf32>
        %get3A_994 = arith.index_cast %add3A_988 : i32 to index
        %get3A_995 = arith.constant 16 : index
        %get3A_996 = tpu.vector_load %arg9[%get3A_994, %get3A_995] {strides = array<i32>} : memref<1600x32xf32, #tpu.memory_space<vmem>>, vector<1x16xf32>,
        %get3A_997 = vector.shape_cast %get3A_996 : vector<1x16xf32> to vector<16xf32>
        %add3A_998 = arith.addf %scan3A_968, %get3A_997 : vector<16xf32>
        %mul3A_999 = arith.constant 8 : i32
        %mul3A_1000 = arith.muli %scan3A_966, %mul3A_999 : i32
        %add3A_1001 = arith.constant 1000 : i32
        %add3A_1002 = arith.addi %add3A_1001, %mul3A_1000 : i32
        %add3A_1003 = arith.constant 1 : i32
        %add3A_1004 = arith.addi %add3A_1002, %add3A_1003 : i32
        %get3A_1005 = arith.index_cast %add3A_1004 : i32 to index
        %get3A_1006 = arith.constant 0 : index
        %get3A_1007 = tpu.vector_load %arg9[%get3A_1005, %get3A_1006] {strides = array<i32>} : memref<1600x32xf32, #tpu.memory_space<vmem>>, vector<1x16xf32>,
        %get3A_1008 = vector.shape_cast %get3A_1007 : vector<1x16xf32> to vector<16xf32>
        %add3A_1009 = arith.addf %scan3A_969, %get3A_1008 : vector<16xf32>
        %get3A_1010 = arith.index_cast %add3A_1004 : i32 to index
        %get3A_1011 = arith.constant 16 : index
        %get3A_1012 = tpu.vector_load %arg9[%get3A_1010, %get3A_1011] {strides = array<i32>} : memref<1600x32xf32, #tpu.memory_space<vmem>>, vector<1x16xf32>,
        %get3A_1013 = vector.shape_cast %get3A_1012 : vector<1x16xf32> to vector<16xf32>
        %add3A_1014 = arith.addf %scan3A_970, %get3A_1013 : vector<16xf32>
        %mul3A_1015 = arith.constant 8 : i32
        %mul3A_1016 = arith.muli %scan3A_966, %mul3A_1015 : i32
        %add3A_1017 = arith.constant 1000 : i32
        %add3A_1018 = arith.addi %add3A_1017, %mul3A_1016 : i32
        %add3A_1019 = arith.constant 2 : i32
        %add3A_1020 = arith.addi %add3A_1018, %add3A_1019 : i32
        %get3A_1021 = arith.index_cast %add3A_1020 : i32 to index
        %get3A_1022 = arith.constant 0 : index
        %get3A_1023 = tpu.vector_load %arg9[%get3A_1021, %get3A_1022] {strides = array<i32>} : memref<1600x32xf32, #tpu.memory_space<vmem>>, vector<1x16xf32>,
        %get3A_1024 = vector.shape_cast %get3A_1023 : vector<1x16xf32> to vector<16xf32>
        %add3A_1025 = arith.addf %scan3A_971, %get3A_1024 : vector<16xf32>
        %get3A_1026 = arith.index_cast %add3A_1020 : i32 to index
        %get3A_1027 = arith.constant 16 : index
        %get3A_1028 = tpu.vector_load %arg9[%get3A_1026, %get3A_1027] {strides = array<i32>} : memref<1600x32xf32, #tpu.memory_space<vmem>>, vector<1x16xf32>,
        %get3A_1029 = vector.shape_cast %get3A_1028 : vector<1x16xf32> to vector<16xf32>
        %add3A_1030 = arith.addf %scan3A_972, %get3A_1029 : vector<16xf32>
        %mul3A_1031 = arith.constant 8 : i32
        %mul3A_1032 = arith.muli %scan3A_966, %mul3A_1031 : i32
        %add3A_1033 = arith.constant 1000 : i32
        %add3A_1034 = arith.addi %add3A_1033, %mul3A_1032 : i32
        %add3A_1035 = arith.constant 3 : i32
        %add3A_1036 = arith.addi %add3A_1034, %add3A_1035 : i32
        %get3A_1037 = arith.index_cast %add3A_1036 : i32 to index
        %get3A_1038 = arith.constant 0 : index
        %get3A_1039 = tpu.vector_load %arg9[%get3A_1037, %get3A_1038] {strides = array<i32>} : memref<1600x32xf32, #tpu.memory_space<vmem>>, vector<1x16xf32>,
        %get3A_1040 = vector.shape_cast %get3A_1039 : vector<1x16xf32> to vector<16xf32>
        %add3A_1041 = arith.addf %scan3A_973, %get3A_1040 : vector<16xf32>
        %get3A_1042 = arith.index_cast %add3A_1036 : i32 to index
        %get3A_1043 = arith.constant 16 : index
        %get3A_1044 = tpu.vector_load %arg9[%get3A_1042, %get3A_1043] {strides = array<i32>} : memref<1600x32xf32, #tpu.memory_space<vmem>>, vector<1x16xf32>,
        %get3A_1045 = vector.shape_cast %get3A_1044 : vector<1x16xf32> to vector<16xf32>
        %add3A_1046 = arith.addf %scan3A_974, %get3A_1045 : vector<16xf32>
        %mul3A_1047 = arith.constant 8 : i32
        %mul3A_1048 = arith.muli %scan3A_966, %mul3A_1047 : i32
        %add3A_1049 = arith.constant 1000 : i32
        %add3A_1050 = arith.addi %add3A_1049, %mul3A_1048 : i32
        %add3A_1051 = arith.constant 4 : i32
        %add3A_1052 = arith.addi %add3A_1050, %add3A_1051 : i32
        %get3A_1053 = arith.index_cast %add3A_1052 : i32 to index
        %get3A_1054 = arith.constant 0 : index
        %get3A_1055 = tpu.vector_load %arg9[%get3A_1053, %get3A_1054] {strides = array<i32>} : memref<1600x32xf32, #tpu.memory_space<vmem>>, vector<1x16xf32>,
        %get3A_1056 = vector.shape_cast %get3A_1055 : vector<1x16xf32> to vector<16xf32>
        %add3A_1057 = arith.addf %scan3A_975, %get3A_1056 : vector<16xf32>
        %get3A_1058 = arith.index_cast %add3A_1052 : i32 to index
        %get3A_1059 = arith.constant 16 : index
        %get3A_1060 = tpu.vector_load %arg9[%get3A_1058, %get3A_1059] {strides = array<i32>} : memref<1600x32xf32, #tpu.memory_space<vmem>>, vector<1x16xf32>,
        %get3A_1061 = vector.shape_cast %get3A_1060 : vector<1x16xf32> to vector<16xf32>
        %add3A_1062 = arith.addf %scan3A_976, %get3A_1061 : vector<16xf32>
        %mul3A_1063 = arith.constant 8 : i32
        %mul3A_1064 = arith.muli %scan3A_966, %mul3A_1063 : i32
        %add3A_1065 = arith.constant 1000 : i32
        %add3A_1066 = arith.addi %add3A_1065, %mul3A_1064 : i32
        %add3A_1067 = arith.constant 5 : i32
        %add3A_1068 = arith.addi %add3A_1066, %add3A_1067 : i32
        %get3A_1069 = arith.index_cast %add3A_1068 : i32 to index
        %get3A_1070 = arith.constant 0 : index
        %get3A_1071 = tpu.vector_load %arg9[%get3A_1069, %get3A_1070] {strides = array<i32>} : memref<1600x32xf32, #tpu.memory_space<vmem>>, vector<1x16xf32>,
        %get3A_1072 = vector.shape_cast %get3A_1071 : vector<1x16xf32> to vector<16xf32>
        %add3A_1073 = arith.addf %scan3A_977, %get3A_1072 : vector<16xf32>
        %get3A_1074 = arith.index_cast %add3A_1068 : i32 to index
        %get3A_1075 = arith.constant 16 : index
        %get3A_1076 = tpu.vector_load %arg9[%get3A_1074, %get3A_1075] {strides = array<i32>} : memref<1600x32xf32, #tpu.memory_space<vmem>>, vector<1x16xf32>,
        %get3A_1077 = vector.shape_cast %get3A_1076 : vector<1x16xf32> to vector<16xf32>
        %add3A_1078 = arith.addf %scan3A_978, %get3A_1077 : vector<16xf32>
        %mul3A_1079 = arith.constant 8 : i32
        %mul3A_1080 = arith.muli %scan3A_966, %mul3A_1079 : i32
        %add3A_1081 = arith.constant 1000 : i32
        %add3A_1082 = arith.addi %add3A_1081, %mul3A_1080 : i32
        %add3A_1083 = arith.constant 6 : i32
        %add3A_1084 = arith.addi %add3A_1082, %add3A_1083 : i32
        %get3A_1085 = arith.index_cast %add3A_1084 : i32 to index
        %get3A_1086 = arith.constant 0 : index
        %get3A_1087 = tpu.vector_load %arg9[%get3A_1085, %get3A_1086] {strides = array<i32>} : memref<1600x32xf32, #tpu.memory_space<vmem>>, vector<1x16xf32>,
        %get3A_1088 = vector.shape_cast %get3A_1087 : vector<1x16xf32> to vector<16xf32>
        %add3A_1089 = arith.addf %scan3A_979, %get3A_1088 : vector<16xf32>
        %get3A_1090 = arith.index_cast %add3A_1084 : i32 to index
        %get3A_1091 = arith.constant 16 : index
        %get3A_1092 = tpu.vector_load %arg9[%get3A_1090, %get3A_1091] {strides = array<i32>} : memref<1600x32xf32, #tpu.memory_space<vmem>>, vector<1x16xf32>,
        %get3A_1093 = vector.shape_cast %get3A_1092 : vector<1x16xf32> to vector<16xf32>
        %add3A_1094 = arith.addf %scan3A_980, %get3A_1093 : vector<16xf32>
        %mul3A_1095 = arith.constant 8 : i32
        %mul3A_1096 = arith.muli %scan3A_966, %mul3A_1095 : i32
        %add3A_1097 = arith.constant 1000 : i32
        %add3A_1098 = arith.addi %add3A_1097, %mul3A_1096 : i32
        %add3A_1099 = arith.constant 7 : i32
        %add3A_1100 = arith.addi %add3A_1098, %add3A_1099 : i32
        %get3A_1101 = arith.index_cast %add3A_1100 : i32 to index
        %get3A_1102 = arith.constant 0 : index
        %get3A_1103 = tpu.vector_load %arg9[%get3A_1101, %get3A_1102] {strides = array<i32>} : memref<1600x32xf32, #tpu.memory_space<vmem>>, vector<1x16xf32>,
        %get3A_1104 = vector.shape_cast %get3A_1103 : vector<1x16xf32> to vector<16xf32>
        %add3A_1105 = arith.addf %scan3A_981, %get3A_1104 : vector<16xf32>
        %get3A_1106 = arith.index_cast %add3A_1100 : i32 to index
        %get3A_1107 = arith.constant 16 : index
        %get3A_1108 = tpu.vector_load %arg9[%get3A_1106, %get3A_1107] {strides = array<i32>} : memref<1600x32xf32, #tpu.memory_space<vmem>>, vector<1x16xf32>,
        %get3A_1109 = vector.shape_cast %get3A_1108 : vector<1x16xf32> to vector<16xf32>
        %add3A_1110 = arith.addf %scan3A_982, %get3A_1109 : vector<16xf32>
        scf.yield %add3A_993, %add3A_998, %add3A_1009, %add3A_1014, %add3A_1025, %add3A_1030, %add3A_1041, %add3A_1046, %add3A_1057, %add3A_1062, %add3A_1073, %add3A_1078, %add3A_1089, %add3A_1094, %add3A_1105, %add3A_1110 : vector<16xf32>, vector<16xf32>, vector<16xf32>, vector<16xf32>, vector<16xf32>, vector<16xf32>, vector<16xf32>, vector<16xf32>, vector<16xf32>, vector<16xf32>, vector<16xf32>, vector<16xf32>, vector<16xf32>, vector<16xf32>, vector<16xf32>, vector<16xf32>
      }
      %scan3A_863 = arith.constant 25 : i32
      %add3A_864 = arith.addf %scan3A_862#0, %scan3A_862#2 : vector<16xf32>
      %add3A_865 = arith.addf %scan3A_862#4, %scan3A_862#6 : vector<16xf32>
      %add3A_866 = arith.addf %add3A_864, %add3A_865 : vector<16xf32>
      %add3A_867 = arith.addf %scan3A_862#8, %scan3A_862#10 : vector<16xf32>
      %add3A_868 = arith.addf %scan3A_862#12, %scan3A_862#14 : vector<16xf32>
      %add3A_869 = arith.addf %add3A_867, %add3A_868 : vector<16xf32>
      %add3A_870 = arith.addf %add3A_866, %add3A_869 : vector<16xf32>
      %add3A_871 = arith.addf %scan3A_862#1, %scan3A_862#3 : vector<16xf32>
      %add3A_872 = arith.addf %scan3A_862#5, %scan3A_862#7 : vector<16xf32>
      %add3A_873 = arith.addf %add3A_871, %add3A_872 : vector<16xf32>
      %add3A_874 = arith.addf %scan3A_862#9, %scan3A_862#11 : vector<16xf32>
      %add3A_875 = arith.addf %scan3A_862#13, %scan3A_862#15 : vector<16xf32>
      %add3A_876 = arith.addf %add3A_874, %add3A_875 : vector<16xf32>
      %add3A_877 = arith.addf %add3A_873, %add3A_876 : vector<16xf32>
      %add3A_878 = arith.addf %add3A_870, %get3A_2 : vector<16xf32>
      %swap3A_879 = arith.constant 5 : i32
      %swap3A_880 = arith.index_cast %swap3A_879 : i32 to index
      %swap3A_881 = arith.constant 0 : index
      %swap3A_882 = tpu.vector_load %arg10[%swap3A_880, %swap3A_881] {strides = array<i32>} : memref<8x32xf32, #tpu.memory_space<vmem>>, vector<1x16xf32>,
      %swap3A_883 = vector.shape_cast %swap3A_882 : vector<1x16xf32> to vector<16xf32>
      %swap3A_884 = vector.shape_cast %add3A_878 : vector<16xf32> to vector<1x16xf32>
      tpu.vector_store %arg10[%swap3A_880, %swap3A_881], %swap3A_884 {strides = array<i32>} : memref<8x32xf32, #tpu.memory_space<vmem>>, vector<1x16xf32>,
      %add3A_885 = arith.addf %add3A_877, %get3A_5 : vector<16xf32>
      %swap3A_886 = arith.constant 5 : i32
      %swap3A_887 = arith.index_cast %swap3A_886 : i32 to index
      %swap3A_888 = arith.constant 16 : index
      %swap3A_889 = tpu.vector_load %arg10[%swap3A_887, %swap3A_888] {strides = array<i32>} : memref<8x32xf32, #tpu.memory_space<vmem>>, vector<1x16xf32>,
      %swap3A_890 = vector.shape_cast %swap3A_889 : vector<1x16xf32> to vector<16xf32>
      %swap3A_891 = vector.shape_cast %add3A_885 : vector<16xf32> to vector<1x16xf32>
      tpu.vector_store %arg10[%swap3A_887, %swap3A_888], %swap3A_891 {strides = array<i32>} : memref<8x32xf32, #tpu.memory_space<vmem>>, vector<1x16xf32>,
      %broadcast_in_dim3A_892 = arith.constant 0.000000e+00 : f32
      %broadcast_in_dim3A_893 = vector.broadcast %broadcast_in_dim3A_892 : f32 to vector<16xf32>
      %scan3A_894 = arith.constant 0 : i32
      %scan3A_895 = arith.constant 25 : i32
      %scan3A_896 = arith.addi %scan3A_894, %scan3A_895 : i32
      %scan3A_897 = arith.constant 1 : i32
      %scan3A_898:16 = scf.for %scan3A_966 = %scan3A_894 to %scan3A_896 step %scan3A_897 iter_args(%scan3A_967 = %broadcast_in_dim3A_893, %scan3A_968 = %broadcast_in_dim3A_893, %scan3A_969 = %broadcast_in_dim3A_893, %scan3A_970 = %broadcast_in_dim3A_893, %scan3A_971 = %broadcast_in_dim3A_893, %scan3A_972 = %broadcast_in_dim3A_893, %scan3A_973 = %broadcast_in_dim3A_893, %scan3A_974 = %broadcast_in_dim3A_893, %scan3A_975 = %broadcast_in_dim3A_893, %scan3A_976 = %broadcast_in_dim3A_893, %scan3A_977 = %broadcast_in_dim3A_893, %scan3A_978 = %broadcast_in_dim3A_893, %scan3A_979 = %broadcast_in_dim3A_893, %scan3A_980 = %broadcast_in_dim3A_893, %scan3A_981 = %broadcast_in_dim3A_893, %scan3A_982 = %broadcast_in_dim3A_893) -> (vector<16xf32>, vector<16xf32>, vector<16xf32>, vector<16xf32>, vector<16xf32>, vector<16xf32>, vector<16xf32>, vector<16xf32>, vector<16xf32>, vector<16xf32>, vector<16xf32>, vector<16xf32>, vector<16xf32>, vector<16xf32>, vector<16xf32>, vector<16xf32>)  : i32 {
        %mul3A_983 = arith.constant 8 : i32
        %mul3A_984 = arith.muli %scan3A_966, %mul3A_983 : i32
        %add3A_985 = arith.constant 1200 : i32
        %add3A_986 = arith.addi %add3A_985, %mul3A_984 : i32
        %add3A_987 = arith.constant 0 : i32
        %add3A_988 = arith.addi %add3A_986, %add3A_987 : i32
        %get3A_989 = arith.index_cast %add3A_988 : i32 to index
        %get3A_990 = arith.constant 0 : index
        %get3A_991 = tpu.vector_load %arg9[%get3A_989, %get3A_990] {strides = array<i32>} : memref<1600x32xf32, #tpu.memory_space<vmem>>, vector<1x16xf32>,
        %get3A_992 = vector.shape_cast %get3A_991 : vector<1x16xf32> to vector<16xf32>
        %add3A_993 = arith.addf %scan3A_967, %get3A_992 : vector<16xf32>
        %get3A_994 = arith.index_cast %add3A_988 : i32 to index
        %get3A_995 = arith.constant 16 : index
        %get3A_996 = tpu.vector_load %arg9[%get3A_994, %get3A_995] {strides = array<i32>} : memref<1600x32xf32, #tpu.memory_space<vmem>>, vector<1x16xf32>,
        %get3A_997 = vector.shape_cast %get3A_996 : vector<1x16xf32> to vector<16xf32>
        %add3A_998 = arith.addf %scan3A_968, %get3A_997 : vector<16xf32>
        %mul3A_999 = arith.constant 8 : i32
        %mul3A_1000 = arith.muli %scan3A_966, %mul3A_999 : i32
        %add3A_1001 = arith.constant 1200 : i32
        %add3A_1002 = arith.addi %add3A_1001, %mul3A_1000 : i32
        %add3A_1003 = arith.constant 1 : i32
        %add3A_1004 = arith.addi %add3A_1002, %add3A_1003 : i32
        %get3A_1005 = arith.index_cast %add3A_1004 : i32 to index
        %get3A_1006 = arith.constant 0 : index
        %get3A_1007 = tpu.vector_load %arg9[%get3A_1005, %get3A_1006] {strides = array<i32>} : memref<1600x32xf32, #tpu.memory_space<vmem>>, vector<1x16xf32>,
        %get3A_1008 = vector.shape_cast %get3A_1007 : vector<1x16xf32> to vector<16xf32>
        %add3A_1009 = arith.addf %scan3A_969, %get3A_1008 : vector<16xf32>
        %get3A_1010 = arith.index_cast %add3A_1004 : i32 to index
        %get3A_1011 = arith.constant 16 : index
        %get3A_1012 = tpu.vector_load %arg9[%get3A_1010, %get3A_1011] {strides = array<i32>} : memref<1600x32xf32, #tpu.memory_space<vmem>>, vector<1x16xf32>,
        %get3A_1013 = vector.shape_cast %get3A_1012 : vector<1x16xf32> to vector<16xf32>
        %add3A_1014 = arith.addf %scan3A_970, %get3A_1013 : vector<16xf32>
        %mul3A_1015 = arith.constant 8 : i32
        %mul3A_1016 = arith.muli %scan3A_966, %mul3A_1015 : i32
        %add3A_1017 = arith.constant 1200 : i32
        %add3A_1018 = arith.addi %add3A_1017, %mul3A_1016 : i32
        %add3A_1019 = arith.constant 2 : i32
        %add3A_1020 = arith.addi %add3A_1018, %add3A_1019 : i32
        %get3A_1021 = arith.index_cast %add3A_1020 : i32 to index
        %get3A_1022 = arith.constant 0 : index
        %get3A_1023 = tpu.vector_load %arg9[%get3A_1021, %get3A_1022] {strides = array<i32>} : memref<1600x32xf32, #tpu.memory_space<vmem>>, vector<1x16xf32>,
        %get3A_1024 = vector.shape_cast %get3A_1023 : vector<1x16xf32> to vector<16xf32>
        %add3A_1025 = arith.addf %scan3A_971, %get3A_1024 : vector<16xf32>
        %get3A_1026 = arith.index_cast %add3A_1020 : i32 to index
        %get3A_1027 = arith.constant 16 : index
        %get3A_1028 = tpu.vector_load %arg9[%get3A_1026, %get3A_1027] {strides = array<i32>} : memref<1600x32xf32, #tpu.memory_space<vmem>>, vector<1x16xf32>,
        %get3A_1029 = vector.shape_cast %get3A_1028 : vector<1x16xf32> to vector<16xf32>
        %add3A_1030 = arith.addf %scan3A_972, %get3A_1029 : vector<16xf32>
        %mul3A_1031 = arith.constant 8 : i32
        %mul3A_1032 = arith.muli %scan3A_966, %mul3A_1031 : i32
        %add3A_1033 = arith.constant 1200 : i32
        %add3A_1034 = arith.addi %add3A_1033, %mul3A_1032 : i32
        %add3A_1035 = arith.constant 3 : i32
        %add3A_1036 = arith.addi %add3A_1034, %add3A_1035 : i32
        %get3A_1037 = arith.index_cast %add3A_1036 : i32 to index
        %get3A_1038 = arith.constant 0 : index
        %get3A_1039 = tpu.vector_load %arg9[%get3A_1037, %get3A_1038] {strides = array<i32>} : memref<1600x32xf32, #tpu.memory_space<vmem>>, vector<1x16xf32>,
        %get3A_1040 = vector.shape_cast %get3A_1039 : vector<1x16xf32> to vector<16xf32>
        %add3A_1041 = arith.addf %scan3A_973, %get3A_1040 : vector<16xf32>
        %get3A_1042 = arith.index_cast %add3A_1036 : i32 to index
        %get3A_1043 = arith.constant 16 : index
        %get3A_1044 = tpu.vector_load %arg9[%get3A_1042, %get3A_1043] {strides = array<i32>} : memref<1600x32xf32, #tpu.memory_space<vmem>>, vector<1x16xf32>,
        %get3A_1045 = vector.shape_cast %get3A_1044 : vector<1x16xf32> to vector<16xf32>
        %add3A_1046 = arith.addf %scan3A_974, %get3A_1045 : vector<16xf32>
        %mul3A_1047 = arith.constant 8 : i32
        %mul3A_1048 = arith.muli %scan3A_966, %mul3A_1047 : i32
        %add3A_1049 = arith.constant 1200 : i32
        %add3A_1050 = arith.addi %add3A_1049, %mul3A_1048 : i32
        %add3A_1051 = arith.constant 4 : i32
        %add3A_1052 = arith.addi %add3A_1050, %add3A_1051 : i32
        %get3A_1053 = arith.index_cast %add3A_1052 : i32 to index
        %get3A_1054 = arith.constant 0 : index
        %get3A_1055 = tpu.vector_load %arg9[%get3A_1053, %get3A_1054] {strides = array<i32>} : memref<1600x32xf32, #tpu.memory_space<vmem>>, vector<1x16xf32>,
        %get3A_1056 = vector.shape_cast %get3A_1055 : vector<1x16xf32> to vector<16xf32>
        %add3A_1057 = arith.addf %scan3A_975, %get3A_1056 : vector<16xf32>
        %get3A_1058 = arith.index_cast %add3A_1052 : i32 to index
        %get3A_1059 = arith.constant 16 : index
        %get3A_1060 = tpu.vector_load %arg9[%get3A_1058, %get3A_1059] {strides = array<i32>} : memref<1600x32xf32, #tpu.memory_space<vmem>>, vector<1x16xf32>,
        %get3A_1061 = vector.shape_cast %get3A_1060 : vector<1x16xf32> to vector<16xf32>
        %add3A_1062 = arith.addf %scan3A_976, %get3A_1061 : vector<16xf32>
        %mul3A_1063 = arith.constant 8 : i32
        %mul3A_1064 = arith.muli %scan3A_966, %mul3A_1063 : i32
        %add3A_1065 = arith.constant 1200 : i32
        %add3A_1066 = arith.addi %add3A_1065, %mul3A_1064 : i32
        %add3A_1067 = arith.constant 5 : i32
        %add3A_1068 = arith.addi %add3A_1066, %add3A_1067 : i32
        %get3A_1069 = arith.index_cast %add3A_1068 : i32 to index
        %get3A_1070 = arith.constant 0 : index
        %get3A_1071 = tpu.vector_load %arg9[%get3A_1069, %get3A_1070] {strides = array<i32>} : memref<1600x32xf32, #tpu.memory_space<vmem>>, vector<1x16xf32>,
        %get3A_1072 = vector.shape_cast %get3A_1071 : vector<1x16xf32> to vector<16xf32>
        %add3A_1073 = arith.addf %scan3A_977, %get3A_1072 : vector<16xf32>
        %get3A_1074 = arith.index_cast %add3A_1068 : i32 to index
        %get3A_1075 = arith.constant 16 : index
        %get3A_1076 = tpu.vector_load %arg9[%get3A_1074, %get3A_1075] {strides = array<i32>} : memref<1600x32xf32, #tpu.memory_space<vmem>>, vector<1x16xf32>,
        %get3A_1077 = vector.shape_cast %get3A_1076 : vector<1x16xf32> to vector<16xf32>
        %add3A_1078 = arith.addf %scan3A_978, %get3A_1077 : vector<16xf32>
        %mul3A_1079 = arith.constant 8 : i32
        %mul3A_1080 = arith.muli %scan3A_966, %mul3A_1079 : i32
        %add3A_1081 = arith.constant 1200 : i32
        %add3A_1082 = arith.addi %add3A_1081, %mul3A_1080 : i32
        %add3A_1083 = arith.constant 6 : i32
        %add3A_1084 = arith.addi %add3A_1082, %add3A_1083 : i32
        %get3A_1085 = arith.index_cast %add3A_1084 : i32 to index
        %get3A_1086 = arith.constant 0 : index
        %get3A_1087 = tpu.vector_load %arg9[%get3A_1085, %get3A_1086] {strides = array<i32>} : memref<1600x32xf32, #tpu.memory_space<vmem>>, vector<1x16xf32>,
        %get3A_1088 = vector.shape_cast %get3A_1087 : vector<1x16xf32> to vector<16xf32>
        %add3A_1089 = arith.addf %scan3A_979, %get3A_1088 : vector<16xf32>
        %get3A_1090 = arith.index_cast %add3A_1084 : i32 to index
        %get3A_1091 = arith.constant 16 : index
        %get3A_1092 = tpu.vector_load %arg9[%get3A_1090, %get3A_1091] {strides = array<i32>} : memref<1600x32xf32, #tpu.memory_space<vmem>>, vector<1x16xf32>,
        %get3A_1093 = vector.shape_cast %get3A_1092 : vector<1x16xf32> to vector<16xf32>
        %add3A_1094 = arith.addf %scan3A_980, %get3A_1093 : vector<16xf32>
        %mul3A_1095 = arith.constant 8 : i32
        %mul3A_1096 = arith.muli %scan3A_966, %mul3A_1095 : i32
        %add3A_1097 = arith.constant 1200 : i32
        %add3A_1098 = arith.addi %add3A_1097, %mul3A_1096 : i32
        %add3A_1099 = arith.constant 7 : i32
        %add3A_1100 = arith.addi %add3A_1098, %add3A_1099 : i32
        %get3A_1101 = arith.index_cast %add3A_1100 : i32 to index
        %get3A_1102 = arith.constant 0 : index
        %get3A_1103 = tpu.vector_load %arg9[%get3A_1101, %get3A_1102] {strides = array<i32>} : memref<1600x32xf32, #tpu.memory_space<vmem>>, vector<1x16xf32>,
        %get3A_1104 = vector.shape_cast %get3A_1103 : vector<1x16xf32> to vector<16xf32>
        %add3A_1105 = arith.addf %scan3A_981, %get3A_1104 : vector<16xf32>
        %get3A_1106 = arith.index_cast %add3A_1100 : i32 to index
        %get3A_1107 = arith.constant 16 : index
        %get3A_1108 = tpu.vector_load %arg9[%get3A_1106, %get3A_1107] {strides = array<i32>} : memref<1600x32xf32, #tpu.memory_space<vmem>>, vector<1x16xf32>,
        %get3A_1109 = vector.shape_cast %get3A_1108 : vector<1x16xf32> to vector<16xf32>
        %add3A_1110 = arith.addf %scan3A_982, %get3A_1109 : vector<16xf32>
        scf.yield %add3A_993, %add3A_998, %add3A_1009, %add3A_1014, %add3A_1025, %add3A_1030, %add3A_1041, %add3A_1046, %add3A_1057, %add3A_1062, %add3A_1073, %add3A_1078, %add3A_1089, %add3A_1094, %add3A_1105, %add3A_1110 : vector<16xf32>, vector<16xf32>, vector<16xf32>, vector<16xf32>, vector<16xf32>, vector<16xf32>, vector<16xf32>, vector<16xf32>, vector<16xf32>, vector<16xf32>, vector<16xf32>, vector<16xf32>, vector<16xf32>, vector<16xf32>, vector<16xf32>, vector<16xf32>
      }
      %scan3A_899 = arith.constant 25 : i32
      %add3A_900 = arith.addf %scan3A_898#0, %scan3A_898#2 : vector<16xf32>
      %add3A_901 = arith.addf %scan3A_898#4, %scan3A_898#6 : vector<16xf32>
      %add3A_902 = arith.addf %add3A_900, %add3A_901 : vector<16xf32>
      %add3A_903 = arith.addf %scan3A_898#8, %scan3A_898#10 : vector<16xf32>
      %add3A_904 = arith.addf %scan3A_898#12, %scan3A_898#14 : vector<16xf32>
      %add3A_905 = arith.addf %add3A_903, %add3A_904 : vector<16xf32>
      %add3A_906 = arith.addf %add3A_902, %add3A_905 : vector<16xf32>
      %add3A_907 = arith.addf %scan3A_898#1, %scan3A_898#3 : vector<16xf32>
      %add3A_908 = arith.addf %scan3A_898#5, %scan3A_898#7 : vector<16xf32>
      %add3A_909 = arith.addf %add3A_907, %add3A_908 : vector<16xf32>
      %add3A_910 = arith.addf %scan3A_898#9, %scan3A_898#11 : vector<16xf32>
      %add3A_911 = arith.addf %scan3A_898#13, %scan3A_898#15 : vector<16xf32>
      %add3A_912 = arith.addf %add3A_910, %add3A_911 : vector<16xf32>
      %add3A_913 = arith.addf %add3A_909, %add3A_912 : vector<16xf32>
      %add3A_914 = arith.addf %add3A_906, %get3A_2 : vector<16xf32>
      %swap3A_915 = arith.constant 6 : i32
      %swap3A_916 = arith.index_cast %swap3A_915 : i32 to index
      %swap3A_917 = arith.constant 0 : index
      %swap3A_918 = tpu.vector_load %arg10[%swap3A_916, %swap3A_917] {strides = array<i32>} : memref<8x32xf32, #tpu.memory_space<vmem>>, vector<1x16xf32>,
      %swap3A_919 = vector.shape_cast %swap3A_918 : vector<1x16xf32> to vector<16xf32>
      %swap3A_920 = vector.shape_cast %add3A_914 : vector<16xf32> to vector<1x16xf32>
      tpu.vector_store %arg10[%swap3A_916, %swap3A_917], %swap3A_920 {strides = array<i32>} : memref<8x32xf32, #tpu.memory_space<vmem>>, vector<1x16xf32>,
      %add3A_921 = arith.addf %add3A_913, %get3A_5 : vector<16xf32>
      %swap3A_922 = arith.constant 6 : i32
      %swap3A_923 = arith.index_cast %swap3A_922 : i32 to index
      %swap3A_924 = arith.constant 16 : index
      %swap3A_925 = tpu.vector_load %arg10[%swap3A_923, %swap3A_924] {strides = array<i32>} : memref<8x32xf32, #tpu.memory_space<vmem>>, vector<1x16xf32>,
      %swap3A_926 = vector.shape_cast %swap3A_925 : vector<1x16xf32> to vector<16xf32>
      %swap3A_927 = vector.shape_cast %add3A_921 : vector<16xf32> to vector<1x16xf32>
      tpu.vector_store %arg10[%swap3A_923, %swap3A_924], %swap3A_927 {strides = array<i32>} : memref<8x32xf32, #tpu.memory_space<vmem>>, vector<1x16xf32>,
      %broadcast_in_dim3A_928 = arith.constant 0.000000e+00 : f32
      %broadcast_in_dim3A_929 = vector.broadcast %broadcast_in_dim3A_928 : f32 to vector<16xf32>
      %scan3A_930 = arith.constant 0 : i32
      %scan3A_931 = arith.constant 25 : i32
      %scan3A_932 = arith.addi %scan3A_930, %scan3A_931 : i32
      %scan3A_933 = arith.constant 1 : i32
      %scan3A_934:16 = scf.for %scan3A_966 = %scan3A_930 to %scan3A_932 step %scan3A_933 iter_args(%scan3A_967 = %broadcast_in_dim3A_929, %scan3A_968 = %broadcast_in_dim3A_929, %scan3A_969 = %broadcast_in_dim3A_929, %scan3A_970 = %broadcast_in_dim3A_929, %scan3A_971 = %broadcast_in_dim3A_929, %scan3A_972 = %broadcast_in_dim3A_929, %scan3A_973 = %broadcast_in_dim3A_929, %scan3A_974 = %broadcast_in_dim3A_929, %scan3A_975 = %broadcast_in_dim3A_929, %scan3A_976 = %broadcast_in_dim3A_929, %scan3A_977 = %broadcast_in_dim3A_929, %scan3A_978 = %broadcast_in_dim3A_929, %scan3A_979 = %broadcast_in_dim3A_929, %scan3A_980 = %broadcast_in_dim3A_929, %scan3A_981 = %broadcast_in_dim3A_929, %scan3A_982 = %broadcast_in_dim3A_929) -> (vector<16xf32>, vector<16xf32>, vector<16xf32>, vector<16xf32>, vector<16xf32>, vector<16xf32>, vector<16xf32>, vector<16xf32>, vector<16xf32>, vector<16xf32>, vector<16xf32>, vector<16xf32>, vector<16xf32>, vector<16xf32>, vector<16xf32>, vector<16xf32>)  : i32 {
        %mul3A_983 = arith.constant 8 : i32
        %mul3A_984 = arith.muli %scan3A_966, %mul3A_983 : i32
        %add3A_985 = arith.constant 1400 : i32
        %add3A_986 = arith.addi %add3A_985, %mul3A_984 : i32
        %add3A_987 = arith.constant 0 : i32
        %add3A_988 = arith.addi %add3A_986, %add3A_987 : i32
        %get3A_989 = arith.index_cast %add3A_988 : i32 to index
        %get3A_990 = arith.constant 0 : index
        %get3A_991 = tpu.vector_load %arg9[%get3A_989, %get3A_990] {strides = array<i32>} : memref<1600x32xf32, #tpu.memory_space<vmem>>, vector<1x16xf32>,
        %get3A_992 = vector.shape_cast %get3A_991 : vector<1x16xf32> to vector<16xf32>
        %add3A_993 = arith.addf %scan3A_967, %get3A_992 : vector<16xf32>
        %get3A_994 = arith.index_cast %add3A_988 : i32 to index
        %get3A_995 = arith.constant 16 : index
        %get3A_996 = tpu.vector_load %arg9[%get3A_994, %get3A_995] {strides = array<i32>} : memref<1600x32xf32, #tpu.memory_space<vmem>>, vector<1x16xf32>,
        %get3A_997 = vector.shape_cast %get3A_996 : vector<1x16xf32> to vector<16xf32>
        %add3A_998 = arith.addf %scan3A_968, %get3A_997 : vector<16xf32>
        %mul3A_999 = arith.constant 8 : i32
        %mul3A_1000 = arith.muli %scan3A_966, %mul3A_999 : i32
        %add3A_1001 = arith.constant 1400 : i32
        %add3A_1002 = arith.addi %add3A_1001, %mul3A_1000 : i32
        %add3A_1003 = arith.constant 1 : i32
        %add3A_1004 = arith.addi %add3A_1002, %add3A_1003 : i32
        %get3A_1005 = arith.index_cast %add3A_1004 : i32 to index
        %get3A_1006 = arith.constant 0 : index
        %get3A_1007 = tpu.vector_load %arg9[%get3A_1005, %get3A_1006] {strides = array<i32>} : memref<1600x32xf32, #tpu.memory_space<vmem>>, vector<1x16xf32>,
        %get3A_1008 = vector.shape_cast %get3A_1007 : vector<1x16xf32> to vector<16xf32>
        %add3A_1009 = arith.addf %scan3A_969, %get3A_1008 : vector<16xf32>
        %get3A_1010 = arith.index_cast %add3A_1004 : i32 to index
        %get3A_1011 = arith.constant 16 : index
        %get3A_1012 = tpu.vector_load %arg9[%get3A_1010, %get3A_1011] {strides = array<i32>} : memref<1600x32xf32, #tpu.memory_space<vmem>>, vector<1x16xf32>,
        %get3A_1013 = vector.shape_cast %get3A_1012 : vector<1x16xf32> to vector<16xf32>
        %add3A_1014 = arith.addf %scan3A_970, %get3A_1013 : vector<16xf32>
        %mul3A_1015 = arith.constant 8 : i32
        %mul3A_1016 = arith.muli %scan3A_966, %mul3A_1015 : i32
        %add3A_1017 = arith.constant 1400 : i32
        %add3A_1018 = arith.addi %add3A_1017, %mul3A_1016 : i32
        %add3A_1019 = arith.constant 2 : i32
        %add3A_1020 = arith.addi %add3A_1018, %add3A_1019 : i32
        %get3A_1021 = arith.index_cast %add3A_1020 : i32 to index
        %get3A_1022 = arith.constant 0 : index
        %get3A_1023 = tpu.vector_load %arg9[%get3A_1021, %get3A_1022] {strides = array<i32>} : memref<1600x32xf32, #tpu.memory_space<vmem>>, vector<1x16xf32>,
        %get3A_1024 = vector.shape_cast %get3A_1023 : vector<1x16xf32> to vector<16xf32>
        %add3A_1025 = arith.addf %scan3A_971, %get3A_1024 : vector<16xf32>
        %get3A_1026 = arith.index_cast %add3A_1020 : i32 to index
        %get3A_1027 = arith.constant 16 : index
        %get3A_1028 = tpu.vector_load %arg9[%get3A_1026, %get3A_1027] {strides = array<i32>} : memref<1600x32xf32, #tpu.memory_space<vmem>>, vector<1x16xf32>,
        %get3A_1029 = vector.shape_cast %get3A_1028 : vector<1x16xf32> to vector<16xf32>
        %add3A_1030 = arith.addf %scan3A_972, %get3A_1029 : vector<16xf32>
        %mul3A_1031 = arith.constant 8 : i32
        %mul3A_1032 = arith.muli %scan3A_966, %mul3A_1031 : i32
        %add3A_1033 = arith.constant 1400 : i32
        %add3A_1034 = arith.addi %add3A_1033, %mul3A_1032 : i32
        %add3A_1035 = arith.constant 3 : i32
        %add3A_1036 = arith.addi %add3A_1034, %add3A_1035 : i32
        %get3A_1037 = arith.index_cast %add3A_1036 : i32 to index
        %get3A_1038 = arith.constant 0 : index
        %get3A_1039 = tpu.vector_load %arg9[%get3A_1037, %get3A_1038] {strides = array<i32>} : memref<1600x32xf32, #tpu.memory_space<vmem>>, vector<1x16xf32>,
        %get3A_1040 = vector.shape_cast %get3A_1039 : vector<1x16xf32> to vector<16xf32>
        %add3A_1041 = arith.addf %scan3A_973, %get3A_1040 : vector<16xf32>
        %get3A_1042 = arith.index_cast %add3A_1036 : i32 to index
        %get3A_1043 = arith.constant 16 : index
        %get3A_1044 = tpu.vector_load %arg9[%get3A_1042, %get3A_1043] {strides = array<i32>} : memref<1600x32xf32, #tpu.memory_space<vmem>>, vector<1x16xf32>,
        %get3A_1045 = vector.shape_cast %get3A_1044 : vector<1x16xf32> to vector<16xf32>
        %add3A_1046 = arith.addf %scan3A_974, %get3A_1045 : vector<16xf32>
        %mul3A_1047 = arith.constant 8 : i32
        %mul3A_1048 = arith.muli %scan3A_966, %mul3A_1047 : i32
        %add3A_1049 = arith.constant 1400 : i32
        %add3A_1050 = arith.addi %add3A_1049, %mul3A_1048 : i32
        %add3A_1051 = arith.constant 4 : i32
        %add3A_1052 = arith.addi %add3A_1050, %add3A_1051 : i32
        %get3A_1053 = arith.index_cast %add3A_1052 : i32 to index
        %get3A_1054 = arith.constant 0 : index
        %get3A_1055 = tpu.vector_load %arg9[%get3A_1053, %get3A_1054] {strides = array<i32>} : memref<1600x32xf32, #tpu.memory_space<vmem>>, vector<1x16xf32>,
        %get3A_1056 = vector.shape_cast %get3A_1055 : vector<1x16xf32> to vector<16xf32>
        %add3A_1057 = arith.addf %scan3A_975, %get3A_1056 : vector<16xf32>
        %get3A_1058 = arith.index_cast %add3A_1052 : i32 to index
        %get3A_1059 = arith.constant 16 : index
        %get3A_1060 = tpu.vector_load %arg9[%get3A_1058, %get3A_1059] {strides = array<i32>} : memref<1600x32xf32, #tpu.memory_space<vmem>>, vector<1x16xf32>,
        %get3A_1061 = vector.shape_cast %get3A_1060 : vector<1x16xf32> to vector<16xf32>
        %add3A_1062 = arith.addf %scan3A_976, %get3A_1061 : vector<16xf32>
        %mul3A_1063 = arith.constant 8 : i32
        %mul3A_1064 = arith.muli %scan3A_966, %mul3A_1063 : i32
        %add3A_1065 = arith.constant 1400 : i32
        %add3A_1066 = arith.addi %add3A_1065, %mul3A_1064 : i32
        %add3A_1067 = arith.constant 5 : i32
        %add3A_1068 = arith.addi %add3A_1066, %add3A_1067 : i32
        %get3A_1069 = arith.index_cast %add3A_1068 : i32 to index
        %get3A_1070 = arith.constant 0 : index
        %get3A_1071 = tpu.vector_load %arg9[%get3A_1069, %get3A_1070] {strides = array<i32>} : memref<1600x32xf32, #tpu.memory_space<vmem>>, vector<1x16xf32>,
        %get3A_1072 = vector.shape_cast %get3A_1071 : vector<1x16xf32> to vector<16xf32>
        %add3A_1073 = arith.addf %scan3A_977, %get3A_1072 : vector<16xf32>
        %get3A_1074 = arith.index_cast %add3A_1068 : i32 to index
        %get3A_1075 = arith.constant 16 : index
        %get3A_1076 = tpu.vector_load %arg9[%get3A_1074, %get3A_1075] {strides = array<i32>} : memref<1600x32xf32, #tpu.memory_space<vmem>>, vector<1x16xf32>,
        %get3A_1077 = vector.shape_cast %get3A_1076 : vector<1x16xf32> to vector<16xf32>
        %add3A_1078 = arith.addf %scan3A_978, %get3A_1077 : vector<16xf32>
        %mul3A_1079 = arith.constant 8 : i32
        %mul3A_1080 = arith.muli %scan3A_966, %mul3A_1079 : i32
        %add3A_1081 = arith.constant 1400 : i32
        %add3A_1082 = arith.addi %add3A_1081, %mul3A_1080 : i32
        %add3A_1083 = arith.constant 6 : i32
        %add3A_1084 = arith.addi %add3A_1082, %add3A_1083 : i32
        %get3A_1085 = arith.index_cast %add3A_1084 : i32 to index
        %get3A_1086 = arith.constant 0 : index
        %get3A_1087 = tpu.vector_load %arg9[%get3A_1085, %get3A_1086] {strides = array<i32>} : memref<1600x32xf32, #tpu.memory_space<vmem>>, vector<1x16xf32>,
        %get3A_1088 = vector.shape_cast %get3A_1087 : vector<1x16xf32> to vector<16xf32>
        %add3A_1089 = arith.addf %scan3A_979, %get3A_1088 : vector<16xf32>
        %get3A_1090 = arith.index_cast %add3A_1084 : i32 to index
        %get3A_1091 = arith.constant 16 : index
        %get3A_1092 = tpu.vector_load %arg9[%get3A_1090, %get3A_1091] {strides = array<i32>} : memref<1600x32xf32, #tpu.memory_space<vmem>>, vector<1x16xf32>,
        %get3A_1093 = vector.shape_cast %get3A_1092 : vector<1x16xf32> to vector<16xf32>
        %add3A_1094 = arith.addf %scan3A_980, %get3A_1093 : vector<16xf32>
        %mul3A_1095 = arith.constant 8 : i32
        %mul3A_1096 = arith.muli %scan3A_966, %mul3A_1095 : i32
        %add3A_1097 = arith.constant 1400 : i32
        %add3A_1098 = arith.addi %add3A_1097, %mul3A_1096 : i32
        %add3A_1099 = arith.constant 7 : i32
        %add3A_1100 = arith.addi %add3A_1098, %add3A_1099 : i32
        %get3A_1101 = arith.index_cast %add3A_1100 : i32 to index
        %get3A_1102 = arith.constant 0 : index
        %get3A_1103 = tpu.vector_load %arg9[%get3A_1101, %get3A_1102] {strides = array<i32>} : memref<1600x32xf32, #tpu.memory_space<vmem>>, vector<1x16xf32>,
        %get3A_1104 = vector.shape_cast %get3A_1103 : vector<1x16xf32> to vector<16xf32>
        %add3A_1105 = arith.addf %scan3A_981, %get3A_1104 : vector<16xf32>
        %get3A_1106 = arith.index_cast %add3A_1100 : i32 to index
        %get3A_1107 = arith.constant 16 : index
        %get3A_1108 = tpu.vector_load %arg9[%get3A_1106, %get3A_1107] {strides = array<i32>} : memref<1600x32xf32, #tpu.memory_space<vmem>>, vector<1x16xf32>,
        %get3A_1109 = vector.shape_cast %get3A_1108 : vector<1x16xf32> to vector<16xf32>
        %add3A_1110 = arith.addf %scan3A_982, %get3A_1109 : vector<16xf32>
        scf.yield %add3A_993, %add3A_998, %add3A_1009, %add3A_1014, %add3A_1025, %add3A_1030, %add3A_1041, %add3A_1046, %add3A_1057, %add3A_1062, %add3A_1073, %add3A_1078, %add3A_1089, %add3A_1094, %add3A_1105, %add3A_1110 : vector<16xf32>, vector<16xf32>, vector<16xf32>, vector<16xf32>, vector<16xf32>, vector<16xf32>, vector<16xf32>, vector<16xf32>, vector<16xf32>, vector<16xf32>, vector<16xf32>, vector<16xf32>, vector<16xf32>, vector<16xf32>, vector<16xf32>, vector<16xf32>
      }
      %scan3A_935 = arith.constant 25 : i32
      %add3A_936 = arith.addf %scan3A_934#0, %scan3A_934#2 : vector<16xf32>
      %add3A_937 = arith.addf %scan3A_934#4, %scan3A_934#6 : vector<16xf32>
      %add3A_938 = arith.addf %add3A_936, %add3A_937 : vector<16xf32>
      %add3A_939 = arith.addf %scan3A_934#8, %scan3A_934#10 : vector<16xf32>
      %add3A_940 = arith.addf %scan3A_934#12, %scan3A_934#14 : vector<16xf32>
      %add3A_941 = arith.addf %add3A_939, %add3A_940 : vector<16xf32>
      %add3A_942 = arith.addf %add3A_938, %add3A_941 : vector<16xf32>
      %add3A_943 = arith.addf %scan3A_934#1, %scan3A_934#3 : vector<16xf32>
      %add3A_944 = arith.addf %scan3A_934#5, %scan3A_934#7 : vector<16xf32>
      %add3A_945 = arith.addf %add3A_943, %add3A_944 : vector<16xf32>
      %add3A_946 = arith.addf %scan3A_934#9, %scan3A_934#11 : vector<16xf32>
      %add3A_947 = arith.addf %scan3A_934#13, %scan3A_934#15 : vector<16xf32>
      %add3A_948 = arith.addf %add3A_946, %add3A_947 : vector<16xf32>
      %add3A_949 = arith.addf %add3A_945, %add3A_948 : vector<16xf32>
      %add3A_950 = arith.addf %add3A_942, %get3A_2 : vector<16xf32>
      %swap3A_951 = arith.constant 7 : i32
      %swap3A_952 = arith.index_cast %swap3A_951 : i32 to index
      %swap3A_953 = arith.constant 0 : index
      %swap3A_954 = tpu.vector_load %arg10[%swap3A_952, %swap3A_953] {strides = array<i32>} : memref<8x32xf32, #tpu.memory_space<vmem>>, vector<1x16xf32>,
      %swap3A_955 = vector.shape_cast %swap3A_954 : vector<1x16xf32> to vector<16xf32>
      %swap3A_956 = vector.shape_cast %add3A_950 : vector<16xf32> to vector<1x16xf32>
      tpu.vector_store %arg10[%swap3A_952, %swap3A_953], %swap3A_956 {strides = array<i32>} : memref<8x32xf32, #tpu.memory_space<vmem>>, vector<1x16xf32>,
      %add3A_957 = arith.addf %add3A_949, %get3A_5 : vector<16xf32>
      %swap3A_958 = arith.constant 7 : i32
      %swap3A_959 = arith.index_cast %swap3A_958 : i32 to index
      %swap3A_960 = arith.constant 16 : index
      %swap3A_961 = tpu.vector_load %arg10[%swap3A_959, %swap3A_960] {strides = array<i32>} : memref<8x32xf32, #tpu.memory_space<vmem>>, vector<1x16xf32>,
      %swap3A_962 = vector.shape_cast %swap3A_961 : vector<1x16xf32> to vector<16xf32>
      %swap3A_963 = vector.shape_cast %add3A_957 : vector<16xf32> to vector<1x16xf32>
      tpu.vector_store %arg10[%swap3A_959, %swap3A_960], %swap3A_963 {strides = array<i32>} : memref<8x32xf32, #tpu.memory_space<vmem>>, vector<1x16xf32>,
      %mul3A_964 = arith.constant 8 : i32
      %mul3A_965 = arith.muli %add3A_675, %mul3A_964 : i32
      "tpu.region"() ({
        %run_scoped3A = tpu.sem_alloc : memref<!tpu.dma_semaphore, #tpu.memory_space<semaphore_mem>>
        %dma_start3A_966 = arith.constant 0 : i32
        %dma_start3A_967 = tpu.memref_slice %arg5[%mul3A_965, %dma_start3A_966] : memref<16384x32xf32, #tpu.memory_space<hbm>> -> memref<8x32xf32, #tpu.memory_space<hbm>>
        %dma_start3A_968 = arith.constant 0 : i32
        %dma_start3A_969 = tpu.memref_slice %arg5[%mul3A_965, %dma_start3A_968] : memref<16384x32xf32, #tpu.memory_space<hbm>> -> memref<8x32xf32, #tpu.memory_space<hbm>>
        tpu.enqueue_dma source(%arg10 : memref<8x32xf32, #tpu.memory_space<vmem>>) target(%dma_start3A_969 : memref<8x32xf32, #tpu.memory_space<hbm>>) target_semaphore(%run_scoped3A : memref<!tpu.dma_semaphore, #tpu.memory_space<semaphore_mem>>)
        %dma_wait3A_970 = arith.constant 0 : i32
        %dma_wait3A_971 = tpu.memref_slice %arg5[%mul3A_965, %dma_wait3A_970] : memref<16384x32xf32, #tpu.memory_space<hbm>> -> memref<8x32xf32, #tpu.memory_space<hbm>>
        %dma_wait3A_972 = arith.constant 0 : i32
        %dma_wait3A_973 = tpu.memref_slice %arg5[%mul3A_965, %dma_wait3A_972] : memref<16384x32xf32, #tpu.memory_space<hbm>> -> memref<8x32xf32, #tpu.memory_space<hbm>>
        tpu.wait_dma2 semaphore(%run_scoped3A : memref<!tpu.dma_semaphore, #tpu.memory_space<semaphore_mem>>) src(%arg10 : memref<8x32xf32, #tpu.memory_space<vmem>>) dst(%dma_wait3A_973 : memref<8x32xf32, #tpu.memory_space<hbm>>)
        tpu.yield
      }) : () -> ()
    }
    %scan3A_188 = arith.constant 32 : i32
    return
  }
}

module attributes {stable_mosaic.version = 14 : i64} {
  func.func @body(%arg0: i32, %arg1: memref<32x16384xf32, #tpu.memory_space<vmem>>, %arg2: memref<4096x128xf32, #tpu.memory_space<vmem>>) attributes {dimension_semantics = [#tpu.dimension_semantics<arbitrary>], iteration_bounds = array<i64: 62>, scalar_prefetch = 0 : i64, scratch_operands = 0 : i64, tpu.core_type = #tpu.core_type<tc>, window_params = [{transform_indices = @transform_0, window_bounds = array<i64: 32, 16384>}, {transform_indices = @transform_1, window_bounds = array<i64: 4096, 128>}]} {
    %get3A = arith.constant 0 : index
    %get3A_0 = arith.constant 0 : index
    %get3A_1 = vector.load %arg1[%get3A, %get3A_0] : memref<32x16384xf32, #tpu.memory_space<vmem>>, vector<32x16384xf32>
    %slice3A = vector.extract_strided_slice %get3A_1 {offsets = [0, 0], sizes = [32, 128], strides = [1, 1]} : vector<32x16384xf32> to vector<32x128xf32>
    %slice3A_2 = vector.extract_strided_slice %get3A_1 {offsets = [0, 128], sizes = [32, 128], strides = [1, 1]} : vector<32x16384xf32> to vector<32x128xf32>
    %slice3A_3 = vector.extract_strided_slice %get3A_1 {offsets = [0, 256], sizes = [32, 128], strides = [1, 1]} : vector<32x16384xf32> to vector<32x128xf32>
    %slice3A_4 = vector.extract_strided_slice %get3A_1 {offsets = [0, 384], sizes = [32, 128], strides = [1, 1]} : vector<32x16384xf32> to vector<32x128xf32>
    %concatenate3A = tpu.concatenate %slice3A, %slice3A_2, %slice3A_3, %slice3A_4 in 0 : vector<32x128xf32>, vector<32x128xf32>, vector<32x128xf32>, vector<32x128xf32> -> vector<128x128xf32>
    %transpose3A = tpu.transpose %concatenate3A, [1, 0] : vector<128x128xf32> -> vector<128x128xf32>
    %slice3A_5 = vector.extract_strided_slice %get3A_1 {offsets = [0, 512], sizes = [32, 128], strides = [1, 1]} : vector<32x16384xf32> to vector<32x128xf32>
    %slice3A_6 = vector.extract_strided_slice %get3A_1 {offsets = [0, 640], sizes = [32, 128], strides = [1, 1]} : vector<32x16384xf32> to vector<32x128xf32>
    %slice3A_7 = vector.extract_strided_slice %get3A_1 {offsets = [0, 768], sizes = [32, 128], strides = [1, 1]} : vector<32x16384xf32> to vector<32x128xf32>
    %slice3A_8 = vector.extract_strided_slice %get3A_1 {offsets = [0, 896], sizes = [32, 128], strides = [1, 1]} : vector<32x16384xf32> to vector<32x128xf32>
    %concatenate3A_9 = tpu.concatenate %slice3A_5, %slice3A_6, %slice3A_7, %slice3A_8 in 0 : vector<32x128xf32>, vector<32x128xf32>, vector<32x128xf32>, vector<32x128xf32> -> vector<128x128xf32>
    %transpose3A_10 = tpu.transpose %concatenate3A_9, [1, 0] : vector<128x128xf32> -> vector<128x128xf32>
    %slice3A_11 = vector.extract_strided_slice %get3A_1 {offsets = [0, 1024], sizes = [32, 128], strides = [1, 1]} : vector<32x16384xf32> to vector<32x128xf32>
    %slice3A_12 = vector.extract_strided_slice %get3A_1 {offsets = [0, 1152], sizes = [32, 128], strides = [1, 1]} : vector<32x16384xf32> to vector<32x128xf32>
    %slice3A_13 = vector.extract_strided_slice %get3A_1 {offsets = [0, 1280], sizes = [32, 128], strides = [1, 1]} : vector<32x16384xf32> to vector<32x128xf32>
    %slice3A_14 = vector.extract_strided_slice %get3A_1 {offsets = [0, 1408], sizes = [32, 128], strides = [1, 1]} : vector<32x16384xf32> to vector<32x128xf32>
    %concatenate3A_15 = tpu.concatenate %slice3A_11, %slice3A_12, %slice3A_13, %slice3A_14 in 0 : vector<32x128xf32>, vector<32x128xf32>, vector<32x128xf32>, vector<32x128xf32> -> vector<128x128xf32>
    %transpose3A_16 = tpu.transpose %concatenate3A_15, [1, 0] : vector<128x128xf32> -> vector<128x128xf32>
    %slice3A_17 = vector.extract_strided_slice %get3A_1 {offsets = [0, 1536], sizes = [32, 128], strides = [1, 1]} : vector<32x16384xf32> to vector<32x128xf32>
    %slice3A_18 = vector.extract_strided_slice %get3A_1 {offsets = [0, 1664], sizes = [32, 128], strides = [1, 1]} : vector<32x16384xf32> to vector<32x128xf32>
    %slice3A_19 = vector.extract_strided_slice %get3A_1 {offsets = [0, 1792], sizes = [32, 128], strides = [1, 1]} : vector<32x16384xf32> to vector<32x128xf32>
    %slice3A_20 = vector.extract_strided_slice %get3A_1 {offsets = [0, 1920], sizes = [32, 128], strides = [1, 1]} : vector<32x16384xf32> to vector<32x128xf32>
    %concatenate3A_21 = tpu.concatenate %slice3A_17, %slice3A_18, %slice3A_19, %slice3A_20 in 0 : vector<32x128xf32>, vector<32x128xf32>, vector<32x128xf32>, vector<32x128xf32> -> vector<128x128xf32>
    %transpose3A_22 = tpu.transpose %concatenate3A_21, [1, 0] : vector<128x128xf32> -> vector<128x128xf32>
    %slice3A_23 = vector.extract_strided_slice %get3A_1 {offsets = [0, 2048], sizes = [32, 128], strides = [1, 1]} : vector<32x16384xf32> to vector<32x128xf32>
    %slice3A_24 = vector.extract_strided_slice %get3A_1 {offsets = [0, 2176], sizes = [32, 128], strides = [1, 1]} : vector<32x16384xf32> to vector<32x128xf32>
    %slice3A_25 = vector.extract_strided_slice %get3A_1 {offsets = [0, 2304], sizes = [32, 128], strides = [1, 1]} : vector<32x16384xf32> to vector<32x128xf32>
    %slice3A_26 = vector.extract_strided_slice %get3A_1 {offsets = [0, 2432], sizes = [32, 128], strides = [1, 1]} : vector<32x16384xf32> to vector<32x128xf32>
    %concatenate3A_27 = tpu.concatenate %slice3A_23, %slice3A_24, %slice3A_25, %slice3A_26 in 0 : vector<32x128xf32>, vector<32x128xf32>, vector<32x128xf32>, vector<32x128xf32> -> vector<128x128xf32>
    %transpose3A_28 = tpu.transpose %concatenate3A_27, [1, 0] : vector<128x128xf32> -> vector<128x128xf32>
    %slice3A_29 = vector.extract_strided_slice %get3A_1 {offsets = [0, 2560], sizes = [32, 128], strides = [1, 1]} : vector<32x16384xf32> to vector<32x128xf32>
    %slice3A_30 = vector.extract_strided_slice %get3A_1 {offsets = [0, 2688], sizes = [32, 128], strides = [1, 1]} : vector<32x16384xf32> to vector<32x128xf32>
    %slice3A_31 = vector.extract_strided_slice %get3A_1 {offsets = [0, 2816], sizes = [32, 128], strides = [1, 1]} : vector<32x16384xf32> to vector<32x128xf32>
    %slice3A_32 = vector.extract_strided_slice %get3A_1 {offsets = [0, 2944], sizes = [32, 128], strides = [1, 1]} : vector<32x16384xf32> to vector<32x128xf32>
    %concatenate3A_33 = tpu.concatenate %slice3A_29, %slice3A_30, %slice3A_31, %slice3A_32 in 0 : vector<32x128xf32>, vector<32x128xf32>, vector<32x128xf32>, vector<32x128xf32> -> vector<128x128xf32>
    %transpose3A_34 = tpu.transpose %concatenate3A_33, [1, 0] : vector<128x128xf32> -> vector<128x128xf32>
    %slice3A_35 = vector.extract_strided_slice %get3A_1 {offsets = [0, 3072], sizes = [32, 128], strides = [1, 1]} : vector<32x16384xf32> to vector<32x128xf32>
    %slice3A_36 = vector.extract_strided_slice %get3A_1 {offsets = [0, 3200], sizes = [32, 128], strides = [1, 1]} : vector<32x16384xf32> to vector<32x128xf32>
    %slice3A_37 = vector.extract_strided_slice %get3A_1 {offsets = [0, 3328], sizes = [32, 128], strides = [1, 1]} : vector<32x16384xf32> to vector<32x128xf32>
    %slice3A_38 = vector.extract_strided_slice %get3A_1 {offsets = [0, 3456], sizes = [32, 128], strides = [1, 1]} : vector<32x16384xf32> to vector<32x128xf32>
    %concatenate3A_39 = tpu.concatenate %slice3A_35, %slice3A_36, %slice3A_37, %slice3A_38 in 0 : vector<32x128xf32>, vector<32x128xf32>, vector<32x128xf32>, vector<32x128xf32> -> vector<128x128xf32>
    %transpose3A_40 = tpu.transpose %concatenate3A_39, [1, 0] : vector<128x128xf32> -> vector<128x128xf32>
    %slice3A_41 = vector.extract_strided_slice %get3A_1 {offsets = [0, 3584], sizes = [32, 128], strides = [1, 1]} : vector<32x16384xf32> to vector<32x128xf32>
    %slice3A_42 = vector.extract_strided_slice %get3A_1 {offsets = [0, 3712], sizes = [32, 128], strides = [1, 1]} : vector<32x16384xf32> to vector<32x128xf32>
    %slice3A_43 = vector.extract_strided_slice %get3A_1 {offsets = [0, 3840], sizes = [32, 128], strides = [1, 1]} : vector<32x16384xf32> to vector<32x128xf32>
    %slice3A_44 = vector.extract_strided_slice %get3A_1 {offsets = [0, 3968], sizes = [32, 128], strides = [1, 1]} : vector<32x16384xf32> to vector<32x128xf32>
    %concatenate3A_45 = tpu.concatenate %slice3A_41, %slice3A_42, %slice3A_43, %slice3A_44 in 0 : vector<32x128xf32>, vector<32x128xf32>, vector<32x128xf32>, vector<32x128xf32> -> vector<128x128xf32>
    %transpose3A_46 = tpu.transpose %concatenate3A_45, [1, 0] : vector<128x128xf32> -> vector<128x128xf32>
    %slice3A_47 = vector.extract_strided_slice %get3A_1 {offsets = [0, 4096], sizes = [32, 128], strides = [1, 1]} : vector<32x16384xf32> to vector<32x128xf32>
    %slice3A_48 = vector.extract_strided_slice %get3A_1 {offsets = [0, 4224], sizes = [32, 128], strides = [1, 1]} : vector<32x16384xf32> to vector<32x128xf32>
    %slice3A_49 = vector.extract_strided_slice %get3A_1 {offsets = [0, 4352], sizes = [32, 128], strides = [1, 1]} : vector<32x16384xf32> to vector<32x128xf32>
    %slice3A_50 = vector.extract_strided_slice %get3A_1 {offsets = [0, 4480], sizes = [32, 128], strides = [1, 1]} : vector<32x16384xf32> to vector<32x128xf32>
    %concatenate3A_51 = tpu.concatenate %slice3A_47, %slice3A_48, %slice3A_49, %slice3A_50 in 0 : vector<32x128xf32>, vector<32x128xf32>, vector<32x128xf32>, vector<32x128xf32> -> vector<128x128xf32>
    %transpose3A_52 = tpu.transpose %concatenate3A_51, [1, 0] : vector<128x128xf32> -> vector<128x128xf32>
    %slice3A_53 = vector.extract_strided_slice %get3A_1 {offsets = [0, 4608], sizes = [32, 128], strides = [1, 1]} : vector<32x16384xf32> to vector<32x128xf32>
    %slice3A_54 = vector.extract_strided_slice %get3A_1 {offsets = [0, 4736], sizes = [32, 128], strides = [1, 1]} : vector<32x16384xf32> to vector<32x128xf32>
    %slice3A_55 = vector.extract_strided_slice %get3A_1 {offsets = [0, 4864], sizes = [32, 128], strides = [1, 1]} : vector<32x16384xf32> to vector<32x128xf32>
    %slice3A_56 = vector.extract_strided_slice %get3A_1 {offsets = [0, 4992], sizes = [32, 128], strides = [1, 1]} : vector<32x16384xf32> to vector<32x128xf32>
    %concatenate3A_57 = tpu.concatenate %slice3A_53, %slice3A_54, %slice3A_55, %slice3A_56 in 0 : vector<32x128xf32>, vector<32x128xf32>, vector<32x128xf32>, vector<32x128xf32> -> vector<128x128xf32>
    %transpose3A_58 = tpu.transpose %concatenate3A_57, [1, 0] : vector<128x128xf32> -> vector<128x128xf32>
    %slice3A_59 = vector.extract_strided_slice %get3A_1 {offsets = [0, 5120], sizes = [32, 128], strides = [1, 1]} : vector<32x16384xf32> to vector<32x128xf32>
    %slice3A_60 = vector.extract_strided_slice %get3A_1 {offsets = [0, 5248], sizes = [32, 128], strides = [1, 1]} : vector<32x16384xf32> to vector<32x128xf32>
    %slice3A_61 = vector.extract_strided_slice %get3A_1 {offsets = [0, 5376], sizes = [32, 128], strides = [1, 1]} : vector<32x16384xf32> to vector<32x128xf32>
    %slice3A_62 = vector.extract_strided_slice %get3A_1 {offsets = [0, 5504], sizes = [32, 128], strides = [1, 1]} : vector<32x16384xf32> to vector<32x128xf32>
    %concatenate3A_63 = tpu.concatenate %slice3A_59, %slice3A_60, %slice3A_61, %slice3A_62 in 0 : vector<32x128xf32>, vector<32x128xf32>, vector<32x128xf32>, vector<32x128xf32> -> vector<128x128xf32>
    %transpose3A_64 = tpu.transpose %concatenate3A_63, [1, 0] : vector<128x128xf32> -> vector<128x128xf32>
    %slice3A_65 = vector.extract_strided_slice %get3A_1 {offsets = [0, 5632], sizes = [32, 128], strides = [1, 1]} : vector<32x16384xf32> to vector<32x128xf32>
    %slice3A_66 = vector.extract_strided_slice %get3A_1 {offsets = [0, 5760], sizes = [32, 128], strides = [1, 1]} : vector<32x16384xf32> to vector<32x128xf32>
    %slice3A_67 = vector.extract_strided_slice %get3A_1 {offsets = [0, 5888], sizes = [32, 128], strides = [1, 1]} : vector<32x16384xf32> to vector<32x128xf32>
    %slice3A_68 = vector.extract_strided_slice %get3A_1 {offsets = [0, 6016], sizes = [32, 128], strides = [1, 1]} : vector<32x16384xf32> to vector<32x128xf32>
    %concatenate3A_69 = tpu.concatenate %slice3A_65, %slice3A_66, %slice3A_67, %slice3A_68 in 0 : vector<32x128xf32>, vector<32x128xf32>, vector<32x128xf32>, vector<32x128xf32> -> vector<128x128xf32>
    %transpose3A_70 = tpu.transpose %concatenate3A_69, [1, 0] : vector<128x128xf32> -> vector<128x128xf32>
    %slice3A_71 = vector.extract_strided_slice %get3A_1 {offsets = [0, 6144], sizes = [32, 128], strides = [1, 1]} : vector<32x16384xf32> to vector<32x128xf32>
    %slice3A_72 = vector.extract_strided_slice %get3A_1 {offsets = [0, 6272], sizes = [32, 128], strides = [1, 1]} : vector<32x16384xf32> to vector<32x128xf32>
    %slice3A_73 = vector.extract_strided_slice %get3A_1 {offsets = [0, 6400], sizes = [32, 128], strides = [1, 1]} : vector<32x16384xf32> to vector<32x128xf32>
    %slice3A_74 = vector.extract_strided_slice %get3A_1 {offsets = [0, 6528], sizes = [32, 128], strides = [1, 1]} : vector<32x16384xf32> to vector<32x128xf32>
    %concatenate3A_75 = tpu.concatenate %slice3A_71, %slice3A_72, %slice3A_73, %slice3A_74 in 0 : vector<32x128xf32>, vector<32x128xf32>, vector<32x128xf32>, vector<32x128xf32> -> vector<128x128xf32>
    %transpose3A_76 = tpu.transpose %concatenate3A_75, [1, 0] : vector<128x128xf32> -> vector<128x128xf32>
    %slice3A_77 = vector.extract_strided_slice %get3A_1 {offsets = [0, 6656], sizes = [32, 128], strides = [1, 1]} : vector<32x16384xf32> to vector<32x128xf32>
    %slice3A_78 = vector.extract_strided_slice %get3A_1 {offsets = [0, 6784], sizes = [32, 128], strides = [1, 1]} : vector<32x16384xf32> to vector<32x128xf32>
    %slice3A_79 = vector.extract_strided_slice %get3A_1 {offsets = [0, 6912], sizes = [32, 128], strides = [1, 1]} : vector<32x16384xf32> to vector<32x128xf32>
    %slice3A_80 = vector.extract_strided_slice %get3A_1 {offsets = [0, 7040], sizes = [32, 128], strides = [1, 1]} : vector<32x16384xf32> to vector<32x128xf32>
    %concatenate3A_81 = tpu.concatenate %slice3A_77, %slice3A_78, %slice3A_79, %slice3A_80 in 0 : vector<32x128xf32>, vector<32x128xf32>, vector<32x128xf32>, vector<32x128xf32> -> vector<128x128xf32>
    %transpose3A_82 = tpu.transpose %concatenate3A_81, [1, 0] : vector<128x128xf32> -> vector<128x128xf32>
    %slice3A_83 = vector.extract_strided_slice %get3A_1 {offsets = [0, 7168], sizes = [32, 128], strides = [1, 1]} : vector<32x16384xf32> to vector<32x128xf32>
    %slice3A_84 = vector.extract_strided_slice %get3A_1 {offsets = [0, 7296], sizes = [32, 128], strides = [1, 1]} : vector<32x16384xf32> to vector<32x128xf32>
    %slice3A_85 = vector.extract_strided_slice %get3A_1 {offsets = [0, 7424], sizes = [32, 128], strides = [1, 1]} : vector<32x16384xf32> to vector<32x128xf32>
    %slice3A_86 = vector.extract_strided_slice %get3A_1 {offsets = [0, 7552], sizes = [32, 128], strides = [1, 1]} : vector<32x16384xf32> to vector<32x128xf32>
    %concatenate3A_87 = tpu.concatenate %slice3A_83, %slice3A_84, %slice3A_85, %slice3A_86 in 0 : vector<32x128xf32>, vector<32x128xf32>, vector<32x128xf32>, vector<32x128xf32> -> vector<128x128xf32>
    %transpose3A_88 = tpu.transpose %concatenate3A_87, [1, 0] : vector<128x128xf32> -> vector<128x128xf32>
    %slice3A_89 = vector.extract_strided_slice %get3A_1 {offsets = [0, 7680], sizes = [32, 128], strides = [1, 1]} : vector<32x16384xf32> to vector<32x128xf32>
    %slice3A_90 = vector.extract_strided_slice %get3A_1 {offsets = [0, 7808], sizes = [32, 128], strides = [1, 1]} : vector<32x16384xf32> to vector<32x128xf32>
    %slice3A_91 = vector.extract_strided_slice %get3A_1 {offsets = [0, 7936], sizes = [32, 128], strides = [1, 1]} : vector<32x16384xf32> to vector<32x128xf32>
    %slice3A_92 = vector.extract_strided_slice %get3A_1 {offsets = [0, 8064], sizes = [32, 128], strides = [1, 1]} : vector<32x16384xf32> to vector<32x128xf32>
    %concatenate3A_93 = tpu.concatenate %slice3A_89, %slice3A_90, %slice3A_91, %slice3A_92 in 0 : vector<32x128xf32>, vector<32x128xf32>, vector<32x128xf32>, vector<32x128xf32> -> vector<128x128xf32>
    %transpose3A_94 = tpu.transpose %concatenate3A_93, [1, 0] : vector<128x128xf32> -> vector<128x128xf32>
    %slice3A_95 = vector.extract_strided_slice %get3A_1 {offsets = [0, 8192], sizes = [32, 128], strides = [1, 1]} : vector<32x16384xf32> to vector<32x128xf32>
    %slice3A_96 = vector.extract_strided_slice %get3A_1 {offsets = [0, 8320], sizes = [32, 128], strides = [1, 1]} : vector<32x16384xf32> to vector<32x128xf32>
    %slice3A_97 = vector.extract_strided_slice %get3A_1 {offsets = [0, 8448], sizes = [32, 128], strides = [1, 1]} : vector<32x16384xf32> to vector<32x128xf32>
    %slice3A_98 = vector.extract_strided_slice %get3A_1 {offsets = [0, 8576], sizes = [32, 128], strides = [1, 1]} : vector<32x16384xf32> to vector<32x128xf32>
    %concatenate3A_99 = tpu.concatenate %slice3A_95, %slice3A_96, %slice3A_97, %slice3A_98 in 0 : vector<32x128xf32>, vector<32x128xf32>, vector<32x128xf32>, vector<32x128xf32> -> vector<128x128xf32>
    %transpose3A_100 = tpu.transpose %concatenate3A_99, [1, 0] : vector<128x128xf32> -> vector<128x128xf32>
    %slice3A_101 = vector.extract_strided_slice %get3A_1 {offsets = [0, 8704], sizes = [32, 128], strides = [1, 1]} : vector<32x16384xf32> to vector<32x128xf32>
    %slice3A_102 = vector.extract_strided_slice %get3A_1 {offsets = [0, 8832], sizes = [32, 128], strides = [1, 1]} : vector<32x16384xf32> to vector<32x128xf32>
    %slice3A_103 = vector.extract_strided_slice %get3A_1 {offsets = [0, 8960], sizes = [32, 128], strides = [1, 1]} : vector<32x16384xf32> to vector<32x128xf32>
    %slice3A_104 = vector.extract_strided_slice %get3A_1 {offsets = [0, 9088], sizes = [32, 128], strides = [1, 1]} : vector<32x16384xf32> to vector<32x128xf32>
    %concatenate3A_105 = tpu.concatenate %slice3A_101, %slice3A_102, %slice3A_103, %slice3A_104 in 0 : vector<32x128xf32>, vector<32x128xf32>, vector<32x128xf32>, vector<32x128xf32> -> vector<128x128xf32>
    %transpose3A_106 = tpu.transpose %concatenate3A_105, [1, 0] : vector<128x128xf32> -> vector<128x128xf32>
    %slice3A_107 = vector.extract_strided_slice %get3A_1 {offsets = [0, 9216], sizes = [32, 128], strides = [1, 1]} : vector<32x16384xf32> to vector<32x128xf32>
    %slice3A_108 = vector.extract_strided_slice %get3A_1 {offsets = [0, 9344], sizes = [32, 128], strides = [1, 1]} : vector<32x16384xf32> to vector<32x128xf32>
    %slice3A_109 = vector.extract_strided_slice %get3A_1 {offsets = [0, 9472], sizes = [32, 128], strides = [1, 1]} : vector<32x16384xf32> to vector<32x128xf32>
    %slice3A_110 = vector.extract_strided_slice %get3A_1 {offsets = [0, 9600], sizes = [32, 128], strides = [1, 1]} : vector<32x16384xf32> to vector<32x128xf32>
    %concatenate3A_111 = tpu.concatenate %slice3A_107, %slice3A_108, %slice3A_109, %slice3A_110 in 0 : vector<32x128xf32>, vector<32x128xf32>, vector<32x128xf32>, vector<32x128xf32> -> vector<128x128xf32>
    %transpose3A_112 = tpu.transpose %concatenate3A_111, [1, 0] : vector<128x128xf32> -> vector<128x128xf32>
    %slice3A_113 = vector.extract_strided_slice %get3A_1 {offsets = [0, 9728], sizes = [32, 128], strides = [1, 1]} : vector<32x16384xf32> to vector<32x128xf32>
    %slice3A_114 = vector.extract_strided_slice %get3A_1 {offsets = [0, 9856], sizes = [32, 128], strides = [1, 1]} : vector<32x16384xf32> to vector<32x128xf32>
    %slice3A_115 = vector.extract_strided_slice %get3A_1 {offsets = [0, 9984], sizes = [32, 128], strides = [1, 1]} : vector<32x16384xf32> to vector<32x128xf32>
    %slice3A_116 = vector.extract_strided_slice %get3A_1 {offsets = [0, 10112], sizes = [32, 128], strides = [1, 1]} : vector<32x16384xf32> to vector<32x128xf32>
    %concatenate3A_117 = tpu.concatenate %slice3A_113, %slice3A_114, %slice3A_115, %slice3A_116 in 0 : vector<32x128xf32>, vector<32x128xf32>, vector<32x128xf32>, vector<32x128xf32> -> vector<128x128xf32>
    %transpose3A_118 = tpu.transpose %concatenate3A_117, [1, 0] : vector<128x128xf32> -> vector<128x128xf32>
    %slice3A_119 = vector.extract_strided_slice %get3A_1 {offsets = [0, 10240], sizes = [32, 128], strides = [1, 1]} : vector<32x16384xf32> to vector<32x128xf32>
    %slice3A_120 = vector.extract_strided_slice %get3A_1 {offsets = [0, 10368], sizes = [32, 128], strides = [1, 1]} : vector<32x16384xf32> to vector<32x128xf32>
    %slice3A_121 = vector.extract_strided_slice %get3A_1 {offsets = [0, 10496], sizes = [32, 128], strides = [1, 1]} : vector<32x16384xf32> to vector<32x128xf32>
    %slice3A_122 = vector.extract_strided_slice %get3A_1 {offsets = [0, 10624], sizes = [32, 128], strides = [1, 1]} : vector<32x16384xf32> to vector<32x128xf32>
    %concatenate3A_123 = tpu.concatenate %slice3A_119, %slice3A_120, %slice3A_121, %slice3A_122 in 0 : vector<32x128xf32>, vector<32x128xf32>, vector<32x128xf32>, vector<32x128xf32> -> vector<128x128xf32>
    %transpose3A_124 = tpu.transpose %concatenate3A_123, [1, 0] : vector<128x128xf32> -> vector<128x128xf32>
    %slice3A_125 = vector.extract_strided_slice %get3A_1 {offsets = [0, 10752], sizes = [32, 128], strides = [1, 1]} : vector<32x16384xf32> to vector<32x128xf32>
    %slice3A_126 = vector.extract_strided_slice %get3A_1 {offsets = [0, 10880], sizes = [32, 128], strides = [1, 1]} : vector<32x16384xf32> to vector<32x128xf32>
    %slice3A_127 = vector.extract_strided_slice %get3A_1 {offsets = [0, 11008], sizes = [32, 128], strides = [1, 1]} : vector<32x16384xf32> to vector<32x128xf32>
    %slice3A_128 = vector.extract_strided_slice %get3A_1 {offsets = [0, 11136], sizes = [32, 128], strides = [1, 1]} : vector<32x16384xf32> to vector<32x128xf32>
    %concatenate3A_129 = tpu.concatenate %slice3A_125, %slice3A_126, %slice3A_127, %slice3A_128 in 0 : vector<32x128xf32>, vector<32x128xf32>, vector<32x128xf32>, vector<32x128xf32> -> vector<128x128xf32>
    %transpose3A_130 = tpu.transpose %concatenate3A_129, [1, 0] : vector<128x128xf32> -> vector<128x128xf32>
    %slice3A_131 = vector.extract_strided_slice %get3A_1 {offsets = [0, 11264], sizes = [32, 128], strides = [1, 1]} : vector<32x16384xf32> to vector<32x128xf32>
    %slice3A_132 = vector.extract_strided_slice %get3A_1 {offsets = [0, 11392], sizes = [32, 128], strides = [1, 1]} : vector<32x16384xf32> to vector<32x128xf32>
    %slice3A_133 = vector.extract_strided_slice %get3A_1 {offsets = [0, 11520], sizes = [32, 128], strides = [1, 1]} : vector<32x16384xf32> to vector<32x128xf32>
    %slice3A_134 = vector.extract_strided_slice %get3A_1 {offsets = [0, 11648], sizes = [32, 128], strides = [1, 1]} : vector<32x16384xf32> to vector<32x128xf32>
    %concatenate3A_135 = tpu.concatenate %slice3A_131, %slice3A_132, %slice3A_133, %slice3A_134 in 0 : vector<32x128xf32>, vector<32x128xf32>, vector<32x128xf32>, vector<32x128xf32> -> vector<128x128xf32>
    %transpose3A_136 = tpu.transpose %concatenate3A_135, [1, 0] : vector<128x128xf32> -> vector<128x128xf32>
    %slice3A_137 = vector.extract_strided_slice %get3A_1 {offsets = [0, 11776], sizes = [32, 128], strides = [1, 1]} : vector<32x16384xf32> to vector<32x128xf32>
    %slice3A_138 = vector.extract_strided_slice %get3A_1 {offsets = [0, 11904], sizes = [32, 128], strides = [1, 1]} : vector<32x16384xf32> to vector<32x128xf32>
    %slice3A_139 = vector.extract_strided_slice %get3A_1 {offsets = [0, 12032], sizes = [32, 128], strides = [1, 1]} : vector<32x16384xf32> to vector<32x128xf32>
    %slice3A_140 = vector.extract_strided_slice %get3A_1 {offsets = [0, 12160], sizes = [32, 128], strides = [1, 1]} : vector<32x16384xf32> to vector<32x128xf32>
    %concatenate3A_141 = tpu.concatenate %slice3A_137, %slice3A_138, %slice3A_139, %slice3A_140 in 0 : vector<32x128xf32>, vector<32x128xf32>, vector<32x128xf32>, vector<32x128xf32> -> vector<128x128xf32>
    %transpose3A_142 = tpu.transpose %concatenate3A_141, [1, 0] : vector<128x128xf32> -> vector<128x128xf32>
    %slice3A_143 = vector.extract_strided_slice %get3A_1 {offsets = [0, 12288], sizes = [32, 128], strides = [1, 1]} : vector<32x16384xf32> to vector<32x128xf32>
    %slice3A_144 = vector.extract_strided_slice %get3A_1 {offsets = [0, 12416], sizes = [32, 128], strides = [1, 1]} : vector<32x16384xf32> to vector<32x128xf32>
    %slice3A_145 = vector.extract_strided_slice %get3A_1 {offsets = [0, 12544], sizes = [32, 128], strides = [1, 1]} : vector<32x16384xf32> to vector<32x128xf32>
    %slice3A_146 = vector.extract_strided_slice %get3A_1 {offsets = [0, 12672], sizes = [32, 128], strides = [1, 1]} : vector<32x16384xf32> to vector<32x128xf32>
    %concatenate3A_147 = tpu.concatenate %slice3A_143, %slice3A_144, %slice3A_145, %slice3A_146 in 0 : vector<32x128xf32>, vector<32x128xf32>, vector<32x128xf32>, vector<32x128xf32> -> vector<128x128xf32>
    %transpose3A_148 = tpu.transpose %concatenate3A_147, [1, 0] : vector<128x128xf32> -> vector<128x128xf32>
    %slice3A_149 = vector.extract_strided_slice %get3A_1 {offsets = [0, 12800], sizes = [32, 128], strides = [1, 1]} : vector<32x16384xf32> to vector<32x128xf32>
    %slice3A_150 = vector.extract_strided_slice %get3A_1 {offsets = [0, 12928], sizes = [32, 128], strides = [1, 1]} : vector<32x16384xf32> to vector<32x128xf32>
    %slice3A_151 = vector.extract_strided_slice %get3A_1 {offsets = [0, 13056], sizes = [32, 128], strides = [1, 1]} : vector<32x16384xf32> to vector<32x128xf32>
    %slice3A_152 = vector.extract_strided_slice %get3A_1 {offsets = [0, 13184], sizes = [32, 128], strides = [1, 1]} : vector<32x16384xf32> to vector<32x128xf32>
    %concatenate3A_153 = tpu.concatenate %slice3A_149, %slice3A_150, %slice3A_151, %slice3A_152 in 0 : vector<32x128xf32>, vector<32x128xf32>, vector<32x128xf32>, vector<32x128xf32> -> vector<128x128xf32>
    %transpose3A_154 = tpu.transpose %concatenate3A_153, [1, 0] : vector<128x128xf32> -> vector<128x128xf32>
    %slice3A_155 = vector.extract_strided_slice %get3A_1 {offsets = [0, 13312], sizes = [32, 128], strides = [1, 1]} : vector<32x16384xf32> to vector<32x128xf32>
    %slice3A_156 = vector.extract_strided_slice %get3A_1 {offsets = [0, 13440], sizes = [32, 128], strides = [1, 1]} : vector<32x16384xf32> to vector<32x128xf32>
    %slice3A_157 = vector.extract_strided_slice %get3A_1 {offsets = [0, 13568], sizes = [32, 128], strides = [1, 1]} : vector<32x16384xf32> to vector<32x128xf32>
    %slice3A_158 = vector.extract_strided_slice %get3A_1 {offsets = [0, 13696], sizes = [32, 128], strides = [1, 1]} : vector<32x16384xf32> to vector<32x128xf32>
    %concatenate3A_159 = tpu.concatenate %slice3A_155, %slice3A_156, %slice3A_157, %slice3A_158 in 0 : vector<32x128xf32>, vector<32x128xf32>, vector<32x128xf32>, vector<32x128xf32> -> vector<128x128xf32>
    %transpose3A_160 = tpu.transpose %concatenate3A_159, [1, 0] : vector<128x128xf32> -> vector<128x128xf32>
    %slice3A_161 = vector.extract_strided_slice %get3A_1 {offsets = [0, 13824], sizes = [32, 128], strides = [1, 1]} : vector<32x16384xf32> to vector<32x128xf32>
    %slice3A_162 = vector.extract_strided_slice %get3A_1 {offsets = [0, 13952], sizes = [32, 128], strides = [1, 1]} : vector<32x16384xf32> to vector<32x128xf32>
    %slice3A_163 = vector.extract_strided_slice %get3A_1 {offsets = [0, 14080], sizes = [32, 128], strides = [1, 1]} : vector<32x16384xf32> to vector<32x128xf32>
    %slice3A_164 = vector.extract_strided_slice %get3A_1 {offsets = [0, 14208], sizes = [32, 128], strides = [1, 1]} : vector<32x16384xf32> to vector<32x128xf32>
    %concatenate3A_165 = tpu.concatenate %slice3A_161, %slice3A_162, %slice3A_163, %slice3A_164 in 0 : vector<32x128xf32>, vector<32x128xf32>, vector<32x128xf32>, vector<32x128xf32> -> vector<128x128xf32>
    %transpose3A_166 = tpu.transpose %concatenate3A_165, [1, 0] : vector<128x128xf32> -> vector<128x128xf32>
    %slice3A_167 = vector.extract_strided_slice %get3A_1 {offsets = [0, 14336], sizes = [32, 128], strides = [1, 1]} : vector<32x16384xf32> to vector<32x128xf32>
    %slice3A_168 = vector.extract_strided_slice %get3A_1 {offsets = [0, 14464], sizes = [32, 128], strides = [1, 1]} : vector<32x16384xf32> to vector<32x128xf32>
    %slice3A_169 = vector.extract_strided_slice %get3A_1 {offsets = [0, 14592], sizes = [32, 128], strides = [1, 1]} : vector<32x16384xf32> to vector<32x128xf32>
    %slice3A_170 = vector.extract_strided_slice %get3A_1 {offsets = [0, 14720], sizes = [32, 128], strides = [1, 1]} : vector<32x16384xf32> to vector<32x128xf32>
    %concatenate3A_171 = tpu.concatenate %slice3A_167, %slice3A_168, %slice3A_169, %slice3A_170 in 0 : vector<32x128xf32>, vector<32x128xf32>, vector<32x128xf32>, vector<32x128xf32> -> vector<128x128xf32>
    %transpose3A_172 = tpu.transpose %concatenate3A_171, [1, 0] : vector<128x128xf32> -> vector<128x128xf32>
    %slice3A_173 = vector.extract_strided_slice %get3A_1 {offsets = [0, 14848], sizes = [32, 128], strides = [1, 1]} : vector<32x16384xf32> to vector<32x128xf32>
    %slice3A_174 = vector.extract_strided_slice %get3A_1 {offsets = [0, 14976], sizes = [32, 128], strides = [1, 1]} : vector<32x16384xf32> to vector<32x128xf32>
    %slice3A_175 = vector.extract_strided_slice %get3A_1 {offsets = [0, 15104], sizes = [32, 128], strides = [1, 1]} : vector<32x16384xf32> to vector<32x128xf32>
    %slice3A_176 = vector.extract_strided_slice %get3A_1 {offsets = [0, 15232], sizes = [32, 128], strides = [1, 1]} : vector<32x16384xf32> to vector<32x128xf32>
    %concatenate3A_177 = tpu.concatenate %slice3A_173, %slice3A_174, %slice3A_175, %slice3A_176 in 0 : vector<32x128xf32>, vector<32x128xf32>, vector<32x128xf32>, vector<32x128xf32> -> vector<128x128xf32>
    %transpose3A_178 = tpu.transpose %concatenate3A_177, [1, 0] : vector<128x128xf32> -> vector<128x128xf32>
    %slice3A_179 = vector.extract_strided_slice %get3A_1 {offsets = [0, 15360], sizes = [32, 128], strides = [1, 1]} : vector<32x16384xf32> to vector<32x128xf32>
    %slice3A_180 = vector.extract_strided_slice %get3A_1 {offsets = [0, 15488], sizes = [32, 128], strides = [1, 1]} : vector<32x16384xf32> to vector<32x128xf32>
    %slice3A_181 = vector.extract_strided_slice %get3A_1 {offsets = [0, 15616], sizes = [32, 128], strides = [1, 1]} : vector<32x16384xf32> to vector<32x128xf32>
    %slice3A_182 = vector.extract_strided_slice %get3A_1 {offsets = [0, 15744], sizes = [32, 128], strides = [1, 1]} : vector<32x16384xf32> to vector<32x128xf32>
    %concatenate3A_183 = tpu.concatenate %slice3A_179, %slice3A_180, %slice3A_181, %slice3A_182 in 0 : vector<32x128xf32>, vector<32x128xf32>, vector<32x128xf32>, vector<32x128xf32> -> vector<128x128xf32>
    %transpose3A_184 = tpu.transpose %concatenate3A_183, [1, 0] : vector<128x128xf32> -> vector<128x128xf32>
    %slice3A_185 = vector.extract_strided_slice %get3A_1 {offsets = [0, 15872], sizes = [32, 128], strides = [1, 1]} : vector<32x16384xf32> to vector<32x128xf32>
    %slice3A_186 = vector.extract_strided_slice %get3A_1 {offsets = [0, 16000], sizes = [32, 128], strides = [1, 1]} : vector<32x16384xf32> to vector<32x128xf32>
    %slice3A_187 = vector.extract_strided_slice %get3A_1 {offsets = [0, 16128], sizes = [32, 128], strides = [1, 1]} : vector<32x16384xf32> to vector<32x128xf32>
    %slice3A_188 = vector.extract_strided_slice %get3A_1 {offsets = [0, 16256], sizes = [32, 128], strides = [1, 1]} : vector<32x16384xf32> to vector<32x128xf32>
    %concatenate3A_189 = tpu.concatenate %slice3A_185, %slice3A_186, %slice3A_187, %slice3A_188 in 0 : vector<32x128xf32>, vector<32x128xf32>, vector<32x128xf32>, vector<32x128xf32> -> vector<128x128xf32>
    %transpose3A_190 = tpu.transpose %concatenate3A_189, [1, 0] : vector<128x128xf32> -> vector<128x128xf32>
    %concatenate3A_191 = tpu.concatenate %transpose3A, %transpose3A_10, %transpose3A_16, %transpose3A_22, %transpose3A_28, %transpose3A_34, %transpose3A_40, %transpose3A_46, %transpose3A_52, %transpose3A_58, %transpose3A_64, %transpose3A_70, %transpose3A_76, %transpose3A_82, %transpose3A_88, %transpose3A_94, %transpose3A_100, %transpose3A_106, %transpose3A_112, %transpose3A_118, %transpose3A_124, %transpose3A_130, %transpose3A_136, %transpose3A_142, %transpose3A_148, %transpose3A_154, %transpose3A_160, %transpose3A_166, %transpose3A_172, %transpose3A_178, %transpose3A_184, %transpose3A_190 in 0 : vector<128x128xf32>, vector<128x128xf32>, vector<128x128xf32>, vector<128x128xf32>, vector<128x128xf32>, vector<128x128xf32>, vector<128x128xf32>, vector<128x128xf32>, vector<128x128xf32>, vector<128x128xf32>, vector<128x128xf32>, vector<128x128xf32>, vector<128x128xf32>, vector<128x128xf32>, vector<128x128xf32>, vector<128x128xf32>, vector<128x128xf32>, vector<128x128xf32>, vector<128x128xf32>, vector<128x128xf32>, vector<128x128xf32>, vector<128x128xf32>, vector<128x128xf32>, vector<128x128xf32>, vector<128x128xf32>, vector<128x128xf32>, vector<128x128xf32>, vector<128x128xf32>, vector<128x128xf32>, vector<128x128xf32>, vector<128x128xf32>, vector<128x128xf32> -> vector<4096x128xf32>
    %swap3A = arith.constant 0 : index
    %swap3A_192 = arith.constant 0 : index
    %swap3A_193 = vector.load %arg2[%swap3A, %swap3A_192] : memref<4096x128xf32, #tpu.memory_space<vmem>>, vector<4096x128xf32>
    tpu.vector_store %arg2[%swap3A, %swap3A_192], %concatenate3A_191 {strides = array<i32>} : memref<4096x128xf32, #tpu.memory_space<vmem>>, vector<4096x128xf32>,
    return
  }
  func.func @transform_0(%arg0: i32) -> (i32, i32) {
    %c0_i32 = arith.constant 0 : i32
    %c0_i32_0 = arith.constant 0 : i32
    return %c0_i32, %arg0 : i32, i32
  }
  func.func @transform_1(%arg0: i32) -> (i32, i32) {
    %c0_i32 = arith.constant 0 : i32
    %c0_i32_0 = arith.constant 0 : i32
    return %arg0, %c0_i32 : i32, i32
  }
}

</mosaic_0001>

<sc_bundles>
// kernel: kernel.4.cloned.1.call-start
scs
__scs_entry_jumppad:
0x0: {  	(pc) =	sbr.rel $0x88, $3  }
0x1: {  	(tag) =	ssettag $0x0;
	lr =	simm.s32 $0x1  }
0x2: {  	[smem:$0x3F9E] =	sst lr;
	_ =	strace $0xD0000000  }
0x3: {  	_ = 	snop  }
0x4: {  	_ = 	snop  }
0x5: {  	_ = 	snop  }
0x6: {  	_ = 	snop  }
0x7: {  	_ = 	snop  }
__scs_overlays_trampoline_lowered:
0x8: {  	[smem:$0x3FAD] =	sst s0  }
0x9: {  	[smem:$0x3FAE] =	sst s1  }
0xa: {  	[smem:$0x3FAF] =	sst s2  }
0xb: {  	[smem:$0x3FB0] =	sst s3  }
0xc: {  	[smem:$0x3FB1] =	sst s4  }
0xd: {  	[smem:$0x3FB2] =	sst s5  }
0xe: {  	[smem:$0x3FB3] =	sst s6  }
0xf: {  	[smem:$0x3FB4] =	sst s7  }
0x10: {  	[smem:$0x3FB5] =	sst s8  }
0x11: {  	[smem:$0x3FB6] =	sst s9;
	s0 =	simm.s32 @!p0 $0x0  }
0x12: {  	s1 =	sld [smem:$0x3F9C];
	s0 =	simm.s32 @p0 $0x1  }
0x13: {  	[smem:$0x3FB7] =	sst s0;
	s0 =	simm.s32 @!p1 $0x0  }
0x14: {  	s2 =	sld [smem:$0x3F9B];
	s0 =	simm.s32 @p1 $0x1  }
0x15: {  	[smem:$0x3FB8] =	sst s0;
	s0 =	simm.s32 @!p2 $0x0  }
0x16: {  	s3 =	sld [smem:$0x3FDB];
	s0 =	simm.s32 @p2 $0x1  }
0x17: {  	s4 =	simm.s32 $0x1BF5;
	[smem:$0x3FBA] =	sst s0  }
0x18: {  	s0 =	sld [smem:$0x3F9D];
	_ =	swait.ge [sflag:s4], $0x0  }
0x19: {  	s7 =	sld [smem:$0x3F9E]  }
0x1a: {  	s8 =	sadd.s32 $0xFFFFE003, lr  }
0x1b: {  	s9 =	sadd.s32 $0xFFFFFEF7, lr;
	s5 =	simm.s32 $0xFFFFFFFF;
	p2 =	slt.u32 s8, $0xFFFFF086  }
0x1c: {  	p1 =	slt.u32 s9, $0xF7A;
	s5 =	simm.s32 @!p2 $0x0  }
0x1d: {  	s5 =	simm.s32 @p1 $0x1;
	p0 =	seq.s32 s7, s2  }
0x1e: {  	s7 =	smul.u32 @!p0 $0xF7A, s2;
	p2 =	seq.s32 @!p0 s5, $0x0  }
0x1f: {  	s9 =	smul.u32 $0xF7A, s1;
	s8 =	simm.s32 @!p0 $0x1BF5;
	p2 =	por !p2, p0  }
0x20: {  	[sflag:s8] =	ssyncset.s32 @!p0 $0xFFFFF086;
	s6 =	sadd.s32 @!p0 s3, s7;
	s7 =	simm.s32 @!p0 $0x108  }
0x21: {  	s3 =	sadd.s32 s3, s9;
	s6 =	sadd.s32 @!p0 $0x88, s6;
	s7 =	simm.s32 @p2 $0x1082  }
0x22: {  	[simem:s7], [sflag:s8] =	dma.local @!p0 [hbm:s6], $0xF7A  }
0x23: {  	s9 =	sor.u32 $0xD0000000, s2;
	s6 =	simm.s32 $0x108;
	_ =	swait.ge @!p0 [sflag:s8], $0x0  }
0x24: {  	s3 =	sadd.s32 $0x88, s3;
	s6 =	simm.s32 @!p1 $0x1082;
	[sflag:s4] =	ssyncset.s32 $0xFFFFF086  }
0x25: {  	[simem:s6], [sflag:s4] =	dma.local [hbm:s3], $0xF7A  }
0x26: {  	[smem:$0x3F9E] =	sst s1;
	(tag) =	ssettag s2;
	_ =	strace s9  }
0x27: {  	s1 =	sld [smem:$0x3FAE]  }
0x28: {  	s2 =	sld [smem:$0x3FAF]  }
0x29: {  	s4 =	sld [smem:$0x3FB1]  }
0x2a: {  	p0 =	seq.s32 s5, $0x0;
	s5 =	sld [smem:$0x3FB2]  }
0x2b: {  	s6 =	sld [smem:$0x3FB3]  }
0x2c: {  	s7 =	sld [smem:$0x3FB4]  }
0x2d: {  	s3 =	simm.s32 $0x108;
	s8 =	sld [smem:$0x3FB5]  }
0x2e: {  	s3 =	simm.s32 @!p0 $0x1082;
	s9 =	sld [smem:$0x3FB6]  }
0x2f: {  	lr =	sadd.s32 s0, s3;
	s0 =	sld [smem:$0x3FAD]  }
0x30: {  	s3 =	sld [smem:$0x3FB0]  }
0x31: {  	[smem:$0x3FB9] =	sst s10  }
0x32: {  	s10 =	sld [smem:$0x3FB7];
	_ =	sdelay $0x3  }
0x33: {  	p0 =	seq.s32 s10, $0x1;
	s10 =	sld [smem:$0x3FB9];
	_ =	sdelay $0x3  }
0x34: {  	[smem:$0x3FB9] =	sst s10  }
0x35: {  	s10 =	sld [smem:$0x3FB8];
	_ =	sdelay $0x3  }
0x36: {  	p1 =	seq.s32 s10, $0x1;
	s10 =	sld [smem:$0x3FB9];
	_ =	sdelay $0x3  }
0x37: {  	[smem:$0x3FB9] =	sst s10  }
0x38: {  	s10 =	sld [smem:$0x3FBA]  }
0x39: {  	_ = 	snop;
	(pc) =	sbr.ind lr, $3  }
0x3a: {  	_ = 	snop  }
0x3b: {  	_ = 	snop  }
0x3c: {  	p2 =	seq.s32 s10, $0x1;
	s10 =	sld [smem:$0x3FB9]  }
0x3d: {  	_ =	shalt  }
0x3e: {  	_ =	shalt  }
0x3f: {  	_ =	shalt  }
0x40: {  	_ =	shalt  }
0x41: {  	_ =	shalt  }
0x42: {  	_ =	shalt  }
0x43: {  	_ =	shalt  }
0x44: {  	_ =	shalt  }
0x45: {  	_ =	shalt  }
0x46: {  	_ =	shalt  }
0x47: {  	_ =	shalt  }
0x48: {  	_ =	shalt  }
0x49: {  	_ =	shalt  }
0x4a: {  	_ =	shalt  }
0x4b: {  	_ =	shalt  }
0x4c: {  	_ =	shalt  }
0x4d: {  	_ =	shalt  }
0x4e: {  	_ =	shalt  }
0x4f: {  	_ =	shalt  }
0x50: {  	_ =	shalt  }
0x51: {  	_ =	shalt  }
0x52: {  	_ =	shalt  }
0x53: {  	_ =	shalt  }
0x54: {  	_ =	shalt  }
0x55: {  	_ =	shalt  }
0x56: {  	_ =	shalt  }
0x57: {  	_ =	shalt  }
0x58: {  	_ =	shalt  }
0x59: {  	_ =	shalt  }
0x5a: {  	_ =	shalt  }
0x5b: {  	_ =	shalt  }
0x5c: {  	_ =	shalt  }
0x5d: {  	_ =	shalt  }
0x5e: {  	_ =	shalt  }
0x5f: {  	_ =	shalt  }
0x60: {  	_ =	shalt  }
0x61: {  	_ =	shalt  }
0x62: {  	_ =	shalt  }
0x63: {  	_ =	shalt  }
0x64: {  	_ =	shalt  }
0x65: {  	_ =	shalt  }
0x66: {  	_ =	shalt  }
0x67: {  	_ =	shalt  }
0x68: {  	_ =	shalt  }
0x69: {  	_ =	shalt  }
0x6a: {  	_ =	shalt  }
0x6b: {  	_ =	shalt  }
0x6c: {  	_ =	shalt  }
0x6d: {  	_ =	shalt  }
0x6e: {  	_ =	shalt  }
0x6f: {  	_ =	shalt  }
0x70: {  	_ =	shalt  }
0x71: {  	_ =	shalt  }
0x72: {  	_ =	shalt  }
0x73: {  	_ =	shalt  }
0x74: {  	_ =	shalt  }
0x75: {  	_ =	shalt  }
0x76: {  	_ =	shalt  }
0x77: {  	_ =	shalt  }
0x78: {  	_ =	shalt  }
0x79: {  	_ =	shalt  }
0x7a: {  	_ =	shalt  }
0x7b: {  	_ =	shalt  }
0x7c: {  	_ =	shalt  }
0x7d: {  	_ =	shalt  }
0x7e: {  	_ =	shalt  }
0x7f: {  	_ =	shalt  }
0x80: {  	_ =	shalt  }
0x81: {  	_ =	shalt  }
0x82: {  	_ =	shalt  }
0x83: {  	_ =	shalt  }
0x84: {  	_ =	shalt  }
0x85: {  	_ =	shalt  }
0x86: {  	_ =	shalt  }
0x87: {  	_ =	shalt  }
.Lfunc_end0:
.L_simem_size_0:
called_computation_lowered:
.L_overlay_start_0:
0x88: {  	s2 =	sld [smem:$0x3FD9]  }
0x89: {  	s3 =	sld [smem:$0x3FFE];
	_ =	sdelay $0x1  }
0x8a: {  	s1 =	srdreg.scid  }
0x8b: {  	s0 =	sand.u32 $0x1, s1  }
0x8c: {  	s17 =	sshll.u32 s0, $0xA;
	s2 =	sadd.s32 s3, s2  }
0x8d: {  	s2 =	sadd.s32 s2, s17  }
0x8e: {  	[smem:$0x3FC5] =	sst s2  }
0x8f: {  	_ = 	snop  }
0x90: {  	s2 =	sld [smem:$0x3FC7]  }
0x91: {  	s18 =	sld [smem:$0x3FD0];
	(tm) =	ssettm $0x1  }
0x92: {  	s4 =	sld [smem:$0x3FFB];
	_ =	sdelay $0x3  }
0x93: {  	_ =	strace s4  }
0x94: {  	s4 =	sld [smem:$0x3FFC];
	_ =	sdelay $0x3  }
0x95: {  	_ =	strace s4  }
0x96: {  	s4 =	sld [smem:$0x3FFD];
	_ =	sdelay $0x3  }
0x97: {  	_ =	strace s4  }
0x98: {  	_ =	strace $0x8FFFFFFF  }
0x99: {  	s19 =	sld [smem:$0x3FDB];
	_ =	sdelay $0x1  }
0x9a: {  	s5 =	simm.s32 $_scs_section_size  }
0x9b: {  	s6 =	simm.s32 $_size__tile_overlayer_lowered;
	s7 =	simm.s32 $_tile_overlayer_lowered  }
0x9c: {  	s22 =	simm.s32 $0x1BFF;
	s21 =	sshll.u32 s7, $0x1;
	s4 =	sadd.s32 s5, s19  }
0x9d: {  	s8 =	simm.s32 $0x0;
	s20 =	sshll.u32 s6, $0x1;
	s6 =	sadd.s32 s21, s4  }
0x9e: {  	[timem:s8], [sflag:s22] =	dma.local [hbm:s6], s20  }
0x9f: {  	_ =	swait.ge [sflag:s22], s20  }
0xa0: {  	s5 =	ssub.s32 $0x0, s20;
	[sflag:s22] =	ssyncset.done $0x0  }
0xa1: {  	[sflag:s22] =	ssyncadd.s32 s5;
	_ =	sdelay $0x1  }
0xa2: {  	s23 =	simm.s32 $0x1B8B  }
0xa3: {  	_ =	swait.ge [sflag:s23], $0x1  }
0xa4: {  	[sflag:s23] =	ssyncset.done $0x0  }
0xa5: {  	s25 =	simm.s32 $0x1B8E;
	s24 =	sld [smem:$0x3FFE];
	[sflag:s23] =	ssyncadd.s32 $0xFFFFFFFF  }
0xa6: {  	s26 =	simm.s32 $execute0_lowered;
	[smem:$0x3FD2] =	sst s25  }
0xa7: {  	s6 =	sshll.u32 s26, $0x1;
	_ =	strace $0x80000046;
	[dreg:$0x1] =	wrdreg $0xFFFFFFFF  }
0xa8: {  	s28 =	simm.s32 $_size_execute0_lowered;
	s4 =	sadd.s32 s4, s6;
	[dreg:$0x0] =	wrdreg $0x0  }
0xa9: {  	s6 =	sshll.u32 s28, $0x1;
	[dreg:$0x2] =	wrdreg s4  }
0xaa: {  	[dreg:$0x3] =	wrdreg s6  }
0xab: {  	[dreg:$0x4] =	wrdreg $0xC0  }
0xac: {  	_ =	task [dreg:s8], $0x5FFFF  }
0xad: {  	[dreg:$0x1] =	wrdreg $0xFFFFFFFF  }
0xae: {  	[dreg:$0x0] =	wrdreg $0x60  }
0xaf: {  	[dreg:$0x2] =	wrdreg s24  }
0xb0: {  	[dreg:$0x3] =	wrdreg s2  }
0xb1: {  	[dreg:$0x4] =	wrdreg s18  }
0xb2: {  	[dreg:$0x5] =	wrdreg $0x9  }
0xb3: {  	_ =	task.clear_ibuf [dreg:s8], $0x6FFFF;
	_ =	strace $0x90000046  }
0xb4: {  	s29 =	simm.s32 $0x9;
	_ =	strace $0x80000048  }
0xb5: {  	_ =	swait.ge [sflag:s29], $0x1  }
0xb6: {  	[sflag:s29] =	ssyncadd.s32 $0xFFFFFFFF  }
0xb7: {  	_ =	strace $0x90000048  }
0xb8: {  	_ =	sfence  }
0xb9: {  	s30 =	sld [smem:$0x0];
	_ =	sdelay $0x2  }
0xba: {  	s31 =	sshll.u32 s1, $0xD;
	s1 =	sshrl.u32 s1, $0x2  }
0xbb: {  	s3 =	sand.u32 $0x4000, s31;
	s1 =	sadd.s32 s1, s30  }
0xbc: {  	s0 =	sor.u32 s3, s0;
	s1 =	sshll.u32 s1, $0x11  }
0xbd: {  	s0 =	sor.u32 s1, s0  }
0xbe: {  	s0 =	sadd.s32 $0x8F2B, s0  }
0xbf: {  	[sflag:s0] =	ssyncadd.remote.s32 $0x1  }
0xc0: {  	_ =	sfence.sel $0xFFFF  }
0xc1: {  	[dreg:$0x0] =	wrdreg $0xFFFFFFFF;
	(pc) =	sbr.abs _section_cstart, $3  }
0xc2: {  	[dreg:$0x1] =	wrdreg $0xFFFFFFFF  }
0xc3: {  	_ =	task.clear_ibuf [dreg:s8], $0x2FFFF;
	_ =	strace $0x9FFFFFFF  }
0xc4: {  	(tm) =	ssettm $0x7FFFFFFF  }
0xc5: {  	_ =	shalt  }
tec
execute0_lowered:
.L_overlay_start_1:
0x0: {  	(tag) =	ssettag $0x1  }
0x1: {  	s0 =	rddreg [dreg:$0x0];
	s1 =	srdreg.scid  }
0x2: {  	s2 =	stileid.u32;
	s3 =	rddreg [dreg:$0x2];
	s4 =	simm.s32 $0x0  }
0x3: {  	s14 =	simm.s32 $0x5;
	s15 =	simm.s32 $0x3;
	s16 =	simm.s32 $0x50  }
0x4: {  	s13 =	simm.s32 $0x640;
	s9 =	simm.s32 $0x4;
	s22 =	simm.s32 $0xAA0  }
0x5: {  	s23 =	simm.s32 $0x16080;
	s28 =	simm.s32 $0x17480;
	s29 =	simm.s32 $0xB90  }
0x6: {  	s30 =	simm.s32 $0x17E80;
	s31 =	simm.s32 $0xBE0;
	s11 =	simm.s32 $0x1  }
0x7: {  	s12 =	simm.s32 $0x19C80;
	s18 =	simm.s32 $0x0;
	s1 =	sand.u32 $0x1, s1  }
0x8: {  	s2 =	sshll.u32 s2, $0x1;
	[smem:$0x7FF] =	sst s4;
	s5 =	sadd.s32 $0x400, s0  }
0x9: {  	s6 =	sadd.s32 $0x64400, s0;
	s2 =	sor.u32 s1, s2;
	s1 =	ssub.s32 $0x2, s1  }
0xa: {  	_ =	strace $0x80000047;
	s7 =	smul.u32 $0x3200, s2;
	s24 =	sshrl.u32 s1, $0x1  }
0xb: {  	s8 =	sshll.u32 s2, $0x6;
	s2 =	simm.s32 $0x19280;
	s0 =	ssub.s32 s1, s24  }
0xc: {  	s10 =	sor.u32 $0x2, s8;
	s26 =	sor.u32 $0x3, s8;
	s24 =	simm.s32 $0xAF0  }
0xd: {  	s1 =	simm.s32 $0x18880;
	s7 =	sadd.s32 s5, s7;
	[dreg:$0x6] =	wrdreg s26  }
0xe: {  	s0 =	smax.u32 s0, $0x1;
	s26 =	simm.s32 $0xB40;
	[dreg:$0x4] =	wrdreg s7  }
0xf: {  	s25 =	sadd.s32 $0xC8, s7;
	[dreg:$0x7] =	wrdreg s0;
	s0 =	simm.s32 $0xC30  }
0x10: {  	s7 =	simm.s32 $0x2;
	[dreg:$0x5] =	wrdreg s25;
	s25 =	simm.s32 $0x16A80  }
.LBB2_1:
0x11: {  	[dreg:$0x8] =	wrdreg s18  }
0x12: {  	s17 =	rddreg [dreg:$0x1];
	s20 =	simm.s32 $0x19D80  }
0x13: {  	[tilespmem:s20], [sflag:$0x5] =	stream.linear.gather [hbm4b:s17+s4], $0x20, $0x38;
	[tilespmem:$0x19DA0] =	vst v63  }
0x14: {  	_ =	swait.ge [sflag:s14], $0x20  }
0x15: {  	[sflag:s14] =	ssyncset.done $0x0  }
0x16: {  	[sflag:s14] =	ssyncadd.s32 $0xFFFFFFE0  }
0x17: {  	s21 =	rddreg [dreg:$0x4];
	v0 =	vld [tilespmem:$0x19D80]  }
0x18: {  	v1 =	vld [tilespmem:$0x19D90];
	[tilespmem:s4], [sflag:$0x3] =	stream.linear.gather [hbm4b:s21+s4], $0x640, $0x38  }
0x19: {  	_ =	swait.ge [sflag:s15], $0x640  }
0x1a: {  	[sflag:s15] =	ssyncset.done $0x0  }
0x1b: {  	s18 =	simm.s32 $0xC80;
	[sflag:s15] =	ssyncadd.s32 $0xFFFFF9C0  }
0x1c: {  	[tilespmem:s18], [sflag:$0x1] =	stream.indirect.gather [hbm4b:s6+s16], $0x20, s4, s16, $0xb8;
	[tilespmem:$0x19DA0] =	vst v63  }
0x1d: {  	s19 =	simm.s32 $0x1680  }
0x1e: {  	[tilespmem:s19], [sflag:$0x1] =	stream.indirect.gather [hbm4b:s6+s16], $0x20, s16, s16, $0xb8;
	[tilespmem:$0x19DA0] =	vst v63  }
0x1f: {  	s20 =	simm.s32 $0xA0;
	s21 =	simm.s32 $0x2080  }
0x20: {  	[tilespmem:s21], [sflag:$0x1] =	stream.indirect.gather [hbm4b:s6+s16], $0x20, s20, s16, $0xb8;
	[tilespmem:$0x19DA0] =	vst v63  }
0x21: {  	s18 =	simm.s32 $0xF0;
	s19 =	simm.s32 $0x2A80  }
0x22: {  	[tilespmem:s19], [sflag:$0x1] =	stream.indirect.gather [hbm4b:s6+s16], $0x20, s18, s16, $0xb8;
	[tilespmem:$0x19DA0] =	vst v63  }
0x23: {  	s20 =	simm.s32 $0x140;
	s21 =	simm.s32 $0x3480  }
0x24: {  	[tilespmem:s21], [sflag:$0x1] =	stream.indirect.gather [hbm4b:s6+s16], $0x20, s20, s16, $0xb8;
	[tilespmem:$0x19DA0] =	vst v63  }
0x25: {  	s18 =	simm.s32 $0x190;
	s19 =	simm.s32 $0x3E80  }
0x26: {  	[tilespmem:s19], [sflag:$0x1] =	stream.indirect.gather [hbm4b:s6+s16], $0x20, s18, s16, $0xb8;
	[tilespmem:$0x19DA0] =	vst v63  }
0x27: {  	s20 =	simm.s32 $0x1E0;
	s21 =	simm.s32 $0x4880  }
0x28: {  	[tilespmem:s21], [sflag:$0x1] =	stream.indirect.gather [hbm4b:s6+s16], $0x20, s20, s16, $0xb8;
	[tilespmem:$0x19DA0] =	vst v63  }
0x29: {  	s18 =	simm.s32 $0x230;
	s19 =	simm.s32 $0x5280  }
0x2a: {  	[tilespmem:s19], [sflag:$0x1] =	stream.indirect.gather [hbm4b:s6+s16], $0x20, s18, s16, $0xb8;
	[tilespmem:$0x19DA0] =	vst v63  }
0x2b: {  	s20 =	simm.s32 $0x280;
	s21 =	simm.s32 $0x5C80  }
0x2c: {  	[tilespmem:s21], [sflag:$0x1] =	stream.indirect.gather [hbm4b:s6+s16], $0x20, s20, s16, $0xb8;
	[tilespmem:$0x19DA0] =	vst v63  }
0x2d: {  	s18 =	simm.s32 $0x2D0;
	s19 =	simm.s32 $0x6680  }
0x2e: {  	[tilespmem:s19], [sflag:$0x1] =	stream.indirect.gather [hbm4b:s6+s16], $0x20, s18, s16, $0xb8;
	[tilespmem:$0x19DA0] =	vst v63  }
0x2f: {  	s20 =	simm.s32 $0x320;
	s21 =	simm.s32 $0x7080  }
0x30: {  	[tilespmem:s21], [sflag:$0x1] =	stream.indirect.gather [hbm4b:s6+s16], $0x20, s20, s16, $0xb8;
	[tilespmem:$0x19DA0] =	vst v63  }
0x31: {  	s18 =	simm.s32 $0x370;
	s19 =	simm.s32 $0x7A80  }
0x32: {  	[tilespmem:s19], [sflag:$0x1] =	stream.indirect.gather [hbm4b:s6+s16], $0x20, s18, s16, $0xb8;
	[tilespmem:$0x19DA0] =	vst v63  }
0x33: {  	s20 =	simm.s32 $0x3C0;
	s21 =	simm.s32 $0x8480  }
0x34: {  	[tilespmem:s21], [sflag:$0x1] =	stream.indirect.gather [hbm4b:s6+s16], $0x20, s20, s16, $0xb8;
	[tilespmem:$0x19DA0] =	vst v63  }
0x35: {  	s18 =	simm.s32 $0x410;
	s19 =	simm.s32 $0x8E80  }
0x36: {  	[tilespmem:s19], [sflag:$0x1] =	stream.indirect.gather [hbm4b:s6+s16], $0x20, s18, s16, $0xb8;
	[tilespmem:$0x19DA0] =	vst v63  }
0x37: {  	s20 =	simm.s32 $0x460;
	s21 =	simm.s32 $0x9880  }
0x38: {  	[tilespmem:s21], [sflag:$0x1] =	stream.indirect.gather [hbm4b:s6+s16], $0x20, s20, s16, $0xb8;
	[tilespmem:$0x19DA0] =	vst v63  }
0x39: {  	s18 =	simm.s32 $0x4B0;
	s19 =	simm.s32 $0xA280  }
0x3a: {  	[tilespmem:s19], [sflag:$0x1] =	stream.indirect.gather [hbm4b:s6+s16], $0x20, s18, s16, $0xb8;
	[tilespmem:$0x19DA0] =	vst v63  }
0x3b: {  	s20 =	simm.s32 $0x500;
	s21 =	simm.s32 $0xAC80  }
0x3c: {  	[tilespmem:s21], [sflag:$0x1] =	stream.indirect.gather [hbm4b:s6+s16], $0x20, s20, s16, $0xb8;
	[tilespmem:$0x19DA0] =	vst v63  }
0x3d: {  	s18 =	simm.s32 $0x550;
	s19 =	simm.s32 $0xB680  }
0x3e: {  	[tilespmem:s19], [sflag:$0x1] =	stream.indirect.gather [hbm4b:s6+s16], $0x20, s18, s16, $0xb8;
	[tilespmem:$0x19DA0] =	vst v63  }
0x3f: {  	s20 =	simm.s32 $0x5A0;
	s21 =	simm.s32 $0xC080  }
0x40: {  	[tilespmem:s21], [sflag:$0x1] =	stream.indirect.gather [hbm4b:s6+s16], $0x20, s20, s16, $0xb8;
	[tilespmem:$0x19DA0] =	vst v63  }
0x41: {  	s19 =	simm.s32 $0x5F0;
	s20 =	simm.s32 $0xCA80  }
0x42: {  	[tilespmem:s20], [sflag:$0x1] =	stream.indirect.gather [hbm4b:s6+s16], $0x20, s19, s16, $0xb8;
	[tilespmem:$0x19DA0] =	vst v63  }
0x43: {  	s17 =	simm.s32 $0x0;
	s21 =	rddreg [dreg:$0x5]  }
0x44: {  	[tilespmem:s13], [sflag:$0x4] =	stream.linear.gather [hbm4b:s21+s4], $0x640, $0x38;
	[tilespmem:$0x19DA0] =	vst v63  }
.LBB2_2:
0x45: {  	_ =	swait.ge [sflag:s9], $0x640  }
0x46: {  	[sflag:s9] =	ssyncset.done $0x0  }
0x47: {  	s18 =	simm.s32 $0xD480;
	[sflag:s9] =	ssyncadd.s32 $0xFFFFF9C0  }
0x48: {  	[tilespmem:s18], [sflag:$0x2] =	stream.indirect.gather [hbm4b:s6+s16], $0x20, s13, s16, $0xb8;
	[tilespmem:$0x19DA0] =	vst v63  }
0x49: {  	s21 =	simm.s32 $0x690;
	s19 =	simm.s32 $0xDE80  }
0x4a: {  	[tilespmem:s19], [sflag:$0x2] =	stream.indirect.gather [hbm4b:s6+s16], $0x20, s21, s16, $0xb8;
	[tilespmem:$0x19DA0] =	vst v63  }
0x4b: {  	s20 =	simm.s32 $0x6E0;
	s21 =	simm.s32 $0xE880  }
0x4c: {  	[tilespmem:s21], [sflag:$0x2] =	stream.indirect.gather [hbm4b:s6+s16], $0x20, s20, s16, $0xb8;
	[tilespmem:$0x19DA0] =	vst v63  }
0x4d: {  	s20 =	simm.s32 $0x730;
	s21 =	simm.s32 $0xF280  }
0x4e: {  	[tilespmem:s21], [sflag:$0x2] =	stream.indirect.gather [hbm4b:s6+s16], $0x20, s20, s16, $0xb8;
	[tilespmem:$0x19DA0] =	vst v63  }
0x4f: {  	s20 =	simm.s32 $0x780;
	s21 =	simm.s32 $0xFC80  }
0x50: {  	[tilespmem:s21], [sflag:$0x2] =	stream.indirect.gather [hbm4b:s6+s16], $0x20, s20, s16, $0xb8;
	[tilespmem:$0x19DA0] =	vst v63  }
0x51: {  	s20 =	simm.s32 $0x7D0;
	s21 =	simm.s32 $0x10680  }
0x52: {  	[tilespmem:s21], [sflag:$0x2] =	stream.indirect.gather [hbm4b:s6+s16], $0x20, s20, s16, $0xb8;
	[tilespmem:$0x19DA0] =	vst v63  }
0x53: {  	s20 =	simm.s32 $0x820;
	s21 =	simm.s32 $0x11080  }
0x54: {  	[tilespmem:s21], [sflag:$0x2] =	stream.indirect.gather [hbm4b:s6+s16], $0x20, s20, s16, $0xb8;
	[tilespmem:$0x19DA0] =	vst v63  }
0x55: {  	s20 =	simm.s32 $0x870;
	s21 =	simm.s32 $0x11A80  }
0x56: {  	[tilespmem:s21], [sflag:$0x2] =	stream.indirect.gather [hbm4b:s6+s16], $0x20, s20, s16, $0xb8;
	[tilespmem:$0x19DA0] =	vst v63  }
0x57: {  	s20 =	simm.s32 $0x8C0;
	s21 =	simm.s32 $0x12480  }
0x58: {  	[tilespmem:s21], [sflag:$0x2] =	stream.indirect.gather [hbm4b:s6+s16], $0x20, s20, s16, $0xb8;
	[tilespmem:$0x19DA0] =	vst v63  }
0x59: {  	s20 =	simm.s32 $0x910;
	s21 =	simm.s32 $0x12E80  }
0x5a: {  	[tilespmem:s21], [sflag:$0x2] =	stream.indirect.gather [hbm4b:s6+s16], $0x20, s20, s16, $0xb8;
	[tilespmem:$0x19DA0] =	vst v63  }
0x5b: {  	s20 =	simm.s32 $0x960;
	s21 =	simm.s32 $0x13880  }
0x5c: {  	[tilespmem:s21], [sflag:$0x2] =	stream.indirect.gather [hbm4b:s6+s16], $0x20, s20, s16, $0xb8;
	[tilespmem:$0x19DA0] =	vst v63  }
0x5d: {  	s20 =	simm.s32 $0x9B0;
	s21 =	simm.s32 $0x14280  }
0x5e: {  	[tilespmem:s21], [sflag:$0x2] =	stream.indirect.gather [hbm4b:s6+s16], $0x20, s20, s16, $0xb8;
	[tilespmem:$0x19DA0] =	vst v63  }
0x5f: {  	s20 =	simm.s32 $0xA00;
	s21 =	simm.s32 $0x14C80  }
0x60: {  	[tilespmem:s21], [sflag:$0x2] =	stream.indirect.gather [hbm4b:s6+s16], $0x20, s20, s16, $0xb8;
	[tilespmem:$0x19DA0] =	vst v63  }
0x61: {  	s19 =	simm.s32 $0xA50;
	s20 =	simm.s32 $0x15680  }
0x62: {  	[tilespmem:s20], [sflag:$0x2] =	stream.indirect.gather [hbm4b:s6+s16], $0x20, s19, s16, $0xb8;
	[tilespmem:$0x19DA0] =	vst v63  }
0x63: {  	_ = 	snop  }
0x64: {  	[tilespmem:s23], [sflag:$0x2] =	stream.indirect.gather [hbm4b:s6+s16], $0x20, s22, s16, $0xb8;
	[tilespmem:$0x19DA0] =	vst v63  }
0x65: {  	_ = 	snop  }
0x66: {  	[tilespmem:s25], [sflag:$0x2] =	stream.indirect.gather [hbm4b:s6+s16], $0x20, s24, s16, $0xb8;
	[tilespmem:$0x19DA0] =	vst v63  }
0x67: {  	_ = 	snop  }
0x68: {  	[tilespmem:s28], [sflag:$0x2] =	stream.indirect.gather [hbm4b:s6+s16], $0x20, s26, s16, $0xb8;
	[tilespmem:$0x19DA0] =	vst v63  }
0x69: {  	_ = 	snop  }
0x6a: {  	[tilespmem:s30], [sflag:$0x2] =	stream.indirect.gather [hbm4b:s6+s16], $0x20, s29, s16, $0xb8;
	[tilespmem:$0x19DA0] =	vst v63  }
0x6b: {  	p0 =	seq.s32 s17, $0x1F;
	s18 =	sshll.u32 s17, $0x1  }
0x6c: {  	[tilespmem:s1], [sflag:$0x2] =	stream.indirect.gather [hbm4b:s6+s16], $0x20, s31, s16, $0xb8;
	[tilespmem:$0x19DA0] =	vst v63  }
0x6d: {  	s19 =	sadd.s32 @!p0 s18, s10  }
0x6e: {  	[tilespmem:s2], [sflag:$0x2] =	stream.indirect.gather [hbm4b:s6+s16], $0x20, s0, s16, $0xb8;
	[tilespmem:$0x19DA0] =	vst v63  }
0x6f: {  	s19 =	smul.u32 @!p0 $0xC8, s19;
	_ =	swait.ge [sflag:s11], $0xC800  }
0x70: {  	s21 =	simm.s32 $0x0;
	[sflag:s11] =	ssyncset.done $0x0  }
0x71: {  	s20 =	simm.s32 @!p0 $0x0;
	s19 =	sadd.s32 @!p0 s5, s19;
	[sflag:s11] =	ssyncadd.s32 $0xFFFF3800  }
0x72: {  	[tilespmem:s20], [sflag:$0x3] =	stream.linear.gather @!p0 [hbm4b:s19+s20], $0x640, $0x38;
	[tilespmem:$0x19DA0] =	vst v63  }
0x73: {  	v2 =	vld [tilespmem:s21+$0xD70]  }
0x74: {  	v3 =	vld [tilespmem:s21+$0xC80]  }
0x75: {  	v5 =	vld [tilespmem:s21+$0xC90]  }
0x76: {  	v6 =	vld [tilespmem:s21+$0xCA0]  }
0x77: {  	v7 =	vld [tilespmem:s21+$0xCB0]  }
0x78: {  	v8 =	vld [tilespmem:s21+$0xCC0]  }
0x79: {  	v9 =	vld [tilespmem:s21+$0xCD0]  }
0x7a: {  	v11 =	vld [tilespmem:s21+$0xCE0]  }
0x7b: {  	v12 =	vld [tilespmem:s21+$0xCF0]  }
0x7c: {  	v13 =	vimm.f32 $0.0e+00;
	v14 =	vld [tilespmem:s21+$0xD00]  }
0x7d: {  	v15 =	vld [tilespmem:s21+$0xD10];
	v4 =	vadd.f32 v2, v13;
	v10 =	vadd.f32 v3, v13  }
0x7e: {  	v18 =	vld [tilespmem:s21+$0xD20];
	v5 =	vadd.f32 v5, v13;
	v6 =	vadd.f32 v6, v13  }
0x7f: {  	v19 =	vld [tilespmem:s21+$0xD30];
	v2 =	vadd.f32 v7, v13;
	v7 =	vadd.f32 v8, v13  }
0x80: {  	v17 =	vimm.f32 $0.0e+00;
	v20 =	vld [tilespmem:s21+$0xD40];
	v3 =	vadd.f32 v9, v13;
	v8 =	vadd.f32 v11, v13  }
0x81: {  	v16 =	vimm.f32 $0.0e+00;
	v21 =	vld [tilespmem:s21+$0xD50];
	v9 =	vadd.f32 v12, v13;
	v11 =	vadd.f32 v14, v13  }
0x82: {  	s19 =	simm.s32 $0x100;
	s20 =	simm.s32 $0x800;
	v22 =	vld [tilespmem:s21+$0xD60];
	v12 =	vadd.f32 v15, v13;
	v14 =	vimm.f32 $0.0e+00;
	v15 =	vimm.f32 $0.0e+00  }
.LBB2_3:
0x83: {  	p1 =	sne.s32 s20, $0x6000;
	v23 =	vld [tilespmem:s19+$0xD70];
	v13 =	vadd.f32 v18, v13  }
0x84: {  	v18 =	vld [tilespmem:s19+$0xC80];
	v14 =	vadd.f32 v19, v14  }
0x85: {  	v19 =	vld [tilespmem:s19+$0xC90];
	v17 =	vadd.f32 v20, v17  }
0x86: {  	v20 =	vld [tilespmem:s19+$0xCA0];
	v15 =	vadd.f32 v21, v15  }
0x87: {  	v21 =	vld [tilespmem:s19+$0xCB0];
	v16 =	vadd.f32 v22, v16  }
0x88: {  	v22 =	vld [tilespmem:s19+$0xCC0];
	v4 =	vadd.f32 v23, v4  }
0x89: {  	v10 =	vadd.f32 v18, v10;
	v18 =	vld [tilespmem:s19+$0xCD0]  }
0x8a: {  	v5 =	vadd.f32 v19, v5;
	v19 =	vld [tilespmem:s19+$0xCE0]  }
0x8b: {  	v6 =	vadd.f32 v20, v6;
	v20 =	vld [tilespmem:s19+$0xCF0]  }
0x8c: {  	v2 =	vadd.f32 v21, v2;
	v21 =	vld [tilespmem:s19+$0xD00]  }
0x8d: {  	v7 =	vadd.f32 v22, v7;
	v22 =	vld [tilespmem:s19+$0xD10]  }
.Ltmp0:
0x8e: {  	v3 =	vadd.f32 v18, v3;
	v18 =	vld [tilespmem:s19+$0xD20];
	(pc) =	sbr.rel @p1 .LBB2_3-.Ltmp0, $4  }
0x8f: {  	v8 =	vadd.f32 v19, v8;
	v19 =	vld [tilespmem:s19+$0xD30]  }
0x90: {  	v9 =	vadd.f32 v20, v9;
	v20 =	vld [tilespmem:s19+$0xD40]  }
0x91: {  	v11 =	vadd.f32 v21, v11;
	v21 =	vld [tilespmem:s19+$0xD50]  }
0x92: {  	v12 =	vadd.f32 v22, v12;
	v22 =	vld [tilespmem:s19+$0xD60];
	s19 =	sshra.s32 s20, $0x2;
	s20 =	sadd.s32 $0x400, s20  }
0x93: {  	v23 =	vld [tilespmem:s19+$0xD70]  }
0x94: {  	v24 =	vld [tilespmem:s19+$0xC80]  }
0x95: {  	v25 =	vld [tilespmem:s19+$0xC90]  }
0x96: {  	v26 =	vld [tilespmem:s19+$0xCA0]  }
0x97: {  	v27 =	vld [tilespmem:s19+$0xCB0]  }
0x98: {  	v28 =	vld [tilespmem:s19+$0xCC0]  }
0x99: {  	v29 =	vld [tilespmem:s19+$0xCD0]  }
0x9a: {  	v30 =	vld [tilespmem:s19+$0xCE0]  }
0x9b: {  	v31 =	vld [tilespmem:s19+$0xCF0];
	v13 =	vadd.f32 v18, v13  }
0x9c: {  	v32 =	vld [tilespmem:s19+$0xD00];
	v14 =	vadd.f32 v19, v14;
	v17 =	vadd.f32 v20, v17  }
0x9d: {  	v18 =	vld [tilespmem:s19+$0xD10];
	v15 =	vadd.f32 v21, v15;
	v16 =	vadd.f32 v22, v16  }
0x9e: {  	v19 =	vld [tilespmem:s19+$0xD20];
	v4 =	vadd.f32 v23, v4;
	v10 =	vadd.f32 v24, v10  }
0x9f: {  	v20 =	vld [tilespmem:s19+$0xD30];
	v5 =	vadd.f32 v25, v5;
	v6 =	vadd.f32 v26, v6  }
0xa0: {  	v21 =	vld [tilespmem:s19+$0xD40];
	v2 =	vadd.f32 v27, v2;
	v7 =	vadd.f32 v28, v7  }
0xa1: {  	v22 =	vld [tilespmem:s19+$0xD50];
	v3 =	vadd.f32 v29, v3;
	v8 =	vadd.f32 v30, v8  }
0xa2: {  	v23 =	vld [tilespmem:s19+$0xD60];
	v9 =	vadd.f32 v31, v9;
	v11 =	vadd.f32 v32, v11  }
0xa3: {  	v12 =	vadd.f32 v18, v12;
	v13 =	vadd.f32 v19, v13  }
0xa4: {  	v14 =	vadd.f32 v20, v14;
	v6 =	vadd.f32 v6, v10  }
0xa5: {  	v7 =	vadd.f32 v8, v7;
	v2 =	vadd.f32 v2, v5  }
0xa6: {  	v3 =	vadd.f32 v9, v3;
	v15 =	vadd.f32 v22, v15  }
0xa7: {  	v17 =	vadd.f32 v21, v17;
	v16 =	vadd.f32 v23, v16  }
0xa8: {  	v5 =	vadd.f32 v14, v12;
	v4 =	vadd.f32 v4, v15  }
0xa9: {  	v8 =	vadd.f32 v13, v11;
	v10 =	vadd.f32 v16, v17  }
0xaa: {  	v2 =	vadd.f32 v3, v2;
	v3 =	vadd.f32 v4, v5  }
0xab: {  	v6 =	vadd.f32 v7, v6;
	v7 =	vadd.f32 v10, v8  }
0xac: {  	v2 =	vadd.f32 v3, v2  }
0xad: {  	v4 =	vadd.f32 v7, v6  }
0xae: {  	v2 =	vadd.f32 v2, v1  }
0xaf: {  	v3 =	vadd.f32 v4, v0  }
0xb0: {  	[tilespmem:$0x19C90] =	vst v2  }
0xb1: {  	s21 =	simm.s32 $0x0;
	[tilespmem:$0x19C80] =	vst v3  }
0xb2: {  	v2 =	vld [tilespmem:s21+$0x2670]  }
0xb3: {  	v3 =	vld [tilespmem:s21+$0x2580]  }
0xb4: {  	v5 =	vld [tilespmem:s21+$0x2590]  }
0xb5: {  	v6 =	vld [tilespmem:s21+$0x25A0]  }
0xb6: {  	v7 =	vld [tilespmem:s21+$0x25B0]  }
0xb7: {  	v8 =	vld [tilespmem:s21+$0x25C0]  }
0xb8: {  	v9 =	vld [tilespmem:s21+$0x25D0]  }
0xb9: {  	v11 =	vld [tilespmem:s21+$0x25E0]  }
0xba: {  	v12 =	vld [tilespmem:s21+$0x25F0]  }
0xbb: {  	v13 =	vimm.f32 $0.0e+00;
	v14 =	vld [tilespmem:s21+$0x2600]  }
0xbc: {  	v15 =	vld [tilespmem:s21+$0x2610];
	v4 =	vadd.f32 v2, v13;
	v10 =	vadd.f32 v3, v13  }
0xbd: {  	v18 =	vld [tilespmem:s21+$0x2620];
	v5 =	vadd.f32 v5, v13;
	v6 =	vadd.f32 v6, v13  }
0xbe: {  	v19 =	vld [tilespmem:s21+$0x2630];
	v2 =	vadd.f32 v7, v13;
	v7 =	vadd.f32 v8, v13  }
0xbf: {  	v17 =	vimm.f32 $0.0e+00;
	v20 =	vld [tilespmem:s21+$0x2640];
	v3 =	vadd.f32 v9, v13;
	v8 =	vadd.f32 v11, v13  }
0xc0: {  	v16 =	vimm.f32 $0.0e+00;
	v21 =	vld [tilespmem:s21+$0x2650];
	v9 =	vadd.f32 v12, v13;
	v11 =	vadd.f32 v14, v13  }
0xc1: {  	s20 =	simm.s32 $0x800;
	s19 =	simm.s32 $0x100;
	v22 =	vld [tilespmem:s21+$0x2660];
	v12 =	vadd.f32 v15, v13;
	v14 =	vimm.f32 $0.0e+00;
	v15 =	vimm.f32 $0.0e+00  }
.LBB2_5:
0xc2: {  	p1 =	sne.s32 s20, $0x6000;
	v23 =	vld [tilespmem:s19+$0x2670];
	v13 =	vadd.f32 v18, v13  }
0xc3: {  	v18 =	vld [tilespmem:s19+$0x2580];
	v14 =	vadd.f32 v19, v14  }
0xc4: {  	v19 =	vld [tilespmem:s19+$0x2590];
	v17 =	vadd.f32 v20, v17  }
0xc5: {  	v20 =	vld [tilespmem:s19+$0x25A0];
	v15 =	vadd.f32 v21, v15  }
0xc6: {  	v21 =	vld [tilespmem:s19+$0x25B0];
	v16 =	vadd.f32 v22, v16  }
0xc7: {  	v22 =	vld [tilespmem:s19+$0x25C0];
	v4 =	vadd.f32 v23, v4  }
0xc8: {  	v10 =	vadd.f32 v18, v10;
	v18 =	vld [tilespmem:s19+$0x25D0]  }
0xc9: {  	v5 =	vadd.f32 v19, v5;
	v19 =	vld [tilespmem:s19+$0x25E0]  }
0xca: {  	v6 =	vadd.f32 v20, v6;
	v20 =	vld [tilespmem:s19+$0x25F0]  }
0xcb: {  	v2 =	vadd.f32 v21, v2;
	v21 =	vld [tilespmem:s19+$0x2600]  }
0xcc: {  	v7 =	vadd.f32 v22, v7;
	v22 =	vld [tilespmem:s19+$0x2610]  }
.Ltmp1:
0xcd: {  	v3 =	vadd.f32 v18, v3;
	v18 =	vld [tilespmem:s19+$0x2620];
	(pc) =	sbr.rel @p1 .LBB2_5-.Ltmp1, $4  }
0xce: {  	v8 =	vadd.f32 v19, v8;
	v19 =	vld [tilespmem:s19+$0x2630]  }
0xcf: {  	v9 =	vadd.f32 v20, v9;
	v20 =	vld [tilespmem:s19+$0x2640]  }
0xd0: {  	v11 =	vadd.f32 v21, v11;
	v21 =	vld [tilespmem:s19+$0x2650]  }
0xd1: {  	v12 =	vadd.f32 v22, v12;
	v22 =	vld [tilespmem:s19+$0x2660];
	s19 =	sshra.s32 s20, $0x2;
	s20 =	sadd.s32 $0x400, s20  }
0xd2: {  	v23 =	vld [tilespmem:s19+$0x2670]  }
0xd3: {  	v24 =	vld [tilespmem:s19+$0x2580]  }
0xd4: {  	v25 =	vld [tilespmem:s19+$0x2590]  }
0xd5: {  	v26 =	vld [tilespmem:s19+$0x25A0]  }
0xd6: {  	v27 =	vld [tilespmem:s19+$0x25B0]  }
0xd7: {  	v28 =	vld [tilespmem:s19+$0x25C0]  }
0xd8: {  	v29 =	vld [tilespmem:s19+$0x25D0]  }
0xd9: {  	v30 =	vld [tilespmem:s19+$0x25E0]  }
0xda: {  	v31 =	vld [tilespmem:s19+$0x25F0];
	v13 =	vadd.f32 v18, v13  }
0xdb: {  	v32 =	vld [tilespmem:s19+$0x2600];
	v14 =	vadd.f32 v19, v14;
	v17 =	vadd.f32 v20, v17  }
0xdc: {  	v18 =	vld [tilespmem:s19+$0x2610];
	v15 =	vadd.f32 v21, v15;
	v16 =	vadd.f32 v22, v16  }
0xdd: {  	v19 =	vld [tilespmem:s19+$0x2620];
	v4 =	vadd.f32 v23, v4;
	v10 =	vadd.f32 v24, v10  }
0xde: {  	v20 =	vld [tilespmem:s19+$0x2630];
	v5 =	vadd.f32 v25, v5;
	v6 =	vadd.f32 v26, v6  }
0xdf: {  	v21 =	vld [tilespmem:s19+$0x2640];
	v2 =	vadd.f32 v27, v2;
	v7 =	vadd.f32 v28, v7  }
0xe0: {  	v22 =	vld [tilespmem:s19+$0x2650];
	v3 =	vadd.f32 v29, v3;
	v8 =	vadd.f32 v30, v8  }
0xe1: {  	v23 =	vld [tilespmem:s19+$0x2660];
	v9 =	vadd.f32 v31, v9;
	v11 =	vadd.f32 v32, v11  }
0xe2: {  	v12 =	vadd.f32 v18, v12;
	v13 =	vadd.f32 v19, v13  }
0xe3: {  	v14 =	vadd.f32 v20, v14;
	v6 =	vadd.f32 v6, v10  }
0xe4: {  	v7 =	vadd.f32 v8, v7;
	v2 =	vadd.f32 v2, v5  }
0xe5: {  	v3 =	vadd.f32 v9, v3;
	v15 =	vadd.f32 v22, v15  }
0xe6: {  	v17 =	vadd.f32 v21, v17;
	v16 =	vadd.f32 v23, v16  }
0xe7: {  	v5 =	vadd.f32 v14, v12;
	v4 =	vadd.f32 v4, v15  }
0xe8: {  	v8 =	vadd.f32 v13, v11;
	v10 =	vadd.f32 v16, v17  }
0xe9: {  	v2 =	vadd.f32 v3, v2;
	v3 =	vadd.f32 v4, v5  }
0xea: {  	v6 =	vadd.f32 v7, v6;
	v7 =	vadd.f32 v10, v8  }
0xeb: {  	v2 =	vadd.f32 v3, v2  }
0xec: {  	v4 =	vadd.f32 v7, v6  }
0xed: {  	v2 =	vadd.f32 v2, v1  }
0xee: {  	v3 =	vadd.f32 v4, v0  }
0xef: {  	[tilespmem:$0x19CB0] =	vst v2  }
0xf0: {  	s21 =	simm.s32 $0x0;
	[tilespmem:$0x19CA0] =	vst v3  }
0xf1: {  	v2 =	vld [tilespmem:s21+$0x3F70]  }
0xf2: {  	v3 =	vld [tilespmem:s21+$0x3E80]  }
0xf3: {  	v5 =	vld [tilespmem:s21+$0x3E90]  }
0xf4: {  	v6 =	vld [tilespmem:s21+$0x3EA0]  }
0xf5: {  	v7 =	vld [tilespmem:s21+$0x3EB0]  }
0xf6: {  	v8 =	vld [tilespmem:s21+$0x3EC0]  }
0xf7: {  	v9 =	vld [tilespmem:s21+$0x3ED0]  }
0xf8: {  	v11 =	vld [tilespmem:s21+$0x3EE0]  }
0xf9: {  	v12 =	vld [tilespmem:s21+$0x3EF0]  }
0xfa: {  	v13 =	vimm.f32 $0.0e+00;
	v14 =	vld [tilespmem:s21+$0x3F00]  }
0xfb: {  	v15 =	vld [tilespmem:s21+$0x3F10];
	v4 =	vadd.f32 v2, v13;
	v10 =	vadd.f32 v3, v13  }
0xfc: {  	v18 =	vld [tilespmem:s21+$0x3F20];
	v5 =	vadd.f32 v5, v13;
	v6 =	vadd.f32 v6, v13  }
0xfd: {  	v19 =	vld [tilespmem:s21+$0x3F30];
	v2 =	vadd.f32 v7, v13;
	v7 =	vadd.f32 v8, v13  }
0xfe: {  	v17 =	vimm.f32 $0.0e+00;
	v20 =	vld [tilespmem:s21+$0x3F40];
	v3 =	vadd.f32 v9, v13;
	v8 =	vadd.f32 v11, v13  }
0xff: {  	v16 =	vimm.f32 $0.0e+00;
	v21 =	vld [tilespmem:s21+$0x3F50];
	v9 =	vadd.f32 v12, v13;
	v11 =	vadd.f32 v14, v13  }
0x100: {  	s20 =	simm.s32 $0x800;
	s19 =	simm.s32 $0x100;
	v22 =	vld [tilespmem:s21+$0x3F60];
	v12 =	vadd.f32 v15, v13;
	v14 =	vimm.f32 $0.0e+00;
	v15 =	vimm.f32 $0.0e+00  }
.LBB2_7:
0x101: {  	p1 =	sne.s32 s20, $0x6000;
	v23 =	vld [tilespmem:s19+$0x3F70];
	v13 =	vadd.f32 v18, v13  }
0x102: {  	v18 =	vld [tilespmem:s19+$0x3E80];
	v14 =	vadd.f32 v19, v14  }
0x103: {  	v19 =	vld [tilespmem:s19+$0x3E90];
	v17 =	vadd.f32 v20, v17  }
0x104: {  	v20 =	vld [tilespmem:s19+$0x3EA0];
	v15 =	vadd.f32 v21, v15  }
0x105: {  	v21 =	vld [tilespmem:s19+$0x3EB0];
	v16 =	vadd.f32 v22, v16  }
0x106: {  	v22 =	vld [tilespmem:s19+$0x3EC0];
	v4 =	vadd.f32 v23, v4  }
0x107: {  	v10 =	vadd.f32 v18, v10;
	v18 =	vld [tilespmem:s19+$0x3ED0]  }
0x108: {  	v5 =	vadd.f32 v19, v5;
	v19 =	vld [tilespmem:s19+$0x3EE0]  }
0x109: {  	v6 =	vadd.f32 v20, v6;
	v20 =	vld [tilespmem:s19+$0x3EF0]  }
0x10a: {  	v2 =	vadd.f32 v21, v2;
	v21 =	vld [tilespmem:s19+$0x3F00]  }
0x10b: {  	v7 =	vadd.f32 v22, v7;
	v22 =	vld [tilespmem:s19+$0x3F10]  }
.Ltmp2:
0x10c: {  	v3 =	vadd.f32 v18, v3;
	v18 =	vld [tilespmem:s19+$0x3F20];
	(pc) =	sbr.rel @p1 .LBB2_7-.Ltmp2, $4  }
0x10d: {  	v8 =	vadd.f32 v19, v8;
	v19 =	vld [tilespmem:s19+$0x3F30]  }
0x10e: {  	v9 =	vadd.f32 v20, v9;
	v20 =	vld [tilespmem:s19+$0x3F40]  }
0x10f: {  	v11 =	vadd.f32 v21, v11;
	v21 =	vld [tilespmem:s19+$0x3F50]  }
0x110: {  	v12 =	vadd.f32 v22, v12;
	v22 =	vld [tilespmem:s19+$0x3F60];
	s19 =	sshra.s32 s20, $0x2;
	s20 =	sadd.s32 $0x400, s20  }
0x111: {  	v23 =	vld [tilespmem:s19+$0x3F70]  }
0x112: {  	v24 =	vld [tilespmem:s19+$0x3E80]  }
0x113: {  	v25 =	vld [tilespmem:s19+$0x3E90]  }
0x114: {  	v26 =	vld [tilespmem:s19+$0x3EA0]  }
0x115: {  	v27 =	vld [tilespmem:s19+$0x3EB0]  }
0x116: {  	v28 =	vld [tilespmem:s19+$0x3EC0]  }
0x117: {  	v29 =	vld [tilespmem:s19+$0x3ED0]  }
0x118: {  	v30 =	vld [tilespmem:s19+$0x3EE0]  }
0x119: {  	v31 =	vld [tilespmem:s19+$0x3EF0];
	v13 =	vadd.f32 v18, v13  }
0x11a: {  	v32 =	vld [tilespmem:s19+$0x3F00];
	v14 =	vadd.f32 v19, v14;
	v17 =	vadd.f32 v20, v17  }
0x11b: {  	v18 =	vld [tilespmem:s19+$0x3F10];
	v15 =	vadd.f32 v21, v15;
	v16 =	vadd.f32 v22, v16  }
0x11c: {  	v19 =	vld [tilespmem:s19+$0x3F20];
	v4 =	vadd.f32 v23, v4;
	v10 =	vadd.f32 v24, v10  }
0x11d: {  	v20 =	vld [tilespmem:s19+$0x3F30];
	v5 =	vadd.f32 v25, v5;
	v6 =	vadd.f32 v26, v6  }
0x11e: {  	v21 =	vld [tilespmem:s19+$0x3F40];
	v2 =	vadd.f32 v27, v2;
	v7 =	vadd.f32 v28, v7  }
0x11f: {  	v22 =	vld [tilespmem:s19+$0x3F50];
	v3 =	vadd.f32 v29, v3;
	v8 =	vadd.f32 v30, v8  }
0x120: {  	v23 =	vld [tilespmem:s19+$0x3F60];
	v9 =	vadd.f32 v31, v9;
	v11 =	vadd.f32 v32, v11  }
0x121: {  	v12 =	vadd.f32 v18, v12;
	v13 =	vadd.f32 v19, v13  }
0x122: {  	v14 =	vadd.f32 v20, v14;
	v6 =	vadd.f32 v6, v10  }
0x123: {  	v7 =	vadd.f32 v8, v7;
	v2 =	vadd.f32 v2, v5  }
0x124: {  	v3 =	vadd.f32 v9, v3;
	v15 =	vadd.f32 v22, v15  }
0x125: {  	v17 =	vadd.f32 v21, v17;
	v16 =	vadd.f32 v23, v16  }
0x126: {  	v5 =	vadd.f32 v14, v12;
	v4 =	vadd.f32 v4, v15  }
0x127: {  	v8 =	vadd.f32 v13, v11;
	v10 =	vadd.f32 v16, v17  }
0x128: {  	v2 =	vadd.f32 v3, v2;
	v3 =	vadd.f32 v4, v5  }
0x129: {  	v6 =	vadd.f32 v7, v6;
	v7 =	vadd.f32 v10, v8  }
0x12a: {  	v2 =	vadd.f32 v3, v2  }
0x12b: {  	v4 =	vadd.f32 v7, v6  }
0x12c: {  	v2 =	vadd.f32 v2, v1  }
0x12d: {  	v3 =	vadd.f32 v4, v0  }
0x12e: {  	[tilespmem:$0x19CD0] =	vst v2  }
0x12f: {  	s21 =	simm.s32 $0x0;
	[tilespmem:$0x19CC0] =	vst v3  }
0x130: {  	v2 =	vld [tilespmem:s21+$0x5870]  }
0x131: {  	v3 =	vld [tilespmem:s21+$0x5780]  }
0x132: {  	v5 =	vld [tilespmem:s21+$0x5790]  }
0x133: {  	v6 =	vld [tilespmem:s21+$0x57A0]  }
0x134: {  	v7 =	vld [tilespmem:s21+$0x57B0]  }
0x135: {  	v8 =	vld [tilespmem:s21+$0x57C0]  }
0x136: {  	v9 =	vld [tilespmem:s21+$0x57D0]  }
0x137: {  	v11 =	vld [tilespmem:s21+$0x57E0]  }
0x138: {  	v12 =	vld [tilespmem:s21+$0x57F0]  }
0x139: {  	v13 =	vimm.f32 $0.0e+00;
	v14 =	vld [tilespmem:s21+$0x5800]  }
0x13a: {  	v15 =	vld [tilespmem:s21+$0x5810];
	v4 =	vadd.f32 v2, v13;
	v10 =	vadd.f32 v3, v13  }
0x13b: {  	v18 =	vld [tilespmem:s21+$0x5820];
	v5 =	vadd.f32 v5, v13;
	v6 =	vadd.f32 v6, v13  }
0x13c: {  	v19 =	vld [tilespmem:s21+$0x5830];
	v2 =	vadd.f32 v7, v13;
	v7 =	vadd.f32 v8, v13  }
0x13d: {  	v17 =	vimm.f32 $0.0e+00;
	v20 =	vld [tilespmem:s21+$0x5840];
	v3 =	vadd.f32 v9, v13;
	v8 =	vadd.f32 v11, v13  }
0x13e: {  	v16 =	vimm.f32 $0.0e+00;
	v21 =	vld [tilespmem:s21+$0x5850];
	v9 =	vadd.f32 v12, v13;
	v11 =	vadd.f32 v14, v13  }
0x13f: {  	s20 =	simm.s32 $0x800;
	s19 =	simm.s32 $0x100;
	v22 =	vld [tilespmem:s21+$0x5860];
	v12 =	vadd.f32 v15, v13;
	v14 =	vimm.f32 $0.0e+00;
	v15 =	vimm.f32 $0.0e+00  }
.LBB2_9:
0x140: {  	p1 =	sne.s32 s20, $0x6000;
	v23 =	vld [tilespmem:s19+$0x5870];
	v13 =	vadd.f32 v18, v13  }
0x141: {  	v18 =	vld [tilespmem:s19+$0x5780];
	v14 =	vadd.f32 v19, v14  }
0x142: {  	v19 =	vld [tilespmem:s19+$0x5790];
	v17 =	vadd.f32 v20, v17  }
0x143: {  	v20 =	vld [tilespmem:s19+$0x57A0];
	v15 =	vadd.f32 v21, v15  }
0x144: {  	v21 =	vld [tilespmem:s19+$0x57B0];
	v16 =	vadd.f32 v22, v16  }
0x145: {  	v22 =	vld [tilespmem:s19+$0x57C0];
	v4 =	vadd.f32 v23, v4  }
0x146: {  	v10 =	vadd.f32 v18, v10;
	v18 =	vld [tilespmem:s19+$0x57D0]  }
0x147: {  	v5 =	vadd.f32 v19, v5;
	v19 =	vld [tilespmem:s19+$0x57E0]  }
0x148: {  	v6 =	vadd.f32 v20, v6;
	v20 =	vld [tilespmem:s19+$0x57F0]  }
0x149: {  	v2 =	vadd.f32 v21, v2;
	v21 =	vld [tilespmem:s19+$0x5800]  }
0x14a: {  	v7 =	vadd.f32 v22, v7;
	v22 =	vld [tilespmem:s19+$0x5810]  }
.Ltmp3:
0x14b: {  	v3 =	vadd.f32 v18, v3;
	v18 =	vld [tilespmem:s19+$0x5820];
	(pc) =	sbr.rel @p1 .LBB2_9-.Ltmp3, $4  }
0x14c: {  	v8 =	vadd.f32 v19, v8;
	v19 =	vld [tilespmem:s19+$0x5830]  }
0x14d: {  	v9 =	vadd.f32 v20, v9;
	v20 =	vld [tilespmem:s19+$0x5840]  }
0x14e: {  	v11 =	vadd.f32 v21, v11;
	v21 =	vld [tilespmem:s19+$0x5850]  }
0x14f: {  	v12 =	vadd.f32 v22, v12;
	v22 =	vld [tilespmem:s19+$0x5860];
	s19 =	sshra.s32 s20, $0x2;
	s20 =	sadd.s32 $0x400, s20  }
0x150: {  	v23 =	vld [tilespmem:s19+$0x5870]  }
0x151: {  	v24 =	vld [tilespmem:s19+$0x5780]  }
0x152: {  	v25 =	vld [tilespmem:s19+$0x5790]  }
0x153: {  	v26 =	vld [tilespmem:s19+$0x57A0]  }
0x154: {  	v27 =	vld [tilespmem:s19+$0x57B0]  }
0x155: {  	v28 =	vld [tilespmem:s19+$0x57C0]  }
0x156: {  	v29 =	vld [tilespmem:s19+$0x57D0]  }
0x157: {  	v30 =	vld [tilespmem:s19+$0x57E0]  }
0x158: {  	v31 =	vld [tilespmem:s19+$0x57F0];
	v13 =	vadd.f32 v18, v13  }
0x159: {  	v32 =	vld [tilespmem:s19+$0x5800];
	v14 =	vadd.f32 v19, v14;
	v17 =	vadd.f32 v20, v17  }
0x15a: {  	v18 =	vld [tilespmem:s19+$0x5810];
	v15 =	vadd.f32 v21, v15;
	v16 =	vadd.f32 v22, v16  }
0x15b: {  	v19 =	vld [tilespmem:s19+$0x5820];
	v4 =	vadd.f32 v23, v4;
	v10 =	vadd.f32 v24, v10  }
0x15c: {  	v20 =	vld [tilespmem:s19+$0x5830];
	v5 =	vadd.f32 v25, v5;
	v6 =	vadd.f32 v26, v6  }
0x15d: {  	v21 =	vld [tilespmem:s19+$0x5840];
	v2 =	vadd.f32 v27, v2;
	v7 =	vadd.f32 v28, v7  }
0x15e: {  	v22 =	vld [tilespmem:s19+$0x5850];
	v3 =	vadd.f32 v29, v3;
	v8 =	vadd.f32 v30, v8  }
0x15f: {  	v23 =	vld [tilespmem:s19+$0x5860];
	v9 =	vadd.f32 v31, v9;
	v11 =	vadd.f32 v32, v11  }
0x160: {  	v12 =	vadd.f32 v18, v12;
	v13 =	vadd.f32 v19, v13  }
0x161: {  	v14 =	vadd.f32 v20, v14;
	v6 =	vadd.f32 v6, v10  }
0x162: {  	v7 =	vadd.f32 v8, v7;
	v2 =	vadd.f32 v2, v5  }
0x163: {  	v3 =	vadd.f32 v9, v3;
	v15 =	vadd.f32 v22, v15  }
0x164: {  	v17 =	vadd.f32 v21, v17;
	v16 =	vadd.f32 v23, v16  }
0x165: {  	v5 =	vadd.f32 v14, v12;
	v4 =	vadd.f32 v4, v15  }
0x166: {  	v8 =	vadd.f32 v13, v11;
	v10 =	vadd.f32 v16, v17  }
0x167: {  	v2 =	vadd.f32 v3, v2;
	v3 =	vadd.f32 v4, v5  }
0x168: {  	v6 =	vadd.f32 v7, v6;
	v7 =	vadd.f32 v10, v8  }
0x169: {  	v2 =	vadd.f32 v3, v2  }
0x16a: {  	v4 =	vadd.f32 v7, v6  }
0x16b: {  	v2 =	vadd.f32 v2, v1  }
0x16c: {  	v3 =	vadd.f32 v4, v0  }
0x16d: {  	[tilespmem:$0x19CF0] =	vst v2  }
0x16e: {  	s21 =	simm.s32 $0x0;
	[tilespmem:$0x19CE0] =	vst v3  }
0x16f: {  	v2 =	vld [tilespmem:s21+$0x7170]  }
0x170: {  	v3 =	vld [tilespmem:s21+$0x7080]  }
0x171: {  	v5 =	vld [tilespmem:s21+$0x7090]  }
0x172: {  	v6 =	vld [tilespmem:s21+$0x70A0]  }
0x173: {  	v7 =	vld [tilespmem:s21+$0x70B0]  }
0x174: {  	v8 =	vld [tilespmem:s21+$0x70C0]  }
0x175: {  	v9 =	vld [tilespmem:s21+$0x70D0]  }
0x176: {  	v11 =	vld [tilespmem:s21+$0x70E0]  }
0x177: {  	v12 =	vld [tilespmem:s21+$0x70F0]  }
0x178: {  	v13 =	vimm.f32 $0.0e+00;
	v14 =	vld [tilespmem:s21+$0x7100]  }
0x179: {  	v15 =	vld [tilespmem:s21+$0x7110];
	v4 =	vadd.f32 v2, v13;
	v10 =	vadd.f32 v3, v13  }
0x17a: {  	v18 =	vld [tilespmem:s21+$0x7120];
	v5 =	vadd.f32 v5, v13;
	v6 =	vadd.f32 v6, v13  }
0x17b: {  	v19 =	vld [tilespmem:s21+$0x7130];
	v2 =	vadd.f32 v7, v13;
	v7 =	vadd.f32 v8, v13  }
0x17c: {  	v17 =	vimm.f32 $0.0e+00;
	v20 =	vld [tilespmem:s21+$0x7140];
	v3 =	vadd.f32 v9, v13;
	v8 =	vadd.f32 v11, v13  }
0x17d: {  	v16 =	vimm.f32 $0.0e+00;
	v21 =	vld [tilespmem:s21+$0x7150];
	v9 =	vadd.f32 v12, v13;
	v11 =	vadd.f32 v14, v13  }
0x17e: {  	s20 =	simm.s32 $0x800;
	s19 =	simm.s32 $0x100;
	v22 =	vld [tilespmem:s21+$0x7160];
	v12 =	vadd.f32 v15, v13;
	v14 =	vimm.f32 $0.0e+00;
	v15 =	vimm.f32 $0.0e+00  }
.LBB2_11:
0x17f: {  	p1 =	sne.s32 s20, $0x6000;
	v23 =	vld [tilespmem:s19+$0x7170];
	v13 =	vadd.f32 v18, v13  }
0x180: {  	v18 =	vld [tilespmem:s19+$0x7080];
	v14 =	vadd.f32 v19, v14  }
0x181: {  	v19 =	vld [tilespmem:s19+$0x7090];
	v17 =	vadd.f32 v20, v17  }
0x182: {  	v20 =	vld [tilespmem:s19+$0x70A0];
	v15 =	vadd.f32 v21, v15  }
0x183: {  	v21 =	vld [tilespmem:s19+$0x70B0];
	v16 =	vadd.f32 v22, v16  }
0x184: {  	v22 =	vld [tilespmem:s19+$0x70C0];
	v4 =	vadd.f32 v23, v4  }
0x185: {  	v10 =	vadd.f32 v18, v10;
	v18 =	vld [tilespmem:s19+$0x70D0]  }
0x186: {  	v5 =	vadd.f32 v19, v5;
	v19 =	vld [tilespmem:s19+$0x70E0]  }
0x187: {  	v6 =	vadd.f32 v20, v6;
	v20 =	vld [tilespmem:s19+$0x70F0]  }
0x188: {  	v2 =	vadd.f32 v21, v2;
	v21 =	vld [tilespmem:s19+$0x7100]  }
0x189: {  	v7 =	vadd.f32 v22, v7;
	v22 =	vld [tilespmem:s19+$0x7110]  }
.Ltmp4:
0x18a: {  	v3 =	vadd.f32 v18, v3;
	v18 =	vld [tilespmem:s19+$0x7120];
	(pc) =	sbr.rel @p1 .LBB2_11-.Ltmp4, $4  }
0x18b: {  	v8 =	vadd.f32 v19, v8;
	v19 =	vld [tilespmem:s19+$0x7130]  }
0x18c: {  	v9 =	vadd.f32 v20, v9;
	v20 =	vld [tilespmem:s19+$0x7140]  }
0x18d: {  	v11 =	vadd.f32 v21, v11;
	v21 =	vld [tilespmem:s19+$0x7150]  }
0x18e: {  	v12 =	vadd.f32 v22, v12;
	v22 =	vld [tilespmem:s19+$0x7160];
	s19 =	sshra.s32 s20, $0x2;
	s20 =	sadd.s32 $0x400, s20  }
0x18f: {  	v23 =	vld [tilespmem:s19+$0x7170]  }
0x190: {  	v24 =	vld [tilespmem:s19+$0x7080]  }
0x191: {  	v25 =	vld [tilespmem:s19+$0x7090]  }
0x192: {  	v26 =	vld [tilespmem:s19+$0x70A0]  }
0x193: {  	v27 =	vld [tilespmem:s19+$0x70B0]  }
0x194: {  	v28 =	vld [tilespmem:s19+$0x70C0]  }
0x195: {  	v29 =	vld [tilespmem:s19+$0x70D0]  }
0x196: {  	v30 =	vld [tilespmem:s19+$0x70E0]  }
0x197: {  	v31 =	vld [tilespmem:s19+$0x70F0];
	v13 =	vadd.f32 v18, v13  }
0x198: {  	v32 =	vld [tilespmem:s19+$0x7100];
	v14 =	vadd.f32 v19, v14;
	v17 =	vadd.f32 v20, v17  }
0x199: {  	v18 =	vld [tilespmem:s19+$0x7110];
	v15 =	vadd.f32 v21, v15;
	v16 =	vadd.f32 v22, v16  }
0x19a: {  	v19 =	vld [tilespmem:s19+$0x7120];
	v4 =	vadd.f32 v23, v4;
	v10 =	vadd.f32 v24, v10  }
0x19b: {  	v20 =	vld [tilespmem:s19+$0x7130];
	v5 =	vadd.f32 v25, v5;
	v6 =	vadd.f32 v26, v6  }
0x19c: {  	v21 =	vld [tilespmem:s19+$0x7140];
	v2 =	vadd.f32 v27, v2;
	v7 =	vadd.f32 v28, v7  }
0x19d: {  	v22 =	vld [tilespmem:s19+$0x7150];
	v3 =	vadd.f32 v29, v3;
	v8 =	vadd.f32 v30, v8  }
0x19e: {  	v23 =	vld [tilespmem:s19+$0x7160];
	v9 =	vadd.f32 v31, v9;
	v11 =	vadd.f32 v32, v11  }
0x19f: {  	v12 =	vadd.f32 v18, v12;
	v13 =	vadd.f32 v19, v13  }
0x1a0: {  	v14 =	vadd.f32 v20, v14;
	v6 =	vadd.f32 v6, v10  }
0x1a1: {  	v7 =	vadd.f32 v8, v7;
	v2 =	vadd.f32 v2, v5  }
0x1a2: {  	v3 =	vadd.f32 v9, v3;
	v15 =	vadd.f32 v22, v15  }
0x1a3: {  	v17 =	vadd.f32 v21, v17;
	v16 =	vadd.f32 v23, v16  }
0x1a4: {  	v5 =	vadd.f32 v14, v12;
	v4 =	vadd.f32 v4, v15  }
0x1a5: {  	v8 =	vadd.f32 v13, v11;
	v10 =	vadd.f32 v16, v17  }
0x1a6: {  	v2 =	vadd.f32 v3, v2;
	v3 =	vadd.f32 v4, v5  }
0x1a7: {  	v6 =	vadd.f32 v7, v6;
	v7 =	vadd.f32 v10, v8  }
0x1a8: {  	v2 =	vadd.f32 v3, v2  }
0x1a9: {  	v4 =	vadd.f32 v7, v6  }
0x1aa: {  	v2 =	vadd.f32 v2, v1  }
0x1ab: {  	v3 =	vadd.f32 v4, v0  }
0x1ac: {  	[tilespmem:$0x19D10] =	vst v2  }
0x1ad: {  	s21 =	simm.s32 $0x0;
	[tilespmem:$0x19D00] =	vst v3  }
0x1ae: {  	v2 =	vld [tilespmem:s21+$0x8A70]  }
0x1af: {  	v3 =	vld [tilespmem:s21+$0x8980]  }
0x1b0: {  	v5 =	vld [tilespmem:s21+$0x8990]  }
0x1b1: {  	v6 =	vld [tilespmem:s21+$0x89A0]  }
0x1b2: {  	v7 =	vld [tilespmem:s21+$0x89B0]  }
0x1b3: {  	v8 =	vld [tilespmem:s21+$0x89C0]  }
0x1b4: {  	v9 =	vld [tilespmem:s21+$0x89D0]  }
0x1b5: {  	v11 =	vld [tilespmem:s21+$0x89E0]  }
0x1b6: {  	v12 =	vld [tilespmem:s21+$0x89F0]  }
0x1b7: {  	v13 =	vimm.f32 $0.0e+00;
	v14 =	vld [tilespmem:s21+$0x8A00]  }
0x1b8: {  	v15 =	vld [tilespmem:s21+$0x8A10];
	v4 =	vadd.f32 v2, v13;
	v10 =	vadd.f32 v3, v13  }
0x1b9: {  	v18 =	vld [tilespmem:s21+$0x8A20];
	v5 =	vadd.f32 v5, v13;
	v6 =	vadd.f32 v6, v13  }
0x1ba: {  	v19 =	vld [tilespmem:s21+$0x8A30];
	v2 =	vadd.f32 v7, v13;
	v7 =	vadd.f32 v8, v13  }
0x1bb: {  	v17 =	vimm.f32 $0.0e+00;
	v20 =	vld [tilespmem:s21+$0x8A40];
	v3 =	vadd.f32 v9, v13;
	v8 =	vadd.f32 v11, v13  }
0x1bc: {  	v16 =	vimm.f32 $0.0e+00;
	v21 =	vld [tilespmem:s21+$0x8A50];
	v9 =	vadd.f32 v12, v13;
	v11 =	vadd.f32 v14, v13  }
0x1bd: {  	s20 =	simm.s32 $0x800;
	s19 =	simm.s32 $0x100;
	v22 =	vld [tilespmem:s21+$0x8A60];
	v12 =	vadd.f32 v15, v13;
	v14 =	vimm.f32 $0.0e+00;
	v15 =	vimm.f32 $0.0e+00  }
.LBB2_13:
0x1be: {  	p1 =	sne.s32 s20, $0x6000;
	v23 =	vld [tilespmem:s19+$0x8A70];
	v13 =	vadd.f32 v18, v13  }
0x1bf: {  	v18 =	vld [tilespmem:s19+$0x8980];
	v14 =	vadd.f32 v19, v14  }
0x1c0: {  	v19 =	vld [tilespmem:s19+$0x8990];
	v17 =	vadd.f32 v20, v17  }
0x1c1: {  	v20 =	vld [tilespmem:s19+$0x89A0];
	v15 =	vadd.f32 v21, v15  }
0x1c2: {  	v21 =	vld [tilespmem:s19+$0x89B0];
	v16 =	vadd.f32 v22, v16  }
0x1c3: {  	v22 =	vld [tilespmem:s19+$0x89C0];
	v4 =	vadd.f32 v23, v4  }
0x1c4: {  	v10 =	vadd.f32 v18, v10;
	v18 =	vld [tilespmem:s19+$0x89D0]  }
0x1c5: {  	v5 =	vadd.f32 v19, v5;
	v19 =	vld [tilespmem:s19+$0x89E0]  }
0x1c6: {  	v6 =	vadd.f32 v20, v6;
	v20 =	vld [tilespmem:s19+$0x89F0]  }
0x1c7: {  	v2 =	vadd.f32 v21, v2;
	v21 =	vld [tilespmem:s19+$0x8A00]  }
0x1c8: {  	v7 =	vadd.f32 v22, v7;
	v22 =	vld [tilespmem:s19+$0x8A10]  }
.Ltmp5:
0x1c9: {  	v3 =	vadd.f32 v18, v3;
	v18 =	vld [tilespmem:s19+$0x8A20];
	(pc) =	sbr.rel @p1 .LBB2_13-.Ltmp5, $4  }
0x1ca: {  	v8 =	vadd.f32 v19, v8;
	v19 =	vld [tilespmem:s19+$0x8A30]  }
0x1cb: {  	v9 =	vadd.f32 v20, v9;
	v20 =	vld [tilespmem:s19+$0x8A40]  }
0x1cc: {  	v11 =	vadd.f32 v21, v11;
	v21 =	vld [tilespmem:s19+$0x8A50]  }
0x1cd: {  	v12 =	vadd.f32 v22, v12;
	v22 =	vld [tilespmem:s19+$0x8A60];
	s19 =	sshra.s32 s20, $0x2;
	s20 =	sadd.s32 $0x400, s20  }
0x1ce: {  	v23 =	vld [tilespmem:s19+$0x8A70]  }
0x1cf: {  	v24 =	vld [tilespmem:s19+$0x8980]  }
0x1d0: {  	v25 =	vld [tilespmem:s19+$0x8990]  }
0x1d1: {  	v26 =	vld [tilespmem:s19+$0x89A0]  }
0x1d2: {  	v27 =	vld [tilespmem:s19+$0x89B0]  }
0x1d3: {  	v28 =	vld [tilespmem:s19+$0x89C0]  }
0x1d4: {  	v29 =	vld [tilespmem:s19+$0x89D0]  }
0x1d5: {  	v30 =	vld [tilespmem:s19+$0x89E0]  }
0x1d6: {  	v31 =	vld [tilespmem:s19+$0x89F0];
	v13 =	vadd.f32 v18, v13  }
0x1d7: {  	v32 =	vld [tilespmem:s19+$0x8A00];
	v14 =	vadd.f32 v19, v14;
	v17 =	vadd.f32 v20, v17  }
0x1d8: {  	v18 =	vld [tilespmem:s19+$0x8A10];
	v15 =	vadd.f32 v21, v15;
	v16 =	vadd.f32 v22, v16  }
0x1d9: {  	v19 =	vld [tilespmem:s19+$0x8A20];
	v4 =	vadd.f32 v23, v4;
	v10 =	vadd.f32 v24, v10  }
0x1da: {  	v20 =	vld [tilespmem:s19+$0x8A30];
	v5 =	vadd.f32 v25, v5;
	v6 =	vadd.f32 v26, v6  }
0x1db: {  	v21 =	vld [tilespmem:s19+$0x8A40];
	v2 =	vadd.f32 v27, v2;
	v7 =	vadd.f32 v28, v7  }
0x1dc: {  	v22 =	vld [tilespmem:s19+$0x8A50];
	v3 =	vadd.f32 v29, v3;
	v8 =	vadd.f32 v30, v8  }
0x1dd: {  	v23 =	vld [tilespmem:s19+$0x8A60];
	v9 =	vadd.f32 v31, v9;
	v11 =	vadd.f32 v32, v11  }
0x1de: {  	v12 =	vadd.f32 v18, v12;
	v13 =	vadd.f32 v19, v13  }
0x1df: {  	v14 =	vadd.f32 v20, v14;
	v6 =	vadd.f32 v6, v10  }
0x1e0: {  	v7 =	vadd.f32 v8, v7;
	v2 =	vadd.f32 v2, v5  }
0x1e1: {  	v3 =	vadd.f32 v9, v3;
	v15 =	vadd.f32 v22, v15  }
0x1e2: {  	v17 =	vadd.f32 v21, v17;
	v16 =	vadd.f32 v23, v16  }
0x1e3: {  	v5 =	vadd.f32 v14, v12;
	v4 =	vadd.f32 v4, v15  }
0x1e4: {  	v8 =	vadd.f32 v13, v11;
	v10 =	vadd.f32 v16, v17  }
0x1e5: {  	v2 =	vadd.f32 v3, v2;
	v3 =	vadd.f32 v4, v5  }
0x1e6: {  	v6 =	vadd.f32 v7, v6;
	v7 =	vadd.f32 v10, v8  }
0x1e7: {  	v2 =	vadd.f32 v3, v2  }
0x1e8: {  	v4 =	vadd.f32 v7, v6  }
0x1e9: {  	v2 =	vadd.f32 v2, v1  }
0x1ea: {  	v3 =	vadd.f32 v4, v0  }
0x1eb: {  	[tilespmem:$0x19D30] =	vst v2  }
0x1ec: {  	s21 =	simm.s32 $0x0;
	[tilespmem:$0x19D20] =	vst v3  }
0x1ed: {  	v2 =	vld [tilespmem:s21+$0xA370]  }
0x1ee: {  	v3 =	vld [tilespmem:s21+$0xA280]  }
0x1ef: {  	v5 =	vld [tilespmem:s21+$0xA290]  }
0x1f0: {  	v6 =	vld [tilespmem:s21+$0xA2A0]  }
0x1f1: {  	v7 =	vld [tilespmem:s21+$0xA2B0]  }
0x1f2: {  	v8 =	vld [tilespmem:s21+$0xA2C0]  }
0x1f3: {  	v9 =	vld [tilespmem:s21+$0xA2D0]  }
0x1f4: {  	v11 =	vld [tilespmem:s21+$0xA2E0]  }
0x1f5: {  	v12 =	vld [tilespmem:s21+$0xA2F0]  }
0x1f6: {  	v13 =	vimm.f32 $0.0e+00;
	v14 =	vld [tilespmem:s21+$0xA300]  }
0x1f7: {  	v15 =	vld [tilespmem:s21+$0xA310];
	v4 =	vadd.f32 v2, v13;
	v10 =	vadd.f32 v3, v13  }
0x1f8: {  	v18 =	vld [tilespmem:s21+$0xA320];
	v5 =	vadd.f32 v5, v13;
	v6 =	vadd.f32 v6, v13  }
0x1f9: {  	v19 =	vld [tilespmem:s21+$0xA330];
	v2 =	vadd.f32 v7, v13;
	v7 =	vadd.f32 v8, v13  }
0x1fa: {  	v17 =	vimm.f32 $0.0e+00;
	v20 =	vld [tilespmem:s21+$0xA340];
	v3 =	vadd.f32 v9, v13;
	v8 =	vadd.f32 v11, v13  }
0x1fb: {  	v16 =	vimm.f32 $0.0e+00;
	v21 =	vld [tilespmem:s21+$0xA350];
	v9 =	vadd.f32 v12, v13;
	v11 =	vadd.f32 v14, v13  }
0x1fc: {  	s20 =	simm.s32 $0x800;
	s19 =	simm.s32 $0x100;
	v22 =	vld [tilespmem:s21+$0xA360];
	v12 =	vadd.f32 v15, v13;
	v14 =	vimm.f32 $0.0e+00;
	v15 =	vimm.f32 $0.0e+00  }
.LBB2_15:
0x1fd: {  	p1 =	sne.s32 s20, $0x6000;
	v23 =	vld [tilespmem:s19+$0xA370];
	v13 =	vadd.f32 v18, v13  }
0x1fe: {  	v18 =	vld [tilespmem:s19+$0xA280];
	v14 =	vadd.f32 v19, v14  }
0x1ff: {  	v19 =	vld [tilespmem:s19+$0xA290];
	v17 =	vadd.f32 v20, v17  }
0x200: {  	v20 =	vld [tilespmem:s19+$0xA2A0];
	v15 =	vadd.f32 v21, v15  }
0x201: {  	v21 =	vld [tilespmem:s19+$0xA2B0];
	v16 =	vadd.f32 v22, v16  }
0x202: {  	v22 =	vld [tilespmem:s19+$0xA2C0];
	v4 =	vadd.f32 v23, v4  }
0x203: {  	v10 =	vadd.f32 v18, v10;
	v18 =	vld [tilespmem:s19+$0xA2D0]  }
0x204: {  	v5 =	vadd.f32 v19, v5;
	v19 =	vld [tilespmem:s19+$0xA2E0]  }
0x205: {  	v6 =	vadd.f32 v20, v6;
	v20 =	vld [tilespmem:s19+$0xA2F0]  }
0x206: {  	v2 =	vadd.f32 v21, v2;
	v21 =	vld [tilespmem:s19+$0xA300]  }
0x207: {  	v7 =	vadd.f32 v22, v7;
	v22 =	vld [tilespmem:s19+$0xA310]  }
.Ltmp6:
0x208: {  	v3 =	vadd.f32 v18, v3;
	v18 =	vld [tilespmem:s19+$0xA320];
	(pc) =	sbr.rel @p1 .LBB2_15-.Ltmp6, $4  }
0x209: {  	v8 =	vadd.f32 v19, v8;
	v19 =	vld [tilespmem:s19+$0xA330]  }
0x20a: {  	v9 =	vadd.f32 v20, v9;
	v20 =	vld [tilespmem:s19+$0xA340]  }
0x20b: {  	v11 =	vadd.f32 v21, v11;
	v21 =	vld [tilespmem:s19+$0xA350]  }
0x20c: {  	v12 =	vadd.f32 v22, v12;
	v22 =	vld [tilespmem:s19+$0xA360];
	s19 =	sshra.s32 s20, $0x2;
	s20 =	sadd.s32 $0x400, s20  }
0x20d: {  	v23 =	vld [tilespmem:s19+$0xA370]  }
0x20e: {  	v24 =	vld [tilespmem:s19+$0xA280]  }
0x20f: {  	v25 =	vld [tilespmem:s19+$0xA290]  }
0x210: {  	v26 =	vld [tilespmem:s19+$0xA2A0]  }
0x211: {  	v27 =	vld [tilespmem:s19+$0xA2B0]  }
0x212: {  	v28 =	vld [tilespmem:s19+$0xA2C0]  }
0x213: {  	v29 =	vld [tilespmem:s19+$0xA2D0]  }
0x214: {  	v30 =	vld [tilespmem:s19+$0xA2E0]  }
0x215: {  	v31 =	vld [tilespmem:s19+$0xA2F0];
	v13 =	vadd.f32 v18, v13  }
0x216: {  	v32 =	vld [tilespmem:s19+$0xA300];
	v14 =	vadd.f32 v19, v14;
	v17 =	vadd.f32 v20, v17  }
0x217: {  	v18 =	vld [tilespmem:s19+$0xA310];
	v15 =	vadd.f32 v21, v15;
	v16 =	vadd.f32 v22, v16  }
0x218: {  	v19 =	vld [tilespmem:s19+$0xA320];
	v4 =	vadd.f32 v23, v4;
	v10 =	vadd.f32 v24, v10  }
0x219: {  	v20 =	vld [tilespmem:s19+$0xA330];
	v5 =	vadd.f32 v25, v5;
	v6 =	vadd.f32 v26, v6  }
0x21a: {  	v21 =	vld [tilespmem:s19+$0xA340];
	v2 =	vadd.f32 v27, v2;
	v7 =	vadd.f32 v28, v7  }
0x21b: {  	v22 =	vld [tilespmem:s19+$0xA350];
	v3 =	vadd.f32 v29, v3;
	v8 =	vadd.f32 v30, v8  }
0x21c: {  	v23 =	vld [tilespmem:s19+$0xA360];
	v9 =	vadd.f32 v31, v9;
	v11 =	vadd.f32 v32, v11  }
0x21d: {  	v12 =	vadd.f32 v18, v12;
	v13 =	vadd.f32 v19, v13  }
0x21e: {  	v14 =	vadd.f32 v20, v14;
	v6 =	vadd.f32 v6, v10  }
0x21f: {  	v7 =	vadd.f32 v8, v7;
	v2 =	vadd.f32 v2, v5  }
0x220: {  	v3 =	vadd.f32 v9, v3;
	v15 =	vadd.f32 v22, v15  }
0x221: {  	v17 =	vadd.f32 v21, v17;
	v16 =	vadd.f32 v23, v16  }
0x222: {  	v5 =	vadd.f32 v14, v12;
	v4 =	vadd.f32 v4, v15  }
0x223: {  	v8 =	vadd.f32 v13, v11;
	v10 =	vadd.f32 v16, v17  }
0x224: {  	v2 =	vadd.f32 v3, v2;
	v3 =	vadd.f32 v4, v5  }
0x225: {  	v6 =	vadd.f32 v7, v6;
	v7 =	vadd.f32 v10, v8  }
0x226: {  	v2 =	vadd.f32 v3, v2  }
0x227: {  	v4 =	vadd.f32 v7, v6  }
0x228: {  	v2 =	vadd.f32 v2, v1  }
0x229: {  	v3 =	vadd.f32 v4, v0  }
0x22a: {  	[tilespmem:$0x19D50] =	vst v2  }
0x22b: {  	s21 =	simm.s32 $0x0;
	[tilespmem:$0x19D40] =	vst v3  }
0x22c: {  	v2 =	vld [tilespmem:s21+$0xBC70]  }
0x22d: {  	v3 =	vld [tilespmem:s21+$0xBB80]  }
0x22e: {  	v5 =	vld [tilespmem:s21+$0xBB90]  }
0x22f: {  	v6 =	vld [tilespmem:s21+$0xBBA0]  }
0x230: {  	v7 =	vld [tilespmem:s21+$0xBBB0]  }
0x231: {  	v8 =	vld [tilespmem:s21+$0xBBC0]  }
0x232: {  	v9 =	vld [tilespmem:s21+$0xBBD0]  }
0x233: {  	v11 =	vld [tilespmem:s21+$0xBBE0]  }
0x234: {  	v12 =	vld [tilespmem:s21+$0xBBF0]  }
0x235: {  	v13 =	vimm.f32 $0.0e+00;
	v14 =	vld [tilespmem:s21+$0xBC00]  }
0x236: {  	v15 =	vld [tilespmem:s21+$0xBC10];
	v4 =	vadd.f32 v2, v13;
	v10 =	vadd.f32 v3, v13  }
0x237: {  	v18 =	vld [tilespmem:s21+$0xBC20];
	v5 =	vadd.f32 v5, v13;
	v6 =	vadd.f32 v6, v13  }
0x238: {  	v19 =	vld [tilespmem:s21+$0xBC30];
	v2 =	vadd.f32 v7, v13;
	v7 =	vadd.f32 v8, v13  }
0x239: {  	v17 =	vimm.f32 $0.0e+00;
	v20 =	vld [tilespmem:s21+$0xBC40];
	v3 =	vadd.f32 v9, v13;
	v8 =	vadd.f32 v11, v13  }
0x23a: {  	v16 =	vimm.f32 $0.0e+00;
	v21 =	vld [tilespmem:s21+$0xBC50];
	v9 =	vadd.f32 v12, v13;
	v11 =	vadd.f32 v14, v13  }
0x23b: {  	s20 =	simm.s32 $0x800;
	s19 =	simm.s32 $0x100;
	v22 =	vld [tilespmem:s21+$0xBC60];
	v12 =	vadd.f32 v15, v13;
	v14 =	vimm.f32 $0.0e+00;
	v15 =	vimm.f32 $0.0e+00  }
.LBB2_17:
0x23c: {  	p1 =	sne.s32 s20, $0x6000;
	v23 =	vld [tilespmem:s19+$0xBC70];
	v13 =	vadd.f32 v18, v13  }
0x23d: {  	v18 =	vld [tilespmem:s19+$0xBB80];
	v14 =	vadd.f32 v19, v14  }
0x23e: {  	v19 =	vld [tilespmem:s19+$0xBB90];
	v17 =	vadd.f32 v20, v17  }
0x23f: {  	v20 =	vld [tilespmem:s19+$0xBBA0];
	v15 =	vadd.f32 v21, v15  }
0x240: {  	v21 =	vld [tilespmem:s19+$0xBBB0];
	v16 =	vadd.f32 v22, v16  }
0x241: {  	v22 =	vld [tilespmem:s19+$0xBBC0];
	v4 =	vadd.f32 v23, v4  }
0x242: {  	v10 =	vadd.f32 v18, v10;
	v18 =	vld [tilespmem:s19+$0xBBD0]  }
0x243: {  	v5 =	vadd.f32 v19, v5;
	v19 =	vld [tilespmem:s19+$0xBBE0]  }
0x244: {  	v6 =	vadd.f32 v20, v6;
	v20 =	vld [tilespmem:s19+$0xBBF0]  }
0x245: {  	v2 =	vadd.f32 v21, v2;
	v21 =	vld [tilespmem:s19+$0xBC00]  }
0x246: {  	v7 =	vadd.f32 v22, v7;
	v22 =	vld [tilespmem:s19+$0xBC10]  }
.Ltmp7:
0x247: {  	v3 =	vadd.f32 v18, v3;
	v18 =	vld [tilespmem:s19+$0xBC20];
	(pc) =	sbr.rel @p1 .LBB2_17-.Ltmp7, $4  }
0x248: {  	v8 =	vadd.f32 v19, v8;
	v19 =	vld [tilespmem:s19+$0xBC30]  }
0x249: {  	v9 =	vadd.f32 v20, v9;
	v20 =	vld [tilespmem:s19+$0xBC40]  }
0x24a: {  	v11 =	vadd.f32 v21, v11;
	v21 =	vld [tilespmem:s19+$0xBC50]  }
0x24b: {  	v12 =	vadd.f32 v22, v12;
	v22 =	vld [tilespmem:s19+$0xBC60];
	s19 =	sshra.s32 s20, $0x2;
	s20 =	sadd.s32 $0x400, s20  }
0x24c: {  	v23 =	vld [tilespmem:s19+$0xBC70]  }
0x24d: {  	v24 =	vld [tilespmem:s19+$0xBB80]  }
0x24e: {  	v25 =	vld [tilespmem:s19+$0xBB90]  }
0x24f: {  	v26 =	vld [tilespmem:s19+$0xBBA0]  }
0x250: {  	v27 =	vld [tilespmem:s19+$0xBBB0]  }
0x251: {  	v28 =	vld [tilespmem:s19+$0xBBC0]  }
0x252: {  	v29 =	vld [tilespmem:s19+$0xBBD0]  }
0x253: {  	v30 =	vld [tilespmem:s19+$0xBBE0]  }
0x254: {  	v31 =	vld [tilespmem:s19+$0xBBF0]  }
0x255: {  	v32 =	vld [tilespmem:s19+$0xBC00]  }
0x256: {  	v13 =	vadd.f32 v18, v13;
	v53 =	vld [tilespmem:s19+$0xBC10]  }
0x257: {  	v54 =	vld [tilespmem:s19+$0xBC20];
	v14 =	vadd.f32 v19, v14;
	v17 =	vadd.f32 v20, v17  }
0x258: {  	v55 =	vld [tilespmem:s19+$0xBC30];
	v15 =	vadd.f32 v21, v15;
	v16 =	vadd.f32 v22, v16  }
0x259: {  	v56 =	vld [tilespmem:s19+$0xBC40];
	v4 =	vadd.f32 v23, v4;
	v10 =	vadd.f32 v24, v10  }
0x25a: {  	v57 =	vld [tilespmem:s19+$0xBC50];
	v5 =	vadd.f32 v25, v5;
	v6 =	vadd.f32 v26, v6  }
0x25b: {  	v58 =	vld [tilespmem:s19+$0xBC60];
	v2 =	vadd.f32 v27, v2;
	v7 =	vadd.f32 v28, v7  }
0x25c: {  	v3 =	vadd.f32 v29, v3;
	v8 =	vadd.f32 v30, v8  }
0x25d: {  	v9 =	vadd.f32 v31, v9;
	v11 =	vadd.f32 v32, v11  }
0x25e: {  	v12 =	vadd.f32 v53, v12;
	v13 =	vadd.f32 v54, v13  }
0x25f: {  	v14 =	vadd.f32 v55, v14;
	v17 =	vadd.f32 v56, v17  }
0x260: {  	v15 =	vadd.f32 v57, v15;
	v16 =	vadd.f32 v58, v16  }
0x261: {  	v6 =	vadd.f32 v6, v10;
	v7 =	vadd.f32 v8, v7  }
0x262: {  	v2 =	vadd.f32 v2, v5;
	v3 =	vadd.f32 v9, v3  }
0x263: {  	v61 =	vadd.f32 v14, v12;
	v4 =	vadd.f32 v4, v15  }
0x264: {  	v59 =	vadd.f32 v13, v11;
	v60 =	vadd.f32 v16, v17  }
0x265: {  	v2 =	vadd.f32 v3, v2;
	v3 =	vadd.f32 v4, v61  }
0x266: {  	v6 =	vadd.f32 v7, v6;
	v62 =	vadd.f32 v60, v59  }
0x267: {  	v2 =	vadd.f32 v3, v2  }
0x268: {  	v63 =	vadd.f32 v62, v6  }
0x269: {  	v2 =	vadd.f32 v2, v1  }
0x26a: {  	s21 =	sadd.s32 s8, s18;
	v3 =	vadd.f32 v63, v0  }
0x26b: {  	s19 =	sshll.u32 s21, $0x5;
	[tilespmem:$0x19D70] =	vst v2  }
.Ltmp8:
0x26c: {  	s19 =	sadd.s32 s3, s19;
	[tilespmem:$0x19D60] =	vst v3;
	(pc) =	sbr.rel @!p0 .LBB2_19-.Ltmp8, $4  }
0x26d: {  	[hbm4b:s19+s4] =	stream.linear.scatter [tilespmem:s12], [sflag:$0x5], $0x100, $0x38;
	[tilespmem:$0x19DA0] =	vst v63  }
0x26e: {  	_ =	swait.ge [sflag:s14], $0x100  }
0x26f: {  	[sflag:s14] =	ssyncset.done $0x0  }
0x270: {  	[sflag:s14] =	ssyncadd.s32 $0xFFFFFF00  }
.Ltmp9:
0x271: {  	(pc) =	sbr.rel .LBB2_21-.Ltmp9, $4  }
0x272: {  	_ = 	snop  }
0x273: {  	_ =	swait.ge [sflag:s7], $0xC800  }
0x274: {  	[sflag:s7] =	ssyncset.done $0x0  }
0x275: {  	[sflag:s7] =	ssyncadd.s32 $0xFFFF3800  }
.LBB2_19:
0x276: {  	_ =	swait.ge [sflag:s15], $0x640  }
0x277: {  	[sflag:s15] =	ssyncset.done $0x0  }
0x278: {  	s19 =	simm.s32 $0xC80;
	[sflag:s15] =	ssyncadd.s32 $0xFFFFF9C0  }
0x279: {  	[tilespmem:s19], [sflag:$0x1] =	stream.indirect.gather [hbm4b:s6+s16], $0x20, s4, s16, $0xb8;
	[tilespmem:$0x19DA0] =	vst v63  }
0x27a: {  	s20 =	simm.s32 $0x1680  }
0x27b: {  	[tilespmem:s20], [sflag:$0x1] =	stream.indirect.gather [hbm4b:s6+s16], $0x20, s16, s16, $0xb8;
	[tilespmem:$0x19DA0] =	vst v63  }
0x27c: {  	s21 =	simm.s32 $0xA0;
	s20 =	simm.s32 $0x2080  }
0x27d: {  	[tilespmem:s20], [sflag:$0x1] =	stream.indirect.gather [hbm4b:s6+s16], $0x20, s21, s16, $0xb8;
	[tilespmem:$0x19DA0] =	vst v63  }
0x27e: {  	s20 =	simm.s32 $0xF0;
	s21 =	simm.s32 $0x2A80  }
0x27f: {  	[tilespmem:s21], [sflag:$0x1] =	stream.indirect.gather [hbm4b:s6+s16], $0x20, s20, s16, $0xb8;
	[tilespmem:$0x19DA0] =	vst v63  }
0x280: {  	s20 =	simm.s32 $0x140;
	s21 =	simm.s32 $0x3480  }
0x281: {  	[tilespmem:s21], [sflag:$0x1] =	stream.indirect.gather [hbm4b:s6+s16], $0x20, s20, s16, $0xb8;
	[tilespmem:$0x19DA0] =	vst v63  }
0x282: {  	s20 =	simm.s32 $0x190;
	s21 =	simm.s32 $0x3E80  }
0x283: {  	[tilespmem:s21], [sflag:$0x1] =	stream.indirect.gather [hbm4b:s6+s16], $0x20, s20, s16, $0xb8;
	[tilespmem:$0x19DA0] =	vst v63  }
0x284: {  	s20 =	simm.s32 $0x1E0;
	s21 =	simm.s32 $0x4880  }
0x285: {  	[tilespmem:s21], [sflag:$0x1] =	stream.indirect.gather [hbm4b:s6+s16], $0x20, s20, s16, $0xb8;
	[tilespmem:$0x19DA0] =	vst v63  }
0x286: {  	s20 =	simm.s32 $0x230;
	s21 =	simm.s32 $0x5280  }
0x287: {  	[tilespmem:s21], [sflag:$0x1] =	stream.indirect.gather [hbm4b:s6+s16], $0x20, s20, s16, $0xb8;
	[tilespmem:$0x19DA0] =	vst v63  }
0x288: {  	s20 =	simm.s32 $0x280;
	s21 =	simm.s32 $0x5C80  }
0x289: {  	[tilespmem:s21], [sflag:$0x1] =	stream.indirect.gather [hbm4b:s6+s16], $0x20, s20, s16, $0xb8;
	[tilespmem:$0x19DA0] =	vst v63  }
0x28a: {  	s20 =	simm.s32 $0x2D0;
	s21 =	simm.s32 $0x6680  }
0x28b: {  	[tilespmem:s21], [sflag:$0x1] =	stream.indirect.gather [hbm4b:s6+s16], $0x20, s20, s16, $0xb8;
	[tilespmem:$0x19DA0] =	vst v63  }
0x28c: {  	s20 =	simm.s32 $0x320;
	s21 =	simm.s32 $0x7080  }
0x28d: {  	[tilespmem:s21], [sflag:$0x1] =	stream.indirect.gather [hbm4b:s6+s16], $0x20, s20, s16, $0xb8;
	[tilespmem:$0x19DA0] =	vst v63  }
0x28e: {  	s20 =	simm.s32 $0x370;
	s21 =	simm.s32 $0x7A80  }
0x28f: {  	[tilespmem:s21], [sflag:$0x1] =	stream.indirect.gather [hbm4b:s6+s16], $0x20, s20, s16, $0xb8;
	[tilespmem:$0x19DA0] =	vst v63  }
0x290: {  	s20 =	simm.s32 $0x3C0;
	s21 =	simm.s32 $0x8480  }
0x291: {  	[tilespmem:s21], [sflag:$0x1] =	stream.indirect.gather [hbm4b:s6+s16], $0x20, s20, s16, $0xb8;
	[tilespmem:$0x19DA0] =	vst v63  }
0x292: {  	s20 =	simm.s32 $0x410;
	s21 =	simm.s32 $0x8E80  }
0x293: {  	[tilespmem:s21], [sflag:$0x1] =	stream.indirect.gather [hbm4b:s6+s16], $0x20, s20, s16, $0xb8;
	[tilespmem:$0x19DA0] =	vst v63  }
0x294: {  	s20 =	simm.s32 $0x460;
	s21 =	simm.s32 $0x9880  }
0x295: {  	[tilespmem:s21], [sflag:$0x1] =	stream.indirect.gather [hbm4b:s6+s16], $0x20, s20, s16, $0xb8;
	[tilespmem:$0x19DA0] =	vst v63  }
0x296: {  	s20 =	simm.s32 $0x4B0;
	s21 =	simm.s32 $0xA280  }
0x297: {  	[tilespmem:s21], [sflag:$0x1] =	stream.indirect.gather [hbm4b:s6+s16], $0x20, s20, s16, $0xb8;
	[tilespmem:$0x19DA0] =	vst v63  }
0x298: {  	s20 =	simm.s32 $0x500;
	s21 =	simm.s32 $0xAC80  }
0x299: {  	[tilespmem:s21], [sflag:$0x1] =	stream.indirect.gather [hbm4b:s6+s16], $0x20, s20, s16, $0xb8;
	[tilespmem:$0x19DA0] =	vst v63  }
0x29a: {  	s20 =	simm.s32 $0x550;
	s21 =	simm.s32 $0xB680  }
0x29b: {  	[tilespmem:s21], [sflag:$0x1] =	stream.indirect.gather [hbm4b:s6+s16], $0x20, s20, s16, $0xb8;
	[tilespmem:$0x19DA0] =	vst v63  }
0x29c: {  	s20 =	simm.s32 $0x5A0;
	s21 =	simm.s32 $0xC080  }
0x29d: {  	[tilespmem:s21], [sflag:$0x1] =	stream.indirect.gather [hbm4b:s6+s16], $0x20, s20, s16, $0xb8;
	[tilespmem:$0x19DA0] =	vst v63  }
0x29e: {  	s20 =	simm.s32 $0x5F0;
	s21 =	simm.s32 $0xCA80  }
0x29f: {  	[tilespmem:s21], [sflag:$0x1] =	stream.indirect.gather [hbm4b:s6+s16], $0x20, s20, s16, $0xb8;
	[tilespmem:$0x19DA0] =	vst v63  }
0x2a0: {  	s21 =	rddreg [dreg:$0x6]  }
0x2a1: {  	s19 =	sadd.s32 s18, s21  }
0x2a2: {  	_ =	swait.ge [sflag:s7], $0xC800;
	s19 =	smul.u32 $0xC8, s19  }
0x2a3: {  	[sflag:s7] =	ssyncset.done $0x0  }
0x2a4: {  	[sflag:s7] =	ssyncadd.s32 $0xFFFF3800;
	s19 =	sadd.s32 s5, s19  }
0x2a5: {  	[tilespmem:s13], [sflag:$0x4] =	stream.linear.gather [hbm4b:s19+s4], $0x640, $0x38;
	[tilespmem:$0x19DA0] =	vst v63  }
.LBB2_21:
0x2a6: {  	s21 =	simm.s32 $0x0  }
0x2a7: {  	v2 =	vld [tilespmem:s21+$0xD570]  }
0x2a8: {  	v3 =	vld [tilespmem:s21+$0xD480]  }
0x2a9: {  	v5 =	vld [tilespmem:s21+$0xD490]  }
0x2aa: {  	v6 =	vld [tilespmem:s21+$0xD4A0]  }
0x2ab: {  	v7 =	vld [tilespmem:s21+$0xD4B0]  }
0x2ac: {  	v8 =	vld [tilespmem:s21+$0xD4C0]  }
0x2ad: {  	v9 =	vld [tilespmem:s21+$0xD4D0]  }
0x2ae: {  	v11 =	vld [tilespmem:s21+$0xD4E0]  }
0x2af: {  	v12 =	vld [tilespmem:s21+$0xD4F0]  }
0x2b0: {  	v13 =	vimm.f32 $0.0e+00;
	v14 =	vld [tilespmem:s21+$0xD500]  }
0x2b1: {  	v15 =	vld [tilespmem:s21+$0xD510];
	v4 =	vadd.f32 v2, v13;
	v10 =	vadd.f32 v3, v13  }
0x2b2: {  	v18 =	vld [tilespmem:s21+$0xD520];
	v5 =	vadd.f32 v5, v13;
	v6 =	vadd.f32 v6, v13  }
0x2b3: {  	v19 =	vld [tilespmem:s21+$0xD530];
	v2 =	vadd.f32 v7, v13;
	v7 =	vadd.f32 v8, v13  }
0x2b4: {  	v17 =	vimm.f32 $0.0e+00;
	v20 =	vld [tilespmem:s21+$0xD540];
	v3 =	vadd.f32 v9, v13;
	v8 =	vadd.f32 v11, v13  }
0x2b5: {  	v16 =	vimm.f32 $0.0e+00;
	v21 =	vld [tilespmem:s21+$0xD550];
	v9 =	vadd.f32 v12, v13;
	v11 =	vadd.f32 v14, v13  }
0x2b6: {  	s19 =	simm.s32 $0x100;
	s20 =	simm.s32 $0x800;
	v22 =	vld [tilespmem:s21+$0xD560];
	v12 =	vadd.f32 v15, v13;
	v14 =	vimm.f32 $0.0e+00;
	v15 =	vimm.f32 $0.0e+00  }
.LBB2_22:
0x2b7: {  	p0 =	sne.s32 s20, $0x6000;
	v23 =	vld [tilespmem:s19+$0xD570];
	v13 =	vadd.f32 v18, v13  }
0x2b8: {  	v18 =	vld [tilespmem:s19+$0xD480];
	v14 =	vadd.f32 v19, v14  }
0x2b9: {  	v19 =	vld [tilespmem:s19+$0xD490];
	v17 =	vadd.f32 v20, v17  }
0x2ba: {  	v20 =	vld [tilespmem:s19+$0xD4A0];
	v15 =	vadd.f32 v21, v15  }
0x2bb: {  	v21 =	vld [tilespmem:s19+$0xD4B0];
	v16 =	vadd.f32 v22, v16  }
0x2bc: {  	v22 =	vld [tilespmem:s19+$0xD4C0];
	v4 =	vadd.f32 v23, v4  }
0x2bd: {  	v10 =	vadd.f32 v18, v10;
	v18 =	vld [tilespmem:s19+$0xD4D0]  }
0x2be: {  	v5 =	vadd.f32 v19, v5;
	v19 =	vld [tilespmem:s19+$0xD4E0]  }
0x2bf: {  	v6 =	vadd.f32 v20, v6;
	v20 =	vld [tilespmem:s19+$0xD4F0]  }
0x2c0: {  	v2 =	vadd.f32 v21, v2;
	v21 =	vld [tilespmem:s19+$0xD500]  }
0x2c1: {  	v7 =	vadd.f32 v22, v7;
	v22 =	vld [tilespmem:s19+$0xD510]  }
.Ltmp10:
0x2c2: {  	v3 =	vadd.f32 v18, v3;
	v18 =	vld [tilespmem:s19+$0xD520];
	(pc) =	sbr.rel @p0 .LBB2_22-.Ltmp10, $4  }
0x2c3: {  	v8 =	vadd.f32 v19, v8;
	v19 =	vld [tilespmem:s19+$0xD530]  }
0x2c4: {  	v9 =	vadd.f32 v20, v9;
	v20 =	vld [tilespmem:s19+$0xD540]  }
0x2c5: {  	v11 =	vadd.f32 v21, v11;
	v21 =	vld [tilespmem:s19+$0xD550]  }
0x2c6: {  	v12 =	vadd.f32 v22, v12;
	v22 =	vld [tilespmem:s19+$0xD560];
	s19 =	sshra.s32 s20, $0x2;
	s20 =	sadd.s32 $0x400, s20  }
0x2c7: {  	v23 =	vld [tilespmem:s19+$0xD570]  }
0x2c8: {  	v24 =	vld [tilespmem:s19+$0xD480]  }
0x2c9: {  	v25 =	vld [tilespmem:s19+$0xD490]  }
0x2ca: {  	v26 =	vld [tilespmem:s19+$0xD4A0]  }
0x2cb: {  	v27 =	vld [tilespmem:s19+$0xD4B0]  }
0x2cc: {  	v28 =	vld [tilespmem:s19+$0xD4C0]  }
0x2cd: {  	v29 =	vld [tilespmem:s19+$0xD4D0]  }
0x2ce: {  	v30 =	vld [tilespmem:s19+$0xD4E0]  }
0x2cf: {  	v31 =	vld [tilespmem:s19+$0xD4F0];
	v13 =	vadd.f32 v18, v13  }
0x2d0: {  	v32 =	vld [tilespmem:s19+$0xD500];
	v14 =	vadd.f32 v19, v14;
	v17 =	vadd.f32 v20, v17  }
0x2d1: {  	v18 =	vld [tilespmem:s19+$0xD510];
	v15 =	vadd.f32 v21, v15;
	v16 =	vadd.f32 v22, v16  }
0x2d2: {  	v19 =	vld [tilespmem:s19+$0xD520];
	v4 =	vadd.f32 v23, v4;
	v10 =	vadd.f32 v24, v10  }
0x2d3: {  	v20 =	vld [tilespmem:s19+$0xD530];
	v5 =	vadd.f32 v25, v5;
	v6 =	vadd.f32 v26, v6  }
0x2d4: {  	v21 =	vld [tilespmem:s19+$0xD540];
	v2 =	vadd.f32 v27, v2;
	v7 =	vadd.f32 v28, v7  }
0x2d5: {  	v22 =	vld [tilespmem:s19+$0xD550];
	v3 =	vadd.f32 v29, v3;
	v8 =	vadd.f32 v30, v8  }
0x2d6: {  	v23 =	vld [tilespmem:s19+$0xD560];
	v9 =	vadd.f32 v31, v9;
	v11 =	vadd.f32 v32, v11  }
0x2d7: {  	v12 =	vadd.f32 v18, v12;
	v13 =	vadd.f32 v19, v13  }
0x2d8: {  	v14 =	vadd.f32 v20, v14;
	v6 =	vadd.f32 v6, v10  }
0x2d9: {  	v7 =	vadd.f32 v8, v7;
	v2 =	vadd.f32 v2, v5  }
0x2da: {  	v3 =	vadd.f32 v9, v3;
	v15 =	vadd.f32 v22, v15  }
0x2db: {  	v17 =	vadd.f32 v21, v17;
	v16 =	vadd.f32 v23, v16  }
0x2dc: {  	v5 =	vadd.f32 v14, v12;
	v4 =	vadd.f32 v4, v15  }
0x2dd: {  	v8 =	vadd.f32 v13, v11;
	v10 =	vadd.f32 v16, v17  }
0x2de: {  	v2 =	vadd.f32 v3, v2;
	v3 =	vadd.f32 v4, v5  }
0x2df: {  	v6 =	vadd.f32 v7, v6;
	v7 =	vadd.f32 v10, v8  }
0x2e0: {  	v2 =	vadd.f32 v3, v2  }
0x2e1: {  	v4 =	vadd.f32 v7, v6  }
0x2e2: {  	v2 =	vadd.f32 v2, v1  }
0x2e3: {  	v3 =	vadd.f32 v4, v0  }
0x2e4: {  	[tilespmem:$0x19C90] =	vst v2  }
0x2e5: {  	s21 =	simm.s32 $0x0;
	[tilespmem:$0x19C80] =	vst v3  }
0x2e6: {  	v2 =	vld [tilespmem:s21+$0xEE70]  }
0x2e7: {  	v3 =	vld [tilespmem:s21+$0xED80]  }
0x2e8: {  	v5 =	vld [tilespmem:s21+$0xED90]  }
0x2e9: {  	v6 =	vld [tilespmem:s21+$0xEDA0]  }
0x2ea: {  	v7 =	vld [tilespmem:s21+$0xEDB0]  }
0x2eb: {  	v8 =	vld [tilespmem:s21+$0xEDC0]  }
0x2ec: {  	v9 =	vld [tilespmem:s21+$0xEDD0]  }
0x2ed: {  	v11 =	vld [tilespmem:s21+$0xEDE0]  }
0x2ee: {  	v12 =	vld [tilespmem:s21+$0xEDF0]  }
0x2ef: {  	v13 =	vimm.f32 $0.0e+00;
	v14 =	vld [tilespmem:s21+$0xEE00]  }
0x2f0: {  	v15 =	vld [tilespmem:s21+$0xEE10];
	v4 =	vadd.f32 v2, v13;
	v10 =	vadd.f32 v3, v13  }
0x2f1: {  	v18 =	vld [tilespmem:s21+$0xEE20];
	v5 =	vadd.f32 v5, v13;
	v6 =	vadd.f32 v6, v13  }
0x2f2: {  	v19 =	vld [tilespmem:s21+$0xEE30];
	v2 =	vadd.f32 v7, v13;
	v7 =	vadd.f32 v8, v13  }
0x2f3: {  	v17 =	vimm.f32 $0.0e+00;
	v20 =	vld [tilespmem:s21+$0xEE40];
	v3 =	vadd.f32 v9, v13;
	v8 =	vadd.f32 v11, v13  }
0x2f4: {  	v16 =	vimm.f32 $0.0e+00;
	v21 =	vld [tilespmem:s21+$0xEE50];
	v9 =	vadd.f32 v12, v13;
	v11 =	vadd.f32 v14, v13  }
0x2f5: {  	s20 =	simm.s32 $0x800;
	s19 =	simm.s32 $0x100;
	v22 =	vld [tilespmem:s21+$0xEE60];
	v12 =	vadd.f32 v15, v13;
	v14 =	vimm.f32 $0.0e+00;
	v15 =	vimm.f32 $0.0e+00  }
.LBB2_24:
0x2f6: {  	p0 =	sne.s32 s20, $0x6000;
	v23 =	vld [tilespmem:s19+$0xEE70];
	v13 =	vadd.f32 v18, v13  }
0x2f7: {  	v18 =	vld [tilespmem:s19+$0xED80];
	v14 =	vadd.f32 v19, v14  }
0x2f8: {  	v19 =	vld [tilespmem:s19+$0xED90];
	v17 =	vadd.f32 v20, v17  }
0x2f9: {  	v20 =	vld [tilespmem:s19+$0xEDA0];
	v15 =	vadd.f32 v21, v15  }
0x2fa: {  	v21 =	vld [tilespmem:s19+$0xEDB0];
	v16 =	vadd.f32 v22, v16  }
0x2fb: {  	v22 =	vld [tilespmem:s19+$0xEDC0];
	v4 =	vadd.f32 v23, v4  }
0x2fc: {  	v10 =	vadd.f32 v18, v10;
	v18 =	vld [tilespmem:s19+$0xEDD0]  }
0x2fd: {  	v5 =	vadd.f32 v19, v5;
	v19 =	vld [tilespmem:s19+$0xEDE0]  }
0x2fe: {  	v6 =	vadd.f32 v20, v6;
	v20 =	vld [tilespmem:s19+$0xEDF0]  }
0x2ff: {  	v2 =	vadd.f32 v21, v2;
	v21 =	vld [tilespmem:s19+$0xEE00]  }
0x300: {  	v7 =	vadd.f32 v22, v7;
	v22 =	vld [tilespmem:s19+$0xEE10]  }
.Ltmp11:
0x301: {  	v3 =	vadd.f32 v18, v3;
	v18 =	vld [tilespmem:s19+$0xEE20];
	(pc) =	sbr.rel @p0 .LBB2_24-.Ltmp11, $4  }
0x302: {  	v8 =	vadd.f32 v19, v8;
	v19 =	vld [tilespmem:s19+$0xEE30]  }
0x303: {  	v9 =	vadd.f32 v20, v9;
	v20 =	vld [tilespmem:s19+$0xEE40]  }
0x304: {  	v11 =	vadd.f32 v21, v11;
	v21 =	vld [tilespmem:s19+$0xEE50]  }
0x305: {  	v12 =	vadd.f32 v22, v12;
	v22 =	vld [tilespmem:s19+$0xEE60];
	s19 =	sshra.s32 s20, $0x2;
	s20 =	sadd.s32 $0x400, s20  }
0x306: {  	v23 =	vld [tilespmem:s19+$0xEE70]  }
0x307: {  	v24 =	vld [tilespmem:s19+$0xED80]  }
0x308: {  	v25 =	vld [tilespmem:s19+$0xED90]  }
0x309: {  	v26 =	vld [tilespmem:s19+$0xEDA0]  }
0x30a: {  	v27 =	vld [tilespmem:s19+$0xEDB0]  }
0x30b: {  	v28 =	vld [tilespmem:s19+$0xEDC0]  }
0x30c: {  	v29 =	vld [tilespmem:s19+$0xEDD0]  }
0x30d: {  	v30 =	vld [tilespmem:s19+$0xEDE0]  }
0x30e: {  	v31 =	vld [tilespmem:s19+$0xEDF0];
	v13 =	vadd.f32 v18, v13  }
0x30f: {  	v32 =	vld [tilespmem:s19+$0xEE00];
	v14 =	vadd.f32 v19, v14;
	v17 =	vadd.f32 v20, v17  }
0x310: {  	v18 =	vld [tilespmem:s19+$0xEE10];
	v15 =	vadd.f32 v21, v15;
	v16 =	vadd.f32 v22, v16  }
0x311: {  	v19 =	vld [tilespmem:s19+$0xEE20];
	v4 =	vadd.f32 v23, v4;
	v10 =	vadd.f32 v24, v10  }
0x312: {  	v20 =	vld [tilespmem:s19+$0xEE30];
	v5 =	vadd.f32 v25, v5;
	v6 =	vadd.f32 v26, v6  }
0x313: {  	v21 =	vld [tilespmem:s19+$0xEE40];
	v2 =	vadd.f32 v27, v2;
	v7 =	vadd.f32 v28, v7  }
0x314: {  	v22 =	vld [tilespmem:s19+$0xEE50];
	v3 =	vadd.f32 v29, v3;
	v8 =	vadd.f32 v30, v8  }
0x315: {  	v23 =	vld [tilespmem:s19+$0xEE60];
	v9 =	vadd.f32 v31, v9;
	v11 =	vadd.f32 v32, v11  }
0x316: {  	v12 =	vadd.f32 v18, v12;
	v13 =	vadd.f32 v19, v13  }
0x317: {  	v14 =	vadd.f32 v20, v14;
	v6 =	vadd.f32 v6, v10  }
0x318: {  	v7 =	vadd.f32 v8, v7;
	v2 =	vadd.f32 v2, v5  }
0x319: {  	v3 =	vadd.f32 v9, v3;
	v15 =	vadd.f32 v22, v15  }
0x31a: {  	v17 =	vadd.f32 v21, v17;
	v16 =	vadd.f32 v23, v16  }
0x31b: {  	v5 =	vadd.f32 v14, v12;
	v4 =	vadd.f32 v4, v15  }
0x31c: {  	v8 =	vadd.f32 v13, v11;
	v10 =	vadd.f32 v16, v17  }
0x31d: {  	v2 =	vadd.f32 v3, v2;
	v3 =	vadd.f32 v4, v5  }
0x31e: {  	v6 =	vadd.f32 v7, v6;
	v7 =	vadd.f32 v10, v8  }
0x31f: {  	v2 =	vadd.f32 v3, v2  }
0x320: {  	v4 =	vadd.f32 v7, v6  }
0x321: {  	v2 =	vadd.f32 v2, v1  }
0x322: {  	v3 =	vadd.f32 v4, v0  }
0x323: {  	[tilespmem:$0x19CB0] =	vst v2  }
0x324: {  	s21 =	simm.s32 $0x0;
	[tilespmem:$0x19CA0] =	vst v3  }
0x325: {  	v2 =	vld [tilespmem:s21+$0x10770]  }
0x326: {  	v3 =	vld [tilespmem:s21+$0x10680]  }
0x327: {  	v5 =	vld [tilespmem:s21+$0x10690]  }
0x328: {  	v6 =	vld [tilespmem:s21+$0x106A0]  }
0x329: {  	v7 =	vld [tilespmem:s21+$0x106B0]  }
0x32a: {  	v8 =	vld [tilespmem:s21+$0x106C0]  }
0x32b: {  	v9 =	vld [tilespmem:s21+$0x106D0]  }
0x32c: {  	v11 =	vld [tilespmem:s21+$0x106E0]  }
0x32d: {  	v12 =	vld [tilespmem:s21+$0x106F0]  }
0x32e: {  	v13 =	vimm.f32 $0.0e+00;
	v14 =	vld [tilespmem:s21+$0x10700]  }
0x32f: {  	v15 =	vld [tilespmem:s21+$0x10710];
	v4 =	vadd.f32 v2, v13;
	v10 =	vadd.f32 v3, v13  }
0x330: {  	v18 =	vld [tilespmem:s21+$0x10720];
	v5 =	vadd.f32 v5, v13;
	v6 =	vadd.f32 v6, v13  }
0x331: {  	v19 =	vld [tilespmem:s21+$0x10730];
	v2 =	vadd.f32 v7, v13;
	v7 =	vadd.f32 v8, v13  }
0x332: {  	v17 =	vimm.f32 $0.0e+00;
	v20 =	vld [tilespmem:s21+$0x10740];
	v3 =	vadd.f32 v9, v13;
	v8 =	vadd.f32 v11, v13  }
0x333: {  	v16 =	vimm.f32 $0.0e+00;
	v21 =	vld [tilespmem:s21+$0x10750];
	v9 =	vadd.f32 v12, v13;
	v11 =	vadd.f32 v14, v13  }
0x334: {  	s20 =	simm.s32 $0x800;
	s19 =	simm.s32 $0x100;
	v22 =	vld [tilespmem:s21+$0x10760];
	v12 =	vadd.f32 v15, v13;
	v14 =	vimm.f32 $0.0e+00;
	v15 =	vimm.f32 $0.0e+00  }
.LBB2_26:
0x335: {  	p0 =	sne.s32 s20, $0x6000;
	v23 =	vld [tilespmem:s19+$0x10770];
	v13 =	vadd.f32 v18, v13  }
0x336: {  	v18 =	vld [tilespmem:s19+$0x10680];
	v14 =	vadd.f32 v19, v14  }
0x337: {  	v19 =	vld [tilespmem:s19+$0x10690];
	v17 =	vadd.f32 v20, v17  }
0x338: {  	v20 =	vld [tilespmem:s19+$0x106A0];
	v15 =	vadd.f32 v21, v15  }
0x339: {  	v21 =	vld [tilespmem:s19+$0x106B0];
	v16 =	vadd.f32 v22, v16  }
0x33a: {  	v22 =	vld [tilespmem:s19+$0x106C0];
	v4 =	vadd.f32 v23, v4  }
0x33b: {  	v10 =	vadd.f32 v18, v10;
	v18 =	vld [tilespmem:s19+$0x106D0]  }
0x33c: {  	v5 =	vadd.f32 v19, v5;
	v19 =	vld [tilespmem:s19+$0x106E0]  }
0x33d: {  	v6 =	vadd.f32 v20, v6;
	v20 =	vld [tilespmem:s19+$0x106F0]  }
0x33e: {  	v2 =	vadd.f32 v21, v2;
	v21 =	vld [tilespmem:s19+$0x10700]  }
0x33f: {  	v7 =	vadd.f32 v22, v7;
	v22 =	vld [tilespmem:s19+$0x10710]  }
.Ltmp12:
0x340: {  	v3 =	vadd.f32 v18, v3;
	v18 =	vld [tilespmem:s19+$0x10720];
	(pc) =	sbr.rel @p0 .LBB2_26-.Ltmp12, $4  }
0x341: {  	v8 =	vadd.f32 v19, v8;
	v19 =	vld [tilespmem:s19+$0x10730]  }
0x342: {  	v9 =	vadd.f32 v20, v9;
	v20 =	vld [tilespmem:s19+$0x10740]  }
0x343: {  	v11 =	vadd.f32 v21, v11;
	v21 =	vld [tilespmem:s19+$0x10750]  }
0x344: {  	v12 =	vadd.f32 v22, v12;
	v22 =	vld [tilespmem:s19+$0x10760];
	s19 =	sshra.s32 s20, $0x2;
	s20 =	sadd.s32 $0x400, s20  }
0x345: {  	v23 =	vld [tilespmem:s19+$0x10770]  }
0x346: {  	v24 =	vld [tilespmem:s19+$0x10680]  }
0x347: {  	v25 =	vld [tilespmem:s19+$0x10690]  }
0x348: {  	v26 =	vld [tilespmem:s19+$0x106A0]  }
0x349: {  	v27 =	vld [tilespmem:s19+$0x106B0]  }
0x34a: {  	v28 =	vld [tilespmem:s19+$0x106C0]  }
0x34b: {  	v29 =	vld [tilespmem:s19+$0x106D0]  }
0x34c: {  	v30 =	vld [tilespmem:s19+$0x106E0]  }
0x34d: {  	v31 =	vld [tilespmem:s19+$0x106F0];
	v13 =	vadd.f32 v18, v13  }
0x34e: {  	v32 =	vld [tilespmem:s19+$0x10700];
	v14 =	vadd.f32 v19, v14;
	v17 =	vadd.f32 v20, v17  }
0x34f: {  	v18 =	vld [tilespmem:s19+$0x10710];
	v15 =	vadd.f32 v21, v15;
	v16 =	vadd.f32 v22, v16  }
0x350: {  	v19 =	vld [tilespmem:s19+$0x10720];
	v4 =	vadd.f32 v23, v4;
	v10 =	vadd.f32 v24, v10  }
0x351: {  	v20 =	vld [tilespmem:s19+$0x10730];
	v5 =	vadd.f32 v25, v5;
	v6 =	vadd.f32 v26, v6  }
0x352: {  	v21 =	vld [tilespmem:s19+$0x10740];
	v2 =	vadd.f32 v27, v2;
	v7 =	vadd.f32 v28, v7  }
0x353: {  	v22 =	vld [tilespmem:s19+$0x10750];
	v3 =	vadd.f32 v29, v3;
	v8 =	vadd.f32 v30, v8  }
0x354: {  	v23 =	vld [tilespmem:s19+$0x10760];
	v9 =	vadd.f32 v31, v9;
	v11 =	vadd.f32 v32, v11  }
0x355: {  	v12 =	vadd.f32 v18, v12;
	v13 =	vadd.f32 v19, v13  }
0x356: {  	v14 =	vadd.f32 v20, v14;
	v6 =	vadd.f32 v6, v10  }
0x357: {  	v7 =	vadd.f32 v8, v7;
	v2 =	vadd.f32 v2, v5  }
0x358: {  	v3 =	vadd.f32 v9, v3;
	v15 =	vadd.f32 v22, v15  }
0x359: {  	v17 =	vadd.f32 v21, v17;
	v16 =	vadd.f32 v23, v16  }
0x35a: {  	v5 =	vadd.f32 v14, v12;
	v4 =	vadd.f32 v4, v15  }
0x35b: {  	v8 =	vadd.f32 v13, v11;
	v10 =	vadd.f32 v16, v17  }
0x35c: {  	v2 =	vadd.f32 v3, v2;
	v3 =	vadd.f32 v4, v5  }
0x35d: {  	v6 =	vadd.f32 v7, v6;
	v7 =	vadd.f32 v10, v8  }
0x35e: {  	v2 =	vadd.f32 v3, v2  }
0x35f: {  	v4 =	vadd.f32 v7, v6  }
0x360: {  	v2 =	vadd.f32 v2, v1  }
0x361: {  	v3 =	vadd.f32 v4, v0  }
0x362: {  	[tilespmem:$0x19CD0] =	vst v2  }
0x363: {  	s21 =	simm.s32 $0x0;
	[tilespmem:$0x19CC0] =	vst v3  }
0x364: {  	v2 =	vld [tilespmem:s21+$0x12070]  }
0x365: {  	v3 =	vld [tilespmem:s21+$0x11F80]  }
0x366: {  	v5 =	vld [tilespmem:s21+$0x11F90]  }
0x367: {  	v6 =	vld [tilespmem:s21+$0x11FA0]  }
0x368: {  	v7 =	vld [tilespmem:s21+$0x11FB0]  }
0x369: {  	v8 =	vld [tilespmem:s21+$0x11FC0]  }
0x36a: {  	v9 =	vld [tilespmem:s21+$0x11FD0]  }
0x36b: {  	v11 =	vld [tilespmem:s21+$0x11FE0]  }
0x36c: {  	v12 =	vld [tilespmem:s21+$0x11FF0]  }
0x36d: {  	v13 =	vimm.f32 $0.0e+00;
	v14 =	vld [tilespmem:s21+$0x12000]  }
0x36e: {  	v15 =	vld [tilespmem:s21+$0x12010];
	v4 =	vadd.f32 v2, v13;
	v10 =	vadd.f32 v3, v13  }
0x36f: {  	v18 =	vld [tilespmem:s21+$0x12020];
	v5 =	vadd.f32 v5, v13;
	v6 =	vadd.f32 v6, v13  }
0x370: {  	v19 =	vld [tilespmem:s21+$0x12030];
	v2 =	vadd.f32 v7, v13;
	v7 =	vadd.f32 v8, v13  }
0x371: {  	v17 =	vimm.f32 $0.0e+00;
	v20 =	vld [tilespmem:s21+$0x12040];
	v3 =	vadd.f32 v9, v13;
	v8 =	vadd.f32 v11, v13  }
0x372: {  	v16 =	vimm.f32 $0.0e+00;
	v21 =	vld [tilespmem:s21+$0x12050];
	v9 =	vadd.f32 v12, v13;
	v11 =	vadd.f32 v14, v13  }
0x373: {  	s20 =	simm.s32 $0x800;
	s19 =	simm.s32 $0x100;
	v22 =	vld [tilespmem:s21+$0x12060];
	v12 =	vadd.f32 v15, v13;
	v14 =	vimm.f32 $0.0e+00;
	v15 =	vimm.f32 $0.0e+00  }
.LBB2_28:
0x374: {  	p0 =	sne.s32 s20, $0x6000;
	v23 =	vld [tilespmem:s19+$0x12070];
	v13 =	vadd.f32 v18, v13  }
0x375: {  	v18 =	vld [tilespmem:s19+$0x11F80];
	v14 =	vadd.f32 v19, v14  }
0x376: {  	v19 =	vld [tilespmem:s19+$0x11F90];
	v17 =	vadd.f32 v20, v17  }
0x377: {  	v20 =	vld [tilespmem:s19+$0x11FA0];
	v15 =	vadd.f32 v21, v15  }
0x378: {  	v21 =	vld [tilespmem:s19+$0x11FB0];
	v16 =	vadd.f32 v22, v16  }
0x379: {  	v22 =	vld [tilespmem:s19+$0x11FC0];
	v4 =	vadd.f32 v23, v4  }
0x37a: {  	v10 =	vadd.f32 v18, v10;
	v18 =	vld [tilespmem:s19+$0x11FD0]  }
0x37b: {  	v5 =	vadd.f32 v19, v5;
	v19 =	vld [tilespmem:s19+$0x11FE0]  }
0x37c: {  	v6 =	vadd.f32 v20, v6;
	v20 =	vld [tilespmem:s19+$0x11FF0]  }
0x37d: {  	v2 =	vadd.f32 v21, v2;
	v21 =	vld [tilespmem:s19+$0x12000]  }
0x37e: {  	v7 =	vadd.f32 v22, v7;
	v22 =	vld [tilespmem:s19+$0x12010]  }
.Ltmp13:
0x37f: {  	v3 =	vadd.f32 v18, v3;
	v18 =	vld [tilespmem:s19+$0x12020];
	(pc) =	sbr.rel @p0 .LBB2_28-.Ltmp13, $4  }
0x380: {  	v8 =	vadd.f32 v19, v8;
	v19 =	vld [tilespmem:s19+$0x12030]  }
0x381: {  	v9 =	vadd.f32 v20, v9;
	v20 =	vld [tilespmem:s19+$0x12040]  }
0x382: {  	v11 =	vadd.f32 v21, v11;
	v21 =	vld [tilespmem:s19+$0x12050]  }
0x383: {  	v12 =	vadd.f32 v22, v12;
	v22 =	vld [tilespmem:s19+$0x12060];
	s19 =	sshra.s32 s20, $0x2;
	s20 =	sadd.s32 $0x400, s20  }
0x384: {  	v23 =	vld [tilespmem:s19+$0x12070]  }
0x385: {  	v24 =	vld [tilespmem:s19+$0x11F80]  }
0x386: {  	v25 =	vld [tilespmem:s19+$0x11F90]  }
0x387: {  	v26 =	vld [tilespmem:s19+$0x11FA0]  }
0x388: {  	v27 =	vld [tilespmem:s19+$0x11FB0]  }
0x389: {  	v28 =	vld [tilespmem:s19+$0x11FC0]  }
0x38a: {  	v29 =	vld [tilespmem:s19+$0x11FD0]  }
0x38b: {  	v30 =	vld [tilespmem:s19+$0x11FE0]  }
0x38c: {  	v31 =	vld [tilespmem:s19+$0x11FF0];
	v13 =	vadd.f32 v18, v13  }
0x38d: {  	v32 =	vld [tilespmem:s19+$0x12000];
	v14 =	vadd.f32 v19, v14;
	v17 =	vadd.f32 v20, v17  }
0x38e: {  	v18 =	vld [tilespmem:s19+$0x12010];
	v15 =	vadd.f32 v21, v15;
	v16 =	vadd.f32 v22, v16  }
0x38f: {  	v19 =	vld [tilespmem:s19+$0x12020];
	v4 =	vadd.f32 v23, v4;
	v10 =	vadd.f32 v24, v10  }
0x390: {  	v20 =	vld [tilespmem:s19+$0x12030];
	v5 =	vadd.f32 v25, v5;
	v6 =	vadd.f32 v26, v6  }
0x391: {  	v21 =	vld [tilespmem:s19+$0x12040];
	v2 =	vadd.f32 v27, v2;
	v7 =	vadd.f32 v28, v7  }
0x392: {  	v22 =	vld [tilespmem:s19+$0x12050];
	v3 =	vadd.f32 v29, v3;
	v8 =	vadd.f32 v30, v8  }
0x393: {  	v23 =	vld [tilespmem:s19+$0x12060];
	v9 =	vadd.f32 v31, v9;
	v11 =	vadd.f32 v32, v11  }
0x394: {  	v12 =	vadd.f32 v18, v12;
	v13 =	vadd.f32 v19, v13  }
0x395: {  	v14 =	vadd.f32 v20, v14;
	v6 =	vadd.f32 v6, v10  }
0x396: {  	v7 =	vadd.f32 v8, v7;
	v2 =	vadd.f32 v2, v5  }
0x397: {  	v3 =	vadd.f32 v9, v3;
	v15 =	vadd.f32 v22, v15  }
0x398: {  	v17 =	vadd.f32 v21, v17;
	v16 =	vadd.f32 v23, v16  }
0x399: {  	v5 =	vadd.f32 v14, v12;
	v4 =	vadd.f32 v4, v15  }
0x39a: {  	v8 =	vadd.f32 v13, v11;
	v10 =	vadd.f32 v16, v17  }
0x39b: {  	v2 =	vadd.f32 v3, v2;
	v3 =	vadd.f32 v4, v5  }
0x39c: {  	v6 =	vadd.f32 v7, v6;
	v7 =	vadd.f32 v10, v8  }
0x39d: {  	v2 =	vadd.f32 v3, v2  }
0x39e: {  	v4 =	vadd.f32 v7, v6  }
0x39f: {  	v2 =	vadd.f32 v2, v1  }
0x3a0: {  	v3 =	vadd.f32 v4, v0  }
0x3a1: {  	[tilespmem:$0x19CF0] =	vst v2  }
0x3a2: {  	s21 =	simm.s32 $0x0;
	[tilespmem:$0x19CE0] =	vst v3  }
0x3a3: {  	v2 =	vld [tilespmem:s21+$0x13970]  }
0x3a4: {  	v3 =	vld [tilespmem:s21+$0x13880]  }
0x3a5: {  	v5 =	vld [tilespmem:s21+$0x13890]  }
0x3a6: {  	v6 =	vld [tilespmem:s21+$0x138A0]  }
0x3a7: {  	v7 =	vld [tilespmem:s21+$0x138B0]  }
0x3a8: {  	v8 =	vld [tilespmem:s21+$0x138C0]  }
0x3a9: {  	v9 =	vld [tilespmem:s21+$0x138D0]  }
0x3aa: {  	v11 =	vld [tilespmem:s21+$0x138E0]  }
0x3ab: {  	v12 =	vld [tilespmem:s21+$0x138F0]  }
0x3ac: {  	v13 =	vimm.f32 $0.0e+00;
	v14 =	vld [tilespmem:s21+$0x13900]  }
0x3ad: {  	v15 =	vld [tilespmem:s21+$0x13910];
	v4 =	vadd.f32 v2, v13;
	v10 =	vadd.f32 v3, v13  }
0x3ae: {  	v18 =	vld [tilespmem:s21+$0x13920];
	v5 =	vadd.f32 v5, v13;
	v6 =	vadd.f32 v6, v13  }
0x3af: {  	v19 =	vld [tilespmem:s21+$0x13930];
	v2 =	vadd.f32 v7, v13;
	v7 =	vadd.f32 v8, v13  }
0x3b0: {  	v17 =	vimm.f32 $0.0e+00;
	v20 =	vld [tilespmem:s21+$0x13940];
	v3 =	vadd.f32 v9, v13;
	v8 =	vadd.f32 v11, v13  }
0x3b1: {  	v16 =	vimm.f32 $0.0e+00;
	v21 =	vld [tilespmem:s21+$0x13950];
	v9 =	vadd.f32 v12, v13;
	v11 =	vadd.f32 v14, v13  }
0x3b2: {  	s20 =	simm.s32 $0x800;
	s19 =	simm.s32 $0x100;
	v22 =	vld [tilespmem:s21+$0x13960];
	v12 =	vadd.f32 v15, v13;
	v14 =	vimm.f32 $0.0e+00;
	v15 =	vimm.f32 $0.0e+00  }
.LBB2_30:
0x3b3: {  	p0 =	sne.s32 s20, $0x6000;
	v23 =	vld [tilespmem:s19+$0x13970];
	v13 =	vadd.f32 v18, v13  }
0x3b4: {  	v18 =	vld [tilespmem:s19+$0x13880];
	v14 =	vadd.f32 v19, v14  }
0x3b5: {  	v19 =	vld [tilespmem:s19+$0x13890];
	v17 =	vadd.f32 v20, v17  }
0x3b6: {  	v20 =	vld [tilespmem:s19+$0x138A0];
	v15 =	vadd.f32 v21, v15  }
0x3b7: {  	v21 =	vld [tilespmem:s19+$0x138B0];
	v16 =	vadd.f32 v22, v16  }
0x3b8: {  	v22 =	vld [tilespmem:s19+$0x138C0];
	v4 =	vadd.f32 v23, v4  }
0x3b9: {  	v10 =	vadd.f32 v18, v10;
	v18 =	vld [tilespmem:s19+$0x138D0]  }
0x3ba: {  	v5 =	vadd.f32 v19, v5;
	v19 =	vld [tilespmem:s19+$0x138E0]  }
0x3bb: {  	v6 =	vadd.f32 v20, v6;
	v20 =	vld [tilespmem:s19+$0x138F0]  }
0x3bc: {  	v2 =	vadd.f32 v21, v2;
	v21 =	vld [tilespmem:s19+$0x13900]  }
0x3bd: {  	v7 =	vadd.f32 v22, v7;
	v22 =	vld [tilespmem:s19+$0x13910]  }
.Ltmp14:
0x3be: {  	v3 =	vadd.f32 v18, v3;
	v18 =	vld [tilespmem:s19+$0x13920];
	(pc) =	sbr.rel @p0 .LBB2_30-.Ltmp14, $4  }
0x3bf: {  	v8 =	vadd.f32 v19, v8;
	v19 =	vld [tilespmem:s19+$0x13930]  }
0x3c0: {  	v9 =	vadd.f32 v20, v9;
	v20 =	vld [tilespmem:s19+$0x13940]  }
0x3c1: {  	v11 =	vadd.f32 v21, v11;
	v21 =	vld [tilespmem:s19+$0x13950]  }
0x3c2: {  	v12 =	vadd.f32 v22, v12;
	v22 =	vld [tilespmem:s19+$0x13960];
	s19 =	sshra.s32 s20, $0x2;
	s20 =	sadd.s32 $0x400, s20  }
0x3c3: {  	v23 =	vld [tilespmem:s19+$0x13970]  }
0x3c4: {  	v24 =	vld [tilespmem:s19+$0x13880]  }
0x3c5: {  	v25 =	vld [tilespmem:s19+$0x13890]  }
0x3c6: {  	v26 =	vld [tilespmem:s19+$0x138A0]  }
0x3c7: {  	v27 =	vld [tilespmem:s19+$0x138B0]  }
0x3c8: {  	v28 =	vld [tilespmem:s19+$0x138C0]  }
0x3c9: {  	v29 =	vld [tilespmem:s19+$0x138D0]  }
0x3ca: {  	v30 =	vld [tilespmem:s19+$0x138E0]  }
0x3cb: {  	v31 =	vld [tilespmem:s19+$0x138F0];
	v13 =	vadd.f32 v18, v13  }
0x3cc: {  	v32 =	vld [tilespmem:s19+$0x13900];
	v14 =	vadd.f32 v19, v14;
	v17 =	vadd.f32 v20, v17  }
0x3cd: {  	v18 =	vld [tilespmem:s19+$0x13910];
	v15 =	vadd.f32 v21, v15;
	v16 =	vadd.f32 v22, v16  }
0x3ce: {  	v19 =	vld [tilespmem:s19+$0x13920];
	v4 =	vadd.f32 v23, v4;
	v10 =	vadd.f32 v24, v10  }
0x3cf: {  	v20 =	vld [tilespmem:s19+$0x13930];
	v5 =	vadd.f32 v25, v5;
	v6 =	vadd.f32 v26, v6  }
0x3d0: {  	v21 =	vld [tilespmem:s19+$0x13940];
	v2 =	vadd.f32 v27, v2;
	v7 =	vadd.f32 v28, v7  }
0x3d1: {  	v22 =	vld [tilespmem:s19+$0x13950];
	v3 =	vadd.f32 v29, v3;
	v8 =	vadd.f32 v30, v8  }
0x3d2: {  	v23 =	vld [tilespmem:s19+$0x13960];
	v9 =	vadd.f32 v31, v9;
	v11 =	vadd.f32 v32, v11  }
0x3d3: {  	v12 =	vadd.f32 v18, v12;
	v13 =	vadd.f32 v19, v13  }
0x3d4: {  	v14 =	vadd.f32 v20, v14;
	v6 =	vadd.f32 v6, v10  }
0x3d5: {  	v7 =	vadd.f32 v8, v7;
	v2 =	vadd.f32 v2, v5  }
0x3d6: {  	v3 =	vadd.f32 v9, v3;
	v15 =	vadd.f32 v22, v15  }
0x3d7: {  	v17 =	vadd.f32 v21, v17;
	v16 =	vadd.f32 v23, v16  }
0x3d8: {  	v5 =	vadd.f32 v14, v12;
	v4 =	vadd.f32 v4, v15  }
0x3d9: {  	v8 =	vadd.f32 v13, v11;
	v10 =	vadd.f32 v16, v17  }
0x3da: {  	v2 =	vadd.f32 v3, v2;
	v3 =	vadd.f32 v4, v5  }
0x3db: {  	v6 =	vadd.f32 v7, v6;
	v7 =	vadd.f32 v10, v8  }
0x3dc: {  	v2 =	vadd.f32 v3, v2  }
0x3dd: {  	v4 =	vadd.f32 v7, v6  }
0x3de: {  	v2 =	vadd.f32 v2, v1  }
0x3df: {  	v3 =	vadd.f32 v4, v0  }
0x3e0: {  	[tilespmem:$0x19D10] =	vst v2  }
0x3e1: {  	s21 =	simm.s32 $0x0;
	[tilespmem:$0x19D00] =	vst v3  }
0x3e2: {  	v2 =	vld [tilespmem:s21+$0x15270]  }
0x3e3: {  	v3 =	vld [tilespmem:s21+$0x15180]  }
0x3e4: {  	v5 =	vld [tilespmem:s21+$0x15190]  }
0x3e5: {  	v6 =	vld [tilespmem:s21+$0x151A0]  }
0x3e6: {  	v7 =	vld [tilespmem:s21+$0x151B0]  }
0x3e7: {  	v8 =	vld [tilespmem:s21+$0x151C0]  }
0x3e8: {  	v9 =	vld [tilespmem:s21+$0x151D0]  }
0x3e9: {  	v11 =	vld [tilespmem:s21+$0x151E0]  }
0x3ea: {  	v12 =	vld [tilespmem:s21+$0x151F0]  }
0x3eb: {  	v13 =	vimm.f32 $0.0e+00;
	v14 =	vld [tilespmem:s21+$0x15200]  }
0x3ec: {  	v15 =	vld [tilespmem:s21+$0x15210];
	v4 =	vadd.f32 v2, v13;
	v10 =	vadd.f32 v3, v13  }
0x3ed: {  	v18 =	vld [tilespmem:s21+$0x15220];
	v5 =	vadd.f32 v5, v13;
	v6 =	vadd.f32 v6, v13  }
0x3ee: {  	v19 =	vld [tilespmem:s21+$0x15230];
	v2 =	vadd.f32 v7, v13;
	v7 =	vadd.f32 v8, v13  }
0x3ef: {  	v17 =	vimm.f32 $0.0e+00;
	v20 =	vld [tilespmem:s21+$0x15240];
	v3 =	vadd.f32 v9, v13;
	v8 =	vadd.f32 v11, v13  }
0x3f0: {  	v16 =	vimm.f32 $0.0e+00;
	v21 =	vld [tilespmem:s21+$0x15250];
	v9 =	vadd.f32 v12, v13;
	v11 =	vadd.f32 v14, v13  }
0x3f1: {  	s20 =	simm.s32 $0x800;
	s19 =	simm.s32 $0x100;
	v22 =	vld [tilespmem:s21+$0x15260];
	v12 =	vadd.f32 v15, v13;
	v14 =	vimm.f32 $0.0e+00;
	v15 =	vimm.f32 $0.0e+00  }
.LBB2_32:
0x3f2: {  	p0 =	sne.s32 s20, $0x6000;
	v23 =	vld [tilespmem:s19+$0x15270];
	v13 =	vadd.f32 v18, v13  }
0x3f3: {  	v18 =	vld [tilespmem:s19+$0x15180];
	v14 =	vadd.f32 v19, v14  }
0x3f4: {  	v19 =	vld [tilespmem:s19+$0x15190];
	v17 =	vadd.f32 v20, v17  }
0x3f5: {  	v20 =	vld [tilespmem:s19+$0x151A0];
	v15 =	vadd.f32 v21, v15  }
0x3f6: {  	v21 =	vld [tilespmem:s19+$0x151B0];
	v16 =	vadd.f32 v22, v16  }
0x3f7: {  	v22 =	vld [tilespmem:s19+$0x151C0];
	v4 =	vadd.f32 v23, v4  }
0x3f8: {  	v10 =	vadd.f32 v18, v10;
	v18 =	vld [tilespmem:s19+$0x151D0]  }
0x3f9: {  	v5 =	vadd.f32 v19, v5;
	v19 =	vld [tilespmem:s19+$0x151E0]  }
0x3fa: {  	v6 =	vadd.f32 v20, v6;
	v20 =	vld [tilespmem:s19+$0x151F0]  }
0x3fb: {  	v2 =	vadd.f32 v21, v2;
	v21 =	vld [tilespmem:s19+$0x15200]  }
0x3fc: {  	v7 =	vadd.f32 v22, v7;
	v22 =	vld [tilespmem:s19+$0x15210]  }
.Ltmp15:
0x3fd: {  	v3 =	vadd.f32 v18, v3;
	v18 =	vld [tilespmem:s19+$0x15220];
	(pc) =	sbr.rel @p0 .LBB2_32-.Ltmp15, $4  }
0x3fe: {  	v8 =	vadd.f32 v19, v8;
	v19 =	vld [tilespmem:s19+$0x15230]  }
0x3ff: {  	v9 =	vadd.f32 v20, v9;
	v20 =	vld [tilespmem:s19+$0x15240]  }
0x400: {  	v11 =	vadd.f32 v21, v11;
	v21 =	vld [tilespmem:s19+$0x15250]  }
0x401: {  	v12 =	vadd.f32 v22, v12;
	v22 =	vld [tilespmem:s19+$0x15260];
	s19 =	sshra.s32 s20, $0x2;
	s20 =	sadd.s32 $0x400, s20  }
0x402: {  	v23 =	vld [tilespmem:s19+$0x15270]  }
0x403: {  	v24 =	vld [tilespmem:s19+$0x15180]  }
0x404: {  	v25 =	vld [tilespmem:s19+$0x15190]  }
0x405: {  	v26 =	vld [tilespmem:s19+$0x151A0]  }
0x406: {  	v27 =	vld [tilespmem:s19+$0x151B0]  }
0x407: {  	v28 =	vld [tilespmem:s19+$0x151C0]  }
0x408: {  	v29 =	vld [tilespmem:s19+$0x151D0]  }
0x409: {  	v30 =	vld [tilespmem:s19+$0x151E0]  }
0x40a: {  	v31 =	vld [tilespmem:s19+$0x151F0];
	v13 =	vadd.f32 v18, v13  }
0x40b: {  	v32 =	vld [tilespmem:s19+$0x15200];
	v14 =	vadd.f32 v19, v14;
	v17 =	vadd.f32 v20, v17  }
0x40c: {  	v18 =	vld [tilespmem:s19+$0x15210];
	v15 =	vadd.f32 v21, v15;
	v16 =	vadd.f32 v22, v16  }
0x40d: {  	v19 =	vld [tilespmem:s19+$0x15220];
	v4 =	vadd.f32 v23, v4;
	v10 =	vadd.f32 v24, v10  }
0x40e: {  	v20 =	vld [tilespmem:s19+$0x15230];
	v5 =	vadd.f32 v25, v5;
	v6 =	vadd.f32 v26, v6  }
0x40f: {  	v21 =	vld [tilespmem:s19+$0x15240];
	v2 =	vadd.f32 v27, v2;
	v7 =	vadd.f32 v28, v7  }
0x410: {  	v22 =	vld [tilespmem:s19+$0x15250];
	v3 =	vadd.f32 v29, v3;
	v8 =	vadd.f32 v30, v8  }
0x411: {  	v23 =	vld [tilespmem:s19+$0x15260];
	v9 =	vadd.f32 v31, v9;
	v11 =	vadd.f32 v32, v11  }
0x412: {  	v12 =	vadd.f32 v18, v12;
	v13 =	vadd.f32 v19, v13  }
0x413: {  	v14 =	vadd.f32 v20, v14;
	v6 =	vadd.f32 v6, v10  }
0x414: {  	v7 =	vadd.f32 v8, v7;
	v2 =	vadd.f32 v2, v5  }
0x415: {  	v3 =	vadd.f32 v9, v3;
	v15 =	vadd.f32 v22, v15  }
0x416: {  	v17 =	vadd.f32 v21, v17;
	v16 =	vadd.f32 v23, v16  }
0x417: {  	v5 =	vadd.f32 v14, v12;
	v4 =	vadd.f32 v4, v15  }
0x418: {  	v8 =	vadd.f32 v13, v11;
	v10 =	vadd.f32 v16, v17  }
0x419: {  	v2 =	vadd.f32 v3, v2;
	v3 =	vadd.f32 v4, v5  }
0x41a: {  	v6 =	vadd.f32 v7, v6;
	v7 =	vadd.f32 v10, v8  }
0x41b: {  	v2 =	vadd.f32 v3, v2  }
0x41c: {  	v4 =	vadd.f32 v7, v6  }
0x41d: {  	v2 =	vadd.f32 v2, v1  }
0x41e: {  	v3 =	vadd.f32 v4, v0  }
0x41f: {  	[tilespmem:$0x19D30] =	vst v2  }
0x420: {  	s21 =	simm.s32 $0x0;
	[tilespmem:$0x19D20] =	vst v3  }
0x421: {  	v2 =	vld [tilespmem:s21+$0x16B70]  }
0x422: {  	v3 =	vld [tilespmem:s21+$0x16A80]  }
0x423: {  	v5 =	vld [tilespmem:s21+$0x16A90]  }
0x424: {  	v6 =	vld [tilespmem:s21+$0x16AA0]  }
0x425: {  	v7 =	vld [tilespmem:s21+$0x16AB0]  }
0x426: {  	v8 =	vld [tilespmem:s21+$0x16AC0]  }
0x427: {  	v9 =	vld [tilespmem:s21+$0x16AD0]  }
0x428: {  	v11 =	vld [tilespmem:s21+$0x16AE0]  }
0x429: {  	v12 =	vld [tilespmem:s21+$0x16AF0]  }
0x42a: {  	v13 =	vimm.f32 $0.0e+00;
	v14 =	vld [tilespmem:s21+$0x16B00]  }
0x42b: {  	v15 =	vld [tilespmem:s21+$0x16B10];
	v4 =	vadd.f32 v2, v13;
	v10 =	vadd.f32 v3, v13  }
0x42c: {  	v18 =	vld [tilespmem:s21+$0x16B20];
	v5 =	vadd.f32 v5, v13;
	v6 =	vadd.f32 v6, v13  }
0x42d: {  	v19 =	vld [tilespmem:s21+$0x16B30];
	v2 =	vadd.f32 v7, v13;
	v7 =	vadd.f32 v8, v13  }
0x42e: {  	v17 =	vimm.f32 $0.0e+00;
	v20 =	vld [tilespmem:s21+$0x16B40];
	v3 =	vadd.f32 v9, v13;
	v8 =	vadd.f32 v11, v13  }
0x42f: {  	v16 =	vimm.f32 $0.0e+00;
	v21 =	vld [tilespmem:s21+$0x16B50];
	v9 =	vadd.f32 v12, v13;
	v11 =	vadd.f32 v14, v13  }
0x430: {  	s20 =	simm.s32 $0x800;
	s19 =	simm.s32 $0x100;
	v22 =	vld [tilespmem:s21+$0x16B60];
	v12 =	vadd.f32 v15, v13;
	v14 =	vimm.f32 $0.0e+00;
	v15 =	vimm.f32 $0.0e+00  }
.LBB2_34:
0x431: {  	p0 =	sne.s32 s20, $0x6000;
	v23 =	vld [tilespmem:s19+$0x16B70];
	v13 =	vadd.f32 v18, v13  }
0x432: {  	v18 =	vld [tilespmem:s19+$0x16A80];
	v14 =	vadd.f32 v19, v14  }
0x433: {  	v19 =	vld [tilespmem:s19+$0x16A90];
	v17 =	vadd.f32 v20, v17  }
0x434: {  	v20 =	vld [tilespmem:s19+$0x16AA0];
	v15 =	vadd.f32 v21, v15  }
0x435: {  	v21 =	vld [tilespmem:s19+$0x16AB0];
	v16 =	vadd.f32 v22, v16  }
0x436: {  	v22 =	vld [tilespmem:s19+$0x16AC0];
	v4 =	vadd.f32 v23, v4  }
0x437: {  	v10 =	vadd.f32 v18, v10;
	v18 =	vld [tilespmem:s19+$0x16AD0]  }
0x438: {  	v5 =	vadd.f32 v19, v5;
	v19 =	vld [tilespmem:s19+$0x16AE0]  }
0x439: {  	v6 =	vadd.f32 v20, v6;
	v20 =	vld [tilespmem:s19+$0x16AF0]  }
0x43a: {  	v2 =	vadd.f32 v21, v2;
	v21 =	vld [tilespmem:s19+$0x16B00]  }
0x43b: {  	v7 =	vadd.f32 v22, v7;
	v22 =	vld [tilespmem:s19+$0x16B10]  }
.Ltmp16:
0x43c: {  	v3 =	vadd.f32 v18, v3;
	v18 =	vld [tilespmem:s19+$0x16B20];
	(pc) =	sbr.rel @p0 .LBB2_34-.Ltmp16, $4  }
0x43d: {  	v8 =	vadd.f32 v19, v8;
	v19 =	vld [tilespmem:s19+$0x16B30]  }
0x43e: {  	v9 =	vadd.f32 v20, v9;
	v20 =	vld [tilespmem:s19+$0x16B40]  }
0x43f: {  	v11 =	vadd.f32 v21, v11;
	v21 =	vld [tilespmem:s19+$0x16B50]  }
0x440: {  	v12 =	vadd.f32 v22, v12;
	v22 =	vld [tilespmem:s19+$0x16B60];
	s19 =	sshra.s32 s20, $0x2;
	s20 =	sadd.s32 $0x400, s20  }
0x441: {  	v23 =	vld [tilespmem:s19+$0x16B70]  }
0x442: {  	v24 =	vld [tilespmem:s19+$0x16A80]  }
0x443: {  	v25 =	vld [tilespmem:s19+$0x16A90]  }
0x444: {  	v26 =	vld [tilespmem:s19+$0x16AA0]  }
0x445: {  	v27 =	vld [tilespmem:s19+$0x16AB0]  }
0x446: {  	v28 =	vld [tilespmem:s19+$0x16AC0]  }
0x447: {  	v29 =	vld [tilespmem:s19+$0x16AD0]  }
0x448: {  	v30 =	vld [tilespmem:s19+$0x16AE0]  }
0x449: {  	v31 =	vld [tilespmem:s19+$0x16AF0];
	v13 =	vadd.f32 v18, v13  }
0x44a: {  	v32 =	vld [tilespmem:s19+$0x16B00];
	v14 =	vadd.f32 v19, v14;
	v17 =	vadd.f32 v20, v17  }
0x44b: {  	v18 =	vld [tilespmem:s19+$0x16B10];
	v15 =	vadd.f32 v21, v15;
	v16 =	vadd.f32 v22, v16  }
0x44c: {  	v19 =	vld [tilespmem:s19+$0x16B20];
	v4 =	vadd.f32 v23, v4;
	v10 =	vadd.f32 v24, v10  }
0x44d: {  	v20 =	vld [tilespmem:s19+$0x16B30];
	v5 =	vadd.f32 v25, v5;
	v6 =	vadd.f32 v26, v6  }
0x44e: {  	v21 =	vld [tilespmem:s19+$0x16B40];
	v2 =	vadd.f32 v27, v2;
	v7 =	vadd.f32 v28, v7  }
0x44f: {  	v22 =	vld [tilespmem:s19+$0x16B50];
	v3 =	vadd.f32 v29, v3;
	v8 =	vadd.f32 v30, v8  }
0x450: {  	v23 =	vld [tilespmem:s19+$0x16B60];
	v9 =	vadd.f32 v31, v9;
	v11 =	vadd.f32 v32, v11  }
0x451: {  	v12 =	vadd.f32 v18, v12;
	v13 =	vadd.f32 v19, v13  }
0x452: {  	v14 =	vadd.f32 v20, v14;
	v6 =	vadd.f32 v6, v10  }
0x453: {  	v7 =	vadd.f32 v8, v7;
	v2 =	vadd.f32 v2, v5  }
0x454: {  	v3 =	vadd.f32 v9, v3;
	v15 =	vadd.f32 v22, v15  }
0x455: {  	v17 =	vadd.f32 v21, v17;
	v16 =	vadd.f32 v23, v16  }
0x456: {  	v5 =	vadd.f32 v14, v12;
	v4 =	vadd.f32 v4, v15  }
0x457: {  	v8 =	vadd.f32 v13, v11;
	v10 =	vadd.f32 v16, v17  }
0x458: {  	v2 =	vadd.f32 v3, v2;
	v3 =	vadd.f32 v4, v5  }
0x459: {  	v6 =	vadd.f32 v7, v6;
	v7 =	vadd.f32 v10, v8  }
0x45a: {  	v2 =	vadd.f32 v3, v2  }
0x45b: {  	v4 =	vadd.f32 v7, v6  }
0x45c: {  	v2 =	vadd.f32 v2, v1  }
0x45d: {  	v3 =	vadd.f32 v4, v0  }
0x45e: {  	[tilespmem:$0x19D50] =	vst v2  }
0x45f: {  	s21 =	simm.s32 $0x0;
	[tilespmem:$0x19D40] =	vst v3  }
0x460: {  	v2 =	vld [tilespmem:s21+$0x18470]  }
0x461: {  	v3 =	vld [tilespmem:s21+$0x18380]  }
0x462: {  	v5 =	vld [tilespmem:s21+$0x18390]  }
0x463: {  	v6 =	vld [tilespmem:s21+$0x183A0]  }
0x464: {  	v7 =	vld [tilespmem:s21+$0x183B0]  }
0x465: {  	v8 =	vld [tilespmem:s21+$0x183C0]  }
0x466: {  	v9 =	vld [tilespmem:s21+$0x183D0]  }
0x467: {  	v11 =	vld [tilespmem:s21+$0x183E0]  }
0x468: {  	v12 =	vld [tilespmem:s21+$0x183F0]  }
0x469: {  	v13 =	vimm.f32 $0.0e+00;
	v14 =	vld [tilespmem:s21+$0x18400]  }
0x46a: {  	v15 =	vld [tilespmem:s21+$0x18410];
	v4 =	vadd.f32 v2, v13;
	v10 =	vadd.f32 v3, v13  }
0x46b: {  	v18 =	vld [tilespmem:s21+$0x18420];
	v5 =	vadd.f32 v5, v13;
	v6 =	vadd.f32 v6, v13  }
0x46c: {  	v19 =	vld [tilespmem:s21+$0x18430];
	v2 =	vadd.f32 v7, v13;
	v7 =	vadd.f32 v8, v13  }
0x46d: {  	v17 =	vimm.f32 $0.0e+00;
	v20 =	vld [tilespmem:s21+$0x18440];
	v3 =	vadd.f32 v9, v13;
	v8 =	vadd.f32 v11, v13  }
0x46e: {  	v16 =	vimm.f32 $0.0e+00;
	v21 =	vld [tilespmem:s21+$0x18450];
	v9 =	vadd.f32 v12, v13;
	v11 =	vadd.f32 v14, v13  }
0x46f: {  	s20 =	simm.s32 $0x800;
	s19 =	simm.s32 $0x100;
	v22 =	vld [tilespmem:s21+$0x18460];
	v12 =	vadd.f32 v15, v13;
	v14 =	vimm.f32 $0.0e+00;
	v15 =	vimm.f32 $0.0e+00  }
.LBB2_36:
0x470: {  	p0 =	sne.s32 s20, $0x6000;
	v23 =	vld [tilespmem:s19+$0x18470];
	v13 =	vadd.f32 v18, v13  }
0x471: {  	v18 =	vld [tilespmem:s19+$0x18380];
	v14 =	vadd.f32 v19, v14  }
0x472: {  	v19 =	vld [tilespmem:s19+$0x18390];
	v17 =	vadd.f32 v20, v17  }
0x473: {  	v20 =	vld [tilespmem:s19+$0x183A0];
	v15 =	vadd.f32 v21, v15  }
0x474: {  	v21 =	vld [tilespmem:s19+$0x183B0];
	v16 =	vadd.f32 v22, v16  }
0x475: {  	v22 =	vld [tilespmem:s19+$0x183C0];
	v4 =	vadd.f32 v23, v4  }
0x476: {  	v10 =	vadd.f32 v18, v10;
	v18 =	vld [tilespmem:s19+$0x183D0]  }
0x477: {  	v5 =	vadd.f32 v19, v5;
	v19 =	vld [tilespmem:s19+$0x183E0]  }
0x478: {  	v6 =	vadd.f32 v20, v6;
	v20 =	vld [tilespmem:s19+$0x183F0]  }
0x479: {  	v2 =	vadd.f32 v21, v2;
	v21 =	vld [tilespmem:s19+$0x18400]  }
0x47a: {  	v7 =	vadd.f32 v22, v7;
	v22 =	vld [tilespmem:s19+$0x18410]  }
.Ltmp17:
0x47b: {  	v3 =	vadd.f32 v18, v3;
	v18 =	vld [tilespmem:s19+$0x18420];
	(pc) =	sbr.rel @p0 .LBB2_36-.Ltmp17, $4  }
0x47c: {  	v8 =	vadd.f32 v19, v8;
	v19 =	vld [tilespmem:s19+$0x18430]  }
0x47d: {  	v9 =	vadd.f32 v20, v9;
	v20 =	vld [tilespmem:s19+$0x18440]  }
0x47e: {  	v11 =	vadd.f32 v21, v11;
	v21 =	vld [tilespmem:s19+$0x18450]  }
0x47f: {  	v12 =	vadd.f32 v22, v12;
	v22 =	vld [tilespmem:s19+$0x18460];
	s19 =	sshra.s32 s20, $0x2;
	s20 =	sadd.s32 $0x400, s20  }
0x480: {  	v23 =	vld [tilespmem:s19+$0x18470]  }
0x481: {  	v24 =	vld [tilespmem:s19+$0x18380]  }
0x482: {  	v25 =	vld [tilespmem:s19+$0x18390]  }
0x483: {  	v26 =	vld [tilespmem:s19+$0x183A0]  }
0x484: {  	v27 =	vld [tilespmem:s19+$0x183B0]  }
0x485: {  	v28 =	vld [tilespmem:s19+$0x183C0]  }
0x486: {  	v29 =	vld [tilespmem:s19+$0x183D0]  }
0x487: {  	v30 =	vld [tilespmem:s19+$0x183E0]  }
0x488: {  	v31 =	vld [tilespmem:s19+$0x183F0]  }
0x489: {  	v32 =	vld [tilespmem:s19+$0x18400]  }
0x48a: {  	v13 =	vadd.f32 v18, v13;
	v53 =	vld [tilespmem:s19+$0x18410]  }
0x48b: {  	v54 =	vld [tilespmem:s19+$0x18420];
	v14 =	vadd.f32 v19, v14;
	v17 =	vadd.f32 v20, v17  }
0x48c: {  	v55 =	vld [tilespmem:s19+$0x18430];
	v15 =	vadd.f32 v21, v15;
	v16 =	vadd.f32 v22, v16  }
0x48d: {  	v56 =	vld [tilespmem:s19+$0x18440];
	v4 =	vadd.f32 v23, v4;
	v10 =	vadd.f32 v24, v10  }
0x48e: {  	v57 =	vld [tilespmem:s19+$0x18450];
	v5 =	vadd.f32 v25, v5;
	v6 =	vadd.f32 v26, v6  }
0x48f: {  	v58 =	vld [tilespmem:s19+$0x18460];
	v2 =	vadd.f32 v27, v2;
	v7 =	vadd.f32 v28, v7  }
0x490: {  	v3 =	vadd.f32 v29, v3;
	v8 =	vadd.f32 v30, v8  }
0x491: {  	v9 =	vadd.f32 v31, v9;
	v11 =	vadd.f32 v32, v11  }
0x492: {  	v12 =	vadd.f32 v53, v12;
	v13 =	vadd.f32 v54, v13  }
0x493: {  	v14 =	vadd.f32 v55, v14;
	v17 =	vadd.f32 v56, v17  }
0x494: {  	v15 =	vadd.f32 v57, v15;
	v16 =	vadd.f32 v58, v16  }
0x495: {  	v6 =	vadd.f32 v6, v10;
	v7 =	vadd.f32 v8, v7  }
0x496: {  	v2 =	vadd.f32 v2, v5;
	v3 =	vadd.f32 v9, v3  }
0x497: {  	v61 =	vadd.f32 v14, v12;
	v4 =	vadd.f32 v4, v15  }
0x498: {  	v59 =	vadd.f32 v13, v11;
	v60 =	vadd.f32 v16, v17  }
0x499: {  	v2 =	vadd.f32 v3, v2;
	v3 =	vadd.f32 v4, v61  }
0x49a: {  	v6 =	vadd.f32 v7, v6;
	v62 =	vadd.f32 v60, v59  }
0x49b: {  	v2 =	vadd.f32 v3, v2  }
0x49c: {  	s18 =	sadd.s32 s18, s8;
	v63 =	vadd.f32 v62, v6  }
0x49d: {  	s18 =	sshll.u32 s18, $0x5;
	v2 =	vadd.f32 v2, v1  }
0x49e: {  	s17 =	sadd.s32 $0x1, s17;
	s18 =	sadd.s32 $0x20, s18;
	v3 =	vadd.f32 v63, v0  }
0x49f: {  	p0 =	sne.s32 s17, $0x20;
	s18 =	sand.u32 $0x1FFFFFE0, s18;
	[tilespmem:$0x19D70] =	vst v2  }
.Ltmp18:
0x4a0: {  	s18 =	sadd.s32 s3, s18;
	[tilespmem:$0x19D60] =	vst v3;
	(pc) =	sbr.rel @p0 .LBB2_2-.Ltmp18, $4  }
0x4a1: {  	[hbm4b:s18+s4] =	stream.linear.scatter [tilespmem:s12], [sflag:$0x5], $0x100, $0x38;
	[tilespmem:$0x19DA0] =	vst v63  }
0x4a2: {  	_ =	swait.ge [sflag:s14], $0x100  }
0x4a3: {  	[sflag:s14] =	ssyncset.done $0x0  }
0x4a4: {  	[sflag:s14] =	ssyncadd.s32 $0xFFFFFF00  }
0x4a5: {  	s18 =	rddreg [dreg:$0x8]  }
0x4a6: {  	s17 =	rddreg [dreg:$0x7];
	s18 =	sadd.s32 $0x1, s18  }
0x4a7: {  	p0 =	sne.s32 s18, s17  }
.Ltmp19:
0x4a8: {  	_ = 	snop;
	(pc) =	sbr.rel @p0 .LBB2_1-.Ltmp19, $1  }
0x4a9: {  	_ =	sdelay $0x3  }
0x4aa: {  	_ =	sfence.sel $0x180000  }
0x4ab: {  	[bflag:$0x0] =	sbarrier.arrive $0xFFFF  }
0x4ac: {  	_ =	strace $0x90000047  }
0x4ad: {  	s0 =	stileid.u32;
	[bflag:$0x2] =	sbarrier.arrive $0xFFFF  }
0x4ae: {  	p0 =	sne.s32 s0, $0x0;
	s0 =	rddreg [dreg:$0x3]  }
0x4af: {  	s0 =	sadd.s32 @!p0 $0x100000, s0  }
0x4b0: {  	[sflag:s0] =	ssyncadd.tile.s32 @!p0 $0x1;
	_ =	shalt  }
.Lfunc_end2:
_tile_overlayer_lowered:
.L_overlay_start_2:
0x4b1: {  	(tag) =	ssettag $0x2  }
0x4b2: {  	s0 =	rddreg [dreg:$0x0];
	s2 =	stileid.u32  }
0x4b3: {  	s1 =	rddreg [dreg:$0x1];
	p0 =	sne.s32 s2, $0x0  }
0x4b4: {  	s3 =	rddreg [dreg:$0x2];
	[bflag:$0x3] =	sbarrier.arrive $0xFFFF;
	s2 =	simm.s32 @!p0 $0x1C05  }
0x4b5: {  	[timem:s3], [sflag:s2] =	dma.local @!p0 [hbm:s0], s1  }
0x4b6: {  	s0 =	simm.s32 @!p0 $0x5  }
0x4b7: {  	_ =	swait.ge @!p0 [sflag:s0], s1  }
0x4b8: {  	s1 =	ssub.s32 @!p0 $0x0, s1;
	[sflag:s0] =	ssyncset.done @!p0 $0x0  }
0x4b9: {  	[sflag:s0] =	ssyncadd.s32 @!p0 s1  }
0x4ba: {  	[bflag:$0x3] =	sbarrier.arrive $0xFFFF  }
0x4bb: {  	_ =	shalt  }

</sc_bundles>
